<compile_context>
chip_gen: v7x
topology: tpu7x:2x2x1
jax: 0.10.2.dev20260603
libtpu: 0.0.44.dev20260713+nightly
codegen_flags: <defaults>
</compile_context>

<pallas_src>
import dataclasses
import functools

import jax
import jax.numpy as jnp
from jax import lax
from jax.experimental import pallas as pl
from jax.experimental.pallas import tpu as pltpu
from jax.experimental.pallas import tpu_sc as plsc

N = 10000
E = 320000
D_IN = 128
D_OUT = 128
D_EDGE = 16

NC = 2
NS = 16
L = 16
E_PER_S = E // NS
CHUNK = 400
NCH = E_PER_S // CHUNK
NP = 10240
ROWS_PER_SUB = NP // NS
D_HALF = D_OUT // NC

_mesh = plsc.VectorSubcoreMesh(core_axis_name="c", subcore_axis_name="s")

_sc_params = pltpu.CompilerParams()
if "needs_layout_passes" in pltpu.CompilerParams.__dataclass_fields__:
    _sc_params = dataclasses.replace(_sc_params, needs_layout_passes=False)
if "use_tc_tiling_on_sc" in pltpu.CompilerParams.__dataclass_fields__:
    _sc_params = dataclasses.replace(_sc_params, use_tc_tiling_on_sc=False)



def _dense_prep(x, W2, A2):
    def body(x_ref, w2_ref, a2_ref, xta_ref, xtb_ref, ar_ref, s_ref):
        xv = x_ref[...]
        xt = lax.dot_general(
            xv, w2_ref[...], (((1,), (1,)), ((), ())),
            preferred_element_type=jnp.float32)
        pad = jnp.zeros((NP - N, D_HALF), jnp.float32)
        xta_ref[...] = jnp.concatenate([xt[:, :D_HALF], pad], axis=0)
        xtb_ref[...] = jnp.concatenate([xt[:, D_HALF:], pad], axis=0)
        ars = lax.dot_general(
            a2_ref[...], xv, (((1,), (1,)), ((), ())),
            preferred_element_type=jnp.float32)
        ar_ref[...] = ars[0]
        s_ref[...] = ars[1]
    return pl.pallas_call(
        body,
        out_shape=[jax.ShapeDtypeStruct((NP, D_HALF), jnp.float32),
                   jax.ShapeDtypeStruct((NP, D_HALF), jnp.float32),
                   jax.ShapeDtypeStruct((N,), jnp.float32),
                   jax.ShapeDtypeStruct((N,), jnp.float32)],
    )(x, W2, A2)



@functools.partial(
    pl.kernel, mesh=_mesh, compiler_params=_sc_params,
    out_type=jax.ShapeDtypeStruct((N, D_OUT), jnp.float32),
    scratch_types=[
        pltpu.VMEM((N,), jnp.float32),
        pltpu.VMEM((N,), jnp.float32),
        pltpu.VMEM((CHUNK,), jnp.int32),
        pltpu.VMEM((CHUNK,), jnp.int32),
        pltpu.VMEM((CHUNK,), jnp.int32),
        pltpu.VMEM((CHUNK,), jnp.int32),
        pltpu.VMEM((D_EDGE, CHUNK), jnp.float32),
        pltpu.VMEM((D_EDGE, CHUNK), jnp.float32),
        pltpu.VMEM((CHUNK,), jnp.float32),
        pltpu.VMEM((CHUNK,), jnp.float32),
        pltpu.VMEM((CHUNK, D_HALF), jnp.float32),
        pltpu.VMEM((CHUNK, D_HALF), jnp.float32),
        pltpu.VMEM((ROWS_PER_SUB,), jnp.float32),
        pltpu.VMEM((D_EDGE, L), jnp.float32),
        pltpu.VMEM((D_HALF,), jnp.float32),
        pltpu.VMEM_SHARED((NP, D_HALF), jnp.float32),
        pltpu.VMEM_SHARED((NP,), jnp.float32),
        pltpu.SemaphoreType.DMA,
        pltpu.SemaphoreType.DMA,
        pltpu.SemaphoreType.DMA,
        pltpu.SemaphoreType.DMA,
        pltpu.SemaphoreType.DMA,
        pltpu.SemaphoreType.DMA,
        pltpu.SemaphoreType.DMA,
        pltpu.SemaphoreType.DMA,
        pltpu.SemaphoreType.DMA,
        pltpu.SemaphoreType.DMA,
    ])
def _sc_edge_pass(xta_h, ei_h, eat_h, ar_h, s_h, v2m_h, bias2_h, xtb_h,
                  hpart_h,
                  ar_v, s_v, src0, src1, dst0, dst1, ea0, ea1, ex0, ex1,
                  rows0, rows1, z_v, v2m_v, bias_v, h_sh, den_sh,
                  sem_g0, sem_g1, sem_s0, sem_s1,
                  sem_i0, sem_i1, sem_e0, sem_e1, sem_d0, sem_d1):
    cid = lax.axis_index("c")
    sid = lax.axis_index("s")

    src_v = (src0, src1)
    dst_v = (dst0, dst1)
    ea_v = (ea0, ea1)
    ex_v = (ex0, ex1)
    rows_v = (rows0, rows1)
    sem_g = (sem_g0, sem_g1)
    sem_s = (sem_s0, sem_s1)
    sem_i = (sem_i0, sem_i1)
    sem_e = (sem_e0, sem_e1)
    sem_d = (sem_d0, sem_d1)

    pltpu.sync_copy(ar_h, ar_v)
    pltpu.sync_copy(s_h, s_v)
    pltpu.sync_copy(v2m_h, v2m_v)
    pltpu.sync_copy(bias2_h.at[cid], bias_v)

    @pl.loop(0, CHUNK)
    def _(r):
        for cc in range(D_HALF // L):
            rows0[r, pl.ds(cc * L, L)] = jnp.zeros((L,), jnp.float32)

    @pl.loop(0, ROWS_PER_SUB, step=L)
    def _(i):
        z_v[pl.ds(i, L)] = jnp.zeros((L,), jnp.float32)

    zbase = sid * ROWS_PER_SUB
    pltpu.sync_copy(rows0, h_sh.at[pl.ds(zbase, CHUNK)])
    pltpu.sync_copy(rows0.at[pl.ds(0, ROWS_PER_SUB - CHUNK)],
                    h_sh.at[pl.ds(zbase + CHUNK, ROWS_PER_SUB - CHUNK)])
    pltpu.sync_copy(z_v, den_sh.at[pl.ds(zbase, ROWS_PER_SUB)])
    plsc.subcore_barrier()

    ebase = sid * E_PER_S

    def load_idx(b, c):
        gb = ebase + c * CHUNK
        pltpu.async_copy(ei_h.at[0, pl.ds(gb, CHUNK)], src_v[b], sem_i[b])
        pltpu.async_copy(ei_h.at[1, pl.ds(gb, CHUNK)], dst_v[b], sem_i[b])
        pltpu.async_copy(eat_h.at[:, pl.ds(gb, CHUNK)], ea_v[b], sem_e[b])

    def wait_idx(b):
        pltpu.make_async_copy(
            ei_h.at[0, pl.ds(0, CHUNK)], src_v[b], sem_i[b]).wait()
        pltpu.make_async_copy(
            ei_h.at[1, pl.ds(0, CHUNK)], dst_v[b], sem_i[b]).wait()

    def wait_ea(b):
        pltpu.make_async_copy(
            eat_h.at[:, pl.ds(0, CHUNK)], ea_v[b], sem_e[b]).wait()

    def issue_den(b):
        pltpu.async_copy(ex_v[b], den_sh.at[dst_v[b]], sem_d[b], add=True)

    def wait_den(b):
        pltpu.make_async_copy(
            ar_h.at[pl.ds(0, CHUNK)], ex_v[b], sem_d[b]).wait()

    v2k = [v2m_v[kk, :] for kk in range(D_EDGE)]

    def compute_ex(b):
        @plsc.parallel_loop(0, CHUNK, step=L, unroll=4)
        def _(g):
            er = plsc.load_gather(ar_v, [dst_v[b][pl.ds(g, L)]])
            el = plsc.load_gather(s_v, [src_v[b][pl.ds(g, L)]])
            a = er + el
            for kk in range(D_EDGE):
                a = a + ea_v[b][kk, pl.ds(g, L)] * v2k[kk]
            a = jnp.where(a >= 0.0, a, a * 0.01)
            ex_v[b][pl.ds(g, L)] = jnp.exp(a)

    def scale_rows(b):
        @plsc.parallel_loop(0, CHUNK, step=1, unroll=8)
        def _(e):
            bc = plsc.load_gather(ex_v[b], [jnp.full((L,), e, jnp.int32)])
            for cc in range(D_HALF // L):
                rows_v[b][e, pl.ds(cc * L, L)] = (
                    rows_v[b][e, pl.ds(cc * L, L)] * bc)

    def edge_pass(xt_hbm):
        def issue_gather(b):
            pltpu.async_copy(xt_hbm.at[src_v[b]], rows_v[b], sem_g[b])

        def wait_gather(b):
            pltpu.make_async_copy(
                xt_hbm.at[pl.ds(0, CHUNK)], rows_v[b], sem_g[b]).wait()

        def issue_scatter(b):
            pltpu.async_copy(rows_v[b], h_sh.at[dst_v[b]], sem_s[b], add=True)

        def wait_scatter(b):
            pltpu.make_async_copy(
                xt_hbm.at[pl.ds(0, CHUNK)], rows_v[b], sem_s[b]).wait()

        for b in (0, 1):
            load_idx(b, b)
            wait_idx(b)
            issue_gather(b)

        @pl.loop(0, NCH // 2)
        def _(step):
            for b in (0, 1):
                c = 2 * step + b
                wait_ea(b)
                compute_ex(b)
                issue_den(b)
                wait_gather(b)
                scale_rows(b)
                issue_scatter(b)

                @pl.when(c + 2 < NCH)
                def _():
                    wait_scatter(b)
                    wait_den(b)
                    load_idx(b, c + 2)
                    wait_idx(b)
                    issue_gather(b)

        for b in (0, 1):
            wait_scatter(b)
            wait_den(b)

    @pl.when(cid == 0)
    def _():
        edge_pass(xta_h)

    @pl.when(cid == 1)
    def _():
        edge_pass(xtb_h)

    plsc.subcore_barrier()

    bk = [bias_v[pl.ds(kk * L, L)] for kk in range(D_HALF // L)]

    def finalize(ofs, sz):
        pltpu.sync_copy(h_sh.at[pl.ds(zbase + ofs, sz)], rows0.at[pl.ds(0, sz)])
        pltpu.sync_copy(den_sh.at[pl.ds(zbase + ofs, sz)], ex0.at[pl.ds(0, sz)])

        @plsc.parallel_loop(0, sz, step=1, unroll=4)
        def _(r):
            d = plsc.load_gather(ex0, [jnp.full((L,), r, jnp.int32)])
            inv = 1.0 / jnp.where(d == 0.0, 1.0, d)
            for cc in range(D_HALF // L):
                rows0[r, pl.ds(cc * L, L)] = (
                    rows0[r, pl.ds(cc * L, L)] * inv + bk[cc])

        pltpu.sync_copy(rows0.at[pl.ds(0, sz)],
                        hpart_h.at[pl.ds(zbase + ofs, sz),
                                   pl.ds(cid * D_HALF, D_HALF)])

    finalize(0, CHUNK)

    @pl.when(sid < NS - 1)
    def _():
        finalize(CHUNK, ROWS_PER_SUB - CHUNK)



def kernel(x, edge_index, edge_attr, W1, W2, att_l, att_r, bias):
    v = (att_l @ W1).reshape(-1)
    v1 = v[:D_IN]
    v2 = v[D_IN:]
    A2 = jnp.stack([att_r.reshape(-1), v1])
    v2m = jnp.tile(v2[:, None], (1, L))

    bias2 = bias.reshape(NC, D_HALF)

    xta, xtb, ar, s = _dense_prep(x, W2, A2)
    eat = edge_attr.T

    return _sc_edge_pass(xta, edge_index, eat, ar, s, v2m, bias2, xtb)

# --- scband reference (transcript-rebuilt; emitter-appended) ---
"""Pipeline reference for scband-gatconv-block-72164040507950 (READ-ONLY COPY).

The authoritative reference and input builder live on the scoring server;
editing this copy changes nothing except your own understanding.
"""

import jax, jax.numpy as jnp
import numpy as np

N = 10000
E = 320000
D_IN = 128
D_OUT = 128
D_EDGE = 16

def setup_inputs(seed: int = 0) -> dict:
    key = jax.random.key(seed)
    ks = jax.random.split(key, 8)
    x = jax.random.normal(ks[0], (N, D_IN), dtype=jnp.float32)
    edge_index = jax.random.randint(ks[1], (2, E), 0, N, dtype=jnp.int32)
    edge_attr = jax.random.normal(ks[2], (E, D_EDGE), dtype=jnp.float32)
    # learned parameters (GATEConv): lin1 (in+edge_dim -> out), lin2 (in -> out),
    # att_l [1, out], att_r [1, in], bias [out]
    W1 = jax.random.normal(ks[3], (D_OUT, D_IN + D_EDGE), dtype=jnp.float32) * 0.05
    W2 = jax.random.normal(ks[4], (D_OUT, D_IN), dtype=jnp.float32) * 0.05
    att_l = jax.random.normal(ks[5], (1, D_OUT), dtype=jnp.float32) * 0.05
    att_r = jax.random.normal(ks[6], (1, D_IN), dtype=jnp.float32) * 0.05
    bias = jnp.zeros((D_OUT,), dtype=jnp.float32)
    return {"x": x, "edge_index": edge_index, "edge_attr": edge_attr,
            "W1": W1, "W2": W2, "att_l": att_l, "att_r": att_r, "bias": bias}

def reference(x, edge_index, edge_attr, W1, W2, att_l, att_r, bias):
    src = edge_index[0]
    dst = edge_index[1]
    # lin2: node feature transform
    x_transformed = x @ W2.T                                 # [N, D_OUT]
    # ar = (x * att_r).sum(-1) per node, gathered at dst -> er
    ar = jnp.sum(x * att_r, axis=-1)                         # [N]
    er = jnp.take(ar, dst, axis=0)                           # [E]
    # x_e = x[src]; f_srt = lin1(cat([x_e, edge_attr]))
    x_e = jnp.take(x, src, axis=0)                           # [E, D_IN]
    f_srt = jnp.concatenate([x_e, edge_attr], axis=-1) @ W1.T  # [E, D_OUT]
    el = jnp.sum(f_srt * att_l, axis=-1)                     # [E]
    # attention logits + leaky_relu (torch F.leaky_relu default slope 0.01)
    alpha = jax.nn.leaky_relu(er + el, negative_slope=0.01)  # [E]
    # edge_softmax: softmax over incoming edges of each dst node (stable)
    amax = jax.ops.segment_max(alpha, dst, num_segments=N)   # [N]
    amax = jnp.where(jnp.isfinite(amax), amax, 0.0)
    ex = jnp.exp(alpha - jnp.take(amax, dst, axis=0))        # [E]
    denom = jax.ops.segment_sum(ex, dst, num_segments=N)     # [N]
    alpha_n = ex / jnp.take(denom, dst, axis=0)              # [E]  (dropout p=0 -> identity)
    # message passing: m = x_transformed[src] * alpha; h = sum over dst
    m = jnp.take(x_transformed, src, axis=0) * alpha_n[:, None]  # [E, D_OUT]
    h = jax.ops.segment_sum(m, dst, num_segments=N)          # [N, D_OUT]
    out = h + bias                                           # GATEConv output
    # ConvBlock: squeeze(1) is a no-op on [N, D_OUT]; no aggregation, no layer_norm
    return out

if __name__ == "__main__":
    import jax
    _d = setup_inputs()
    print(jax.jit(kernel)(*tuple(_d.values())))

</pallas_src>

<mosaic_0001>
#map = affine_map<(d0, d1) -> (0, 0)>
#map1 = affine_map<(d0, d1) -> (0)>
module attributes {stable_mosaic.version = 14 : i64} {
  func.func @_sc_edge_pass(%arg0: i32, %arg1: i32, %arg2: memref<10240x64xf32, #tpu.memory_space<hbm>>, %arg3: memref<2x320000xi32, #tpu.memory_space<hbm>>, %arg4: memref<16x320000xf32, #tpu.memory_space<hbm>>, %arg5: memref<10000xf32, #tpu.memory_space<hbm>>, %arg6: memref<10000xf32, #tpu.memory_space<hbm>>, %arg7: memref<16x16xf32, #tpu.memory_space<hbm>>, %arg8: memref<2x64xf32, #tpu.memory_space<hbm>>, %arg9: memref<10240x64xf32, #tpu.memory_space<hbm>>, %arg10: memref<10000x128xf32, #tpu.memory_space<hbm>>, %arg11: memref<10000xf32, #tpu.memory_space<vmem>>, %arg12: memref<10000xf32, #tpu.memory_space<vmem>>, %arg13: memref<400xi32, #tpu.memory_space<vmem>>, %arg14: memref<400xi32, #tpu.memory_space<vmem>>, %arg15: memref<400xi32, #tpu.memory_space<vmem>>, %arg16: memref<400xi32, #tpu.memory_space<vmem>>, %arg17: memref<16x400xf32, #tpu.memory_space<vmem>>, %arg18: memref<16x400xf32, #tpu.memory_space<vmem>>, %arg19: memref<400xf32, #tpu.memory_space<vmem>>, %arg20: memref<400xf32, #tpu.memory_space<vmem>>, %arg21: memref<400x64xf32, #tpu.memory_space<vmem>>, %arg22: memref<400x64xf32, #tpu.memory_space<vmem>>, %arg23: memref<640xf32, #tpu.memory_space<vmem>>, %arg24: memref<16x16xf32, #tpu.memory_space<vmem>>, %arg25: memref<64xf32, #tpu.memory_space<vmem>>, %arg26: memref<10240x64xf32, #tpu.memory_space<vmem_shared>>, %arg27: memref<10240xf32, #tpu.memory_space<vmem_shared>>, %arg28: memref<!tpu.dma_semaphore, #tpu.memory_space<semaphore_mem>>, %arg29: memref<!tpu.dma_semaphore, #tpu.memory_space<semaphore_mem>>, %arg30: memref<!tpu.dma_semaphore, #tpu.memory_space<semaphore_mem>>, %arg31: memref<!tpu.dma_semaphore, #tpu.memory_space<semaphore_mem>>, %arg32: memref<!tpu.dma_semaphore, #tpu.memory_space<semaphore_mem>>, %arg33: memref<!tpu.dma_semaphore, #tpu.memory_space<semaphore_mem>>, %arg34: memref<!tpu.dma_semaphore, #tpu.memory_space<semaphore_mem>>, %arg35: memref<!tpu.dma_semaphore, #tpu.memory_space<semaphore_mem>>, %arg36: memref<!tpu.dma_semaphore, #tpu.memory_space<semaphore_mem>>, %arg37: memref<!tpu.dma_semaphore, #tpu.memory_space<semaphore_mem>>) attributes {dimension_semantics = [#tpu.dimension_semantics<core_parallel>, #tpu.dimension_semantics<subcore_parallel>], iteration_bounds = array<i64: 2, 16>, scalar_prefetch = 0 : i64, scratch_operands = 27 : i64, tpu.core_type = #tpu.core_type<sc_vector_subcore>, window_params = [{transform_indices = #map}, {transform_indices = #map}, {transform_indices = #map}, {transform_indices = #map1}, {transform_indices = #map1}, {transform_indices = #map}, {transform_indices = #map}, {transform_indices = #map}, {transform_indices = #map}]} {
    "tpu.region"() ({
      %run_scoped3A = tpu.sem_alloc : memref<!tpu.dma_semaphore, #tpu.memory_space<semaphore_mem>>
      tpu.enqueue_dma source(%arg5 : memref<10000xf32, #tpu.memory_space<hbm>>) target(%arg11 : memref<10000xf32, #tpu.memory_space<vmem>>) target_semaphore(%run_scoped3A : memref<!tpu.dma_semaphore, #tpu.memory_space<semaphore_mem>>)
      tpu.wait_dma2 semaphore(%run_scoped3A : memref<!tpu.dma_semaphore, #tpu.memory_space<semaphore_mem>>) src(%arg5 : memref<10000xf32, #tpu.memory_space<hbm>>) dst(%arg11 : memref<10000xf32, #tpu.memory_space<vmem>>)
      tpu.yield
    }) : () -> ()
    "tpu.region"() ({
      %run_scoped3A = tpu.sem_alloc : memref<!tpu.dma_semaphore, #tpu.memory_space<semaphore_mem>>
      tpu.enqueue_dma source(%arg6 : memref<10000xf32, #tpu.memory_space<hbm>>) target(%arg12 : memref<10000xf32, #tpu.memory_space<vmem>>) target_semaphore(%run_scoped3A : memref<!tpu.dma_semaphore, #tpu.memory_space<semaphore_mem>>)
      tpu.wait_dma2 semaphore(%run_scoped3A : memref<!tpu.dma_semaphore, #tpu.memory_space<semaphore_mem>>) src(%arg6 : memref<10000xf32, #tpu.memory_space<hbm>>) dst(%arg12 : memref<10000xf32, #tpu.memory_space<vmem>>)
      tpu.yield
    }) : () -> ()
    "tpu.region"() ({
      %run_scoped3A = tpu.sem_alloc : memref<!tpu.dma_semaphore, #tpu.memory_space<semaphore_mem>>
      tpu.enqueue_dma source(%arg7 : memref<16x16xf32, #tpu.memory_space<hbm>>) target(%arg24 : memref<16x16xf32, #tpu.memory_space<vmem>>) target_semaphore(%run_scoped3A : memref<!tpu.dma_semaphore, #tpu.memory_space<semaphore_mem>>)
      tpu.wait_dma2 semaphore(%run_scoped3A : memref<!tpu.dma_semaphore, #tpu.memory_space<semaphore_mem>>) src(%arg7 : memref<16x16xf32, #tpu.memory_space<hbm>>) dst(%arg24 : memref<16x16xf32, #tpu.memory_space<vmem>>)
      tpu.yield
    }) : () -> ()
    "tpu.region"() ({
      %run_scoped3A = tpu.sem_alloc : memref<!tpu.dma_semaphore, #tpu.memory_space<semaphore_mem>>
      %dma_start3A = arith.constant 0 : i32
      %dma_start3A_106 = tpu.memref_slice %arg8[%arg0, %dma_start3A] : memref<2x64xf32, #tpu.memory_space<hbm>> -> memref<1x64xf32, #tpu.memory_space<hbm>>
      %dma_start3A_107 = tpu.memref_squeeze %dma_start3A_106 : memref<1x64xf32, #tpu.memory_space<hbm>> -> memref<64xf32, #tpu.memory_space<hbm>>
      %dma_start3A_108 = arith.constant 0 : i32
      %dma_start3A_109 = tpu.memref_slice %arg8[%arg0, %dma_start3A_108] : memref<2x64xf32, #tpu.memory_space<hbm>> -> memref<1x64xf32, #tpu.memory_space<hbm>>
      %dma_start3A_110 = tpu.memref_squeeze %dma_start3A_109 : memref<1x64xf32, #tpu.memory_space<hbm>> -> memref<64xf32, #tpu.memory_space<hbm>>
      tpu.enqueue_dma source(%dma_start3A_110 : memref<64xf32, #tpu.memory_space<hbm>>) target(%arg25 : memref<64xf32, #tpu.memory_space<vmem>>) target_semaphore(%run_scoped3A : memref<!tpu.dma_semaphore, #tpu.memory_space<semaphore_mem>>)
      %dma_wait3A = arith.constant 0 : i32
      %dma_wait3A_111 = tpu.memref_slice %arg8[%arg0, %dma_wait3A] : memref<2x64xf32, #tpu.memory_space<hbm>> -> memref<1x64xf32, #tpu.memory_space<hbm>>
      %dma_wait3A_112 = tpu.memref_squeeze %dma_wait3A_111 : memref<1x64xf32, #tpu.memory_space<hbm>> -> memref<64xf32, #tpu.memory_space<hbm>>
      %dma_wait3A_113 = arith.constant 0 : i32
      %dma_wait3A_114 = tpu.memref_slice %arg8[%arg0, %dma_wait3A_113] : memref<2x64xf32, #tpu.memory_space<hbm>> -> memref<1x64xf32, #tpu.memory_space<hbm>>
      %dma_wait3A_115 = tpu.memref_squeeze %dma_wait3A_114 : memref<1x64xf32, #tpu.memory_space<hbm>> -> memref<64xf32, #tpu.memory_space<hbm>>
      tpu.wait_dma2 semaphore(%run_scoped3A : memref<!tpu.dma_semaphore, #tpu.memory_space<semaphore_mem>>) src(%dma_wait3A_115 : memref<64xf32, #tpu.memory_space<hbm>>) dst(%arg25 : memref<64xf32, #tpu.memory_space<vmem>>)
      tpu.yield
    }) : () -> ()
    %scan3A = arith.constant 0 : i32
    %scan3A_0 = arith.constant 400 : i32
    %scan3A_1 = arith.addi %scan3A, %scan3A_0 : i32
    %scan3A_2 = arith.constant 1 : i32
    scf.for %scan3A_106 = %scan3A to %scan3A_1 step %scan3A_2  : i32 {
      %mul3A_107 = arith.constant 1 : i32
      %mul3A_108 = arith.muli %scan3A_106, %mul3A_107 : i32
      %add3A_109 = arith.constant 0 : i32
      %add3A_110 = arith.addi %add3A_109, %mul3A_108 : i32
      %broadcast_in_dim3A = arith.constant 0.000000e+00 : f32
      %broadcast_in_dim3A_111 = vector.broadcast %broadcast_in_dim3A : f32 to vector<16xf32>
      %swap3A = arith.index_cast %add3A_110 : i32 to index
      %swap3A_112 = arith.constant 0 : index
      %swap3A_113 = tpu.vector_load %arg21[%swap3A, %swap3A_112] {strides = array<i32>} : memref<400x64xf32, #tpu.memory_space<vmem>>, vector<16xf32>,
      tpu.vector_store %arg21[%swap3A, %swap3A_112], %broadcast_in_dim3A_111 {strides = array<i32>} : memref<400x64xf32, #tpu.memory_space<vmem>>, vector<16xf32>,
      %broadcast_in_dim3A_114 = arith.constant 0.000000e+00 : f32
      %broadcast_in_dim3A_115 = vector.broadcast %broadcast_in_dim3A_114 : f32 to vector<16xf32>
      %swap3A_116 = arith.index_cast %add3A_110 : i32 to index
      %swap3A_117 = arith.constant 16 : index
      %swap3A_118 = tpu.vector_load %arg21[%swap3A_116, %swap3A_117] {strides = array<i32>} : memref<400x64xf32, #tpu.memory_space<vmem>>, vector<16xf32>,
      tpu.vector_store %arg21[%swap3A_116, %swap3A_117], %broadcast_in_dim3A_115 {strides = array<i32>} : memref<400x64xf32, #tpu.memory_space<vmem>>, vector<16xf32>,
      %broadcast_in_dim3A_119 = arith.constant 0.000000e+00 : f32
      %broadcast_in_dim3A_120 = vector.broadcast %broadcast_in_dim3A_119 : f32 to vector<16xf32>
      %swap3A_121 = arith.index_cast %add3A_110 : i32 to index
      %swap3A_122 = arith.constant 32 : index
      %swap3A_123 = tpu.vector_load %arg21[%swap3A_121, %swap3A_122] {strides = array<i32>} : memref<400x64xf32, #tpu.memory_space<vmem>>, vector<16xf32>,
      tpu.vector_store %arg21[%swap3A_121, %swap3A_122], %broadcast_in_dim3A_120 {strides = array<i32>} : memref<400x64xf32, #tpu.memory_space<vmem>>, vector<16xf32>,
      %broadcast_in_dim3A_124 = arith.constant 0.000000e+00 : f32
      %broadcast_in_dim3A_125 = vector.broadcast %broadcast_in_dim3A_124 : f32 to vector<16xf32>
      %swap3A_126 = arith.index_cast %add3A_110 : i32 to index
      %swap3A_127 = arith.constant 48 : index
      %swap3A_128 = tpu.vector_load %arg21[%swap3A_126, %swap3A_127] {strides = array<i32>} : memref<400x64xf32, #tpu.memory_space<vmem>>, vector<16xf32>,
      tpu.vector_store %arg21[%swap3A_126, %swap3A_127], %broadcast_in_dim3A_125 {strides = array<i32>} : memref<400x64xf32, #tpu.memory_space<vmem>>, vector<16xf32>,
    }
    %scan3A_3 = arith.constant 400 : i32
    %scan3A_4 = arith.constant 0 : i32
    %scan3A_5 = arith.constant 40 : i32
    %scan3A_6 = arith.addi %scan3A_4, %scan3A_5 : i32
    %scan3A_7 = arith.constant 1 : i32
    scf.for %scan3A_106 = %scan3A_4 to %scan3A_6 step %scan3A_7  : i32 {
      %mul3A_107 = arith.constant 16 : i32
      %mul3A_108 = arith.muli %scan3A_106, %mul3A_107 : i32
      %add3A_109 = arith.constant 0 : i32
      %add3A_110 = arith.addi %add3A_109, %mul3A_108 : i32
      %broadcast_in_dim3A = arith.constant 0.000000e+00 : f32
      %broadcast_in_dim3A_111 = vector.broadcast %broadcast_in_dim3A : f32 to vector<16xf32>
      %swap3A = arith.index_cast %add3A_110 : i32 to index
      %swap3A_112 = tpu.vector_load %arg23[%swap3A] {strides = array<i32>} : memref<640xf32, #tpu.memory_space<vmem>>, vector<16xf32>,
      tpu.vector_store %arg23[%swap3A], %broadcast_in_dim3A_111 {strides = array<i32>} : memref<640xf32, #tpu.memory_space<vmem>>, vector<16xf32>,
    }
    %scan3A_8 = arith.constant 40 : i32
    %mul3A = arith.constant 640 : i32
    %mul3A_9 = arith.muli %arg1, %mul3A : i32
    "tpu.region"() ({
      %run_scoped3A = tpu.sem_alloc : memref<!tpu.dma_semaphore, #tpu.memory_space<semaphore_mem>>
      %dma_start3A = arith.constant 0 : i32
      %dma_start3A_106 = tpu.memref_slice %arg26[%mul3A_9, %dma_start3A] : memref<10240x64xf32, #tpu.memory_space<vmem_shared>> -> memref<400x64xf32, #tpu.memory_space<vmem_shared>>
      %dma_start3A_107 = arith.constant 0 : i32
      %dma_start3A_108 = tpu.memref_slice %arg26[%mul3A_9, %dma_start3A_107] : memref<10240x64xf32, #tpu.memory_space<vmem_shared>> -> memref<400x64xf32, #tpu.memory_space<vmem_shared>>
      tpu.enqueue_dma source(%arg21 : memref<400x64xf32, #tpu.memory_space<vmem>>) target(%dma_start3A_108 : memref<400x64xf32, #tpu.memory_space<vmem_shared>>) target_semaphore(%run_scoped3A : memref<!tpu.dma_semaphore, #tpu.memory_space<semaphore_mem>>)
      %dma_wait3A = arith.constant 0 : i32
      %dma_wait3A_109 = tpu.memref_slice %arg26[%mul3A_9, %dma_wait3A] : memref<10240x64xf32, #tpu.memory_space<vmem_shared>> -> memref<400x64xf32, #tpu.memory_space<vmem_shared>>
      %dma_wait3A_110 = arith.constant 0 : i32
      %dma_wait3A_111 = tpu.memref_slice %arg26[%mul3A_9, %dma_wait3A_110] : memref<10240x64xf32, #tpu.memory_space<vmem_shared>> -> memref<400x64xf32, #tpu.memory_space<vmem_shared>>
      tpu.wait_dma2 semaphore(%run_scoped3A : memref<!tpu.dma_semaphore, #tpu.memory_space<semaphore_mem>>) src(%arg21 : memref<400x64xf32, #tpu.memory_space<vmem>>) dst(%dma_wait3A_111 : memref<400x64xf32, #tpu.memory_space<vmem_shared>>)
      tpu.yield
    }) : () -> ()
    %add3A = arith.constant 400 : i32
    %add3A_10 = arith.addi %mul3A_9, %add3A : i32
    "tpu.region"() ({
      %run_scoped3A = tpu.sem_alloc : memref<!tpu.dma_semaphore, #tpu.memory_space<semaphore_mem>>
      %dma_start3A = arith.constant 0 : i32
      %dma_start3A_106 = arith.constant 0 : i32
      %dma_start3A_107 = tpu.memref_slice %arg21[%dma_start3A, %dma_start3A_106] : memref<400x64xf32, #tpu.memory_space<vmem>> -> memref<240x64xf32, #tpu.memory_space<vmem>>
      %dma_start3A_108 = arith.constant 0 : i32
      %dma_start3A_109 = tpu.memref_slice %arg26[%add3A_10, %dma_start3A_108] : memref<10240x64xf32, #tpu.memory_space<vmem_shared>> -> memref<240x64xf32, #tpu.memory_space<vmem_shared>>
      %dma_start3A_110 = arith.constant 0 : i32
      %dma_start3A_111 = tpu.memref_slice %arg26[%add3A_10, %dma_start3A_110] : memref<10240x64xf32, #tpu.memory_space<vmem_shared>> -> memref<240x64xf32, #tpu.memory_space<vmem_shared>>
      %dma_start3A_112 = arith.constant 0 : i32
      %dma_start3A_113 = arith.constant 0 : i32
      %dma_start3A_114 = tpu.memref_slice %arg21[%dma_start3A_112, %dma_start3A_113] : memref<400x64xf32, #tpu.memory_space<vmem>> -> memref<240x64xf32, #tpu.memory_space<vmem>>
      tpu.enqueue_dma source(%dma_start3A_114 : memref<240x64xf32, #tpu.memory_space<vmem>>) target(%dma_start3A_111 : memref<240x64xf32, #tpu.memory_space<vmem_shared>>) target_semaphore(%run_scoped3A : memref<!tpu.dma_semaphore, #tpu.memory_space<semaphore_mem>>)
      %dma_wait3A = arith.constant 0 : i32
      %dma_wait3A_115 = arith.constant 0 : i32
      %dma_wait3A_116 = tpu.memref_slice %arg21[%dma_wait3A, %dma_wait3A_115] : memref<400x64xf32, #tpu.memory_space<vmem>> -> memref<240x64xf32, #tpu.memory_space<vmem>>
      %dma_wait3A_117 = arith.constant 0 : i32
      %dma_wait3A_118 = tpu.memref_slice %arg26[%add3A_10, %dma_wait3A_117] : memref<10240x64xf32, #tpu.memory_space<vmem_shared>> -> memref<240x64xf32, #tpu.memory_space<vmem_shared>>
      %dma_wait3A_119 = arith.constant 0 : i32
      %dma_wait3A_120 = tpu.memref_slice %arg26[%add3A_10, %dma_wait3A_119] : memref<10240x64xf32, #tpu.memory_space<vmem_shared>> -> memref<240x64xf32, #tpu.memory_space<vmem_shared>>
      %dma_wait3A_121 = arith.constant 0 : i32
      %dma_wait3A_122 = arith.constant 0 : i32
      %dma_wait3A_123 = tpu.memref_slice %arg21[%dma_wait3A_121, %dma_wait3A_122] : memref<400x64xf32, #tpu.memory_space<vmem>> -> memref<240x64xf32, #tpu.memory_space<vmem>>
      tpu.wait_dma2 semaphore(%run_scoped3A : memref<!tpu.dma_semaphore, #tpu.memory_space<semaphore_mem>>) src(%dma_wait3A_123 : memref<240x64xf32, #tpu.memory_space<vmem>>) dst(%dma_wait3A_120 : memref<240x64xf32, #tpu.memory_space<vmem_shared>>)
      tpu.yield
    }) : () -> ()
    "tpu.region"() ({
      %run_scoped3A = tpu.sem_alloc : memref<!tpu.dma_semaphore, #tpu.memory_space<semaphore_mem>>
      %dma_start3A = tpu.memref_slice %arg27[%mul3A_9] : memref<10240xf32, #tpu.memory_space<vmem_shared>> -> memref<640xf32, #tpu.memory_space<vmem_shared>>
      %dma_start3A_106 = tpu.memref_slice %arg27[%mul3A_9] : memref<10240xf32, #tpu.memory_space<vmem_shared>> -> memref<640xf32, #tpu.memory_space<vmem_shared>>
      tpu.enqueue_dma source(%arg23 : memref<640xf32, #tpu.memory_space<vmem>>) target(%dma_start3A_106 : memref<640xf32, #tpu.memory_space<vmem_shared>>) target_semaphore(%run_scoped3A : memref<!tpu.dma_semaphore, #tpu.memory_space<semaphore_mem>>)
      %dma_wait3A = tpu.memref_slice %arg27[%mul3A_9] : memref<10240xf32, #tpu.memory_space<vmem_shared>> -> memref<640xf32, #tpu.memory_space<vmem_shared>>
      %dma_wait3A_107 = tpu.memref_slice %arg27[%mul3A_9] : memref<10240xf32, #tpu.memory_space<vmem_shared>> -> memref<640xf32, #tpu.memory_space<vmem_shared>>
      tpu.wait_dma2 semaphore(%run_scoped3A : memref<!tpu.dma_semaphore, #tpu.memory_space<semaphore_mem>>) src(%arg23 : memref<640xf32, #tpu.memory_space<vmem>>) dst(%dma_wait3A_107 : memref<640xf32, #tpu.memory_space<vmem_shared>>)
      tpu.yield
    }) : () -> ()
    %barrier3A = arith.constant 0 : index
    tpu.barrier barrier_id(%barrier3A)
    %mul3A_11 = arith.constant 20000 : i32
    %mul3A_12 = arith.muli %arg1, %mul3A_11 : i32
    %get3A = arith.constant 0 : i32
    %get3A_13 = arith.index_cast %get3A : i32 to index
    %get3A_14 = arith.constant 0 : index
    %get3A_15 = tpu.vector_load %arg24[%get3A_13, %get3A_14] {strides = array<i32>} : memref<16x16xf32, #tpu.memory_space<vmem>>, vector<16xf32>,
    %get3A_16 = arith.constant 1 : i32
    %get3A_17 = arith.index_cast %get3A_16 : i32 to index
    %get3A_18 = arith.constant 0 : index
    %get3A_19 = tpu.vector_load %arg24[%get3A_17, %get3A_18] {strides = array<i32>} : memref<16x16xf32, #tpu.memory_space<vmem>>, vector<16xf32>,
    %get3A_20 = arith.constant 2 : i32
    %get3A_21 = arith.index_cast %get3A_20 : i32 to index
    %get3A_22 = arith.constant 0 : index
    %get3A_23 = tpu.vector_load %arg24[%get3A_21, %get3A_22] {strides = array<i32>} : memref<16x16xf32, #tpu.memory_space<vmem>>, vector<16xf32>,
    %get3A_24 = arith.constant 3 : i32
    %get3A_25 = arith.index_cast %get3A_24 : i32 to index
    %get3A_26 = arith.constant 0 : index
    %get3A_27 = tpu.vector_load %arg24[%get3A_25, %get3A_26] {strides = array<i32>} : memref<16x16xf32, #tpu.memory_space<vmem>>, vector<16xf32>,
    %get3A_28 = arith.constant 4 : i32
    %get3A_29 = arith.index_cast %get3A_28 : i32 to index
    %get3A_30 = arith.constant 0 : index
    %get3A_31 = tpu.vector_load %arg24[%get3A_29, %get3A_30] {strides = array<i32>} : memref<16x16xf32, #tpu.memory_space<vmem>>, vector<16xf32>,
    %get3A_32 = arith.constant 5 : i32
    %get3A_33 = arith.index_cast %get3A_32 : i32 to index
    %get3A_34 = arith.constant 0 : index
    %get3A_35 = tpu.vector_load %arg24[%get3A_33, %get3A_34] {strides = array<i32>} : memref<16x16xf32, #tpu.memory_space<vmem>>, vector<16xf32>,
    %get3A_36 = arith.constant 6 : i32
    %get3A_37 = arith.index_cast %get3A_36 : i32 to index
    %get3A_38 = arith.constant 0 : index
    %get3A_39 = tpu.vector_load %arg24[%get3A_37, %get3A_38] {strides = array<i32>} : memref<16x16xf32, #tpu.memory_space<vmem>>, vector<16xf32>,
    %get3A_40 = arith.constant 7 : i32
    %get3A_41 = arith.index_cast %get3A_40 : i32 to index
    %get3A_42 = arith.constant 0 : index
    %get3A_43 = tpu.vector_load %arg24[%get3A_41, %get3A_42] {strides = array<i32>} : memref<16x16xf32, #tpu.memory_space<vmem>>, vector<16xf32>,
    %get3A_44 = arith.constant 8 : i32
    %get3A_45 = arith.index_cast %get3A_44 : i32 to index
    %get3A_46 = arith.constant 0 : index
    %get3A_47 = tpu.vector_load %arg24[%get3A_45, %get3A_46] {strides = array<i32>} : memref<16x16xf32, #tpu.memory_space<vmem>>, vector<16xf32>,
    %get3A_48 = arith.constant 9 : i32
    %get3A_49 = arith.index_cast %get3A_48 : i32 to index
    %get3A_50 = arith.constant 0 : index
    %get3A_51 = tpu.vector_load %arg24[%get3A_49, %get3A_50] {strides = array<i32>} : memref<16x16xf32, #tpu.memory_space<vmem>>, vector<16xf32>,
    %get3A_52 = arith.constant 10 : i32
    %get3A_53 = arith.index_cast %get3A_52 : i32 to index
    %get3A_54 = arith.constant 0 : index
    %get3A_55 = tpu.vector_load %arg24[%get3A_53, %get3A_54] {strides = array<i32>} : memref<16x16xf32, #tpu.memory_space<vmem>>, vector<16xf32>,
    %get3A_56 = arith.constant 11 : i32
    %get3A_57 = arith.index_cast %get3A_56 : i32 to index
    %get3A_58 = arith.constant 0 : index
    %get3A_59 = tpu.vector_load %arg24[%get3A_57, %get3A_58] {strides = array<i32>} : memref<16x16xf32, #tpu.memory_space<vmem>>, vector<16xf32>,
    %get3A_60 = arith.constant 12 : i32
    %get3A_61 = arith.index_cast %get3A_60 : i32 to index
    %get3A_62 = arith.constant 0 : index
    %get3A_63 = tpu.vector_load %arg24[%get3A_61, %get3A_62] {strides = array<i32>} : memref<16x16xf32, #tpu.memory_space<vmem>>, vector<16xf32>,
    %get3A_64 = arith.constant 13 : i32
    %get3A_65 = arith.index_cast %get3A_64 : i32 to index
    %get3A_66 = arith.constant 0 : index
    %get3A_67 = tpu.vector_load %arg24[%get3A_65, %get3A_66] {strides = array<i32>} : memref<16x16xf32, #tpu.memory_space<vmem>>, vector<16xf32>,
    %get3A_68 = arith.constant 14 : i32
    %get3A_69 = arith.index_cast %get3A_68 : i32 to index
    %get3A_70 = arith.constant 0 : index
    %get3A_71 = tpu.vector_load %arg24[%get3A_69, %get3A_70] {strides = array<i32>} : memref<16x16xf32, #tpu.memory_space<vmem>>, vector<16xf32>,
    %get3A_72 = arith.constant 15 : i32
    %get3A_73 = arith.index_cast %get3A_72 : i32 to index
    %get3A_74 = arith.constant 0 : index
    %get3A_75 = tpu.vector_load %arg24[%get3A_73, %get3A_74] {strides = array<i32>} : memref<16x16xf32, #tpu.memory_space<vmem>>, vector<16xf32>,
    %eq3A = arith.constant 0 : i32
    %eq3A_76 = arith.cmpi eq, %arg0, %eq3A : i32
    %convert_element_type3A = arith.extui %eq3A_76 : i1 to i32
    %cond3A = arith.constant 0 : i32
    %cond3A_77 = arith.cmpi ne, %convert_element_type3A, %cond3A : i32
    scf.if %cond3A_77 {
      %add3A_106 = arith.constant 0 : i32
      %add3A_107 = arith.addi %mul3A_12, %add3A_106 : i32
      %dma_start3A = arith.constant 0 : i32
      %dma_start3A_108 = tpu.memref_slice %arg3[%dma_start3A, %add3A_107] : memref<2x320000xi32, #tpu.memory_space<hbm>> -> memref<1x400xi32, #tpu.memory_space<hbm>>
      %dma_start3A_109 = tpu.memref_squeeze %dma_start3A_108 : memref<1x400xi32, #tpu.memory_space<hbm>> -> memref<400xi32, #tpu.memory_space<hbm>>
      %dma_start3A_110 = tpu.memref_slice %arg3[%dma_start3A, %add3A_107] : memref<2x320000xi32, #tpu.memory_space<hbm>> -> memref<1x400xi32, #tpu.memory_space<hbm>>
      %dma_start3A_111 = tpu.memref_squeeze %dma_start3A_110 : memref<1x400xi32, #tpu.memory_space<hbm>> -> memref<400xi32, #tpu.memory_space<hbm>>
      tpu.enqueue_dma source(%dma_start3A_111 : memref<400xi32, #tpu.memory_space<hbm>>) target(%arg13 : memref<400xi32, #tpu.memory_space<vmem>>) target_semaphore(%arg32 : memref<!tpu.dma_semaphore, #tpu.memory_space<semaphore_mem>>)
      %dma_start3A_112 = arith.constant 1 : i32
      %dma_start3A_113 = tpu.memref_slice %arg3[%dma_start3A_112, %add3A_107] : memref<2x320000xi32, #tpu.memory_space<hbm>> -> memref<1x400xi32, #tpu.memory_space<hbm>>
      %dma_start3A_114 = tpu.memref_squeeze %dma_start3A_113 : memref<1x400xi32, #tpu.memory_space<hbm>> -> memref<400xi32, #tpu.memory_space<hbm>>
      %dma_start3A_115 = tpu.memref_slice %arg3[%dma_start3A_112, %add3A_107] : memref<2x320000xi32, #tpu.memory_space<hbm>> -> memref<1x400xi32, #tpu.memory_space<hbm>>
      %dma_start3A_116 = tpu.memref_squeeze %dma_start3A_115 : memref<1x400xi32, #tpu.memory_space<hbm>> -> memref<400xi32, #tpu.memory_space<hbm>>
      tpu.enqueue_dma source(%dma_start3A_116 : memref<400xi32, #tpu.memory_space<hbm>>) target(%arg15 : memref<400xi32, #tpu.memory_space<vmem>>) target_semaphore(%arg32 : memref<!tpu.dma_semaphore, #tpu.memory_space<semaphore_mem>>)
      %dma_start3A_117 = arith.constant 0 : i32
      %dma_start3A_118 = tpu.memref_slice %arg4[%dma_start3A_117, %add3A_107] : memref<16x320000xf32, #tpu.memory_space<hbm>> -> memref<16x400xf32, #tpu.memory_space<hbm>>
      %dma_start3A_119 = arith.constant 0 : i32
      %dma_start3A_120 = tpu.memref_slice %arg4[%dma_start3A_119, %add3A_107] : memref<16x320000xf32, #tpu.memory_space<hbm>> -> memref<16x400xf32, #tpu.memory_space<hbm>>
      tpu.enqueue_dma source(%dma_start3A_120 : memref<16x400xf32, #tpu.memory_space<hbm>>) target(%arg17 : memref<16x400xf32, #tpu.memory_space<vmem>>) target_semaphore(%arg34 : memref<!tpu.dma_semaphore, #tpu.memory_space<semaphore_mem>>)
      %dma_wait3A = arith.constant 0 : i32
      %dma_wait3A_121 = arith.constant 0 : i32
      %dma_wait3A_122 = tpu.memref_slice %arg3[%dma_wait3A, %dma_wait3A_121] : memref<2x320000xi32, #tpu.memory_space<hbm>> -> memref<1x400xi32, #tpu.memory_space<hbm>>
      %dma_wait3A_123 = tpu.memref_squeeze %dma_wait3A_122 : memref<1x400xi32, #tpu.memory_space<hbm>> -> memref<400xi32, #tpu.memory_space<hbm>>
      %dma_wait3A_124 = arith.constant 0 : i32
      %dma_wait3A_125 = tpu.memref_slice %arg3[%dma_wait3A, %dma_wait3A_124] : memref<2x320000xi32, #tpu.memory_space<hbm>> -> memref<1x400xi32, #tpu.memory_space<hbm>>
      %dma_wait3A_126 = tpu.memref_squeeze %dma_wait3A_125 : memref<1x400xi32, #tpu.memory_space<hbm>> -> memref<400xi32, #tpu.memory_space<hbm>>
      tpu.wait_dma2 semaphore(%arg32 : memref<!tpu.dma_semaphore, #tpu.memory_space<semaphore_mem>>) src(%dma_wait3A_126 : memref<400xi32, #tpu.memory_space<hbm>>) dst(%arg13 : memref<400xi32, #tpu.memory_space<vmem>>)
      %dma_wait3A_127 = arith.constant 1 : i32
      %dma_wait3A_128 = arith.constant 0 : i32
      %dma_wait3A_129 = tpu.memref_slice %arg3[%dma_wait3A_127, %dma_wait3A_128] : memref<2x320000xi32, #tpu.memory_space<hbm>> -> memref<1x400xi32, #tpu.memory_space<hbm>>
      %dma_wait3A_130 = tpu.memref_squeeze %dma_wait3A_129 : memref<1x400xi32, #tpu.memory_space<hbm>> -> memref<400xi32, #tpu.memory_space<hbm>>
      %dma_wait3A_131 = arith.constant 0 : i32
      %dma_wait3A_132 = tpu.memref_slice %arg3[%dma_wait3A_127, %dma_wait3A_131] : memref<2x320000xi32, #tpu.memory_space<hbm>> -> memref<1x400xi32, #tpu.memory_space<hbm>>
      %dma_wait3A_133 = tpu.memref_squeeze %dma_wait3A_132 : memref<1x400xi32, #tpu.memory_space<hbm>> -> memref<400xi32, #tpu.memory_space<hbm>>
      tpu.wait_dma2 semaphore(%arg32 : memref<!tpu.dma_semaphore, #tpu.memory_space<semaphore_mem>>) src(%dma_wait3A_133 : memref<400xi32, #tpu.memory_space<hbm>>) dst(%arg15 : memref<400xi32, #tpu.memory_space<vmem>>)
      %dma_start3A_134 = arith.constant 0 : i32
      %dma_start3A_135 = arith.constant 0 : i32
      %dma_start3A_136 = tpu.memref_slice %arg2[%dma_start3A_134, %dma_start3A_135] : memref<10240x64xf32, #tpu.memory_space<hbm>> -> memref<10240x64xf32, #tpu.memory_space<hbm>>
      tpu.enqueue_indirect_dma source(%dma_start3A_136 : memref<10240x64xf32, #tpu.memory_space<hbm>>) target(%arg21 : memref<400x64xf32, #tpu.memory_space<vmem>>) offsets(%arg13 : memref<400xi32, #tpu.memory_space<vmem>>) semaphore(%arg28 : memref<!tpu.dma_semaphore, #tpu.memory_space<semaphore_mem>>)
      %add3A_137 = arith.constant 400 : i32
      %add3A_138 = arith.addi %mul3A_12, %add3A_137 : i32
      %dma_start3A_139 = arith.constant 0 : i32
      %dma_start3A_140 = tpu.memref_slice %arg3[%dma_start3A_139, %add3A_138] : memref<2x320000xi32, #tpu.memory_space<hbm>> -> memref<1x400xi32, #tpu.memory_space<hbm>>
      %dma_start3A_141 = tpu.memref_squeeze %dma_start3A_140 : memref<1x400xi32, #tpu.memory_space<hbm>> -> memref<400xi32, #tpu.memory_space<hbm>>
      %dma_start3A_142 = tpu.memref_slice %arg3[%dma_start3A_139, %add3A_138] : memref<2x320000xi32, #tpu.memory_space<hbm>> -> memref<1x400xi32, #tpu.memory_space<hbm>>
      %dma_start3A_143 = tpu.memref_squeeze %dma_start3A_142 : memref<1x400xi32, #tpu.memory_space<hbm>> -> memref<400xi32, #tpu.memory_space<hbm>>
      tpu.enqueue_dma source(%dma_start3A_143 : memref<400xi32, #tpu.memory_space<hbm>>) target(%arg14 : memref<400xi32, #tpu.memory_space<vmem>>) target_semaphore(%arg33 : memref<!tpu.dma_semaphore, #tpu.memory_space<semaphore_mem>>)
      %dma_start3A_144 = arith.constant 1 : i32
      %dma_start3A_145 = tpu.memref_slice %arg3[%dma_start3A_144, %add3A_138] : memref<2x320000xi32, #tpu.memory_space<hbm>> -> memref<1x400xi32, #tpu.memory_space<hbm>>
      %dma_start3A_146 = tpu.memref_squeeze %dma_start3A_145 : memref<1x400xi32, #tpu.memory_space<hbm>> -> memref<400xi32, #tpu.memory_space<hbm>>
      %dma_start3A_147 = tpu.memref_slice %arg3[%dma_start3A_144, %add3A_138] : memref<2x320000xi32, #tpu.memory_space<hbm>> -> memref<1x400xi32, #tpu.memory_space<hbm>>
      %dma_start3A_148 = tpu.memref_squeeze %dma_start3A_147 : memref<1x400xi32, #tpu.memory_space<hbm>> -> memref<400xi32, #tpu.memory_space<hbm>>
      tpu.enqueue_dma source(%dma_start3A_148 : memref<400xi32, #tpu.memory_space<hbm>>) target(%arg16 : memref<400xi32, #tpu.memory_space<vmem>>) target_semaphore(%arg33 : memref<!tpu.dma_semaphore, #tpu.memory_space<semaphore_mem>>)
      %dma_start3A_149 = arith.constant 0 : i32
      %dma_start3A_150 = tpu.memref_slice %arg4[%dma_start3A_149, %add3A_138] : memref<16x320000xf32, #tpu.memory_space<hbm>> -> memref<16x400xf32, #tpu.memory_space<hbm>>
      %dma_start3A_151 = arith.constant 0 : i32
      %dma_start3A_152 = tpu.memref_slice %arg4[%dma_start3A_151, %add3A_138] : memref<16x320000xf32, #tpu.memory_space<hbm>> -> memref<16x400xf32, #tpu.memory_space<hbm>>
      tpu.enqueue_dma source(%dma_start3A_152 : memref<16x400xf32, #tpu.memory_space<hbm>>) target(%arg18 : memref<16x400xf32, #tpu.memory_space<vmem>>) target_semaphore(%arg35 : memref<!tpu.dma_semaphore, #tpu.memory_space<semaphore_mem>>)
      %dma_wait3A_153 = arith.constant 0 : i32
      %dma_wait3A_154 = arith.constant 0 : i32
      %dma_wait3A_155 = tpu.memref_slice %arg3[%dma_wait3A_153, %dma_wait3A_154] : memref<2x320000xi32, #tpu.memory_space<hbm>> -> memref<1x400xi32, #tpu.memory_space<hbm>>
      %dma_wait3A_156 = tpu.memref_squeeze %dma_wait3A_155 : memref<1x400xi32, #tpu.memory_space<hbm>> -> memref<400xi32, #tpu.memory_space<hbm>>
      %dma_wait3A_157 = arith.constant 0 : i32
      %dma_wait3A_158 = tpu.memref_slice %arg3[%dma_wait3A_153, %dma_wait3A_157] : memref<2x320000xi32, #tpu.memory_space<hbm>> -> memref<1x400xi32, #tpu.memory_space<hbm>>
      %dma_wait3A_159 = tpu.memref_squeeze %dma_wait3A_158 : memref<1x400xi32, #tpu.memory_space<hbm>> -> memref<400xi32, #tpu.memory_space<hbm>>
      tpu.wait_dma2 semaphore(%arg33 : memref<!tpu.dma_semaphore, #tpu.memory_space<semaphore_mem>>) src(%dma_wait3A_159 : memref<400xi32, #tpu.memory_space<hbm>>) dst(%arg14 : memref<400xi32, #tpu.memory_space<vmem>>)
      %dma_wait3A_160 = arith.constant 1 : i32
      %dma_wait3A_161 = arith.constant 0 : i32
      %dma_wait3A_162 = tpu.memref_slice %arg3[%dma_wait3A_160, %dma_wait3A_161] : memref<2x320000xi32, #tpu.memory_space<hbm>> -> memref<1x400xi32, #tpu.memory_space<hbm>>
      %dma_wait3A_163 = tpu.memref_squeeze %dma_wait3A_162 : memref<1x400xi32, #tpu.memory_space<hbm>> -> memref<400xi32, #tpu.memory_space<hbm>>
      %dma_wait3A_164 = arith.constant 0 : i32
      %dma_wait3A_165 = tpu.memref_slice %arg3[%dma_wait3A_160, %dma_wait3A_164] : memref<2x320000xi32, #tpu.memory_space<hbm>> -> memref<1x400xi32, #tpu.memory_space<hbm>>
      %dma_wait3A_166 = tpu.memref_squeeze %dma_wait3A_165 : memref<1x400xi32, #tpu.memory_space<hbm>> -> memref<400xi32, #tpu.memory_space<hbm>>
      tpu.wait_dma2 semaphore(%arg33 : memref<!tpu.dma_semaphore, #tpu.memory_space<semaphore_mem>>) src(%dma_wait3A_166 : memref<400xi32, #tpu.memory_space<hbm>>) dst(%arg16 : memref<400xi32, #tpu.memory_space<vmem>>)
      %dma_start3A_167 = arith.constant 0 : i32
      %dma_start3A_168 = arith.constant 0 : i32
      %dma_start3A_169 = tpu.memref_slice %arg2[%dma_start3A_167, %dma_start3A_168] : memref<10240x64xf32, #tpu.memory_space<hbm>> -> memref<10240x64xf32, #tpu.memory_space<hbm>>
      tpu.enqueue_indirect_dma source(%dma_start3A_169 : memref<10240x64xf32, #tpu.memory_space<hbm>>) target(%arg22 : memref<400x64xf32, #tpu.memory_space<vmem>>) offsets(%arg14 : memref<400xi32, #tpu.memory_space<vmem>>) semaphore(%arg29 : memref<!tpu.dma_semaphore, #tpu.memory_space<semaphore_mem>>)
      %scan3A_170 = arith.constant 0 : i32
      %scan3A_171 = arith.constant 25 : i32
      %scan3A_172 = arith.addi %scan3A_170, %scan3A_171 : i32
      %scan3A_173 = arith.constant 1 : i32
      scf.for %scan3A_195 = %scan3A_170 to %scan3A_172 step %scan3A_173  : i32 {
        %mul3A_196 = arith.constant 1 : i32
        %mul3A_197 = arith.muli %scan3A_195, %mul3A_196 : i32
        %add3A_198 = arith.constant 0 : i32
        %add3A_199 = arith.addi %add3A_198, %mul3A_197 : i32
        %mul3A_200 = arith.constant 2 : i32
        %mul3A_201 = arith.muli %mul3A_200, %add3A_199 : i32
        %add3A_202 = arith.constant 0 : i32
        %add3A_203 = arith.addi %mul3A_201, %add3A_202 : i32
        %dma_wait3A_204 = arith.constant 0 : i32
        %dma_wait3A_205 = arith.constant 0 : i32
        %dma_wait3A_206 = tpu.memref_slice %arg4[%dma_wait3A_204, %dma_wait3A_205] : memref<16x320000xf32, #tpu.memory_space<hbm>> -> memref<16x400xf32, #tpu.memory_space<hbm>>
        %dma_wait3A_207 = arith.constant 0 : i32
        %dma_wait3A_208 = arith.constant 0 : i32
        %dma_wait3A_209 = tpu.memref_slice %arg4[%dma_wait3A_207, %dma_wait3A_208] : memref<16x320000xf32, #tpu.memory_space<hbm>> -> memref<16x400xf32, #tpu.memory_space<hbm>>
        tpu.wait_dma2 semaphore(%arg34 : memref<!tpu.dma_semaphore, #tpu.memory_space<semaphore_mem>>) src(%dma_wait3A_209 : memref<16x400xf32, #tpu.memory_space<hbm>>) dst(%arg17 : memref<16x400xf32, #tpu.memory_space<vmem>>)
        %parallel_loop3A_210 = arith.constant 0 : i32
        %parallel_loop3A_211 = arith.constant 400 : i32
        %parallel_loop3A_212 = arith.constant 16 : i32
        scf.for %parallel_loop3A_268 = %parallel_loop3A_210 to %parallel_loop3A_211 step %parallel_loop3A_212  : i32 {
          %parallel_loop3A_269 = arith.index_cast %parallel_loop3A_268 : i32 to index
          %parallel_loop3A_270 = tpu.vector_load %arg15[%parallel_loop3A_269] {strides = array<i32>} : memref<400xi32, #tpu.memory_space<vmem>>, vector<16xi32>,
          %parallel_loop3A_271 = tpu.vector_load_idx %arg11[%parallel_loop3A_270] : memref<10000xf32, #tpu.memory_space<vmem>>[vector<16xi32>], vector<16xf32>,
          %parallel_loop3A_272 = arith.index_cast %parallel_loop3A_268 : i32 to index
          %parallel_loop3A_273 = tpu.vector_load %arg13[%parallel_loop3A_272] {strides = array<i32>} : memref<400xi32, #tpu.memory_space<vmem>>, vector<16xi32>,
          %parallel_loop3A_274 = tpu.vector_load_idx %arg12[%parallel_loop3A_273] : memref<10000xf32, #tpu.memory_space<vmem>>[vector<16xi32>], vector<16xf32>,
          %parallel_loop3A_275 = arith.addf %parallel_loop3A_271, %parallel_loop3A_274 : vector<16xf32>
          %parallel_loop3A_276 = arith.constant 0 : i32
          %parallel_loop3A_277 = arith.index_cast %parallel_loop3A_276 : i32 to index
          %parallel_loop3A_278 = arith.index_cast %parallel_loop3A_268 : i32 to index
          %parallel_loop3A_279 = tpu.vector_load %arg17[%parallel_loop3A_277, %parallel_loop3A_278] {strides = array<i32>} : memref<16x400xf32, #tpu.memory_space<vmem>>, vector<16xf32>,
          %parallel_loop3A_280 = arith.mulf %parallel_loop3A_279, %get3A_15 : vector<16xf32>
          %parallel_loop3A_281 = arith.addf %parallel_loop3A_275, %parallel_loop3A_280 : vector<16xf32>
          %parallel_loop3A_282 = arith.constant 1 : i32
          %parallel_loop3A_283 = arith.index_cast %parallel_loop3A_282 : i32 to index
          %parallel_loop3A_284 = arith.index_cast %parallel_loop3A_268 : i32 to index
          %parallel_loop3A_285 = tpu.vector_load %arg17[%parallel_loop3A_283, %parallel_loop3A_284] {strides = array<i32>} : memref<16x400xf32, #tpu.memory_space<vmem>>, vector<16xf32>,
          %parallel_loop3A_286 = arith.mulf %parallel_loop3A_285, %get3A_19 : vector<16xf32>
          %parallel_loop3A_287 = arith.addf %parallel_loop3A_281, %parallel_loop3A_286 : vector<16xf32>
          %parallel_loop3A_288 = arith.constant 2 : i32
          %parallel_loop3A_289 = arith.index_cast %parallel_loop3A_288 : i32 to index
          %parallel_loop3A_290 = arith.index_cast %parallel_loop3A_268 : i32 to index
          %parallel_loop3A_291 = tpu.vector_load %arg17[%parallel_loop3A_289, %parallel_loop3A_290] {strides = array<i32>} : memref<16x400xf32, #tpu.memory_space<vmem>>, vector<16xf32>,
          %parallel_loop3A_292 = arith.mulf %parallel_loop3A_291, %get3A_23 : vector<16xf32>
          %parallel_loop3A_293 = arith.addf %parallel_loop3A_287, %parallel_loop3A_292 : vector<16xf32>
          %parallel_loop3A_294 = arith.constant 3 : i32
          %parallel_loop3A_295 = arith.index_cast %parallel_loop3A_294 : i32 to index
          %parallel_loop3A_296 = arith.index_cast %parallel_loop3A_268 : i32 to index
          %parallel_loop3A_297 = tpu.vector_load %arg17[%parallel_loop3A_295, %parallel_loop3A_296] {strides = array<i32>} : memref<16x400xf32, #tpu.memory_space<vmem>>, vector<16xf32>,
          %parallel_loop3A_298 = arith.mulf %parallel_loop3A_297, %get3A_27 : vector<16xf32>
          %parallel_loop3A_299 = arith.addf %parallel_loop3A_293, %parallel_loop3A_298 : vector<16xf32>
          %parallel_loop3A_300 = arith.constant 4 : i32
          %parallel_loop3A_301 = arith.index_cast %parallel_loop3A_300 : i32 to index
          %parallel_loop3A_302 = arith.index_cast %parallel_loop3A_268 : i32 to index
          %parallel_loop3A_303 = tpu.vector_load %arg17[%parallel_loop3A_301, %parallel_loop3A_302] {strides = array<i32>} : memref<16x400xf32, #tpu.memory_space<vmem>>, vector<16xf32>,
          %parallel_loop3A_304 = arith.mulf %parallel_loop3A_303, %get3A_31 : vector<16xf32>
          %parallel_loop3A_305 = arith.addf %parallel_loop3A_299, %parallel_loop3A_304 : vector<16xf32>
          %parallel_loop3A_306 = arith.constant 5 : i32
          %parallel_loop3A_307 = arith.index_cast %parallel_loop3A_306 : i32 to index
          %parallel_loop3A_308 = arith.index_cast %parallel_loop3A_268 : i32 to index
          %parallel_loop3A_309 = tpu.vector_load %arg17[%parallel_loop3A_307, %parallel_loop3A_308] {strides = array<i32>} : memref<16x400xf32, #tpu.memory_space<vmem>>, vector<16xf32>,
          %parallel_loop3A_310 = arith.mulf %parallel_loop3A_309, %get3A_35 : vector<16xf32>
          %parallel_loop3A_311 = arith.addf %parallel_loop3A_305, %parallel_loop3A_310 : vector<16xf32>
          %parallel_loop3A_312 = arith.constant 6 : i32
          %parallel_loop3A_313 = arith.index_cast %parallel_loop3A_312 : i32 to index
          %parallel_loop3A_314 = arith.index_cast %parallel_loop3A_268 : i32 to index
          %parallel_loop3A_315 = tpu.vector_load %arg17[%parallel_loop3A_313, %parallel_loop3A_314] {strides = array<i32>} : memref<16x400xf32, #tpu.memory_space<vmem>>, vector<16xf32>,
          %parallel_loop3A_316 = arith.mulf %parallel_loop3A_315, %get3A_39 : vector<16xf32>
          %parallel_loop3A_317 = arith.addf %parallel_loop3A_311, %parallel_loop3A_316 : vector<16xf32>
          %parallel_loop3A_318 = arith.constant 7 : i32
          %parallel_loop3A_319 = arith.index_cast %parallel_loop3A_318 : i32 to index
          %parallel_loop3A_320 = arith.index_cast %parallel_loop3A_268 : i32 to index
          %parallel_loop3A_321 = tpu.vector_load %arg17[%parallel_loop3A_319, %parallel_loop3A_320] {strides = array<i32>} : memref<16x400xf32, #tpu.memory_space<vmem>>, vector<16xf32>,
          %parallel_loop3A_322 = arith.mulf %parallel_loop3A_321, %get3A_43 : vector<16xf32>
          %parallel_loop3A_323 = arith.addf %parallel_loop3A_317, %parallel_loop3A_322 : vector<16xf32>
          %parallel_loop3A_324 = arith.constant 8 : i32
          %parallel_loop3A_325 = arith.index_cast %parallel_loop3A_324 : i32 to index
          %parallel_loop3A_326 = arith.index_cast %parallel_loop3A_268 : i32 to index
          %parallel_loop3A_327 = tpu.vector_load %arg17[%parallel_loop3A_325, %parallel_loop3A_326] {strides = array<i32>} : memref<16x400xf32, #tpu.memory_space<vmem>>, vector<16xf32>,
          %parallel_loop3A_328 = arith.mulf %parallel_loop3A_327, %get3A_47 : vector<16xf32>
          %parallel_loop3A_329 = arith.addf %parallel_loop3A_323, %parallel_loop3A_328 : vector<16xf32>
          %parallel_loop3A_330 = arith.constant 9 : i32
          %parallel_loop3A_331 = arith.index_cast %parallel_loop3A_330 : i32 to index
          %parallel_loop3A_332 = arith.index_cast %parallel_loop3A_268 : i32 to index
          %parallel_loop3A_333 = tpu.vector_load %arg17[%parallel_loop3A_331, %parallel_loop3A_332] {strides = array<i32>} : memref<16x400xf32, #tpu.memory_space<vmem>>, vector<16xf32>,
          %parallel_loop3A_334 = arith.mulf %parallel_loop3A_333, %get3A_51 : vector<16xf32>
          %parallel_loop3A_335 = arith.addf %parallel_loop3A_329, %parallel_loop3A_334 : vector<16xf32>
          %parallel_loop3A_336 = arith.constant 10 : i32
          %parallel_loop3A_337 = arith.index_cast %parallel_loop3A_336 : i32 to index
          %parallel_loop3A_338 = arith.index_cast %parallel_loop3A_268 : i32 to index
          %parallel_loop3A_339 = tpu.vector_load %arg17[%parallel_loop3A_337, %parallel_loop3A_338] {strides = array<i32>} : memref<16x400xf32, #tpu.memory_space<vmem>>, vector<16xf32>,
          %parallel_loop3A_340 = arith.mulf %parallel_loop3A_339, %get3A_55 : vector<16xf32>
          %parallel_loop3A_341 = arith.addf %parallel_loop3A_335, %parallel_loop3A_340 : vector<16xf32>
          %parallel_loop3A_342 = arith.constant 11 : i32
          %parallel_loop3A_343 = arith.index_cast %parallel_loop3A_342 : i32 to index
          %parallel_loop3A_344 = arith.index_cast %parallel_loop3A_268 : i32 to index
          %parallel_loop3A_345 = tpu.vector_load %arg17[%parallel_loop3A_343, %parallel_loop3A_344] {strides = array<i32>} : memref<16x400xf32, #tpu.memory_space<vmem>>, vector<16xf32>,
          %parallel_loop3A_346 = arith.mulf %parallel_loop3A_345, %get3A_59 : vector<16xf32>
          %parallel_loop3A_347 = arith.addf %parallel_loop3A_341, %parallel_loop3A_346 : vector<16xf32>
          %parallel_loop3A_348 = arith.constant 12 : i32
          %parallel_loop3A_349 = arith.index_cast %parallel_loop3A_348 : i32 to index
          %parallel_loop3A_350 = arith.index_cast %parallel_loop3A_268 : i32 to index
          %parallel_loop3A_351 = tpu.vector_load %arg17[%parallel_loop3A_349, %parallel_loop3A_350] {strides = array<i32>} : memref<16x400xf32, #tpu.memory_space<vmem>>, vector<16xf32>,
          %parallel_loop3A_352 = arith.mulf %parallel_loop3A_351, %get3A_63 : vector<16xf32>
          %parallel_loop3A_353 = arith.addf %parallel_loop3A_347, %parallel_loop3A_352 : vector<16xf32>
          %parallel_loop3A_354 = arith.constant 13 : i32
          %parallel_loop3A_355 = arith.index_cast %parallel_loop3A_354 : i32 to index
          %parallel_loop3A_356 = arith.index_cast %parallel_loop3A_268 : i32 to index
          %parallel_loop3A_357 = tpu.vector_load %arg17[%parallel_loop3A_355, %parallel_loop3A_356] {strides = array<i32>} : memref<16x400xf32, #tpu.memory_space<vmem>>, vector<16xf32>,
          %parallel_loop3A_358 = arith.mulf %parallel_loop3A_357, %get3A_67 : vector<16xf32>
          %parallel_loop3A_359 = arith.addf %parallel_loop3A_353, %parallel_loop3A_358 : vector<16xf32>
          %parallel_loop3A_360 = arith.constant 14 : i32
          %parallel_loop3A_361 = arith.index_cast %parallel_loop3A_360 : i32 to index
          %parallel_loop3A_362 = arith.index_cast %parallel_loop3A_268 : i32 to index
          %parallel_loop3A_363 = tpu.vector_load %arg17[%parallel_loop3A_361, %parallel_loop3A_362] {strides = array<i32>} : memref<16x400xf32, #tpu.memory_space<vmem>>, vector<16xf32>,
          %parallel_loop3A_364 = arith.mulf %parallel_loop3A_363, %get3A_71 : vector<16xf32>
          %parallel_loop3A_365 = arith.addf %parallel_loop3A_359, %parallel_loop3A_364 : vector<16xf32>
          %parallel_loop3A_366 = arith.constant 15 : i32
          %parallel_loop3A_367 = arith.index_cast %parallel_loop3A_366 : i32 to index
          %parallel_loop3A_368 = arith.index_cast %parallel_loop3A_268 : i32 to index
          %parallel_loop3A_369 = tpu.vector_load %arg17[%parallel_loop3A_367, %parallel_loop3A_368] {strides = array<i32>} : memref<16x400xf32, #tpu.memory_space<vmem>>, vector<16xf32>,
          %parallel_loop3A_370 = arith.mulf %parallel_loop3A_369, %get3A_75 : vector<16xf32>
          %parallel_loop3A_371 = arith.addf %parallel_loop3A_365, %parallel_loop3A_370 : vector<16xf32>
          %parallel_loop3A_372 = arith.constant 0.000000e+00 : f32
          %parallel_loop3A_373 = vector.broadcast %parallel_loop3A_372 : f32 to vector<16xf32>
          %parallel_loop3A_374 = arith.cmpf oge, %parallel_loop3A_371, %parallel_loop3A_373 : vector<16xf32>
          %parallel_loop3A_375 = arith.constant 0.00999999977 : f32
          %parallel_loop3A_376 = vector.broadcast %parallel_loop3A_375 : f32 to vector<16xf32>
          %parallel_loop3A_377 = arith.mulf %parallel_loop3A_371, %parallel_loop3A_376 : vector<16xf32>
          %parallel_loop3A_378 = arith.select %parallel_loop3A_374, %parallel_loop3A_371, %parallel_loop3A_377 : vector<16xi1>, vector<16xf32>
          %parallel_loop3A_379 = math.exp %parallel_loop3A_378 : vector<16xf32>
          %parallel_loop3A_380 = arith.index_cast %parallel_loop3A_268 : i32 to index
          %parallel_loop3A_381 = tpu.vector_load %arg19[%parallel_loop3A_380] {strides = array<i32>} : memref<400xf32, #tpu.memory_space<vmem>>, vector<16xf32>,
          tpu.vector_store %arg19[%parallel_loop3A_380], %parallel_loop3A_379 {strides = array<i32>} : memref<400xf32, #tpu.memory_space<vmem>>, vector<16xf32>,
        } {sc.loop_unroll_factor = 4 : i64, sc.parallel_access}
        %dma_start3A_213 = arith.constant 0 : i32
        %dma_start3A_214 = tpu.memref_slice %arg27[%dma_start3A_213] : memref<10240xf32, #tpu.memory_space<vmem_shared>> -> memref<10240xf32, #tpu.memory_space<vmem_shared>>
        tpu.enqueue_indirect_dma source(%arg19 : memref<400xf32, #tpu.memory_space<vmem>>) target(%dma_start3A_214 : memref<10240xf32, #tpu.memory_space<vmem_shared>>) offsets(%arg15 : memref<400xi32, #tpu.memory_space<vmem>>) semaphore(%arg36 : memref<!tpu.dma_semaphore, #tpu.memory_space<semaphore_mem>>) {add = true}
        %dma_wait3A_215 = arith.constant 0 : i32
        %dma_wait3A_216 = arith.constant 0 : i32
        %dma_wait3A_217 = tpu.memref_slice %arg2[%dma_wait3A_215, %dma_wait3A_216] : memref<10240x64xf32, #tpu.memory_space<hbm>> -> memref<400x64xf32, #tpu.memory_space<hbm>>
        %dma_wait3A_218 = arith.constant 0 : i32
        %dma_wait3A_219 = arith.constant 0 : i32
        %dma_wait3A_220 = tpu.memref_slice %arg2[%dma_wait3A_218, %dma_wait3A_219] : memref<10240x64xf32, #tpu.memory_space<hbm>> -> memref<400x64xf32, #tpu.memory_space<hbm>>
        tpu.wait_dma2 semaphore(%arg28 : memref<!tpu.dma_semaphore, #tpu.memory_space<semaphore_mem>>) src(%dma_wait3A_220 : memref<400x64xf32, #tpu.memory_space<hbm>>) dst(%arg21 : memref<400x64xf32, #tpu.memory_space<vmem>>)
        %parallel_loop3A_221 = arith.constant 0 : i32
        %parallel_loop3A_222 = arith.constant 400 : i32
        %parallel_loop3A_223 = arith.constant 1 : i32
        scf.for %parallel_loop3A_268 = %parallel_loop3A_221 to %parallel_loop3A_222 step %parallel_loop3A_223  : i32 {
          %parallel_loop3A_269 = vector.broadcast %parallel_loop3A_268 : i32 to vector<16xi32>
          %parallel_loop3A_270 = tpu.vector_load_idx %arg19[%parallel_loop3A_269] : memref<400xf32, #tpu.memory_space<vmem>>[vector<16xi32>], vector<16xf32>,
          %parallel_loop3A_271 = arith.index_cast %parallel_loop3A_268 : i32 to index
          %parallel_loop3A_272 = arith.constant 0 : index
          %parallel_loop3A_273 = tpu.vector_load %arg21[%parallel_loop3A_271, %parallel_loop3A_272] {strides = array<i32>} : memref<400x64xf32, #tpu.memory_space<vmem>>, vector<16xf32>,
          %parallel_loop3A_274 = arith.mulf %parallel_loop3A_273, %parallel_loop3A_270 : vector<16xf32>
          %parallel_loop3A_275 = arith.index_cast %parallel_loop3A_268 : i32 to index
          %parallel_loop3A_276 = arith.constant 0 : index
          %parallel_loop3A_277 = tpu.vector_load %arg21[%parallel_loop3A_275, %parallel_loop3A_276] {strides = array<i32>} : memref<400x64xf32, #tpu.memory_space<vmem>>, vector<16xf32>,
          tpu.vector_store %arg21[%parallel_loop3A_275, %parallel_loop3A_276], %parallel_loop3A_274 {strides = array<i32>} : memref<400x64xf32, #tpu.memory_space<vmem>>, vector<16xf32>,
          %parallel_loop3A_278 = arith.index_cast %parallel_loop3A_268 : i32 to index
          %parallel_loop3A_279 = arith.constant 16 : index
          %parallel_loop3A_280 = tpu.vector_load %arg21[%parallel_loop3A_278, %parallel_loop3A_279] {strides = array<i32>} : memref<400x64xf32, #tpu.memory_space<vmem>>, vector<16xf32>,
          %parallel_loop3A_281 = arith.mulf %parallel_loop3A_280, %parallel_loop3A_270 : vector<16xf32>
          %parallel_loop3A_282 = arith.index_cast %parallel_loop3A_268 : i32 to index
          %parallel_loop3A_283 = arith.constant 16 : index
          %parallel_loop3A_284 = tpu.vector_load %arg21[%parallel_loop3A_282, %parallel_loop3A_283] {strides = array<i32>} : memref<400x64xf32, #tpu.memory_space<vmem>>, vector<16xf32>,
          tpu.vector_store %arg21[%parallel_loop3A_282, %parallel_loop3A_283], %parallel_loop3A_281 {strides = array<i32>} : memref<400x64xf32, #tpu.memory_space<vmem>>, vector<16xf32>,
          %parallel_loop3A_285 = arith.index_cast %parallel_loop3A_268 : i32 to index
          %parallel_loop3A_286 = arith.constant 32 : index
          %parallel_loop3A_287 = tpu.vector_load %arg21[%parallel_loop3A_285, %parallel_loop3A_286] {strides = array<i32>} : memref<400x64xf32, #tpu.memory_space<vmem>>, vector<16xf32>,
          %parallel_loop3A_288 = arith.mulf %parallel_loop3A_287, %parallel_loop3A_270 : vector<16xf32>
          %parallel_loop3A_289 = arith.index_cast %parallel_loop3A_268 : i32 to index
          %parallel_loop3A_290 = arith.constant 32 : index
          %parallel_loop3A_291 = tpu.vector_load %arg21[%parallel_loop3A_289, %parallel_loop3A_290] {strides = array<i32>} : memref<400x64xf32, #tpu.memory_space<vmem>>, vector<16xf32>,
          tpu.vector_store %arg21[%parallel_loop3A_289, %parallel_loop3A_290], %parallel_loop3A_288 {strides = array<i32>} : memref<400x64xf32, #tpu.memory_space<vmem>>, vector<16xf32>,
          %parallel_loop3A_292 = arith.index_cast %parallel_loop3A_268 : i32 to index
          %parallel_loop3A_293 = arith.constant 48 : index
          %parallel_loop3A_294 = tpu.vector_load %arg21[%parallel_loop3A_292, %parallel_loop3A_293] {strides = array<i32>} : memref<400x64xf32, #tpu.memory_space<vmem>>, vector<16xf32>,
          %parallel_loop3A_295 = arith.mulf %parallel_loop3A_294, %parallel_loop3A_270 : vector<16xf32>
          %parallel_loop3A_296 = arith.index_cast %parallel_loop3A_268 : i32 to index
          %parallel_loop3A_297 = arith.constant 48 : index
          %parallel_loop3A_298 = tpu.vector_load %arg21[%parallel_loop3A_296, %parallel_loop3A_297] {strides = array<i32>} : memref<400x64xf32, #tpu.memory_space<vmem>>, vector<16xf32>,
          tpu.vector_store %arg21[%parallel_loop3A_296, %parallel_loop3A_297], %parallel_loop3A_295 {strides = array<i32>} : memref<400x64xf32, #tpu.memory_space<vmem>>, vector<16xf32>,
        } {sc.loop_unroll_factor = 8 : i64, sc.parallel_access}
        %dma_start3A_224 = arith.constant 0 : i32
        %dma_start3A_225 = arith.constant 0 : i32
        %dma_start3A_226 = tpu.memref_slice %arg26[%dma_start3A_224, %dma_start3A_225] : memref<10240x64xf32, #tpu.memory_space<vmem_shared>> -> memref<10240x64xf32, #tpu.memory_space<vmem_shared>>
        tpu.enqueue_indirect_dma source(%arg21 : memref<400x64xf32, #tpu.memory_space<vmem>>) target(%dma_start3A_226 : memref<10240x64xf32, #tpu.memory_space<vmem_shared>>) offsets(%arg15 : memref<400xi32, #tpu.memory_space<vmem>>) semaphore(%arg30 : memref<!tpu.dma_semaphore, #tpu.memory_space<semaphore_mem>>) {add = true}
        %add3A_227 = arith.constant 2 : i32
        %add3A_228 = arith.addi %add3A_203, %add3A_227 : i32
        %lt3A_229 = arith.constant 50 : i32
        %lt3A_230 = arith.cmpi slt, %add3A_228, %lt3A_229 : i32
        %convert_element_type3A_231 = arith.extui %lt3A_230 : i1 to i32
        %cond3A_232 = arith.constant 0 : i32
        %cond3A_233 = arith.cmpi ne, %convert_element_type3A_231, %cond3A_232 : i32
        scf.if %cond3A_233 {
          %dma_wait3A_268 = arith.constant 0 : i32
          %dma_wait3A_269 = arith.constant 0 : i32
          %dma_wait3A_270 = tpu.memref_slice %arg2[%dma_wait3A_268, %dma_wait3A_269] : memref<10240x64xf32, #tpu.memory_space<hbm>> -> memref<400x64xf32, #tpu.memory_space<hbm>>
          %dma_wait3A_271 = arith.constant 0 : i32
          %dma_wait3A_272 = arith.constant 0 : i32
          %dma_wait3A_273 = tpu.memref_slice %arg2[%dma_wait3A_271, %dma_wait3A_272] : memref<10240x64xf32, #tpu.memory_space<hbm>> -> memref<400x64xf32, #tpu.memory_space<hbm>>
          tpu.wait_dma2 semaphore(%arg30 : memref<!tpu.dma_semaphore, #tpu.memory_space<semaphore_mem>>) src(%dma_wait3A_273 : memref<400x64xf32, #tpu.memory_space<hbm>>) dst(%arg21 : memref<400x64xf32, #tpu.memory_space<vmem>>)
          %dma_wait3A_274 = arith.constant 0 : i32
          %dma_wait3A_275 = tpu.memref_slice %arg5[%dma_wait3A_274] : memref<10000xf32, #tpu.memory_space<hbm>> -> memref<400xf32, #tpu.memory_space<hbm>>
          %dma_wait3A_276 = arith.constant 0 : i32
          %dma_wait3A_277 = tpu.memref_slice %arg5[%dma_wait3A_276] : memref<10000xf32, #tpu.memory_space<hbm>> -> memref<400xf32, #tpu.memory_space<hbm>>
          tpu.wait_dma2 semaphore(%arg36 : memref<!tpu.dma_semaphore, #tpu.memory_space<semaphore_mem>>) src(%dma_wait3A_277 : memref<400xf32, #tpu.memory_space<hbm>>) dst(%arg19 : memref<400xf32, #tpu.memory_space<vmem>>)
          %add3A_278 = arith.constant 2 : i32
          %add3A_279 = arith.addi %add3A_203, %add3A_278 : i32
          %mul3A_280 = arith.constant 400 : i32
          %mul3A_281 = arith.muli %add3A_279, %mul3A_280 : i32
          %add3A_282 = arith.addi %mul3A_12, %mul3A_281 : i32
          %dma_start3A_283 = arith.constant 0 : i32
          %dma_start3A_284 = tpu.memref_slice %arg3[%dma_start3A_283, %add3A_282] : memref<2x320000xi32, #tpu.memory_space<hbm>> -> memref<1x400xi32, #tpu.memory_space<hbm>>
          %dma_start3A_285 = tpu.memref_squeeze %dma_start3A_284 : memref<1x400xi32, #tpu.memory_space<hbm>> -> memref<400xi32, #tpu.memory_space<hbm>>
          %dma_start3A_286 = tpu.memref_slice %arg3[%dma_start3A_283, %add3A_282] : memref<2x320000xi32, #tpu.memory_space<hbm>> -> memref<1x400xi32, #tpu.memory_space<hbm>>
          %dma_start3A_287 = tpu.memref_squeeze %dma_start3A_286 : memref<1x400xi32, #tpu.memory_space<hbm>> -> memref<400xi32, #tpu.memory_space<hbm>>
          tpu.enqueue_dma source(%dma_start3A_287 : memref<400xi32, #tpu.memory_space<hbm>>) target(%arg13 : memref<400xi32, #tpu.memory_space<vmem>>) target_semaphore(%arg32 : memref<!tpu.dma_semaphore, #tpu.memory_space<semaphore_mem>>)
          %dma_start3A_288 = arith.constant 1 : i32
          %dma_start3A_289 = tpu.memref_slice %arg3[%dma_start3A_288, %add3A_282] : memref<2x320000xi32, #tpu.memory_space<hbm>> -> memref<1x400xi32, #tpu.memory_space<hbm>>
          %dma_start3A_290 = tpu.memref_squeeze %dma_start3A_289 : memref<1x400xi32, #tpu.memory_space<hbm>> -> memref<400xi32, #tpu.memory_space<hbm>>
          %dma_start3A_291 = tpu.memref_slice %arg3[%dma_start3A_288, %add3A_282] : memref<2x320000xi32, #tpu.memory_space<hbm>> -> memref<1x400xi32, #tpu.memory_space<hbm>>
          %dma_start3A_292 = tpu.memref_squeeze %dma_start3A_291 : memref<1x400xi32, #tpu.memory_space<hbm>> -> memref<400xi32, #tpu.memory_space<hbm>>
          tpu.enqueue_dma source(%dma_start3A_292 : memref<400xi32, #tpu.memory_space<hbm>>) target(%arg15 : memref<400xi32, #tpu.memory_space<vmem>>) target_semaphore(%arg32 : memref<!tpu.dma_semaphore, #tpu.memory_space<semaphore_mem>>)
          %dma_start3A_293 = arith.constant 0 : i32
          %dma_start3A_294 = tpu.memref_slice %arg4[%dma_start3A_293, %add3A_282] : memref<16x320000xf32, #tpu.memory_space<hbm>> -> memref<16x400xf32, #tpu.memory_space<hbm>>
          %dma_start3A_295 = arith.constant 0 : i32
          %dma_start3A_296 = tpu.memref_slice %arg4[%dma_start3A_295, %add3A_282] : memref<16x320000xf32, #tpu.memory_space<hbm>> -> memref<16x400xf32, #tpu.memory_space<hbm>>
          tpu.enqueue_dma source(%dma_start3A_296 : memref<16x400xf32, #tpu.memory_space<hbm>>) target(%arg17 : memref<16x400xf32, #tpu.memory_space<vmem>>) target_semaphore(%arg34 : memref<!tpu.dma_semaphore, #tpu.memory_space<semaphore_mem>>)
          %dma_wait3A_297 = arith.constant 0 : i32
          %dma_wait3A_298 = arith.constant 0 : i32
          %dma_wait3A_299 = tpu.memref_slice %arg3[%dma_wait3A_297, %dma_wait3A_298] : memref<2x320000xi32, #tpu.memory_space<hbm>> -> memref<1x400xi32, #tpu.memory_space<hbm>>
          %dma_wait3A_300 = tpu.memref_squeeze %dma_wait3A_299 : memref<1x400xi32, #tpu.memory_space<hbm>> -> memref<400xi32, #tpu.memory_space<hbm>>
          %dma_wait3A_301 = arith.constant 0 : i32
          %dma_wait3A_302 = tpu.memref_slice %arg3[%dma_wait3A_297, %dma_wait3A_301] : memref<2x320000xi32, #tpu.memory_space<hbm>> -> memref<1x400xi32, #tpu.memory_space<hbm>>
          %dma_wait3A_303 = tpu.memref_squeeze %dma_wait3A_302 : memref<1x400xi32, #tpu.memory_space<hbm>> -> memref<400xi32, #tpu.memory_space<hbm>>
          tpu.wait_dma2 semaphore(%arg32 : memref<!tpu.dma_semaphore, #tpu.memory_space<semaphore_mem>>) src(%dma_wait3A_303 : memref<400xi32, #tpu.memory_space<hbm>>) dst(%arg13 : memref<400xi32, #tpu.memory_space<vmem>>)
          %dma_wait3A_304 = arith.constant 1 : i32
          %dma_wait3A_305 = arith.constant 0 : i32
          %dma_wait3A_306 = tpu.memref_slice %arg3[%dma_wait3A_304, %dma_wait3A_305] : memref<2x320000xi32, #tpu.memory_space<hbm>> -> memref<1x400xi32, #tpu.memory_space<hbm>>
          %dma_wait3A_307 = tpu.memref_squeeze %dma_wait3A_306 : memref<1x400xi32, #tpu.memory_space<hbm>> -> memref<400xi32, #tpu.memory_space<hbm>>
          %dma_wait3A_308 = arith.constant 0 : i32
          %dma_wait3A_309 = tpu.memref_slice %arg3[%dma_wait3A_304, %dma_wait3A_308] : memref<2x320000xi32, #tpu.memory_space<hbm>> -> memref<1x400xi32, #tpu.memory_space<hbm>>
          %dma_wait3A_310 = tpu.memref_squeeze %dma_wait3A_309 : memref<1x400xi32, #tpu.memory_space<hbm>> -> memref<400xi32, #tpu.memory_space<hbm>>
          tpu.wait_dma2 semaphore(%arg32 : memref<!tpu.dma_semaphore, #tpu.memory_space<semaphore_mem>>) src(%dma_wait3A_310 : memref<400xi32, #tpu.memory_space<hbm>>) dst(%arg15 : memref<400xi32, #tpu.memory_space<vmem>>)
          %dma_start3A_311 = arith.constant 0 : i32
          %dma_start3A_312 = arith.constant 0 : i32
          %dma_start3A_313 = tpu.memref_slice %arg2[%dma_start3A_311, %dma_start3A_312] : memref<10240x64xf32, #tpu.memory_space<hbm>> -> memref<10240x64xf32, #tpu.memory_space<hbm>>
          tpu.enqueue_indirect_dma source(%dma_start3A_313 : memref<10240x64xf32, #tpu.memory_space<hbm>>) target(%arg21 : memref<400x64xf32, #tpu.memory_space<vmem>>) offsets(%arg13 : memref<400xi32, #tpu.memory_space<vmem>>) semaphore(%arg28 : memref<!tpu.dma_semaphore, #tpu.memory_space<semaphore_mem>>)
        } else {
        }
        %mul3A_234 = arith.constant 2 : i32
        %mul3A_235 = arith.muli %mul3A_234, %add3A_199 : i32
        %add3A_236 = arith.constant 1 : i32
        %add3A_237 = arith.addi %mul3A_235, %add3A_236 : i32
        %dma_wait3A_238 = arith.constant 0 : i32
        %dma_wait3A_239 = arith.constant 0 : i32
        %dma_wait3A_240 = tpu.memref_slice %arg4[%dma_wait3A_238, %dma_wait3A_239] : memref<16x320000xf32, #tpu.memory_space<hbm>> -> memref<16x400xf32, #tpu.memory_space<hbm>>
        %dma_wait3A_241 = arith.constant 0 : i32
        %dma_wait3A_242 = arith.constant 0 : i32
        %dma_wait3A_243 = tpu.memref_slice %arg4[%dma_wait3A_241, %dma_wait3A_242] : memref<16x320000xf32, #tpu.memory_space<hbm>> -> memref<16x400xf32, #tpu.memory_space<hbm>>
        tpu.wait_dma2 semaphore(%arg35 : memref<!tpu.dma_semaphore, #tpu.memory_space<semaphore_mem>>) src(%dma_wait3A_243 : memref<16x400xf32, #tpu.memory_space<hbm>>) dst(%arg18 : memref<16x400xf32, #tpu.memory_space<vmem>>)
        %parallel_loop3A_244 = arith.constant 0 : i32
        %parallel_loop3A_245 = arith.constant 400 : i32
        %parallel_loop3A_246 = arith.constant 16 : i32
        scf.for %parallel_loop3A_268 = %parallel_loop3A_244 to %parallel_loop3A_245 step %parallel_loop3A_246  : i32 {
          %parallel_loop3A_269 = arith.index_cast %parallel_loop3A_268 : i32 to index
          %parallel_loop3A_270 = tpu.vector_load %arg16[%parallel_loop3A_269] {strides = array<i32>} : memref<400xi32, #tpu.memory_space<vmem>>, vector<16xi32>,
          %parallel_loop3A_271 = tpu.vector_load_idx %arg11[%parallel_loop3A_270] : memref<10000xf32, #tpu.memory_space<vmem>>[vector<16xi32>], vector<16xf32>,
          %parallel_loop3A_272 = arith.index_cast %parallel_loop3A_268 : i32 to index
          %parallel_loop3A_273 = tpu.vector_load %arg14[%parallel_loop3A_272] {strides = array<i32>} : memref<400xi32, #tpu.memory_space<vmem>>, vector<16xi32>,
          %parallel_loop3A_274 = tpu.vector_load_idx %arg12[%parallel_loop3A_273] : memref<10000xf32, #tpu.memory_space<vmem>>[vector<16xi32>], vector<16xf32>,
          %parallel_loop3A_275 = arith.addf %parallel_loop3A_271, %parallel_loop3A_274 : vector<16xf32>
          %parallel_loop3A_276 = arith.constant 0 : i32
          %parallel_loop3A_277 = arith.index_cast %parallel_loop3A_276 : i32 to index
          %parallel_loop3A_278 = arith.index_cast %parallel_loop3A_268 : i32 to index
          %parallel_loop3A_279 = tpu.vector_load %arg18[%parallel_loop3A_277, %parallel_loop3A_278] {strides = array<i32>} : memref<16x400xf32, #tpu.memory_space<vmem>>, vector<16xf32>,
          %parallel_loop3A_280 = arith.mulf %parallel_loop3A_279, %get3A_15 : vector<16xf32>
          %parallel_loop3A_281 = arith.addf %parallel_loop3A_275, %parallel_loop3A_280 : vector<16xf32>
          %parallel_loop3A_282 = arith.constant 1 : i32
          %parallel_loop3A_283 = arith.index_cast %parallel_loop3A_282 : i32 to index
          %parallel_loop3A_284 = arith.index_cast %parallel_loop3A_268 : i32 to index
          %parallel_loop3A_285 = tpu.vector_load %arg18[%parallel_loop3A_283, %parallel_loop3A_284] {strides = array<i32>} : memref<16x400xf32, #tpu.memory_space<vmem>>, vector<16xf32>,
          %parallel_loop3A_286 = arith.mulf %parallel_loop3A_285, %get3A_19 : vector<16xf32>
          %parallel_loop3A_287 = arith.addf %parallel_loop3A_281, %parallel_loop3A_286 : vector<16xf32>
          %parallel_loop3A_288 = arith.constant 2 : i32
          %parallel_loop3A_289 = arith.index_cast %parallel_loop3A_288 : i32 to index
          %parallel_loop3A_290 = arith.index_cast %parallel_loop3A_268 : i32 to index
          %parallel_loop3A_291 = tpu.vector_load %arg18[%parallel_loop3A_289, %parallel_loop3A_290] {strides = array<i32>} : memref<16x400xf32, #tpu.memory_space<vmem>>, vector<16xf32>,
          %parallel_loop3A_292 = arith.mulf %parallel_loop3A_291, %get3A_23 : vector<16xf32>
          %parallel_loop3A_293 = arith.addf %parallel_loop3A_287, %parallel_loop3A_292 : vector<16xf32>
          %parallel_loop3A_294 = arith.constant 3 : i32
          %parallel_loop3A_295 = arith.index_cast %parallel_loop3A_294 : i32 to index
          %parallel_loop3A_296 = arith.index_cast %parallel_loop3A_268 : i32 to index
          %parallel_loop3A_297 = tpu.vector_load %arg18[%parallel_loop3A_295, %parallel_loop3A_296] {strides = array<i32>} : memref<16x400xf32, #tpu.memory_space<vmem>>, vector<16xf32>,
          %parallel_loop3A_298 = arith.mulf %parallel_loop3A_297, %get3A_27 : vector<16xf32>
          %parallel_loop3A_299 = arith.addf %parallel_loop3A_293, %parallel_loop3A_298 : vector<16xf32>
          %parallel_loop3A_300 = arith.constant 4 : i32
          %parallel_loop3A_301 = arith.index_cast %parallel_loop3A_300 : i32 to index
          %parallel_loop3A_302 = arith.index_cast %parallel_loop3A_268 : i32 to index
          %parallel_loop3A_303 = tpu.vector_load %arg18[%parallel_loop3A_301, %parallel_loop3A_302] {strides = array<i32>} : memref<16x400xf32, #tpu.memory_space<vmem>>, vector<16xf32>,
          %parallel_loop3A_304 = arith.mulf %parallel_loop3A_303, %get3A_31 : vector<16xf32>
          %parallel_loop3A_305 = arith.addf %parallel_loop3A_299, %parallel_loop3A_304 : vector<16xf32>
          %parallel_loop3A_306 = arith.constant 5 : i32
          %parallel_loop3A_307 = arith.index_cast %parallel_loop3A_306 : i32 to index
          %parallel_loop3A_308 = arith.index_cast %parallel_loop3A_268 : i32 to index
          %parallel_loop3A_309 = tpu.vector_load %arg18[%parallel_loop3A_307, %parallel_loop3A_308] {strides = array<i32>} : memref<16x400xf32, #tpu.memory_space<vmem>>, vector<16xf32>,
          %parallel_loop3A_310 = arith.mulf %parallel_loop3A_309, %get3A_35 : vector<16xf32>
          %parallel_loop3A_311 = arith.addf %parallel_loop3A_305, %parallel_loop3A_310 : vector<16xf32>
          %parallel_loop3A_312 = arith.constant 6 : i32
          %parallel_loop3A_313 = arith.index_cast %parallel_loop3A_312 : i32 to index
          %parallel_loop3A_314 = arith.index_cast %parallel_loop3A_268 : i32 to index
          %parallel_loop3A_315 = tpu.vector_load %arg18[%parallel_loop3A_313, %parallel_loop3A_314] {strides = array<i32>} : memref<16x400xf32, #tpu.memory_space<vmem>>, vector<16xf32>,
          %parallel_loop3A_316 = arith.mulf %parallel_loop3A_315, %get3A_39 : vector<16xf32>
          %parallel_loop3A_317 = arith.addf %parallel_loop3A_311, %parallel_loop3A_316 : vector<16xf32>
          %parallel_loop3A_318 = arith.constant 7 : i32
          %parallel_loop3A_319 = arith.index_cast %parallel_loop3A_318 : i32 to index
          %parallel_loop3A_320 = arith.index_cast %parallel_loop3A_268 : i32 to index
          %parallel_loop3A_321 = tpu.vector_load %arg18[%parallel_loop3A_319, %parallel_loop3A_320] {strides = array<i32>} : memref<16x400xf32, #tpu.memory_space<vmem>>, vector<16xf32>,
          %parallel_loop3A_322 = arith.mulf %parallel_loop3A_321, %get3A_43 : vector<16xf32>
          %parallel_loop3A_323 = arith.addf %parallel_loop3A_317, %parallel_loop3A_322 : vector<16xf32>
          %parallel_loop3A_324 = arith.constant 8 : i32
          %parallel_loop3A_325 = arith.index_cast %parallel_loop3A_324 : i32 to index
          %parallel_loop3A_326 = arith.index_cast %parallel_loop3A_268 : i32 to index
          %parallel_loop3A_327 = tpu.vector_load %arg18[%parallel_loop3A_325, %parallel_loop3A_326] {strides = array<i32>} : memref<16x400xf32, #tpu.memory_space<vmem>>, vector<16xf32>,
          %parallel_loop3A_328 = arith.mulf %parallel_loop3A_327, %get3A_47 : vector<16xf32>
          %parallel_loop3A_329 = arith.addf %parallel_loop3A_323, %parallel_loop3A_328 : vector<16xf32>
          %parallel_loop3A_330 = arith.constant 9 : i32
          %parallel_loop3A_331 = arith.index_cast %parallel_loop3A_330 : i32 to index
          %parallel_loop3A_332 = arith.index_cast %parallel_loop3A_268 : i32 to index
          %parallel_loop3A_333 = tpu.vector_load %arg18[%parallel_loop3A_331, %parallel_loop3A_332] {strides = array<i32>} : memref<16x400xf32, #tpu.memory_space<vmem>>, vector<16xf32>,
          %parallel_loop3A_334 = arith.mulf %parallel_loop3A_333, %get3A_51 : vector<16xf32>
          %parallel_loop3A_335 = arith.addf %parallel_loop3A_329, %parallel_loop3A_334 : vector<16xf32>
          %parallel_loop3A_336 = arith.constant 10 : i32
          %parallel_loop3A_337 = arith.index_cast %parallel_loop3A_336 : i32 to index
          %parallel_loop3A_338 = arith.index_cast %parallel_loop3A_268 : i32 to index
          %parallel_loop3A_339 = tpu.vector_load %arg18[%parallel_loop3A_337, %parallel_loop3A_338] {strides = array<i32>} : memref<16x400xf32, #tpu.memory_space<vmem>>, vector<16xf32>,
          %parallel_loop3A_340 = arith.mulf %parallel_loop3A_339, %get3A_55 : vector<16xf32>
          %parallel_loop3A_341 = arith.addf %parallel_loop3A_335, %parallel_loop3A_340 : vector<16xf32>
          %parallel_loop3A_342 = arith.constant 11 : i32
          %parallel_loop3A_343 = arith.index_cast %parallel_loop3A_342 : i32 to index
          %parallel_loop3A_344 = arith.index_cast %parallel_loop3A_268 : i32 to index
          %parallel_loop3A_345 = tpu.vector_load %arg18[%parallel_loop3A_343, %parallel_loop3A_344] {strides = array<i32>} : memref<16x400xf32, #tpu.memory_space<vmem>>, vector<16xf32>,
          %parallel_loop3A_346 = arith.mulf %parallel_loop3A_345, %get3A_59 : vector<16xf32>
          %parallel_loop3A_347 = arith.addf %parallel_loop3A_341, %parallel_loop3A_346 : vector<16xf32>
          %parallel_loop3A_348 = arith.constant 12 : i32
          %parallel_loop3A_349 = arith.index_cast %parallel_loop3A_348 : i32 to index
          %parallel_loop3A_350 = arith.index_cast %parallel_loop3A_268 : i32 to index
          %parallel_loop3A_351 = tpu.vector_load %arg18[%parallel_loop3A_349, %parallel_loop3A_350] {strides = array<i32>} : memref<16x400xf32, #tpu.memory_space<vmem>>, vector<16xf32>,
          %parallel_loop3A_352 = arith.mulf %parallel_loop3A_351, %get3A_63 : vector<16xf32>
          %parallel_loop3A_353 = arith.addf %parallel_loop3A_347, %parallel_loop3A_352 : vector<16xf32>
          %parallel_loop3A_354 = arith.constant 13 : i32
          %parallel_loop3A_355 = arith.index_cast %parallel_loop3A_354 : i32 to index
          %parallel_loop3A_356 = arith.index_cast %parallel_loop3A_268 : i32 to index
          %parallel_loop3A_357 = tpu.vector_load %arg18[%parallel_loop3A_355, %parallel_loop3A_356] {strides = array<i32>} : memref<16x400xf32, #tpu.memory_space<vmem>>, vector<16xf32>,
          %parallel_loop3A_358 = arith.mulf %parallel_loop3A_357, %get3A_67 : vector<16xf32>
          %parallel_loop3A_359 = arith.addf %parallel_loop3A_353, %parallel_loop3A_358 : vector<16xf32>
          %parallel_loop3A_360 = arith.constant 14 : i32
          %parallel_loop3A_361 = arith.index_cast %parallel_loop3A_360 : i32 to index
          %parallel_loop3A_362 = arith.index_cast %parallel_loop3A_268 : i32 to index
          %parallel_loop3A_363 = tpu.vector_load %arg18[%parallel_loop3A_361, %parallel_loop3A_362] {strides = array<i32>} : memref<16x400xf32, #tpu.memory_space<vmem>>, vector<16xf32>,
          %parallel_loop3A_364 = arith.mulf %parallel_loop3A_363, %get3A_71 : vector<16xf32>
          %parallel_loop3A_365 = arith.addf %parallel_loop3A_359, %parallel_loop3A_364 : vector<16xf32>
          %parallel_loop3A_366 = arith.constant 15 : i32
          %parallel_loop3A_367 = arith.index_cast %parallel_loop3A_366 : i32 to index
          %parallel_loop3A_368 = arith.index_cast %parallel_loop3A_268 : i32 to index
          %parallel_loop3A_369 = tpu.vector_load %arg18[%parallel_loop3A_367, %parallel_loop3A_368] {strides = array<i32>} : memref<16x400xf32, #tpu.memory_space<vmem>>, vector<16xf32>,
          %parallel_loop3A_370 = arith.mulf %parallel_loop3A_369, %get3A_75 : vector<16xf32>
          %parallel_loop3A_371 = arith.addf %parallel_loop3A_365, %parallel_loop3A_370 : vector<16xf32>
          %parallel_loop3A_372 = arith.constant 0.000000e+00 : f32
          %parallel_loop3A_373 = vector.broadcast %parallel_loop3A_372 : f32 to vector<16xf32>
          %parallel_loop3A_374 = arith.cmpf oge, %parallel_loop3A_371, %parallel_loop3A_373 : vector<16xf32>
          %parallel_loop3A_375 = arith.constant 0.00999999977 : f32
          %parallel_loop3A_376 = vector.broadcast %parallel_loop3A_375 : f32 to vector<16xf32>
          %parallel_loop3A_377 = arith.mulf %parallel_loop3A_371, %parallel_loop3A_376 : vector<16xf32>
          %parallel_loop3A_378 = arith.select %parallel_loop3A_374, %parallel_loop3A_371, %parallel_loop3A_377 : vector<16xi1>, vector<16xf32>
          %parallel_loop3A_379 = math.exp %parallel_loop3A_378 : vector<16xf32>
          %parallel_loop3A_380 = arith.index_cast %parallel_loop3A_268 : i32 to index
          %parallel_loop3A_381 = tpu.vector_load %arg20[%parallel_loop3A_380] {strides = array<i32>} : memref<400xf32, #tpu.memory_space<vmem>>, vector<16xf32>,
          tpu.vector_store %arg20[%parallel_loop3A_380], %parallel_loop3A_379 {strides = array<i32>} : memref<400xf32, #tpu.memory_space<vmem>>, vector<16xf32>,
        } {sc.loop_unroll_factor = 4 : i64, sc.parallel_access}
        %dma_start3A_247 = arith.constant 0 : i32
        %dma_start3A_248 = tpu.memref_slice %arg27[%dma_start3A_247] : memref<10240xf32, #tpu.memory_space<vmem_shared>> -> memref<10240xf32, #tpu.memory_space<vmem_shared>>
        tpu.enqueue_indirect_dma source(%arg20 : memref<400xf32, #tpu.memory_space<vmem>>) target(%dma_start3A_248 : memref<10240xf32, #tpu.memory_space<vmem_shared>>) offsets(%arg16 : memref<400xi32, #tpu.memory_space<vmem>>) semaphore(%arg37 : memref<!tpu.dma_semaphore, #tpu.memory_space<semaphore_mem>>) {add = true}
        %dma_wait3A_249 = arith.constant 0 : i32
        %dma_wait3A_250 = arith.constant 0 : i32
        %dma_wait3A_251 = tpu.memref_slice %arg2[%dma_wait3A_249, %dma_wait3A_250] : memref<10240x64xf32, #tpu.memory_space<hbm>> -> memref<400x64xf32, #tpu.memory_space<hbm>>
        %dma_wait3A_252 = arith.constant 0 : i32
        %dma_wait3A_253 = arith.constant 0 : i32
        %dma_wait3A_254 = tpu.memref_slice %arg2[%dma_wait3A_252, %dma_wait3A_253] : memref<10240x64xf32, #tpu.memory_space<hbm>> -> memref<400x64xf32, #tpu.memory_space<hbm>>
        tpu.wait_dma2 semaphore(%arg29 : memref<!tpu.dma_semaphore, #tpu.memory_space<semaphore_mem>>) src(%dma_wait3A_254 : memref<400x64xf32, #tpu.memory_space<hbm>>) dst(%arg22 : memref<400x64xf32, #tpu.memory_space<vmem>>)
        %parallel_loop3A_255 = arith.constant 0 : i32
        %parallel_loop3A_256 = arith.constant 400 : i32
        %parallel_loop3A_257 = arith.constant 1 : i32
        scf.for %parallel_loop3A_268 = %parallel_loop3A_255 to %parallel_loop3A_256 step %parallel_loop3A_257  : i32 {
          %parallel_loop3A_269 = vector.broadcast %parallel_loop3A_268 : i32 to vector<16xi32>
          %parallel_loop3A_270 = tpu.vector_load_idx %arg20[%parallel_loop3A_269] : memref<400xf32, #tpu.memory_space<vmem>>[vector<16xi32>], vector<16xf32>,
          %parallel_loop3A_271 = arith.index_cast %parallel_loop3A_268 : i32 to index
          %parallel_loop3A_272 = arith.constant 0 : index
          %parallel_loop3A_273 = tpu.vector_load %arg22[%parallel_loop3A_271, %parallel_loop3A_272] {strides = array<i32>} : memref<400x64xf32, #tpu.memory_space<vmem>>, vector<16xf32>,
          %parallel_loop3A_274 = arith.mulf %parallel_loop3A_273, %parallel_loop3A_270 : vector<16xf32>
          %parallel_loop3A_275 = arith.index_cast %parallel_loop3A_268 : i32 to index
          %parallel_loop3A_276 = arith.constant 0 : index
          %parallel_loop3A_277 = tpu.vector_load %arg22[%parallel_loop3A_275, %parallel_loop3A_276] {strides = array<i32>} : memref<400x64xf32, #tpu.memory_space<vmem>>, vector<16xf32>,
          tpu.vector_store %arg22[%parallel_loop3A_275, %parallel_loop3A_276], %parallel_loop3A_274 {strides = array<i32>} : memref<400x64xf32, #tpu.memory_space<vmem>>, vector<16xf32>,
          %parallel_loop3A_278 = arith.index_cast %parallel_loop3A_268 : i32 to index
          %parallel_loop3A_279 = arith.constant 16 : index
          %parallel_loop3A_280 = tpu.vector_load %arg22[%parallel_loop3A_278, %parallel_loop3A_279] {strides = array<i32>} : memref<400x64xf32, #tpu.memory_space<vmem>>, vector<16xf32>,
          %parallel_loop3A_281 = arith.mulf %parallel_loop3A_280, %parallel_loop3A_270 : vector<16xf32>
          %parallel_loop3A_282 = arith.index_cast %parallel_loop3A_268 : i32 to index
          %parallel_loop3A_283 = arith.constant 16 : index
          %parallel_loop3A_284 = tpu.vector_load %arg22[%parallel_loop3A_282, %parallel_loop3A_283] {strides = array<i32>} : memref<400x64xf32, #tpu.memory_space<vmem>>, vector<16xf32>,
          tpu.vector_store %arg22[%parallel_loop3A_282, %parallel_loop3A_283], %parallel_loop3A_281 {strides = array<i32>} : memref<400x64xf32, #tpu.memory_space<vmem>>, vector<16xf32>,
          %parallel_loop3A_285 = arith.index_cast %parallel_loop3A_268 : i32 to index
          %parallel_loop3A_286 = arith.constant 32 : index
          %parallel_loop3A_287 = tpu.vector_load %arg22[%parallel_loop3A_285, %parallel_loop3A_286] {strides = array<i32>} : memref<400x64xf32, #tpu.memory_space<vmem>>, vector<16xf32>,
          %parallel_loop3A_288 = arith.mulf %parallel_loop3A_287, %parallel_loop3A_270 : vector<16xf32>
          %parallel_loop3A_289 = arith.index_cast %parallel_loop3A_268 : i32 to index
          %parallel_loop3A_290 = arith.constant 32 : index
          %parallel_loop3A_291 = tpu.vector_load %arg22[%parallel_loop3A_289, %parallel_loop3A_290] {strides = array<i32>} : memref<400x64xf32, #tpu.memory_space<vmem>>, vector<16xf32>,
          tpu.vector_store %arg22[%parallel_loop3A_289, %parallel_loop3A_290], %parallel_loop3A_288 {strides = array<i32>} : memref<400x64xf32, #tpu.memory_space<vmem>>, vector<16xf32>,
          %parallel_loop3A_292 = arith.index_cast %parallel_loop3A_268 : i32 to index
          %parallel_loop3A_293 = arith.constant 48 : index
          %parallel_loop3A_294 = tpu.vector_load %arg22[%parallel_loop3A_292, %parallel_loop3A_293] {strides = array<i32>} : memref<400x64xf32, #tpu.memory_space<vmem>>, vector<16xf32>,
          %parallel_loop3A_295 = arith.mulf %parallel_loop3A_294, %parallel_loop3A_270 : vector<16xf32>
          %parallel_loop3A_296 = arith.index_cast %parallel_loop3A_268 : i32 to index
          %parallel_loop3A_297 = arith.constant 48 : index
          %parallel_loop3A_298 = tpu.vector_load %arg22[%parallel_loop3A_296, %parallel_loop3A_297] {strides = array<i32>} : memref<400x64xf32, #tpu.memory_space<vmem>>, vector<16xf32>,
          tpu.vector_store %arg22[%parallel_loop3A_296, %parallel_loop3A_297], %parallel_loop3A_295 {strides = array<i32>} : memref<400x64xf32, #tpu.memory_space<vmem>>, vector<16xf32>,
        } {sc.loop_unroll_factor = 8 : i64, sc.parallel_access}
        %dma_start3A_258 = arith.constant 0 : i32
        %dma_start3A_259 = arith.constant 0 : i32
        %dma_start3A_260 = tpu.memref_slice %arg26[%dma_start3A_258, %dma_start3A_259] : memref<10240x64xf32, #tpu.memory_space<vmem_shared>> -> memref<10240x64xf32, #tpu.memory_space<vmem_shared>>
        tpu.enqueue_indirect_dma source(%arg22 : memref<400x64xf32, #tpu.memory_space<vmem>>) target(%dma_start3A_260 : memref<10240x64xf32, #tpu.memory_space<vmem_shared>>) offsets(%arg16 : memref<400xi32, #tpu.memory_space<vmem>>) semaphore(%arg31 : memref<!tpu.dma_semaphore, #tpu.memory_space<semaphore_mem>>) {add = true}
        %add3A_261 = arith.constant 2 : i32
        %add3A_262 = arith.addi %add3A_237, %add3A_261 : i32
        %lt3A_263 = arith.constant 50 : i32
        %lt3A_264 = arith.cmpi slt, %add3A_262, %lt3A_263 : i32
        %convert_element_type3A_265 = arith.extui %lt3A_264 : i1 to i32
        %cond3A_266 = arith.constant 0 : i32
        %cond3A_267 = arith.cmpi ne, %convert_element_type3A_265, %cond3A_266 : i32
        scf.if %cond3A_267 {
          %dma_wait3A_268 = arith.constant 0 : i32
          %dma_wait3A_269 = arith.constant 0 : i32
          %dma_wait3A_270 = tpu.memref_slice %arg2[%dma_wait3A_268, %dma_wait3A_269] : memref<10240x64xf32, #tpu.memory_space<hbm>> -> memref<400x64xf32, #tpu.memory_space<hbm>>
          %dma_wait3A_271 = arith.constant 0 : i32
          %dma_wait3A_272 = arith.constant 0 : i32
          %dma_wait3A_273 = tpu.memref_slice %arg2[%dma_wait3A_271, %dma_wait3A_272] : memref<10240x64xf32, #tpu.memory_space<hbm>> -> memref<400x64xf32, #tpu.memory_space<hbm>>
          tpu.wait_dma2 semaphore(%arg31 : memref<!tpu.dma_semaphore, #tpu.memory_space<semaphore_mem>>) src(%dma_wait3A_273 : memref<400x64xf32, #tpu.memory_space<hbm>>) dst(%arg22 : memref<400x64xf32, #tpu.memory_space<vmem>>)
          %dma_wait3A_274 = arith.constant 0 : i32
          %dma_wait3A_275 = tpu.memref_slice %arg5[%dma_wait3A_274] : memref<10000xf32, #tpu.memory_space<hbm>> -> memref<400xf32, #tpu.memory_space<hbm>>
          %dma_wait3A_276 = arith.constant 0 : i32
          %dma_wait3A_277 = tpu.memref_slice %arg5[%dma_wait3A_276] : memref<10000xf32, #tpu.memory_space<hbm>> -> memref<400xf32, #tpu.memory_space<hbm>>
          tpu.wait_dma2 semaphore(%arg37 : memref<!tpu.dma_semaphore, #tpu.memory_space<semaphore_mem>>) src(%dma_wait3A_277 : memref<400xf32, #tpu.memory_space<hbm>>) dst(%arg20 : memref<400xf32, #tpu.memory_space<vmem>>)
          %add3A_278 = arith.constant 2 : i32
          %add3A_279 = arith.addi %add3A_237, %add3A_278 : i32
          %mul3A_280 = arith.constant 400 : i32
          %mul3A_281 = arith.muli %add3A_279, %mul3A_280 : i32
          %add3A_282 = arith.addi %mul3A_12, %mul3A_281 : i32
          %dma_start3A_283 = arith.constant 0 : i32
          %dma_start3A_284 = tpu.memref_slice %arg3[%dma_start3A_283, %add3A_282] : memref<2x320000xi32, #tpu.memory_space<hbm>> -> memref<1x400xi32, #tpu.memory_space<hbm>>
          %dma_start3A_285 = tpu.memref_squeeze %dma_start3A_284 : memref<1x400xi32, #tpu.memory_space<hbm>> -> memref<400xi32, #tpu.memory_space<hbm>>
          %dma_start3A_286 = tpu.memref_slice %arg3[%dma_start3A_283, %add3A_282] : memref<2x320000xi32, #tpu.memory_space<hbm>> -> memref<1x400xi32, #tpu.memory_space<hbm>>
          %dma_start3A_287 = tpu.memref_squeeze %dma_start3A_286 : memref<1x400xi32, #tpu.memory_space<hbm>> -> memref<400xi32, #tpu.memory_space<hbm>>
          tpu.enqueue_dma source(%dma_start3A_287 : memref<400xi32, #tpu.memory_space<hbm>>) target(%arg14 : memref<400xi32, #tpu.memory_space<vmem>>) target_semaphore(%arg33 : memref<!tpu.dma_semaphore, #tpu.memory_space<semaphore_mem>>)
          %dma_start3A_288 = arith.constant 1 : i32
          %dma_start3A_289 = tpu.memref_slice %arg3[%dma_start3A_288, %add3A_282] : memref<2x320000xi32, #tpu.memory_space<hbm>> -> memref<1x400xi32, #tpu.memory_space<hbm>>
          %dma_start3A_290 = tpu.memref_squeeze %dma_start3A_289 : memref<1x400xi32, #tpu.memory_space<hbm>> -> memref<400xi32, #tpu.memory_space<hbm>>
          %dma_start3A_291 = tpu.memref_slice %arg3[%dma_start3A_288, %add3A_282] : memref<2x320000xi32, #tpu.memory_space<hbm>> -> memref<1x400xi32, #tpu.memory_space<hbm>>
          %dma_start3A_292 = tpu.memref_squeeze %dma_start3A_291 : memref<1x400xi32, #tpu.memory_space<hbm>> -> memref<400xi32, #tpu.memory_space<hbm>>
          tpu.enqueue_dma source(%dma_start3A_292 : memref<400xi32, #tpu.memory_space<hbm>>) target(%arg16 : memref<400xi32, #tpu.memory_space<vmem>>) target_semaphore(%arg33 : memref<!tpu.dma_semaphore, #tpu.memory_space<semaphore_mem>>)
          %dma_start3A_293 = arith.constant 0 : i32
          %dma_start3A_294 = tpu.memref_slice %arg4[%dma_start3A_293, %add3A_282] : memref<16x320000xf32, #tpu.memory_space<hbm>> -> memref<16x400xf32, #tpu.memory_space<hbm>>
          %dma_start3A_295 = arith.constant 0 : i32
          %dma_start3A_296 = tpu.memref_slice %arg4[%dma_start3A_295, %add3A_282] : memref<16x320000xf32, #tpu.memory_space<hbm>> -> memref<16x400xf32, #tpu.memory_space<hbm>>
          tpu.enqueue_dma source(%dma_start3A_296 : memref<16x400xf32, #tpu.memory_space<hbm>>) target(%arg18 : memref<16x400xf32, #tpu.memory_space<vmem>>) target_semaphore(%arg35 : memref<!tpu.dma_semaphore, #tpu.memory_space<semaphore_mem>>)
          %dma_wait3A_297 = arith.constant 0 : i32
          %dma_wait3A_298 = arith.constant 0 : i32
          %dma_wait3A_299 = tpu.memref_slice %arg3[%dma_wait3A_297, %dma_wait3A_298] : memref<2x320000xi32, #tpu.memory_space<hbm>> -> memref<1x400xi32, #tpu.memory_space<hbm>>
          %dma_wait3A_300 = tpu.memref_squeeze %dma_wait3A_299 : memref<1x400xi32, #tpu.memory_space<hbm>> -> memref<400xi32, #tpu.memory_space<hbm>>
          %dma_wait3A_301 = arith.constant 0 : i32
          %dma_wait3A_302 = tpu.memref_slice %arg3[%dma_wait3A_297, %dma_wait3A_301] : memref<2x320000xi32, #tpu.memory_space<hbm>> -> memref<1x400xi32, #tpu.memory_space<hbm>>
          %dma_wait3A_303 = tpu.memref_squeeze %dma_wait3A_302 : memref<1x400xi32, #tpu.memory_space<hbm>> -> memref<400xi32, #tpu.memory_space<hbm>>
          tpu.wait_dma2 semaphore(%arg33 : memref<!tpu.dma_semaphore, #tpu.memory_space<semaphore_mem>>) src(%dma_wait3A_303 : memref<400xi32, #tpu.memory_space<hbm>>) dst(%arg14 : memref<400xi32, #tpu.memory_space<vmem>>)
          %dma_wait3A_304 = arith.constant 1 : i32
          %dma_wait3A_305 = arith.constant 0 : i32
          %dma_wait3A_306 = tpu.memref_slice %arg3[%dma_wait3A_304, %dma_wait3A_305] : memref<2x320000xi32, #tpu.memory_space<hbm>> -> memref<1x400xi32, #tpu.memory_space<hbm>>
          %dma_wait3A_307 = tpu.memref_squeeze %dma_wait3A_306 : memref<1x400xi32, #tpu.memory_space<hbm>> -> memref<400xi32, #tpu.memory_space<hbm>>
          %dma_wait3A_308 = arith.constant 0 : i32
          %dma_wait3A_309 = tpu.memref_slice %arg3[%dma_wait3A_304, %dma_wait3A_308] : memref<2x320000xi32, #tpu.memory_space<hbm>> -> memref<1x400xi32, #tpu.memory_space<hbm>>
          %dma_wait3A_310 = tpu.memref_squeeze %dma_wait3A_309 : memref<1x400xi32, #tpu.memory_space<hbm>> -> memref<400xi32, #tpu.memory_space<hbm>>
          tpu.wait_dma2 semaphore(%arg33 : memref<!tpu.dma_semaphore, #tpu.memory_space<semaphore_mem>>) src(%dma_wait3A_310 : memref<400xi32, #tpu.memory_space<hbm>>) dst(%arg16 : memref<400xi32, #tpu.memory_space<vmem>>)
          %dma_start3A_311 = arith.constant 0 : i32
          %dma_start3A_312 = arith.constant 0 : i32
          %dma_start3A_313 = tpu.memref_slice %arg2[%dma_start3A_311, %dma_start3A_312] : memref<10240x64xf32, #tpu.memory_space<hbm>> -> memref<10240x64xf32, #tpu.memory_space<hbm>>
          tpu.enqueue_indirect_dma source(%dma_start3A_313 : memref<10240x64xf32, #tpu.memory_space<hbm>>) target(%arg22 : memref<400x64xf32, #tpu.memory_space<vmem>>) offsets(%arg14 : memref<400xi32, #tpu.memory_space<vmem>>) semaphore(%arg29 : memref<!tpu.dma_semaphore, #tpu.memory_space<semaphore_mem>>)
        } else {
        }
      }
      %scan3A_174 = arith.constant 25 : i32
      %dma_wait3A_175 = arith.constant 0 : i32
      %dma_wait3A_176 = arith.constant 0 : i32
      %dma_wait3A_177 = tpu.memref_slice %arg2[%dma_wait3A_175, %dma_wait3A_176] : memref<10240x64xf32, #tpu.memory_space<hbm>> -> memref<400x64xf32, #tpu.memory_space<hbm>>
      %dma_wait3A_178 = arith.constant 0 : i32
      %dma_wait3A_179 = arith.constant 0 : i32
      %dma_wait3A_180 = tpu.memref_slice %arg2[%dma_wait3A_178, %dma_wait3A_179] : memref<10240x64xf32, #tpu.memory_space<hbm>> -> memref<400x64xf32, #tpu.memory_space<hbm>>
      tpu.wait_dma2 semaphore(%arg30 : memref<!tpu.dma_semaphore, #tpu.memory_space<semaphore_mem>>) src(%dma_wait3A_180 : memref<400x64xf32, #tpu.memory_space<hbm>>) dst(%arg21 : memref<400x64xf32, #tpu.memory_space<vmem>>)
      %dma_wait3A_181 = arith.constant 0 : i32
      %dma_wait3A_182 = tpu.memref_slice %arg5[%dma_wait3A_181] : memref<10000xf32, #tpu.memory_space<hbm>> -> memref<400xf32, #tpu.memory_space<hbm>>
      %dma_wait3A_183 = arith.constant 0 : i32
      %dma_wait3A_184 = tpu.memref_slice %arg5[%dma_wait3A_183] : memref<10000xf32, #tpu.memory_space<hbm>> -> memref<400xf32, #tpu.memory_space<hbm>>
      tpu.wait_dma2 semaphore(%arg36 : memref<!tpu.dma_semaphore, #tpu.memory_space<semaphore_mem>>) src(%dma_wait3A_184 : memref<400xf32, #tpu.memory_space<hbm>>) dst(%arg19 : memref<400xf32, #tpu.memory_space<vmem>>)
      %dma_wait3A_185 = arith.constant 0 : i32
      %dma_wait3A_186 = arith.constant 0 : i32
      %dma_wait3A_187 = tpu.memref_slice %arg2[%dma_wait3A_185, %dma_wait3A_186] : memref<10240x64xf32, #tpu.memory_space<hbm>> -> memref<400x64xf32, #tpu.memory_space<hbm>>
      %dma_wait3A_188 = arith.constant 0 : i32
      %dma_wait3A_189 = arith.constant 0 : i32
      %dma_wait3A_190 = tpu.memref_slice %arg2[%dma_wait3A_188, %dma_wait3A_189] : memref<10240x64xf32, #tpu.memory_space<hbm>> -> memref<400x64xf32, #tpu.memory_space<hbm>>
      tpu.wait_dma2 semaphore(%arg31 : memref<!tpu.dma_semaphore, #tpu.memory_space<semaphore_mem>>) src(%dma_wait3A_190 : memref<400x64xf32, #tpu.memory_space<hbm>>) dst(%arg22 : memref<400x64xf32, #tpu.memory_space<vmem>>)
      %dma_wait3A_191 = arith.constant 0 : i32
      %dma_wait3A_192 = tpu.memref_slice %arg5[%dma_wait3A_191] : memref<10000xf32, #tpu.memory_space<hbm>> -> memref<400xf32, #tpu.memory_space<hbm>>
      %dma_wait3A_193 = arith.constant 0 : i32
      %dma_wait3A_194 = tpu.memref_slice %arg5[%dma_wait3A_193] : memref<10000xf32, #tpu.memory_space<hbm>> -> memref<400xf32, #tpu.memory_space<hbm>>
      tpu.wait_dma2 semaphore(%arg37 : memref<!tpu.dma_semaphore, #tpu.memory_space<semaphore_mem>>) src(%dma_wait3A_194 : memref<400xf32, #tpu.memory_space<hbm>>) dst(%arg20 : memref<400xf32, #tpu.memory_space<vmem>>)
    } else {
    }
    %eq3A_78 = arith.constant 1 : i32
    %eq3A_79 = arith.cmpi eq, %arg0, %eq3A_78 : i32
    %convert_element_type3A_80 = arith.extui %eq3A_79 : i1 to i32
    %cond3A_81 = arith.constant 0 : i32
    %cond3A_82 = arith.cmpi ne, %convert_element_type3A_80, %cond3A_81 : i32
    scf.if %cond3A_82 {
      %add3A_106 = arith.constant 0 : i32
      %add3A_107 = arith.addi %mul3A_12, %add3A_106 : i32
      %dma_start3A = arith.constant 0 : i32
      %dma_start3A_108 = tpu.memref_slice %arg3[%dma_start3A, %add3A_107] : memref<2x320000xi32, #tpu.memory_space<hbm>> -> memref<1x400xi32, #tpu.memory_space<hbm>>
      %dma_start3A_109 = tpu.memref_squeeze %dma_start3A_108 : memref<1x400xi32, #tpu.memory_space<hbm>> -> memref<400xi32, #tpu.memory_space<hbm>>
      %dma_start3A_110 = tpu.memref_slice %arg3[%dma_start3A, %add3A_107] : memref<2x320000xi32, #tpu.memory_space<hbm>> -> memref<1x400xi32, #tpu.memory_space<hbm>>
      %dma_start3A_111 = tpu.memref_squeeze %dma_start3A_110 : memref<1x400xi32, #tpu.memory_space<hbm>> -> memref<400xi32, #tpu.memory_space<hbm>>
      tpu.enqueue_dma source(%dma_start3A_111 : memref<400xi32, #tpu.memory_space<hbm>>) target(%arg13 : memref<400xi32, #tpu.memory_space<vmem>>) target_semaphore(%arg32 : memref<!tpu.dma_semaphore, #tpu.memory_space<semaphore_mem>>)
      %dma_start3A_112 = arith.constant 1 : i32
      %dma_start3A_113 = tpu.memref_slice %arg3[%dma_start3A_112, %add3A_107] : memref<2x320000xi32, #tpu.memory_space<hbm>> -> memref<1x400xi32, #tpu.memory_space<hbm>>
      %dma_start3A_114 = tpu.memref_squeeze %dma_start3A_113 : memref<1x400xi32, #tpu.memory_space<hbm>> -> memref<400xi32, #tpu.memory_space<hbm>>
      %dma_start3A_115 = tpu.memref_slice %arg3[%dma_start3A_112, %add3A_107] : memref<2x320000xi32, #tpu.memory_space<hbm>> -> memref<1x400xi32, #tpu.memory_space<hbm>>
      %dma_start3A_116 = tpu.memref_squeeze %dma_start3A_115 : memref<1x400xi32, #tpu.memory_space<hbm>> -> memref<400xi32, #tpu.memory_space<hbm>>
      tpu.enqueue_dma source(%dma_start3A_116 : memref<400xi32, #tpu.memory_space<hbm>>) target(%arg15 : memref<400xi32, #tpu.memory_space<vmem>>) target_semaphore(%arg32 : memref<!tpu.dma_semaphore, #tpu.memory_space<semaphore_mem>>)
      %dma_start3A_117 = arith.constant 0 : i32
      %dma_start3A_118 = tpu.memref_slice %arg4[%dma_start3A_117, %add3A_107] : memref<16x320000xf32, #tpu.memory_space<hbm>> -> memref<16x400xf32, #tpu.memory_space<hbm>>
      %dma_start3A_119 = arith.constant 0 : i32
      %dma_start3A_120 = tpu.memref_slice %arg4[%dma_start3A_119, %add3A_107] : memref<16x320000xf32, #tpu.memory_space<hbm>> -> memref<16x400xf32, #tpu.memory_space<hbm>>
      tpu.enqueue_dma source(%dma_start3A_120 : memref<16x400xf32, #tpu.memory_space<hbm>>) target(%arg17 : memref<16x400xf32, #tpu.memory_space<vmem>>) target_semaphore(%arg34 : memref<!tpu.dma_semaphore, #tpu.memory_space<semaphore_mem>>)
      %dma_wait3A = arith.constant 0 : i32
      %dma_wait3A_121 = arith.constant 0 : i32
      %dma_wait3A_122 = tpu.memref_slice %arg3[%dma_wait3A, %dma_wait3A_121] : memref<2x320000xi32, #tpu.memory_space<hbm>> -> memref<1x400xi32, #tpu.memory_space<hbm>>
      %dma_wait3A_123 = tpu.memref_squeeze %dma_wait3A_122 : memref<1x400xi32, #tpu.memory_space<hbm>> -> memref<400xi32, #tpu.memory_space<hbm>>
      %dma_wait3A_124 = arith.constant 0 : i32
      %dma_wait3A_125 = tpu.memref_slice %arg3[%dma_wait3A, %dma_wait3A_124] : memref<2x320000xi32, #tpu.memory_space<hbm>> -> memref<1x400xi32, #tpu.memory_space<hbm>>
      %dma_wait3A_126 = tpu.memref_squeeze %dma_wait3A_125 : memref<1x400xi32, #tpu.memory_space<hbm>> -> memref<400xi32, #tpu.memory_space<hbm>>
      tpu.wait_dma2 semaphore(%arg32 : memref<!tpu.dma_semaphore, #tpu.memory_space<semaphore_mem>>) src(%dma_wait3A_126 : memref<400xi32, #tpu.memory_space<hbm>>) dst(%arg13 : memref<400xi32, #tpu.memory_space<vmem>>)
      %dma_wait3A_127 = arith.constant 1 : i32
      %dma_wait3A_128 = arith.constant 0 : i32
      %dma_wait3A_129 = tpu.memref_slice %arg3[%dma_wait3A_127, %dma_wait3A_128] : memref<2x320000xi32, #tpu.memory_space<hbm>> -> memref<1x400xi32, #tpu.memory_space<hbm>>
      %dma_wait3A_130 = tpu.memref_squeeze %dma_wait3A_129 : memref<1x400xi32, #tpu.memory_space<hbm>> -> memref<400xi32, #tpu.memory_space<hbm>>
      %dma_wait3A_131 = arith.constant 0 : i32
      %dma_wait3A_132 = tpu.memref_slice %arg3[%dma_wait3A_127, %dma_wait3A_131] : memref<2x320000xi32, #tpu.memory_space<hbm>> -> memref<1x400xi32, #tpu.memory_space<hbm>>
      %dma_wait3A_133 = tpu.memref_squeeze %dma_wait3A_132 : memref<1x400xi32, #tpu.memory_space<hbm>> -> memref<400xi32, #tpu.memory_space<hbm>>
      tpu.wait_dma2 semaphore(%arg32 : memref<!tpu.dma_semaphore, #tpu.memory_space<semaphore_mem>>) src(%dma_wait3A_133 : memref<400xi32, #tpu.memory_space<hbm>>) dst(%arg15 : memref<400xi32, #tpu.memory_space<vmem>>)
      %dma_start3A_134 = arith.constant 0 : i32
      %dma_start3A_135 = arith.constant 0 : i32
      %dma_start3A_136 = tpu.memref_slice %arg9[%dma_start3A_134, %dma_start3A_135] : memref<10240x64xf32, #tpu.memory_space<hbm>> -> memref<10240x64xf32, #tpu.memory_space<hbm>>
      tpu.enqueue_indirect_dma source(%dma_start3A_136 : memref<10240x64xf32, #tpu.memory_space<hbm>>) target(%arg21 : memref<400x64xf32, #tpu.memory_space<vmem>>) offsets(%arg13 : memref<400xi32, #tpu.memory_space<vmem>>) semaphore(%arg28 : memref<!tpu.dma_semaphore, #tpu.memory_space<semaphore_mem>>)
      %add3A_137 = arith.constant 400 : i32
      %add3A_138 = arith.addi %mul3A_12, %add3A_137 : i32
      %dma_start3A_139 = arith.constant 0 : i32
      %dma_start3A_140 = tpu.memref_slice %arg3[%dma_start3A_139, %add3A_138] : memref<2x320000xi32, #tpu.memory_space<hbm>> -> memref<1x400xi32, #tpu.memory_space<hbm>>
      %dma_start3A_141 = tpu.memref_squeeze %dma_start3A_140 : memref<1x400xi32, #tpu.memory_space<hbm>> -> memref<400xi32, #tpu.memory_space<hbm>>
      %dma_start3A_142 = tpu.memref_slice %arg3[%dma_start3A_139, %add3A_138] : memref<2x320000xi32, #tpu.memory_space<hbm>> -> memref<1x400xi32, #tpu.memory_space<hbm>>
      %dma_start3A_143 = tpu.memref_squeeze %dma_start3A_142 : memref<1x400xi32, #tpu.memory_space<hbm>> -> memref<400xi32, #tpu.memory_space<hbm>>
      tpu.enqueue_dma source(%dma_start3A_143 : memref<400xi32, #tpu.memory_space<hbm>>) target(%arg14 : memref<400xi32, #tpu.memory_space<vmem>>) target_semaphore(%arg33 : memref<!tpu.dma_semaphore, #tpu.memory_space<semaphore_mem>>)
      %dma_start3A_144 = arith.constant 1 : i32
      %dma_start3A_145 = tpu.memref_slice %arg3[%dma_start3A_144, %add3A_138] : memref<2x320000xi32, #tpu.memory_space<hbm>> -> memref<1x400xi32, #tpu.memory_space<hbm>>
      %dma_start3A_146 = tpu.memref_squeeze %dma_start3A_145 : memref<1x400xi32, #tpu.memory_space<hbm>> -> memref<400xi32, #tpu.memory_space<hbm>>
      %dma_start3A_147 = tpu.memref_slice %arg3[%dma_start3A_144, %add3A_138] : memref<2x320000xi32, #tpu.memory_space<hbm>> -> memref<1x400xi32, #tpu.memory_space<hbm>>
      %dma_start3A_148 = tpu.memref_squeeze %dma_start3A_147 : memref<1x400xi32, #tpu.memory_space<hbm>> -> memref<400xi32, #tpu.memory_space<hbm>>
      tpu.enqueue_dma source(%dma_start3A_148 : memref<400xi32, #tpu.memory_space<hbm>>) target(%arg16 : memref<400xi32, #tpu.memory_space<vmem>>) target_semaphore(%arg33 : memref<!tpu.dma_semaphore, #tpu.memory_space<semaphore_mem>>)
      %dma_start3A_149 = arith.constant 0 : i32
      %dma_start3A_150 = tpu.memref_slice %arg4[%dma_start3A_149, %add3A_138] : memref<16x320000xf32, #tpu.memory_space<hbm>> -> memref<16x400xf32, #tpu.memory_space<hbm>>
      %dma_start3A_151 = arith.constant 0 : i32
      %dma_start3A_152 = tpu.memref_slice %arg4[%dma_start3A_151, %add3A_138] : memref<16x320000xf32, #tpu.memory_space<hbm>> -> memref<16x400xf32, #tpu.memory_space<hbm>>
      tpu.enqueue_dma source(%dma_start3A_152 : memref<16x400xf32, #tpu.memory_space<hbm>>) target(%arg18 : memref<16x400xf32, #tpu.memory_space<vmem>>) target_semaphore(%arg35 : memref<!tpu.dma_semaphore, #tpu.memory_space<semaphore_mem>>)
      %dma_wait3A_153 = arith.constant 0 : i32
      %dma_wait3A_154 = arith.constant 0 : i32
      %dma_wait3A_155 = tpu.memref_slice %arg3[%dma_wait3A_153, %dma_wait3A_154] : memref<2x320000xi32, #tpu.memory_space<hbm>> -> memref<1x400xi32, #tpu.memory_space<hbm>>
      %dma_wait3A_156 = tpu.memref_squeeze %dma_wait3A_155 : memref<1x400xi32, #tpu.memory_space<hbm>> -> memref<400xi32, #tpu.memory_space<hbm>>
      %dma_wait3A_157 = arith.constant 0 : i32
      %dma_wait3A_158 = tpu.memref_slice %arg3[%dma_wait3A_153, %dma_wait3A_157] : memref<2x320000xi32, #tpu.memory_space<hbm>> -> memref<1x400xi32, #tpu.memory_space<hbm>>
      %dma_wait3A_159 = tpu.memref_squeeze %dma_wait3A_158 : memref<1x400xi32, #tpu.memory_space<hbm>> -> memref<400xi32, #tpu.memory_space<hbm>>
      tpu.wait_dma2 semaphore(%arg33 : memref<!tpu.dma_semaphore, #tpu.memory_space<semaphore_mem>>) src(%dma_wait3A_159 : memref<400xi32, #tpu.memory_space<hbm>>) dst(%arg14 : memref<400xi32, #tpu.memory_space<vmem>>)
      %dma_wait3A_160 = arith.constant 1 : i32
      %dma_wait3A_161 = arith.constant 0 : i32
      %dma_wait3A_162 = tpu.memref_slice %arg3[%dma_wait3A_160, %dma_wait3A_161] : memref<2x320000xi32, #tpu.memory_space<hbm>> -> memref<1x400xi32, #tpu.memory_space<hbm>>
      %dma_wait3A_163 = tpu.memref_squeeze %dma_wait3A_162 : memref<1x400xi32, #tpu.memory_space<hbm>> -> memref<400xi32, #tpu.memory_space<hbm>>
      %dma_wait3A_164 = arith.constant 0 : i32
      %dma_wait3A_165 = tpu.memref_slice %arg3[%dma_wait3A_160, %dma_wait3A_164] : memref<2x320000xi32, #tpu.memory_space<hbm>> -> memref<1x400xi32, #tpu.memory_space<hbm>>
      %dma_wait3A_166 = tpu.memref_squeeze %dma_wait3A_165 : memref<1x400xi32, #tpu.memory_space<hbm>> -> memref<400xi32, #tpu.memory_space<hbm>>
      tpu.wait_dma2 semaphore(%arg33 : memref<!tpu.dma_semaphore, #tpu.memory_space<semaphore_mem>>) src(%dma_wait3A_166 : memref<400xi32, #tpu.memory_space<hbm>>) dst(%arg16 : memref<400xi32, #tpu.memory_space<vmem>>)
      %dma_start3A_167 = arith.constant 0 : i32
      %dma_start3A_168 = arith.constant 0 : i32
      %dma_start3A_169 = tpu.memref_slice %arg9[%dma_start3A_167, %dma_start3A_168] : memref<10240x64xf32, #tpu.memory_space<hbm>> -> memref<10240x64xf32, #tpu.memory_space<hbm>>
      tpu.enqueue_indirect_dma source(%dma_start3A_169 : memref<10240x64xf32, #tpu.memory_space<hbm>>) target(%arg22 : memref<400x64xf32, #tpu.memory_space<vmem>>) offsets(%arg14 : memref<400xi32, #tpu.memory_space<vmem>>) semaphore(%arg29 : memref<!tpu.dma_semaphore, #tpu.memory_space<semaphore_mem>>)
      %scan3A_170 = arith.constant 0 : i32
      %scan3A_171 = arith.constant 25 : i32
      %scan3A_172 = arith.addi %scan3A_170, %scan3A_171 : i32
      %scan3A_173 = arith.constant 1 : i32
      scf.for %scan3A_195 = %scan3A_170 to %scan3A_172 step %scan3A_173  : i32 {
        %mul3A_196 = arith.constant 1 : i32
        %mul3A_197 = arith.muli %scan3A_195, %mul3A_196 : i32
        %add3A_198 = arith.constant 0 : i32
        %add3A_199 = arith.addi %add3A_198, %mul3A_197 : i32
        %mul3A_200 = arith.constant 2 : i32
        %mul3A_201 = arith.muli %mul3A_200, %add3A_199 : i32
        %add3A_202 = arith.constant 0 : i32
        %add3A_203 = arith.addi %mul3A_201, %add3A_202 : i32
        %dma_wait3A_204 = arith.constant 0 : i32
        %dma_wait3A_205 = arith.constant 0 : i32
        %dma_wait3A_206 = tpu.memref_slice %arg4[%dma_wait3A_204, %dma_wait3A_205] : memref<16x320000xf32, #tpu.memory_space<hbm>> -> memref<16x400xf32, #tpu.memory_space<hbm>>
        %dma_wait3A_207 = arith.constant 0 : i32
        %dma_wait3A_208 = arith.constant 0 : i32
        %dma_wait3A_209 = tpu.memref_slice %arg4[%dma_wait3A_207, %dma_wait3A_208] : memref<16x320000xf32, #tpu.memory_space<hbm>> -> memref<16x400xf32, #tpu.memory_space<hbm>>
        tpu.wait_dma2 semaphore(%arg34 : memref<!tpu.dma_semaphore, #tpu.memory_space<semaphore_mem>>) src(%dma_wait3A_209 : memref<16x400xf32, #tpu.memory_space<hbm>>) dst(%arg17 : memref<16x400xf32, #tpu.memory_space<vmem>>)
        %parallel_loop3A_210 = arith.constant 0 : i32
        %parallel_loop3A_211 = arith.constant 400 : i32
        %parallel_loop3A_212 = arith.constant 16 : i32
        scf.for %parallel_loop3A_268 = %parallel_loop3A_210 to %parallel_loop3A_211 step %parallel_loop3A_212  : i32 {
          %parallel_loop3A_269 = arith.index_cast %parallel_loop3A_268 : i32 to index
          %parallel_loop3A_270 = tpu.vector_load %arg15[%parallel_loop3A_269] {strides = array<i32>} : memref<400xi32, #tpu.memory_space<vmem>>, vector<16xi32>,
          %parallel_loop3A_271 = tpu.vector_load_idx %arg11[%parallel_loop3A_270] : memref<10000xf32, #tpu.memory_space<vmem>>[vector<16xi32>], vector<16xf32>,
          %parallel_loop3A_272 = arith.index_cast %parallel_loop3A_268 : i32 to index
          %parallel_loop3A_273 = tpu.vector_load %arg13[%parallel_loop3A_272] {strides = array<i32>} : memref<400xi32, #tpu.memory_space<vmem>>, vector<16xi32>,
          %parallel_loop3A_274 = tpu.vector_load_idx %arg12[%parallel_loop3A_273] : memref<10000xf32, #tpu.memory_space<vmem>>[vector<16xi32>], vector<16xf32>,
          %parallel_loop3A_275 = arith.addf %parallel_loop3A_271, %parallel_loop3A_274 : vector<16xf32>
          %parallel_loop3A_276 = arith.constant 0 : i32
          %parallel_loop3A_277 = arith.index_cast %parallel_loop3A_276 : i32 to index
          %parallel_loop3A_278 = arith.index_cast %parallel_loop3A_268 : i32 to index
          %parallel_loop3A_279 = tpu.vector_load %arg17[%parallel_loop3A_277, %parallel_loop3A_278] {strides = array<i32>} : memref<16x400xf32, #tpu.memory_space<vmem>>, vector<16xf32>,
          %parallel_loop3A_280 = arith.mulf %parallel_loop3A_279, %get3A_15 : vector<16xf32>
          %parallel_loop3A_281 = arith.addf %parallel_loop3A_275, %parallel_loop3A_280 : vector<16xf32>
          %parallel_loop3A_282 = arith.constant 1 : i32
          %parallel_loop3A_283 = arith.index_cast %parallel_loop3A_282 : i32 to index
          %parallel_loop3A_284 = arith.index_cast %parallel_loop3A_268 : i32 to index
          %parallel_loop3A_285 = tpu.vector_load %arg17[%parallel_loop3A_283, %parallel_loop3A_284] {strides = array<i32>} : memref<16x400xf32, #tpu.memory_space<vmem>>, vector<16xf32>,
          %parallel_loop3A_286 = arith.mulf %parallel_loop3A_285, %get3A_19 : vector<16xf32>
          %parallel_loop3A_287 = arith.addf %parallel_loop3A_281, %parallel_loop3A_286 : vector<16xf32>
          %parallel_loop3A_288 = arith.constant 2 : i32
          %parallel_loop3A_289 = arith.index_cast %parallel_loop3A_288 : i32 to index
          %parallel_loop3A_290 = arith.index_cast %parallel_loop3A_268 : i32 to index
          %parallel_loop3A_291 = tpu.vector_load %arg17[%parallel_loop3A_289, %parallel_loop3A_290] {strides = array<i32>} : memref<16x400xf32, #tpu.memory_space<vmem>>, vector<16xf32>,
          %parallel_loop3A_292 = arith.mulf %parallel_loop3A_291, %get3A_23 : vector<16xf32>
          %parallel_loop3A_293 = arith.addf %parallel_loop3A_287, %parallel_loop3A_292 : vector<16xf32>
          %parallel_loop3A_294 = arith.constant 3 : i32
          %parallel_loop3A_295 = arith.index_cast %parallel_loop3A_294 : i32 to index
          %parallel_loop3A_296 = arith.index_cast %parallel_loop3A_268 : i32 to index
          %parallel_loop3A_297 = tpu.vector_load %arg17[%parallel_loop3A_295, %parallel_loop3A_296] {strides = array<i32>} : memref<16x400xf32, #tpu.memory_space<vmem>>, vector<16xf32>,
          %parallel_loop3A_298 = arith.mulf %parallel_loop3A_297, %get3A_27 : vector<16xf32>
          %parallel_loop3A_299 = arith.addf %parallel_loop3A_293, %parallel_loop3A_298 : vector<16xf32>
          %parallel_loop3A_300 = arith.constant 4 : i32
          %parallel_loop3A_301 = arith.index_cast %parallel_loop3A_300 : i32 to index
          %parallel_loop3A_302 = arith.index_cast %parallel_loop3A_268 : i32 to index
          %parallel_loop3A_303 = tpu.vector_load %arg17[%parallel_loop3A_301, %parallel_loop3A_302] {strides = array<i32>} : memref<16x400xf32, #tpu.memory_space<vmem>>, vector<16xf32>,
          %parallel_loop3A_304 = arith.mulf %parallel_loop3A_303, %get3A_31 : vector<16xf32>
          %parallel_loop3A_305 = arith.addf %parallel_loop3A_299, %parallel_loop3A_304 : vector<16xf32>
          %parallel_loop3A_306 = arith.constant 5 : i32
          %parallel_loop3A_307 = arith.index_cast %parallel_loop3A_306 : i32 to index
          %parallel_loop3A_308 = arith.index_cast %parallel_loop3A_268 : i32 to index
          %parallel_loop3A_309 = tpu.vector_load %arg17[%parallel_loop3A_307, %parallel_loop3A_308] {strides = array<i32>} : memref<16x400xf32, #tpu.memory_space<vmem>>, vector<16xf32>,
          %parallel_loop3A_310 = arith.mulf %parallel_loop3A_309, %get3A_35 : vector<16xf32>
          %parallel_loop3A_311 = arith.addf %parallel_loop3A_305, %parallel_loop3A_310 : vector<16xf32>
          %parallel_loop3A_312 = arith.constant 6 : i32
          %parallel_loop3A_313 = arith.index_cast %parallel_loop3A_312 : i32 to index
          %parallel_loop3A_314 = arith.index_cast %parallel_loop3A_268 : i32 to index
          %parallel_loop3A_315 = tpu.vector_load %arg17[%parallel_loop3A_313, %parallel_loop3A_314] {strides = array<i32>} : memref<16x400xf32, #tpu.memory_space<vmem>>, vector<16xf32>,
          %parallel_loop3A_316 = arith.mulf %parallel_loop3A_315, %get3A_39 : vector<16xf32>
          %parallel_loop3A_317 = arith.addf %parallel_loop3A_311, %parallel_loop3A_316 : vector<16xf32>
          %parallel_loop3A_318 = arith.constant 7 : i32
          %parallel_loop3A_319 = arith.index_cast %parallel_loop3A_318 : i32 to index
          %parallel_loop3A_320 = arith.index_cast %parallel_loop3A_268 : i32 to index
          %parallel_loop3A_321 = tpu.vector_load %arg17[%parallel_loop3A_319, %parallel_loop3A_320] {strides = array<i32>} : memref<16x400xf32, #tpu.memory_space<vmem>>, vector<16xf32>,
          %parallel_loop3A_322 = arith.mulf %parallel_loop3A_321, %get3A_43 : vector<16xf32>
          %parallel_loop3A_323 = arith.addf %parallel_loop3A_317, %parallel_loop3A_322 : vector<16xf32>
          %parallel_loop3A_324 = arith.constant 8 : i32
          %parallel_loop3A_325 = arith.index_cast %parallel_loop3A_324 : i32 to index
          %parallel_loop3A_326 = arith.index_cast %parallel_loop3A_268 : i32 to index
          %parallel_loop3A_327 = tpu.vector_load %arg17[%parallel_loop3A_325, %parallel_loop3A_326] {strides = array<i32>} : memref<16x400xf32, #tpu.memory_space<vmem>>, vector<16xf32>,
          %parallel_loop3A_328 = arith.mulf %parallel_loop3A_327, %get3A_47 : vector<16xf32>
          %parallel_loop3A_329 = arith.addf %parallel_loop3A_323, %parallel_loop3A_328 : vector<16xf32>
          %parallel_loop3A_330 = arith.constant 9 : i32
          %parallel_loop3A_331 = arith.index_cast %parallel_loop3A_330 : i32 to index
          %parallel_loop3A_332 = arith.index_cast %parallel_loop3A_268 : i32 to index
          %parallel_loop3A_333 = tpu.vector_load %arg17[%parallel_loop3A_331, %parallel_loop3A_332] {strides = array<i32>} : memref<16x400xf32, #tpu.memory_space<vmem>>, vector<16xf32>,
          %parallel_loop3A_334 = arith.mulf %parallel_loop3A_333, %get3A_51 : vector<16xf32>
          %parallel_loop3A_335 = arith.addf %parallel_loop3A_329, %parallel_loop3A_334 : vector<16xf32>
          %parallel_loop3A_336 = arith.constant 10 : i32
          %parallel_loop3A_337 = arith.index_cast %parallel_loop3A_336 : i32 to index
          %parallel_loop3A_338 = arith.index_cast %parallel_loop3A_268 : i32 to index
          %parallel_loop3A_339 = tpu.vector_load %arg17[%parallel_loop3A_337, %parallel_loop3A_338] {strides = array<i32>} : memref<16x400xf32, #tpu.memory_space<vmem>>, vector<16xf32>,
          %parallel_loop3A_340 = arith.mulf %parallel_loop3A_339, %get3A_55 : vector<16xf32>
          %parallel_loop3A_341 = arith.addf %parallel_loop3A_335, %parallel_loop3A_340 : vector<16xf32>
          %parallel_loop3A_342 = arith.constant 11 : i32
          %parallel_loop3A_343 = arith.index_cast %parallel_loop3A_342 : i32 to index
          %parallel_loop3A_344 = arith.index_cast %parallel_loop3A_268 : i32 to index
          %parallel_loop3A_345 = tpu.vector_load %arg17[%parallel_loop3A_343, %parallel_loop3A_344] {strides = array<i32>} : memref<16x400xf32, #tpu.memory_space<vmem>>, vector<16xf32>,
          %parallel_loop3A_346 = arith.mulf %parallel_loop3A_345, %get3A_59 : vector<16xf32>
          %parallel_loop3A_347 = arith.addf %parallel_loop3A_341, %parallel_loop3A_346 : vector<16xf32>
          %parallel_loop3A_348 = arith.constant 12 : i32
          %parallel_loop3A_349 = arith.index_cast %parallel_loop3A_348 : i32 to index
          %parallel_loop3A_350 = arith.index_cast %parallel_loop3A_268 : i32 to index
          %parallel_loop3A_351 = tpu.vector_load %arg17[%parallel_loop3A_349, %parallel_loop3A_350] {strides = array<i32>} : memref<16x400xf32, #tpu.memory_space<vmem>>, vector<16xf32>,
          %parallel_loop3A_352 = arith.mulf %parallel_loop3A_351, %get3A_63 : vector<16xf32>
          %parallel_loop3A_353 = arith.addf %parallel_loop3A_347, %parallel_loop3A_352 : vector<16xf32>
          %parallel_loop3A_354 = arith.constant 13 : i32
          %parallel_loop3A_355 = arith.index_cast %parallel_loop3A_354 : i32 to index
          %parallel_loop3A_356 = arith.index_cast %parallel_loop3A_268 : i32 to index
          %parallel_loop3A_357 = tpu.vector_load %arg17[%parallel_loop3A_355, %parallel_loop3A_356] {strides = array<i32>} : memref<16x400xf32, #tpu.memory_space<vmem>>, vector<16xf32>,
          %parallel_loop3A_358 = arith.mulf %parallel_loop3A_357, %get3A_67 : vector<16xf32>
          %parallel_loop3A_359 = arith.addf %parallel_loop3A_353, %parallel_loop3A_358 : vector<16xf32>
          %parallel_loop3A_360 = arith.constant 14 : i32
          %parallel_loop3A_361 = arith.index_cast %parallel_loop3A_360 : i32 to index
          %parallel_loop3A_362 = arith.index_cast %parallel_loop3A_268 : i32 to index
          %parallel_loop3A_363 = tpu.vector_load %arg17[%parallel_loop3A_361, %parallel_loop3A_362] {strides = array<i32>} : memref<16x400xf32, #tpu.memory_space<vmem>>, vector<16xf32>,
          %parallel_loop3A_364 = arith.mulf %parallel_loop3A_363, %get3A_71 : vector<16xf32>
          %parallel_loop3A_365 = arith.addf %parallel_loop3A_359, %parallel_loop3A_364 : vector<16xf32>
          %parallel_loop3A_366 = arith.constant 15 : i32
          %parallel_loop3A_367 = arith.index_cast %parallel_loop3A_366 : i32 to index
          %parallel_loop3A_368 = arith.index_cast %parallel_loop3A_268 : i32 to index
          %parallel_loop3A_369 = tpu.vector_load %arg17[%parallel_loop3A_367, %parallel_loop3A_368] {strides = array<i32>} : memref<16x400xf32, #tpu.memory_space<vmem>>, vector<16xf32>,
          %parallel_loop3A_370 = arith.mulf %parallel_loop3A_369, %get3A_75 : vector<16xf32>
          %parallel_loop3A_371 = arith.addf %parallel_loop3A_365, %parallel_loop3A_370 : vector<16xf32>
          %parallel_loop3A_372 = arith.constant 0.000000e+00 : f32
          %parallel_loop3A_373 = vector.broadcast %parallel_loop3A_372 : f32 to vector<16xf32>
          %parallel_loop3A_374 = arith.cmpf oge, %parallel_loop3A_371, %parallel_loop3A_373 : vector<16xf32>
          %parallel_loop3A_375 = arith.constant 0.00999999977 : f32
          %parallel_loop3A_376 = vector.broadcast %parallel_loop3A_375 : f32 to vector<16xf32>
          %parallel_loop3A_377 = arith.mulf %parallel_loop3A_371, %parallel_loop3A_376 : vector<16xf32>
          %parallel_loop3A_378 = arith.select %parallel_loop3A_374, %parallel_loop3A_371, %parallel_loop3A_377 : vector<16xi1>, vector<16xf32>
          %parallel_loop3A_379 = math.exp %parallel_loop3A_378 : vector<16xf32>
          %parallel_loop3A_380 = arith.index_cast %parallel_loop3A_268 : i32 to index
          %parallel_loop3A_381 = tpu.vector_load %arg19[%parallel_loop3A_380] {strides = array<i32>} : memref<400xf32, #tpu.memory_space<vmem>>, vector<16xf32>,
          tpu.vector_store %arg19[%parallel_loop3A_380], %parallel_loop3A_379 {strides = array<i32>} : memref<400xf32, #tpu.memory_space<vmem>>, vector<16xf32>,
        } {sc.loop_unroll_factor = 4 : i64, sc.parallel_access}
        %dma_start3A_213 = arith.constant 0 : i32
        %dma_start3A_214 = tpu.memref_slice %arg27[%dma_start3A_213] : memref<10240xf32, #tpu.memory_space<vmem_shared>> -> memref<10240xf32, #tpu.memory_space<vmem_shared>>
        tpu.enqueue_indirect_dma source(%arg19 : memref<400xf32, #tpu.memory_space<vmem>>) target(%dma_start3A_214 : memref<10240xf32, #tpu.memory_space<vmem_shared>>) offsets(%arg15 : memref<400xi32, #tpu.memory_space<vmem>>) semaphore(%arg36 : memref<!tpu.dma_semaphore, #tpu.memory_space<semaphore_mem>>) {add = true}
        %dma_wait3A_215 = arith.constant 0 : i32
        %dma_wait3A_216 = arith.constant 0 : i32
        %dma_wait3A_217 = tpu.memref_slice %arg9[%dma_wait3A_215, %dma_wait3A_216] : memref<10240x64xf32, #tpu.memory_space<hbm>> -> memref<400x64xf32, #tpu.memory_space<hbm>>
        %dma_wait3A_218 = arith.constant 0 : i32
        %dma_wait3A_219 = arith.constant 0 : i32
        %dma_wait3A_220 = tpu.memref_slice %arg9[%dma_wait3A_218, %dma_wait3A_219] : memref<10240x64xf32, #tpu.memory_space<hbm>> -> memref<400x64xf32, #tpu.memory_space<hbm>>
        tpu.wait_dma2 semaphore(%arg28 : memref<!tpu.dma_semaphore, #tpu.memory_space<semaphore_mem>>) src(%dma_wait3A_220 : memref<400x64xf32, #tpu.memory_space<hbm>>) dst(%arg21 : memref<400x64xf32, #tpu.memory_space<vmem>>)
        %parallel_loop3A_221 = arith.constant 0 : i32
        %parallel_loop3A_222 = arith.constant 400 : i32
        %parallel_loop3A_223 = arith.constant 1 : i32
        scf.for %parallel_loop3A_268 = %parallel_loop3A_221 to %parallel_loop3A_222 step %parallel_loop3A_223  : i32 {
          %parallel_loop3A_269 = vector.broadcast %parallel_loop3A_268 : i32 to vector<16xi32>
          %parallel_loop3A_270 = tpu.vector_load_idx %arg19[%parallel_loop3A_269] : memref<400xf32, #tpu.memory_space<vmem>>[vector<16xi32>], vector<16xf32>,
          %parallel_loop3A_271 = arith.index_cast %parallel_loop3A_268 : i32 to index
          %parallel_loop3A_272 = arith.constant 0 : index
          %parallel_loop3A_273 = tpu.vector_load %arg21[%parallel_loop3A_271, %parallel_loop3A_272] {strides = array<i32>} : memref<400x64xf32, #tpu.memory_space<vmem>>, vector<16xf32>,
          %parallel_loop3A_274 = arith.mulf %parallel_loop3A_273, %parallel_loop3A_270 : vector<16xf32>
          %parallel_loop3A_275 = arith.index_cast %parallel_loop3A_268 : i32 to index
          %parallel_loop3A_276 = arith.constant 0 : index
          %parallel_loop3A_277 = tpu.vector_load %arg21[%parallel_loop3A_275, %parallel_loop3A_276] {strides = array<i32>} : memref<400x64xf32, #tpu.memory_space<vmem>>, vector<16xf32>,
          tpu.vector_store %arg21[%parallel_loop3A_275, %parallel_loop3A_276], %parallel_loop3A_274 {strides = array<i32>} : memref<400x64xf32, #tpu.memory_space<vmem>>, vector<16xf32>,
          %parallel_loop3A_278 = arith.index_cast %parallel_loop3A_268 : i32 to index
          %parallel_loop3A_279 = arith.constant 16 : index
          %parallel_loop3A_280 = tpu.vector_load %arg21[%parallel_loop3A_278, %parallel_loop3A_279] {strides = array<i32>} : memref<400x64xf32, #tpu.memory_space<vmem>>, vector<16xf32>,
          %parallel_loop3A_281 = arith.mulf %parallel_loop3A_280, %parallel_loop3A_270 : vector<16xf32>
          %parallel_loop3A_282 = arith.index_cast %parallel_loop3A_268 : i32 to index
          %parallel_loop3A_283 = arith.constant 16 : index
          %parallel_loop3A_284 = tpu.vector_load %arg21[%parallel_loop3A_282, %parallel_loop3A_283] {strides = array<i32>} : memref<400x64xf32, #tpu.memory_space<vmem>>, vector<16xf32>,
          tpu.vector_store %arg21[%parallel_loop3A_282, %parallel_loop3A_283], %parallel_loop3A_281 {strides = array<i32>} : memref<400x64xf32, #tpu.memory_space<vmem>>, vector<16xf32>,
          %parallel_loop3A_285 = arith.index_cast %parallel_loop3A_268 : i32 to index
          %parallel_loop3A_286 = arith.constant 32 : index
          %parallel_loop3A_287 = tpu.vector_load %arg21[%parallel_loop3A_285, %parallel_loop3A_286] {strides = array<i32>} : memref<400x64xf32, #tpu.memory_space<vmem>>, vector<16xf32>,
          %parallel_loop3A_288 = arith.mulf %parallel_loop3A_287, %parallel_loop3A_270 : vector<16xf32>
          %parallel_loop3A_289 = arith.index_cast %parallel_loop3A_268 : i32 to index
          %parallel_loop3A_290 = arith.constant 32 : index
          %parallel_loop3A_291 = tpu.vector_load %arg21[%parallel_loop3A_289, %parallel_loop3A_290] {strides = array<i32>} : memref<400x64xf32, #tpu.memory_space<vmem>>, vector<16xf32>,
          tpu.vector_store %arg21[%parallel_loop3A_289, %parallel_loop3A_290], %parallel_loop3A_288 {strides = array<i32>} : memref<400x64xf32, #tpu.memory_space<vmem>>, vector<16xf32>,
          %parallel_loop3A_292 = arith.index_cast %parallel_loop3A_268 : i32 to index
          %parallel_loop3A_293 = arith.constant 48 : index
          %parallel_loop3A_294 = tpu.vector_load %arg21[%parallel_loop3A_292, %parallel_loop3A_293] {strides = array<i32>} : memref<400x64xf32, #tpu.memory_space<vmem>>, vector<16xf32>,
          %parallel_loop3A_295 = arith.mulf %parallel_loop3A_294, %parallel_loop3A_270 : vector<16xf32>
          %parallel_loop3A_296 = arith.index_cast %parallel_loop3A_268 : i32 to index
          %parallel_loop3A_297 = arith.constant 48 : index
          %parallel_loop3A_298 = tpu.vector_load %arg21[%parallel_loop3A_296, %parallel_loop3A_297] {strides = array<i32>} : memref<400x64xf32, #tpu.memory_space<vmem>>, vector<16xf32>,
          tpu.vector_store %arg21[%parallel_loop3A_296, %parallel_loop3A_297], %parallel_loop3A_295 {strides = array<i32>} : memref<400x64xf32, #tpu.memory_space<vmem>>, vector<16xf32>,
        } {sc.loop_unroll_factor = 8 : i64, sc.parallel_access}
        %dma_start3A_224 = arith.constant 0 : i32
        %dma_start3A_225 = arith.constant 0 : i32
        %dma_start3A_226 = tpu.memref_slice %arg26[%dma_start3A_224, %dma_start3A_225] : memref<10240x64xf32, #tpu.memory_space<vmem_shared>> -> memref<10240x64xf32, #tpu.memory_space<vmem_shared>>
        tpu.enqueue_indirect_dma source(%arg21 : memref<400x64xf32, #tpu.memory_space<vmem>>) target(%dma_start3A_226 : memref<10240x64xf32, #tpu.memory_space<vmem_shared>>) offsets(%arg15 : memref<400xi32, #tpu.memory_space<vmem>>) semaphore(%arg30 : memref<!tpu.dma_semaphore, #tpu.memory_space<semaphore_mem>>) {add = true}
        %add3A_227 = arith.constant 2 : i32
        %add3A_228 = arith.addi %add3A_203, %add3A_227 : i32
        %lt3A_229 = arith.constant 50 : i32
        %lt3A_230 = arith.cmpi slt, %add3A_228, %lt3A_229 : i32
        %convert_element_type3A_231 = arith.extui %lt3A_230 : i1 to i32
        %cond3A_232 = arith.constant 0 : i32
        %cond3A_233 = arith.cmpi ne, %convert_element_type3A_231, %cond3A_232 : i32
        scf.if %cond3A_233 {
          %dma_wait3A_268 = arith.constant 0 : i32
          %dma_wait3A_269 = arith.constant 0 : i32
          %dma_wait3A_270 = tpu.memref_slice %arg9[%dma_wait3A_268, %dma_wait3A_269] : memref<10240x64xf32, #tpu.memory_space<hbm>> -> memref<400x64xf32, #tpu.memory_space<hbm>>
          %dma_wait3A_271 = arith.constant 0 : i32
          %dma_wait3A_272 = arith.constant 0 : i32
          %dma_wait3A_273 = tpu.memref_slice %arg9[%dma_wait3A_271, %dma_wait3A_272] : memref<10240x64xf32, #tpu.memory_space<hbm>> -> memref<400x64xf32, #tpu.memory_space<hbm>>
          tpu.wait_dma2 semaphore(%arg30 : memref<!tpu.dma_semaphore, #tpu.memory_space<semaphore_mem>>) src(%dma_wait3A_273 : memref<400x64xf32, #tpu.memory_space<hbm>>) dst(%arg21 : memref<400x64xf32, #tpu.memory_space<vmem>>)
          %dma_wait3A_274 = arith.constant 0 : i32
          %dma_wait3A_275 = tpu.memref_slice %arg5[%dma_wait3A_274] : memref<10000xf32, #tpu.memory_space<hbm>> -> memref<400xf32, #tpu.memory_space<hbm>>
          %dma_wait3A_276 = arith.constant 0 : i32
          %dma_wait3A_277 = tpu.memref_slice %arg5[%dma_wait3A_276] : memref<10000xf32, #tpu.memory_space<hbm>> -> memref<400xf32, #tpu.memory_space<hbm>>
          tpu.wait_dma2 semaphore(%arg36 : memref<!tpu.dma_semaphore, #tpu.memory_space<semaphore_mem>>) src(%dma_wait3A_277 : memref<400xf32, #tpu.memory_space<hbm>>) dst(%arg19 : memref<400xf32, #tpu.memory_space<vmem>>)
          %add3A_278 = arith.constant 2 : i32
          %add3A_279 = arith.addi %add3A_203, %add3A_278 : i32
          %mul3A_280 = arith.constant 400 : i32
          %mul3A_281 = arith.muli %add3A_279, %mul3A_280 : i32
          %add3A_282 = arith.addi %mul3A_12, %mul3A_281 : i32
          %dma_start3A_283 = arith.constant 0 : i32
          %dma_start3A_284 = tpu.memref_slice %arg3[%dma_start3A_283, %add3A_282] : memref<2x320000xi32, #tpu.memory_space<hbm>> -> memref<1x400xi32, #tpu.memory_space<hbm>>
          %dma_start3A_285 = tpu.memref_squeeze %dma_start3A_284 : memref<1x400xi32, #tpu.memory_space<hbm>> -> memref<400xi32, #tpu.memory_space<hbm>>
          %dma_start3A_286 = tpu.memref_slice %arg3[%dma_start3A_283, %add3A_282] : memref<2x320000xi32, #tpu.memory_space<hbm>> -> memref<1x400xi32, #tpu.memory_space<hbm>>
          %dma_start3A_287 = tpu.memref_squeeze %dma_start3A_286 : memref<1x400xi32, #tpu.memory_space<hbm>> -> memref<400xi32, #tpu.memory_space<hbm>>
          tpu.enqueue_dma source(%dma_start3A_287 : memref<400xi32, #tpu.memory_space<hbm>>) target(%arg13 : memref<400xi32, #tpu.memory_space<vmem>>) target_semaphore(%arg32 : memref<!tpu.dma_semaphore, #tpu.memory_space<semaphore_mem>>)
          %dma_start3A_288 = arith.constant 1 : i32
          %dma_start3A_289 = tpu.memref_slice %arg3[%dma_start3A_288, %add3A_282] : memref<2x320000xi32, #tpu.memory_space<hbm>> -> memref<1x400xi32, #tpu.memory_space<hbm>>
          %dma_start3A_290 = tpu.memref_squeeze %dma_start3A_289 : memref<1x400xi32, #tpu.memory_space<hbm>> -> memref<400xi32, #tpu.memory_space<hbm>>
          %dma_start3A_291 = tpu.memref_slice %arg3[%dma_start3A_288, %add3A_282] : memref<2x320000xi32, #tpu.memory_space<hbm>> -> memref<1x400xi32, #tpu.memory_space<hbm>>
          %dma_start3A_292 = tpu.memref_squeeze %dma_start3A_291 : memref<1x400xi32, #tpu.memory_space<hbm>> -> memref<400xi32, #tpu.memory_space<hbm>>
          tpu.enqueue_dma source(%dma_start3A_292 : memref<400xi32, #tpu.memory_space<hbm>>) target(%arg15 : memref<400xi32, #tpu.memory_space<vmem>>) target_semaphore(%arg32 : memref<!tpu.dma_semaphore, #tpu.memory_space<semaphore_mem>>)
          %dma_start3A_293 = arith.constant 0 : i32
          %dma_start3A_294 = tpu.memref_slice %arg4[%dma_start3A_293, %add3A_282] : memref<16x320000xf32, #tpu.memory_space<hbm>> -> memref<16x400xf32, #tpu.memory_space<hbm>>
          %dma_start3A_295 = arith.constant 0 : i32
          %dma_start3A_296 = tpu.memref_slice %arg4[%dma_start3A_295, %add3A_282] : memref<16x320000xf32, #tpu.memory_space<hbm>> -> memref<16x400xf32, #tpu.memory_space<hbm>>
          tpu.enqueue_dma source(%dma_start3A_296 : memref<16x400xf32, #tpu.memory_space<hbm>>) target(%arg17 : memref<16x400xf32, #tpu.memory_space<vmem>>) target_semaphore(%arg34 : memref<!tpu.dma_semaphore, #tpu.memory_space<semaphore_mem>>)
          %dma_wait3A_297 = arith.constant 0 : i32
          %dma_wait3A_298 = arith.constant 0 : i32
          %dma_wait3A_299 = tpu.memref_slice %arg3[%dma_wait3A_297, %dma_wait3A_298] : memref<2x320000xi32, #tpu.memory_space<hbm>> -> memref<1x400xi32, #tpu.memory_space<hbm>>
          %dma_wait3A_300 = tpu.memref_squeeze %dma_wait3A_299 : memref<1x400xi32, #tpu.memory_space<hbm>> -> memref<400xi32, #tpu.memory_space<hbm>>
          %dma_wait3A_301 = arith.constant 0 : i32
          %dma_wait3A_302 = tpu.memref_slice %arg3[%dma_wait3A_297, %dma_wait3A_301] : memref<2x320000xi32, #tpu.memory_space<hbm>> -> memref<1x400xi32, #tpu.memory_space<hbm>>
          %dma_wait3A_303 = tpu.memref_squeeze %dma_wait3A_302 : memref<1x400xi32, #tpu.memory_space<hbm>> -> memref<400xi32, #tpu.memory_space<hbm>>
          tpu.wait_dma2 semaphore(%arg32 : memref<!tpu.dma_semaphore, #tpu.memory_space<semaphore_mem>>) src(%dma_wait3A_303 : memref<400xi32, #tpu.memory_space<hbm>>) dst(%arg13 : memref<400xi32, #tpu.memory_space<vmem>>)
          %dma_wait3A_304 = arith.constant 1 : i32
          %dma_wait3A_305 = arith.constant 0 : i32
          %dma_wait3A_306 = tpu.memref_slice %arg3[%dma_wait3A_304, %dma_wait3A_305] : memref<2x320000xi32, #tpu.memory_space<hbm>> -> memref<1x400xi32, #tpu.memory_space<hbm>>
          %dma_wait3A_307 = tpu.memref_squeeze %dma_wait3A_306 : memref<1x400xi32, #tpu.memory_space<hbm>> -> memref<400xi32, #tpu.memory_space<hbm>>
          %dma_wait3A_308 = arith.constant 0 : i32
          %dma_wait3A_309 = tpu.memref_slice %arg3[%dma_wait3A_304, %dma_wait3A_308] : memref<2x320000xi32, #tpu.memory_space<hbm>> -> memref<1x400xi32, #tpu.memory_space<hbm>>
          %dma_wait3A_310 = tpu.memref_squeeze %dma_wait3A_309 : memref<1x400xi32, #tpu.memory_space<hbm>> -> memref<400xi32, #tpu.memory_space<hbm>>
          tpu.wait_dma2 semaphore(%arg32 : memref<!tpu.dma_semaphore, #tpu.memory_space<semaphore_mem>>) src(%dma_wait3A_310 : memref<400xi32, #tpu.memory_space<hbm>>) dst(%arg15 : memref<400xi32, #tpu.memory_space<vmem>>)
          %dma_start3A_311 = arith.constant 0 : i32
          %dma_start3A_312 = arith.constant 0 : i32
          %dma_start3A_313 = tpu.memref_slice %arg9[%dma_start3A_311, %dma_start3A_312] : memref<10240x64xf32, #tpu.memory_space<hbm>> -> memref<10240x64xf32, #tpu.memory_space<hbm>>
          tpu.enqueue_indirect_dma source(%dma_start3A_313 : memref<10240x64xf32, #tpu.memory_space<hbm>>) target(%arg21 : memref<400x64xf32, #tpu.memory_space<vmem>>) offsets(%arg13 : memref<400xi32, #tpu.memory_space<vmem>>) semaphore(%arg28 : memref<!tpu.dma_semaphore, #tpu.memory_space<semaphore_mem>>)
        } else {
        }
        %mul3A_234 = arith.constant 2 : i32
        %mul3A_235 = arith.muli %mul3A_234, %add3A_199 : i32
        %add3A_236 = arith.constant 1 : i32
        %add3A_237 = arith.addi %mul3A_235, %add3A_236 : i32
        %dma_wait3A_238 = arith.constant 0 : i32
        %dma_wait3A_239 = arith.constant 0 : i32
        %dma_wait3A_240 = tpu.memref_slice %arg4[%dma_wait3A_238, %dma_wait3A_239] : memref<16x320000xf32, #tpu.memory_space<hbm>> -> memref<16x400xf32, #tpu.memory_space<hbm>>
        %dma_wait3A_241 = arith.constant 0 : i32
        %dma_wait3A_242 = arith.constant 0 : i32
        %dma_wait3A_243 = tpu.memref_slice %arg4[%dma_wait3A_241, %dma_wait3A_242] : memref<16x320000xf32, #tpu.memory_space<hbm>> -> memref<16x400xf32, #tpu.memory_space<hbm>>
        tpu.wait_dma2 semaphore(%arg35 : memref<!tpu.dma_semaphore, #tpu.memory_space<semaphore_mem>>) src(%dma_wait3A_243 : memref<16x400xf32, #tpu.memory_space<hbm>>) dst(%arg18 : memref<16x400xf32, #tpu.memory_space<vmem>>)
        %parallel_loop3A_244 = arith.constant 0 : i32
        %parallel_loop3A_245 = arith.constant 400 : i32
        %parallel_loop3A_246 = arith.constant 16 : i32
        scf.for %parallel_loop3A_268 = %parallel_loop3A_244 to %parallel_loop3A_245 step %parallel_loop3A_246  : i32 {
          %parallel_loop3A_269 = arith.index_cast %parallel_loop3A_268 : i32 to index
          %parallel_loop3A_270 = tpu.vector_load %arg16[%parallel_loop3A_269] {strides = array<i32>} : memref<400xi32, #tpu.memory_space<vmem>>, vector<16xi32>,
          %parallel_loop3A_271 = tpu.vector_load_idx %arg11[%parallel_loop3A_270] : memref<10000xf32, #tpu.memory_space<vmem>>[vector<16xi32>], vector<16xf32>,
          %parallel_loop3A_272 = arith.index_cast %parallel_loop3A_268 : i32 to index
          %parallel_loop3A_273 = tpu.vector_load %arg14[%parallel_loop3A_272] {strides = array<i32>} : memref<400xi32, #tpu.memory_space<vmem>>, vector<16xi32>,
          %parallel_loop3A_274 = tpu.vector_load_idx %arg12[%parallel_loop3A_273] : memref<10000xf32, #tpu.memory_space<vmem>>[vector<16xi32>], vector<16xf32>,
          %parallel_loop3A_275 = arith.addf %parallel_loop3A_271, %parallel_loop3A_274 : vector<16xf32>
          %parallel_loop3A_276 = arith.constant 0 : i32
          %parallel_loop3A_277 = arith.index_cast %parallel_loop3A_276 : i32 to index
          %parallel_loop3A_278 = arith.index_cast %parallel_loop3A_268 : i32 to index
          %parallel_loop3A_279 = tpu.vector_load %arg18[%parallel_loop3A_277, %parallel_loop3A_278] {strides = array<i32>} : memref<16x400xf32, #tpu.memory_space<vmem>>, vector<16xf32>,
          %parallel_loop3A_280 = arith.mulf %parallel_loop3A_279, %get3A_15 : vector<16xf32>
          %parallel_loop3A_281 = arith.addf %parallel_loop3A_275, %parallel_loop3A_280 : vector<16xf32>
          %parallel_loop3A_282 = arith.constant 1 : i32
          %parallel_loop3A_283 = arith.index_cast %parallel_loop3A_282 : i32 to index
          %parallel_loop3A_284 = arith.index_cast %parallel_loop3A_268 : i32 to index
          %parallel_loop3A_285 = tpu.vector_load %arg18[%parallel_loop3A_283, %parallel_loop3A_284] {strides = array<i32>} : memref<16x400xf32, #tpu.memory_space<vmem>>, vector<16xf32>,
          %parallel_loop3A_286 = arith.mulf %parallel_loop3A_285, %get3A_19 : vector<16xf32>
          %parallel_loop3A_287 = arith.addf %parallel_loop3A_281, %parallel_loop3A_286 : vector<16xf32>
          %parallel_loop3A_288 = arith.constant 2 : i32
          %parallel_loop3A_289 = arith.index_cast %parallel_loop3A_288 : i32 to index
          %parallel_loop3A_290 = arith.index_cast %parallel_loop3A_268 : i32 to index
          %parallel_loop3A_291 = tpu.vector_load %arg18[%parallel_loop3A_289, %parallel_loop3A_290] {strides = array<i32>} : memref<16x400xf32, #tpu.memory_space<vmem>>, vector<16xf32>,
          %parallel_loop3A_292 = arith.mulf %parallel_loop3A_291, %get3A_23 : vector<16xf32>
          %parallel_loop3A_293 = arith.addf %parallel_loop3A_287, %parallel_loop3A_292 : vector<16xf32>
          %parallel_loop3A_294 = arith.constant 3 : i32
          %parallel_loop3A_295 = arith.index_cast %parallel_loop3A_294 : i32 to index
          %parallel_loop3A_296 = arith.index_cast %parallel_loop3A_268 : i32 to index
          %parallel_loop3A_297 = tpu.vector_load %arg18[%parallel_loop3A_295, %parallel_loop3A_296] {strides = array<i32>} : memref<16x400xf32, #tpu.memory_space<vmem>>, vector<16xf32>,
          %parallel_loop3A_298 = arith.mulf %parallel_loop3A_297, %get3A_27 : vector<16xf32>
          %parallel_loop3A_299 = arith.addf %parallel_loop3A_293, %parallel_loop3A_298 : vector<16xf32>
          %parallel_loop3A_300 = arith.constant 4 : i32
          %parallel_loop3A_301 = arith.index_cast %parallel_loop3A_300 : i32 to index
          %parallel_loop3A_302 = arith.index_cast %parallel_loop3A_268 : i32 to index
          %parallel_loop3A_303 = tpu.vector_load %arg18[%parallel_loop3A_301, %parallel_loop3A_302] {strides = array<i32>} : memref<16x400xf32, #tpu.memory_space<vmem>>, vector<16xf32>,
          %parallel_loop3A_304 = arith.mulf %parallel_loop3A_303, %get3A_31 : vector<16xf32>
          %parallel_loop3A_305 = arith.addf %parallel_loop3A_299, %parallel_loop3A_304 : vector<16xf32>
          %parallel_loop3A_306 = arith.constant 5 : i32
          %parallel_loop3A_307 = arith.index_cast %parallel_loop3A_306 : i32 to index
          %parallel_loop3A_308 = arith.index_cast %parallel_loop3A_268 : i32 to index
          %parallel_loop3A_309 = tpu.vector_load %arg18[%parallel_loop3A_307, %parallel_loop3A_308] {strides = array<i32>} : memref<16x400xf32, #tpu.memory_space<vmem>>, vector<16xf32>,
          %parallel_loop3A_310 = arith.mulf %parallel_loop3A_309, %get3A_35 : vector<16xf32>
          %parallel_loop3A_311 = arith.addf %parallel_loop3A_305, %parallel_loop3A_310 : vector<16xf32>
          %parallel_loop3A_312 = arith.constant 6 : i32
          %parallel_loop3A_313 = arith.index_cast %parallel_loop3A_312 : i32 to index
          %parallel_loop3A_314 = arith.index_cast %parallel_loop3A_268 : i32 to index
          %parallel_loop3A_315 = tpu.vector_load %arg18[%parallel_loop3A_313, %parallel_loop3A_314] {strides = array<i32>} : memref<16x400xf32, #tpu.memory_space<vmem>>, vector<16xf32>,
          %parallel_loop3A_316 = arith.mulf %parallel_loop3A_315, %get3A_39 : vector<16xf32>
          %parallel_loop3A_317 = arith.addf %parallel_loop3A_311, %parallel_loop3A_316 : vector<16xf32>
          %parallel_loop3A_318 = arith.constant 7 : i32
          %parallel_loop3A_319 = arith.index_cast %parallel_loop3A_318 : i32 to index
          %parallel_loop3A_320 = arith.index_cast %parallel_loop3A_268 : i32 to index
          %parallel_loop3A_321 = tpu.vector_load %arg18[%parallel_loop3A_319, %parallel_loop3A_320] {strides = array<i32>} : memref<16x400xf32, #tpu.memory_space<vmem>>, vector<16xf32>,
          %parallel_loop3A_322 = arith.mulf %parallel_loop3A_321, %get3A_43 : vector<16xf32>
          %parallel_loop3A_323 = arith.addf %parallel_loop3A_317, %parallel_loop3A_322 : vector<16xf32>
          %parallel_loop3A_324 = arith.constant 8 : i32
          %parallel_loop3A_325 = arith.index_cast %parallel_loop3A_324 : i32 to index
          %parallel_loop3A_326 = arith.index_cast %parallel_loop3A_268 : i32 to index
          %parallel_loop3A_327 = tpu.vector_load %arg18[%parallel_loop3A_325, %parallel_loop3A_326] {strides = array<i32>} : memref<16x400xf32, #tpu.memory_space<vmem>>, vector<16xf32>,
          %parallel_loop3A_328 = arith.mulf %parallel_loop3A_327, %get3A_47 : vector<16xf32>
          %parallel_loop3A_329 = arith.addf %parallel_loop3A_323, %parallel_loop3A_328 : vector<16xf32>
          %parallel_loop3A_330 = arith.constant 9 : i32
          %parallel_loop3A_331 = arith.index_cast %parallel_loop3A_330 : i32 to index
          %parallel_loop3A_332 = arith.index_cast %parallel_loop3A_268 : i32 to index
          %parallel_loop3A_333 = tpu.vector_load %arg18[%parallel_loop3A_331, %parallel_loop3A_332] {strides = array<i32>} : memref<16x400xf32, #tpu.memory_space<vmem>>, vector<16xf32>,
          %parallel_loop3A_334 = arith.mulf %parallel_loop3A_333, %get3A_51 : vector<16xf32>
          %parallel_loop3A_335 = arith.addf %parallel_loop3A_329, %parallel_loop3A_334 : vector<16xf32>
          %parallel_loop3A_336 = arith.constant 10 : i32
          %parallel_loop3A_337 = arith.index_cast %parallel_loop3A_336 : i32 to index
          %parallel_loop3A_338 = arith.index_cast %parallel_loop3A_268 : i32 to index
          %parallel_loop3A_339 = tpu.vector_load %arg18[%parallel_loop3A_337, %parallel_loop3A_338] {strides = array<i32>} : memref<16x400xf32, #tpu.memory_space<vmem>>, vector<16xf32>,
          %parallel_loop3A_340 = arith.mulf %parallel_loop3A_339, %get3A_55 : vector<16xf32>
          %parallel_loop3A_341 = arith.addf %parallel_loop3A_335, %parallel_loop3A_340 : vector<16xf32>
          %parallel_loop3A_342 = arith.constant 11 : i32
          %parallel_loop3A_343 = arith.index_cast %parallel_loop3A_342 : i32 to index
          %parallel_loop3A_344 = arith.index_cast %parallel_loop3A_268 : i32 to index
          %parallel_loop3A_345 = tpu.vector_load %arg18[%parallel_loop3A_343, %parallel_loop3A_344] {strides = array<i32>} : memref<16x400xf32, #tpu.memory_space<vmem>>, vector<16xf32>,
          %parallel_loop3A_346 = arith.mulf %parallel_loop3A_345, %get3A_59 : vector<16xf32>
          %parallel_loop3A_347 = arith.addf %parallel_loop3A_341, %parallel_loop3A_346 : vector<16xf32>
          %parallel_loop3A_348 = arith.constant 12 : i32
          %parallel_loop3A_349 = arith.index_cast %parallel_loop3A_348 : i32 to index
          %parallel_loop3A_350 = arith.index_cast %parallel_loop3A_268 : i32 to index
          %parallel_loop3A_351 = tpu.vector_load %arg18[%parallel_loop3A_349, %parallel_loop3A_350] {strides = array<i32>} : memref<16x400xf32, #tpu.memory_space<vmem>>, vector<16xf32>,
          %parallel_loop3A_352 = arith.mulf %parallel_loop3A_351, %get3A_63 : vector<16xf32>
          %parallel_loop3A_353 = arith.addf %parallel_loop3A_347, %parallel_loop3A_352 : vector<16xf32>
          %parallel_loop3A_354 = arith.constant 13 : i32
          %parallel_loop3A_355 = arith.index_cast %parallel_loop3A_354 : i32 to index
          %parallel_loop3A_356 = arith.index_cast %parallel_loop3A_268 : i32 to index
          %parallel_loop3A_357 = tpu.vector_load %arg18[%parallel_loop3A_355, %parallel_loop3A_356] {strides = array<i32>} : memref<16x400xf32, #tpu.memory_space<vmem>>, vector<16xf32>,
          %parallel_loop3A_358 = arith.mulf %parallel_loop3A_357, %get3A_67 : vector<16xf32>
          %parallel_loop3A_359 = arith.addf %parallel_loop3A_353, %parallel_loop3A_358 : vector<16xf32>
          %parallel_loop3A_360 = arith.constant 14 : i32
          %parallel_loop3A_361 = arith.index_cast %parallel_loop3A_360 : i32 to index
          %parallel_loop3A_362 = arith.index_cast %parallel_loop3A_268 : i32 to index
          %parallel_loop3A_363 = tpu.vector_load %arg18[%parallel_loop3A_361, %parallel_loop3A_362] {strides = array<i32>} : memref<16x400xf32, #tpu.memory_space<vmem>>, vector<16xf32>,
          %parallel_loop3A_364 = arith.mulf %parallel_loop3A_363, %get3A_71 : vector<16xf32>
          %parallel_loop3A_365 = arith.addf %parallel_loop3A_359, %parallel_loop3A_364 : vector<16xf32>
          %parallel_loop3A_366 = arith.constant 15 : i32
          %parallel_loop3A_367 = arith.index_cast %parallel_loop3A_366 : i32 to index
          %parallel_loop3A_368 = arith.index_cast %parallel_loop3A_268 : i32 to index
          %parallel_loop3A_369 = tpu.vector_load %arg18[%parallel_loop3A_367, %parallel_loop3A_368] {strides = array<i32>} : memref<16x400xf32, #tpu.memory_space<vmem>>, vector<16xf32>,
          %parallel_loop3A_370 = arith.mulf %parallel_loop3A_369, %get3A_75 : vector<16xf32>
          %parallel_loop3A_371 = arith.addf %parallel_loop3A_365, %parallel_loop3A_370 : vector<16xf32>
          %parallel_loop3A_372 = arith.constant 0.000000e+00 : f32
          %parallel_loop3A_373 = vector.broadcast %parallel_loop3A_372 : f32 to vector<16xf32>
          %parallel_loop3A_374 = arith.cmpf oge, %parallel_loop3A_371, %parallel_loop3A_373 : vector<16xf32>
          %parallel_loop3A_375 = arith.constant 0.00999999977 : f32
          %parallel_loop3A_376 = vector.broadcast %parallel_loop3A_375 : f32 to vector<16xf32>
          %parallel_loop3A_377 = arith.mulf %parallel_loop3A_371, %parallel_loop3A_376 : vector<16xf32>
          %parallel_loop3A_378 = arith.select %parallel_loop3A_374, %parallel_loop3A_371, %parallel_loop3A_377 : vector<16xi1>, vector<16xf32>
          %parallel_loop3A_379 = math.exp %parallel_loop3A_378 : vector<16xf32>
          %parallel_loop3A_380 = arith.index_cast %parallel_loop3A_268 : i32 to index
          %parallel_loop3A_381 = tpu.vector_load %arg20[%parallel_loop3A_380] {strides = array<i32>} : memref<400xf32, #tpu.memory_space<vmem>>, vector<16xf32>,
          tpu.vector_store %arg20[%parallel_loop3A_380], %parallel_loop3A_379 {strides = array<i32>} : memref<400xf32, #tpu.memory_space<vmem>>, vector<16xf32>,
        } {sc.loop_unroll_factor = 4 : i64, sc.parallel_access}
        %dma_start3A_247 = arith.constant 0 : i32
        %dma_start3A_248 = tpu.memref_slice %arg27[%dma_start3A_247] : memref<10240xf32, #tpu.memory_space<vmem_shared>> -> memref<10240xf32, #tpu.memory_space<vmem_shared>>
        tpu.enqueue_indirect_dma source(%arg20 : memref<400xf32, #tpu.memory_space<vmem>>) target(%dma_start3A_248 : memref<10240xf32, #tpu.memory_space<vmem_shared>>) offsets(%arg16 : memref<400xi32, #tpu.memory_space<vmem>>) semaphore(%arg37 : memref<!tpu.dma_semaphore, #tpu.memory_space<semaphore_mem>>) {add = true}
        %dma_wait3A_249 = arith.constant 0 : i32
        %dma_wait3A_250 = arith.constant 0 : i32
        %dma_wait3A_251 = tpu.memref_slice %arg9[%dma_wait3A_249, %dma_wait3A_250] : memref<10240x64xf32, #tpu.memory_space<hbm>> -> memref<400x64xf32, #tpu.memory_space<hbm>>
        %dma_wait3A_252 = arith.constant 0 : i32
        %dma_wait3A_253 = arith.constant 0 : i32
        %dma_wait3A_254 = tpu.memref_slice %arg9[%dma_wait3A_252, %dma_wait3A_253] : memref<10240x64xf32, #tpu.memory_space<hbm>> -> memref<400x64xf32, #tpu.memory_space<hbm>>
        tpu.wait_dma2 semaphore(%arg29 : memref<!tpu.dma_semaphore, #tpu.memory_space<semaphore_mem>>) src(%dma_wait3A_254 : memref<400x64xf32, #tpu.memory_space<hbm>>) dst(%arg22 : memref<400x64xf32, #tpu.memory_space<vmem>>)
        %parallel_loop3A_255 = arith.constant 0 : i32
        %parallel_loop3A_256 = arith.constant 400 : i32
        %parallel_loop3A_257 = arith.constant 1 : i32
        scf.for %parallel_loop3A_268 = %parallel_loop3A_255 to %parallel_loop3A_256 step %parallel_loop3A_257  : i32 {
          %parallel_loop3A_269 = vector.broadcast %parallel_loop3A_268 : i32 to vector<16xi32>
          %parallel_loop3A_270 = tpu.vector_load_idx %arg20[%parallel_loop3A_269] : memref<400xf32, #tpu.memory_space<vmem>>[vector<16xi32>], vector<16xf32>,
          %parallel_loop3A_271 = arith.index_cast %parallel_loop3A_268 : i32 to index
          %parallel_loop3A_272 = arith.constant 0 : index
          %parallel_loop3A_273 = tpu.vector_load %arg22[%parallel_loop3A_271, %parallel_loop3A_272] {strides = array<i32>} : memref<400x64xf32, #tpu.memory_space<vmem>>, vector<16xf32>,
          %parallel_loop3A_274 = arith.mulf %parallel_loop3A_273, %parallel_loop3A_270 : vector<16xf32>
          %parallel_loop3A_275 = arith.index_cast %parallel_loop3A_268 : i32 to index
          %parallel_loop3A_276 = arith.constant 0 : index
          %parallel_loop3A_277 = tpu.vector_load %arg22[%parallel_loop3A_275, %parallel_loop3A_276] {strides = array<i32>} : memref<400x64xf32, #tpu.memory_space<vmem>>, vector<16xf32>,
          tpu.vector_store %arg22[%parallel_loop3A_275, %parallel_loop3A_276], %parallel_loop3A_274 {strides = array<i32>} : memref<400x64xf32, #tpu.memory_space<vmem>>, vector<16xf32>,
          %parallel_loop3A_278 = arith.index_cast %parallel_loop3A_268 : i32 to index
          %parallel_loop3A_279 = arith.constant 16 : index
          %parallel_loop3A_280 = tpu.vector_load %arg22[%parallel_loop3A_278, %parallel_loop3A_279] {strides = array<i32>} : memref<400x64xf32, #tpu.memory_space<vmem>>, vector<16xf32>,
          %parallel_loop3A_281 = arith.mulf %parallel_loop3A_280, %parallel_loop3A_270 : vector<16xf32>
          %parallel_loop3A_282 = arith.index_cast %parallel_loop3A_268 : i32 to index
          %parallel_loop3A_283 = arith.constant 16 : index
          %parallel_loop3A_284 = tpu.vector_load %arg22[%parallel_loop3A_282, %parallel_loop3A_283] {strides = array<i32>} : memref<400x64xf32, #tpu.memory_space<vmem>>, vector<16xf32>,
          tpu.vector_store %arg22[%parallel_loop3A_282, %parallel_loop3A_283], %parallel_loop3A_281 {strides = array<i32>} : memref<400x64xf32, #tpu.memory_space<vmem>>, vector<16xf32>,
          %parallel_loop3A_285 = arith.index_cast %parallel_loop3A_268 : i32 to index
          %parallel_loop3A_286 = arith.constant 32 : index
          %parallel_loop3A_287 = tpu.vector_load %arg22[%parallel_loop3A_285, %parallel_loop3A_286] {strides = array<i32>} : memref<400x64xf32, #tpu.memory_space<vmem>>, vector<16xf32>,
          %parallel_loop3A_288 = arith.mulf %parallel_loop3A_287, %parallel_loop3A_270 : vector<16xf32>
          %parallel_loop3A_289 = arith.index_cast %parallel_loop3A_268 : i32 to index
          %parallel_loop3A_290 = arith.constant 32 : index
          %parallel_loop3A_291 = tpu.vector_load %arg22[%parallel_loop3A_289, %parallel_loop3A_290] {strides = array<i32>} : memref<400x64xf32, #tpu.memory_space<vmem>>, vector<16xf32>,
          tpu.vector_store %arg22[%parallel_loop3A_289, %parallel_loop3A_290], %parallel_loop3A_288 {strides = array<i32>} : memref<400x64xf32, #tpu.memory_space<vmem>>, vector<16xf32>,
          %parallel_loop3A_292 = arith.index_cast %parallel_loop3A_268 : i32 to index
          %parallel_loop3A_293 = arith.constant 48 : index
          %parallel_loop3A_294 = tpu.vector_load %arg22[%parallel_loop3A_292, %parallel_loop3A_293] {strides = array<i32>} : memref<400x64xf32, #tpu.memory_space<vmem>>, vector<16xf32>,
          %parallel_loop3A_295 = arith.mulf %parallel_loop3A_294, %parallel_loop3A_270 : vector<16xf32>
          %parallel_loop3A_296 = arith.index_cast %parallel_loop3A_268 : i32 to index
          %parallel_loop3A_297 = arith.constant 48 : index
          %parallel_loop3A_298 = tpu.vector_load %arg22[%parallel_loop3A_296, %parallel_loop3A_297] {strides = array<i32>} : memref<400x64xf32, #tpu.memory_space<vmem>>, vector<16xf32>,
          tpu.vector_store %arg22[%parallel_loop3A_296, %parallel_loop3A_297], %parallel_loop3A_295 {strides = array<i32>} : memref<400x64xf32, #tpu.memory_space<vmem>>, vector<16xf32>,
        } {sc.loop_unroll_factor = 8 : i64, sc.parallel_access}
        %dma_start3A_258 = arith.constant 0 : i32
        %dma_start3A_259 = arith.constant 0 : i32
        %dma_start3A_260 = tpu.memref_slice %arg26[%dma_start3A_258, %dma_start3A_259] : memref<10240x64xf32, #tpu.memory_space<vmem_shared>> -> memref<10240x64xf32, #tpu.memory_space<vmem_shared>>
        tpu.enqueue_indirect_dma source(%arg22 : memref<400x64xf32, #tpu.memory_space<vmem>>) target(%dma_start3A_260 : memref<10240x64xf32, #tpu.memory_space<vmem_shared>>) offsets(%arg16 : memref<400xi32, #tpu.memory_space<vmem>>) semaphore(%arg31 : memref<!tpu.dma_semaphore, #tpu.memory_space<semaphore_mem>>) {add = true}
        %add3A_261 = arith.constant 2 : i32
        %add3A_262 = arith.addi %add3A_237, %add3A_261 : i32
        %lt3A_263 = arith.constant 50 : i32
        %lt3A_264 = arith.cmpi slt, %add3A_262, %lt3A_263 : i32
        %convert_element_type3A_265 = arith.extui %lt3A_264 : i1 to i32
        %cond3A_266 = arith.constant 0 : i32
        %cond3A_267 = arith.cmpi ne, %convert_element_type3A_265, %cond3A_266 : i32
        scf.if %cond3A_267 {
          %dma_wait3A_268 = arith.constant 0 : i32
          %dma_wait3A_269 = arith.constant 0 : i32
          %dma_wait3A_270 = tpu.memref_slice %arg9[%dma_wait3A_268, %dma_wait3A_269] : memref<10240x64xf32, #tpu.memory_space<hbm>> -> memref<400x64xf32, #tpu.memory_space<hbm>>
          %dma_wait3A_271 = arith.constant 0 : i32
          %dma_wait3A_272 = arith.constant 0 : i32
          %dma_wait3A_273 = tpu.memref_slice %arg9[%dma_wait3A_271, %dma_wait3A_272] : memref<10240x64xf32, #tpu.memory_space<hbm>> -> memref<400x64xf32, #tpu.memory_space<hbm>>
          tpu.wait_dma2 semaphore(%arg31 : memref<!tpu.dma_semaphore, #tpu.memory_space<semaphore_mem>>) src(%dma_wait3A_273 : memref<400x64xf32, #tpu.memory_space<hbm>>) dst(%arg22 : memref<400x64xf32, #tpu.memory_space<vmem>>)
          %dma_wait3A_274 = arith.constant 0 : i32
          %dma_wait3A_275 = tpu.memref_slice %arg5[%dma_wait3A_274] : memref<10000xf32, #tpu.memory_space<hbm>> -> memref<400xf32, #tpu.memory_space<hbm>>
          %dma_wait3A_276 = arith.constant 0 : i32
          %dma_wait3A_277 = tpu.memref_slice %arg5[%dma_wait3A_276] : memref<10000xf32, #tpu.memory_space<hbm>> -> memref<400xf32, #tpu.memory_space<hbm>>
          tpu.wait_dma2 semaphore(%arg37 : memref<!tpu.dma_semaphore, #tpu.memory_space<semaphore_mem>>) src(%dma_wait3A_277 : memref<400xf32, #tpu.memory_space<hbm>>) dst(%arg20 : memref<400xf32, #tpu.memory_space<vmem>>)
          %add3A_278 = arith.constant 2 : i32
          %add3A_279 = arith.addi %add3A_237, %add3A_278 : i32
          %mul3A_280 = arith.constant 400 : i32
          %mul3A_281 = arith.muli %add3A_279, %mul3A_280 : i32
          %add3A_282 = arith.addi %mul3A_12, %mul3A_281 : i32
          %dma_start3A_283 = arith.constant 0 : i32
          %dma_start3A_284 = tpu.memref_slice %arg3[%dma_start3A_283, %add3A_282] : memref<2x320000xi32, #tpu.memory_space<hbm>> -> memref<1x400xi32, #tpu.memory_space<hbm>>
          %dma_start3A_285 = tpu.memref_squeeze %dma_start3A_284 : memref<1x400xi32, #tpu.memory_space<hbm>> -> memref<400xi32, #tpu.memory_space<hbm>>
          %dma_start3A_286 = tpu.memref_slice %arg3[%dma_start3A_283, %add3A_282] : memref<2x320000xi32, #tpu.memory_space<hbm>> -> memref<1x400xi32, #tpu.memory_space<hbm>>
          %dma_start3A_287 = tpu.memref_squeeze %dma_start3A_286 : memref<1x400xi32, #tpu.memory_space<hbm>> -> memref<400xi32, #tpu.memory_space<hbm>>
          tpu.enqueue_dma source(%dma_start3A_287 : memref<400xi32, #tpu.memory_space<hbm>>) target(%arg14 : memref<400xi32, #tpu.memory_space<vmem>>) target_semaphore(%arg33 : memref<!tpu.dma_semaphore, #tpu.memory_space<semaphore_mem>>)
          %dma_start3A_288 = arith.constant 1 : i32
          %dma_start3A_289 = tpu.memref_slice %arg3[%dma_start3A_288, %add3A_282] : memref<2x320000xi32, #tpu.memory_space<hbm>> -> memref<1x400xi32, #tpu.memory_space<hbm>>
          %dma_start3A_290 = tpu.memref_squeeze %dma_start3A_289 : memref<1x400xi32, #tpu.memory_space<hbm>> -> memref<400xi32, #tpu.memory_space<hbm>>
          %dma_start3A_291 = tpu.memref_slice %arg3[%dma_start3A_288, %add3A_282] : memref<2x320000xi32, #tpu.memory_space<hbm>> -> memref<1x400xi32, #tpu.memory_space<hbm>>
          %dma_start3A_292 = tpu.memref_squeeze %dma_start3A_291 : memref<1x400xi32, #tpu.memory_space<hbm>> -> memref<400xi32, #tpu.memory_space<hbm>>
          tpu.enqueue_dma source(%dma_start3A_292 : memref<400xi32, #tpu.memory_space<hbm>>) target(%arg16 : memref<400xi32, #tpu.memory_space<vmem>>) target_semaphore(%arg33 : memref<!tpu.dma_semaphore, #tpu.memory_space<semaphore_mem>>)
          %dma_start3A_293 = arith.constant 0 : i32
          %dma_start3A_294 = tpu.memref_slice %arg4[%dma_start3A_293, %add3A_282] : memref<16x320000xf32, #tpu.memory_space<hbm>> -> memref<16x400xf32, #tpu.memory_space<hbm>>
          %dma_start3A_295 = arith.constant 0 : i32
          %dma_start3A_296 = tpu.memref_slice %arg4[%dma_start3A_295, %add3A_282] : memref<16x320000xf32, #tpu.memory_space<hbm>> -> memref<16x400xf32, #tpu.memory_space<hbm>>
          tpu.enqueue_dma source(%dma_start3A_296 : memref<16x400xf32, #tpu.memory_space<hbm>>) target(%arg18 : memref<16x400xf32, #tpu.memory_space<vmem>>) target_semaphore(%arg35 : memref<!tpu.dma_semaphore, #tpu.memory_space<semaphore_mem>>)
          %dma_wait3A_297 = arith.constant 0 : i32
          %dma_wait3A_298 = arith.constant 0 : i32
          %dma_wait3A_299 = tpu.memref_slice %arg3[%dma_wait3A_297, %dma_wait3A_298] : memref<2x320000xi32, #tpu.memory_space<hbm>> -> memref<1x400xi32, #tpu.memory_space<hbm>>
          %dma_wait3A_300 = tpu.memref_squeeze %dma_wait3A_299 : memref<1x400xi32, #tpu.memory_space<hbm>> -> memref<400xi32, #tpu.memory_space<hbm>>
          %dma_wait3A_301 = arith.constant 0 : i32
          %dma_wait3A_302 = tpu.memref_slice %arg3[%dma_wait3A_297, %dma_wait3A_301] : memref<2x320000xi32, #tpu.memory_space<hbm>> -> memref<1x400xi32, #tpu.memory_space<hbm>>
          %dma_wait3A_303 = tpu.memref_squeeze %dma_wait3A_302 : memref<1x400xi32, #tpu.memory_space<hbm>> -> memref<400xi32, #tpu.memory_space<hbm>>
          tpu.wait_dma2 semaphore(%arg33 : memref<!tpu.dma_semaphore, #tpu.memory_space<semaphore_mem>>) src(%dma_wait3A_303 : memref<400xi32, #tpu.memory_space<hbm>>) dst(%arg14 : memref<400xi32, #tpu.memory_space<vmem>>)
          %dma_wait3A_304 = arith.constant 1 : i32
          %dma_wait3A_305 = arith.constant 0 : i32
          %dma_wait3A_306 = tpu.memref_slice %arg3[%dma_wait3A_304, %dma_wait3A_305] : memref<2x320000xi32, #tpu.memory_space<hbm>> -> memref<1x400xi32, #tpu.memory_space<hbm>>
          %dma_wait3A_307 = tpu.memref_squeeze %dma_wait3A_306 : memref<1x400xi32, #tpu.memory_space<hbm>> -> memref<400xi32, #tpu.memory_space<hbm>>
          %dma_wait3A_308 = arith.constant 0 : i32
          %dma_wait3A_309 = tpu.memref_slice %arg3[%dma_wait3A_304, %dma_wait3A_308] : memref<2x320000xi32, #tpu.memory_space<hbm>> -> memref<1x400xi32, #tpu.memory_space<hbm>>
          %dma_wait3A_310 = tpu.memref_squeeze %dma_wait3A_309 : memref<1x400xi32, #tpu.memory_space<hbm>> -> memref<400xi32, #tpu.memory_space<hbm>>
          tpu.wait_dma2 semaphore(%arg33 : memref<!tpu.dma_semaphore, #tpu.memory_space<semaphore_mem>>) src(%dma_wait3A_310 : memref<400xi32, #tpu.memory_space<hbm>>) dst(%arg16 : memref<400xi32, #tpu.memory_space<vmem>>)
          %dma_start3A_311 = arith.constant 0 : i32
          %dma_start3A_312 = arith.constant 0 : i32
          %dma_start3A_313 = tpu.memref_slice %arg9[%dma_start3A_311, %dma_start3A_312] : memref<10240x64xf32, #tpu.memory_space<hbm>> -> memref<10240x64xf32, #tpu.memory_space<hbm>>
          tpu.enqueue_indirect_dma source(%dma_start3A_313 : memref<10240x64xf32, #tpu.memory_space<hbm>>) target(%arg22 : memref<400x64xf32, #tpu.memory_space<vmem>>) offsets(%arg14 : memref<400xi32, #tpu.memory_space<vmem>>) semaphore(%arg29 : memref<!tpu.dma_semaphore, #tpu.memory_space<semaphore_mem>>)
        } else {
        }
      }
      %scan3A_174 = arith.constant 25 : i32
      %dma_wait3A_175 = arith.constant 0 : i32
      %dma_wait3A_176 = arith.constant 0 : i32
      %dma_wait3A_177 = tpu.memref_slice %arg9[%dma_wait3A_175, %dma_wait3A_176] : memref<10240x64xf32, #tpu.memory_space<hbm>> -> memref<400x64xf32, #tpu.memory_space<hbm>>
      %dma_wait3A_178 = arith.constant 0 : i32
      %dma_wait3A_179 = arith.constant 0 : i32
      %dma_wait3A_180 = tpu.memref_slice %arg9[%dma_wait3A_178, %dma_wait3A_179] : memref<10240x64xf32, #tpu.memory_space<hbm>> -> memref<400x64xf32, #tpu.memory_space<hbm>>
      tpu.wait_dma2 semaphore(%arg30 : memref<!tpu.dma_semaphore, #tpu.memory_space<semaphore_mem>>) src(%dma_wait3A_180 : memref<400x64xf32, #tpu.memory_space<hbm>>) dst(%arg21 : memref<400x64xf32, #tpu.memory_space<vmem>>)
      %dma_wait3A_181 = arith.constant 0 : i32
      %dma_wait3A_182 = tpu.memref_slice %arg5[%dma_wait3A_181] : memref<10000xf32, #tpu.memory_space<hbm>> -> memref<400xf32, #tpu.memory_space<hbm>>
      %dma_wait3A_183 = arith.constant 0 : i32
      %dma_wait3A_184 = tpu.memref_slice %arg5[%dma_wait3A_183] : memref<10000xf32, #tpu.memory_space<hbm>> -> memref<400xf32, #tpu.memory_space<hbm>>
      tpu.wait_dma2 semaphore(%arg36 : memref<!tpu.dma_semaphore, #tpu.memory_space<semaphore_mem>>) src(%dma_wait3A_184 : memref<400xf32, #tpu.memory_space<hbm>>) dst(%arg19 : memref<400xf32, #tpu.memory_space<vmem>>)
      %dma_wait3A_185 = arith.constant 0 : i32
      %dma_wait3A_186 = arith.constant 0 : i32
      %dma_wait3A_187 = tpu.memref_slice %arg9[%dma_wait3A_185, %dma_wait3A_186] : memref<10240x64xf32, #tpu.memory_space<hbm>> -> memref<400x64xf32, #tpu.memory_space<hbm>>
      %dma_wait3A_188 = arith.constant 0 : i32
      %dma_wait3A_189 = arith.constant 0 : i32
      %dma_wait3A_190 = tpu.memref_slice %arg9[%dma_wait3A_188, %dma_wait3A_189] : memref<10240x64xf32, #tpu.memory_space<hbm>> -> memref<400x64xf32, #tpu.memory_space<hbm>>
      tpu.wait_dma2 semaphore(%arg31 : memref<!tpu.dma_semaphore, #tpu.memory_space<semaphore_mem>>) src(%dma_wait3A_190 : memref<400x64xf32, #tpu.memory_space<hbm>>) dst(%arg22 : memref<400x64xf32, #tpu.memory_space<vmem>>)
      %dma_wait3A_191 = arith.constant 0 : i32
      %dma_wait3A_192 = tpu.memref_slice %arg5[%dma_wait3A_191] : memref<10000xf32, #tpu.memory_space<hbm>> -> memref<400xf32, #tpu.memory_space<hbm>>
      %dma_wait3A_193 = arith.constant 0 : i32
      %dma_wait3A_194 = tpu.memref_slice %arg5[%dma_wait3A_193] : memref<10000xf32, #tpu.memory_space<hbm>> -> memref<400xf32, #tpu.memory_space<hbm>>
      tpu.wait_dma2 semaphore(%arg37 : memref<!tpu.dma_semaphore, #tpu.memory_space<semaphore_mem>>) src(%dma_wait3A_194 : memref<400xf32, #tpu.memory_space<hbm>>) dst(%arg20 : memref<400xf32, #tpu.memory_space<vmem>>)
    } else {
    }
    %barrier3A_83 = arith.constant 0 : index
    tpu.barrier barrier_id(%barrier3A_83)
    %get3A_84 = arith.constant 0 : index
    %get3A_85 = tpu.vector_load %arg25[%get3A_84] {strides = array<i32>} : memref<64xf32, #tpu.memory_space<vmem>>, vector<16xf32>,
    %get3A_86 = arith.constant 16 : index
    %get3A_87 = tpu.vector_load %arg25[%get3A_86] {strides = array<i32>} : memref<64xf32, #tpu.memory_space<vmem>>, vector<16xf32>,
    %get3A_88 = arith.constant 32 : index
    %get3A_89 = tpu.vector_load %arg25[%get3A_88] {strides = array<i32>} : memref<64xf32, #tpu.memory_space<vmem>>, vector<16xf32>,
    %get3A_90 = arith.constant 48 : index
    %get3A_91 = tpu.vector_load %arg25[%get3A_90] {strides = array<i32>} : memref<64xf32, #tpu.memory_space<vmem>>, vector<16xf32>,
    %add3A_92 = arith.constant 0 : i32
    %add3A_93 = arith.addi %mul3A_9, %add3A_92 : i32
    "tpu.region"() ({
      %run_scoped3A = tpu.sem_alloc : memref<!tpu.dma_semaphore, #tpu.memory_space<semaphore_mem>>
      %dma_start3A = arith.constant 0 : i32
      %dma_start3A_106 = arith.constant 0 : i32
      %dma_start3A_107 = tpu.memref_slice %arg21[%dma_start3A, %dma_start3A_106] : memref<400x64xf32, #tpu.memory_space<vmem>> -> memref<400x64xf32, #tpu.memory_space<vmem>>
      %dma_start3A_108 = arith.constant 0 : i32
      %dma_start3A_109 = tpu.memref_slice %arg26[%add3A_93, %dma_start3A_108] : memref<10240x64xf32, #tpu.memory_space<vmem_shared>> -> memref<400x64xf32, #tpu.memory_space<vmem_shared>>
      %dma_start3A_110 = arith.constant 0 : i32
      %dma_start3A_111 = arith.constant 0 : i32
      %dma_start3A_112 = tpu.memref_slice %arg21[%dma_start3A_110, %dma_start3A_111] : memref<400x64xf32, #tpu.memory_space<vmem>> -> memref<400x64xf32, #tpu.memory_space<vmem>>
      %dma_start3A_113 = arith.constant 0 : i32
      %dma_start3A_114 = tpu.memref_slice %arg26[%add3A_93, %dma_start3A_113] : memref<10240x64xf32, #tpu.memory_space<vmem_shared>> -> memref<400x64xf32, #tpu.memory_space<vmem_shared>>
      tpu.enqueue_dma source(%dma_start3A_114 : memref<400x64xf32, #tpu.memory_space<vmem_shared>>) target(%dma_start3A_112 : memref<400x64xf32, #tpu.memory_space<vmem>>) target_semaphore(%run_scoped3A : memref<!tpu.dma_semaphore, #tpu.memory_space<semaphore_mem>>)
      %dma_wait3A = arith.constant 0 : i32
      %dma_wait3A_115 = arith.constant 0 : i32
      %dma_wait3A_116 = tpu.memref_slice %arg21[%dma_wait3A, %dma_wait3A_115] : memref<400x64xf32, #tpu.memory_space<vmem>> -> memref<400x64xf32, #tpu.memory_space<vmem>>
      %dma_wait3A_117 = arith.constant 0 : i32
      %dma_wait3A_118 = tpu.memref_slice %arg26[%add3A_93, %dma_wait3A_117] : memref<10240x64xf32, #tpu.memory_space<vmem_shared>> -> memref<400x64xf32, #tpu.memory_space<vmem_shared>>
      %dma_wait3A_119 = arith.constant 0 : i32
      %dma_wait3A_120 = arith.constant 0 : i32
      %dma_wait3A_121 = tpu.memref_slice %arg21[%dma_wait3A_119, %dma_wait3A_120] : memref<400x64xf32, #tpu.memory_space<vmem>> -> memref<400x64xf32, #tpu.memory_space<vmem>>
      %dma_wait3A_122 = arith.constant 0 : i32
      %dma_wait3A_123 = tpu.memref_slice %arg26[%add3A_93, %dma_wait3A_122] : memref<10240x64xf32, #tpu.memory_space<vmem_shared>> -> memref<400x64xf32, #tpu.memory_space<vmem_shared>>
      tpu.wait_dma2 semaphore(%run_scoped3A : memref<!tpu.dma_semaphore, #tpu.memory_space<semaphore_mem>>) src(%dma_wait3A_123 : memref<400x64xf32, #tpu.memory_space<vmem_shared>>) dst(%dma_wait3A_121 : memref<400x64xf32, #tpu.memory_space<vmem>>)
      tpu.yield
    }) : () -> ()
    %add3A_94 = arith.constant 0 : i32
    %add3A_95 = arith.addi %mul3A_9, %add3A_94 : i32
    "tpu.region"() ({
      %run_scoped3A = tpu.sem_alloc : memref<!tpu.dma_semaphore, #tpu.memory_space<semaphore_mem>>
      %dma_start3A = arith.constant 0 : i32
      %dma_start3A_106 = tpu.memref_slice %arg19[%dma_start3A] : memref<400xf32, #tpu.memory_space<vmem>> -> memref<400xf32, #tpu.memory_space<vmem>>
      %dma_start3A_107 = tpu.memref_slice %arg27[%add3A_95] : memref<10240xf32, #tpu.memory_space<vmem_shared>> -> memref<400xf32, #tpu.memory_space<vmem_shared>>
      %dma_start3A_108 = arith.constant 0 : i32
      %dma_start3A_109 = tpu.memref_slice %arg19[%dma_start3A_108] : memref<400xf32, #tpu.memory_space<vmem>> -> memref<400xf32, #tpu.memory_space<vmem>>
      %dma_start3A_110 = tpu.memref_slice %arg27[%add3A_95] : memref<10240xf32, #tpu.memory_space<vmem_shared>> -> memref<400xf32, #tpu.memory_space<vmem_shared>>
      tpu.enqueue_dma source(%dma_start3A_110 : memref<400xf32, #tpu.memory_space<vmem_shared>>) target(%dma_start3A_109 : memref<400xf32, #tpu.memory_space<vmem>>) target_semaphore(%run_scoped3A : memref<!tpu.dma_semaphore, #tpu.memory_space<semaphore_mem>>)
      %dma_wait3A = arith.constant 0 : i32
      %dma_wait3A_111 = tpu.memref_slice %arg19[%dma_wait3A] : memref<400xf32, #tpu.memory_space<vmem>> -> memref<400xf32, #tpu.memory_space<vmem>>
      %dma_wait3A_112 = tpu.memref_slice %arg27[%add3A_95] : memref<10240xf32, #tpu.memory_space<vmem_shared>> -> memref<400xf32, #tpu.memory_space<vmem_shared>>
      %dma_wait3A_113 = arith.constant 0 : i32
      %dma_wait3A_114 = tpu.memref_slice %arg19[%dma_wait3A_113] : memref<400xf32, #tpu.memory_space<vmem>> -> memref<400xf32, #tpu.memory_space<vmem>>
      %dma_wait3A_115 = tpu.memref_slice %arg27[%add3A_95] : memref<10240xf32, #tpu.memory_space<vmem_shared>> -> memref<400xf32, #tpu.memory_space<vmem_shared>>
      tpu.wait_dma2 semaphore(%run_scoped3A : memref<!tpu.dma_semaphore, #tpu.memory_space<semaphore_mem>>) src(%dma_wait3A_115 : memref<400xf32, #tpu.memory_space<vmem_shared>>) dst(%dma_wait3A_114 : memref<400xf32, #tpu.memory_space<vmem>>)
      tpu.yield
    }) : () -> ()
    %parallel_loop3A = arith.constant 0 : i32
    %parallel_loop3A_96 = arith.constant 400 : i32
    %parallel_loop3A_97 = arith.constant 1 : i32
    scf.for %parallel_loop3A_106 = %parallel_loop3A to %parallel_loop3A_96 step %parallel_loop3A_97  : i32 {
      %parallel_loop3A_107 = vector.broadcast %parallel_loop3A_106 : i32 to vector<16xi32>
      %parallel_loop3A_108 = tpu.vector_load_idx %arg19[%parallel_loop3A_107] : memref<400xf32, #tpu.memory_space<vmem>>[vector<16xi32>], vector<16xf32>,
      %parallel_loop3A_109 = arith.constant 0.000000e+00 : f32
      %parallel_loop3A_110 = vector.broadcast %parallel_loop3A_109 : f32 to vector<16xf32>
      %parallel_loop3A_111 = arith.cmpf oeq, %parallel_loop3A_108, %parallel_loop3A_110 : vector<16xf32>
      %parallel_loop3A_112 = arith.constant 1.000000e+00 : f32
      %parallel_loop3A_113 = vector.broadcast %parallel_loop3A_112 : f32 to vector<16xf32>
      %parallel_loop3A_114 = arith.select %parallel_loop3A_111, %parallel_loop3A_113, %parallel_loop3A_108 : vector<16xi1>, vector<16xf32>
      %parallel_loop3A_115 = arith.constant 1.000000e+00 : f32
      %parallel_loop3A_116 = vector.broadcast %parallel_loop3A_115 : f32 to vector<16xf32>
      %parallel_loop3A_117 = arith.divf %parallel_loop3A_116, %parallel_loop3A_114 : vector<16xf32>
      %parallel_loop3A_118 = arith.index_cast %parallel_loop3A_106 : i32 to index
      %parallel_loop3A_119 = arith.constant 0 : index
      %parallel_loop3A_120 = tpu.vector_load %arg21[%parallel_loop3A_118, %parallel_loop3A_119] {strides = array<i32>} : memref<400x64xf32, #tpu.memory_space<vmem>>, vector<16xf32>,
      %parallel_loop3A_121 = arith.mulf %parallel_loop3A_120, %parallel_loop3A_117 : vector<16xf32>
      %parallel_loop3A_122 = arith.addf %parallel_loop3A_121, %get3A_85 : vector<16xf32>
      %parallel_loop3A_123 = arith.index_cast %parallel_loop3A_106 : i32 to index
      %parallel_loop3A_124 = arith.constant 0 : index
      %parallel_loop3A_125 = tpu.vector_load %arg21[%parallel_loop3A_123, %parallel_loop3A_124] {strides = array<i32>} : memref<400x64xf32, #tpu.memory_space<vmem>>, vector<16xf32>,
      tpu.vector_store %arg21[%parallel_loop3A_123, %parallel_loop3A_124], %parallel_loop3A_122 {strides = array<i32>} : memref<400x64xf32, #tpu.memory_space<vmem>>, vector<16xf32>,
      %parallel_loop3A_126 = arith.index_cast %parallel_loop3A_106 : i32 to index
      %parallel_loop3A_127 = arith.constant 16 : index
      %parallel_loop3A_128 = tpu.vector_load %arg21[%parallel_loop3A_126, %parallel_loop3A_127] {strides = array<i32>} : memref<400x64xf32, #tpu.memory_space<vmem>>, vector<16xf32>,
      %parallel_loop3A_129 = arith.mulf %parallel_loop3A_128, %parallel_loop3A_117 : vector<16xf32>
      %parallel_loop3A_130 = arith.addf %parallel_loop3A_129, %get3A_87 : vector<16xf32>
      %parallel_loop3A_131 = arith.index_cast %parallel_loop3A_106 : i32 to index
      %parallel_loop3A_132 = arith.constant 16 : index
      %parallel_loop3A_133 = tpu.vector_load %arg21[%parallel_loop3A_131, %parallel_loop3A_132] {strides = array<i32>} : memref<400x64xf32, #tpu.memory_space<vmem>>, vector<16xf32>,
      tpu.vector_store %arg21[%parallel_loop3A_131, %parallel_loop3A_132], %parallel_loop3A_130 {strides = array<i32>} : memref<400x64xf32, #tpu.memory_space<vmem>>, vector<16xf32>,
      %parallel_loop3A_134 = arith.index_cast %parallel_loop3A_106 : i32 to index
      %parallel_loop3A_135 = arith.constant 32 : index
      %parallel_loop3A_136 = tpu.vector_load %arg21[%parallel_loop3A_134, %parallel_loop3A_135] {strides = array<i32>} : memref<400x64xf32, #tpu.memory_space<vmem>>, vector<16xf32>,
      %parallel_loop3A_137 = arith.mulf %parallel_loop3A_136, %parallel_loop3A_117 : vector<16xf32>
      %parallel_loop3A_138 = arith.addf %parallel_loop3A_137, %get3A_89 : vector<16xf32>
      %parallel_loop3A_139 = arith.index_cast %parallel_loop3A_106 : i32 to index
      %parallel_loop3A_140 = arith.constant 32 : index
      %parallel_loop3A_141 = tpu.vector_load %arg21[%parallel_loop3A_139, %parallel_loop3A_140] {strides = array<i32>} : memref<400x64xf32, #tpu.memory_space<vmem>>, vector<16xf32>,
      tpu.vector_store %arg21[%parallel_loop3A_139, %parallel_loop3A_140], %parallel_loop3A_138 {strides = array<i32>} : memref<400x64xf32, #tpu.memory_space<vmem>>, vector<16xf32>,
      %parallel_loop3A_142 = arith.index_cast %parallel_loop3A_106 : i32 to index
      %parallel_loop3A_143 = arith.constant 48 : index
      %parallel_loop3A_144 = tpu.vector_load %arg21[%parallel_loop3A_142, %parallel_loop3A_143] {strides = array<i32>} : memref<400x64xf32, #tpu.memory_space<vmem>>, vector<16xf32>,
      %parallel_loop3A_145 = arith.mulf %parallel_loop3A_144, %parallel_loop3A_117 : vector<16xf32>
      %parallel_loop3A_146 = arith.addf %parallel_loop3A_145, %get3A_91 : vector<16xf32>
      %parallel_loop3A_147 = arith.index_cast %parallel_loop3A_106 : i32 to index
      %parallel_loop3A_148 = arith.constant 48 : index
      %parallel_loop3A_149 = tpu.vector_load %arg21[%parallel_loop3A_147, %parallel_loop3A_148] {strides = array<i32>} : memref<400x64xf32, #tpu.memory_space<vmem>>, vector<16xf32>,
      tpu.vector_store %arg21[%parallel_loop3A_147, %parallel_loop3A_148], %parallel_loop3A_146 {strides = array<i32>} : memref<400x64xf32, #tpu.memory_space<vmem>>, vector<16xf32>,
    } {sc.loop_unroll_factor = 4 : i64, sc.parallel_access}
    %add3A_98 = arith.constant 0 : i32
    %add3A_99 = arith.addi %mul3A_9, %add3A_98 : i32
    %mul3A_100 = arith.constant 64 : i32
    %mul3A_101 = arith.muli %arg0, %mul3A_100 : i32
    "tpu.region"() ({
      %run_scoped3A = tpu.sem_alloc : memref<!tpu.dma_semaphore, #tpu.memory_space<semaphore_mem>>
      %dma_start3A = arith.constant 0 : i32
      %dma_start3A_106 = arith.constant 0 : i32
      %dma_start3A_107 = tpu.memref_slice %arg21[%dma_start3A, %dma_start3A_106] : memref<400x64xf32, #tpu.memory_space<vmem>> -> memref<400x64xf32, #tpu.memory_space<vmem>>
      %dma_start3A_108 = tpu.memref_slice %arg10[%add3A_99, %mul3A_101] : memref<10000x128xf32, #tpu.memory_space<hbm>> -> memref<400x64xf32, #tpu.memory_space<hbm>>
      %dma_start3A_109 = tpu.memref_slice %arg10[%add3A_99, %mul3A_101] : memref<10000x128xf32, #tpu.memory_space<hbm>> -> memref<400x64xf32, #tpu.memory_space<hbm>>
      %dma_start3A_110 = arith.constant 0 : i32
      %dma_start3A_111 = arith.constant 0 : i32
      %dma_start3A_112 = tpu.memref_slice %arg21[%dma_start3A_110, %dma_start3A_111] : memref<400x64xf32, #tpu.memory_space<vmem>> -> memref<400x64xf32, #tpu.memory_space<vmem>>
      tpu.enqueue_dma source(%dma_start3A_112 : memref<400x64xf32, #tpu.memory_space<vmem>>) target(%dma_start3A_109 : memref<400x64xf32, #tpu.memory_space<hbm>>) target_semaphore(%run_scoped3A : memref<!tpu.dma_semaphore, #tpu.memory_space<semaphore_mem>>)
      %dma_wait3A = arith.constant 0 : i32
      %dma_wait3A_113 = arith.constant 0 : i32
      %dma_wait3A_114 = tpu.memref_slice %arg21[%dma_wait3A, %dma_wait3A_113] : memref<400x64xf32, #tpu.memory_space<vmem>> -> memref<400x64xf32, #tpu.memory_space<vmem>>
      %dma_wait3A_115 = tpu.memref_slice %arg10[%add3A_99, %mul3A_101] : memref<10000x128xf32, #tpu.memory_space<hbm>> -> memref<400x64xf32, #tpu.memory_space<hbm>>
      %dma_wait3A_116 = tpu.memref_slice %arg10[%add3A_99, %mul3A_101] : memref<10000x128xf32, #tpu.memory_space<hbm>> -> memref<400x64xf32, #tpu.memory_space<hbm>>
      %dma_wait3A_117 = arith.constant 0 : i32
      %dma_wait3A_118 = arith.constant 0 : i32
      %dma_wait3A_119 = tpu.memref_slice %arg21[%dma_wait3A_117, %dma_wait3A_118] : memref<400x64xf32, #tpu.memory_space<vmem>> -> memref<400x64xf32, #tpu.memory_space<vmem>>
      tpu.wait_dma2 semaphore(%run_scoped3A : memref<!tpu.dma_semaphore, #tpu.memory_space<semaphore_mem>>) src(%dma_wait3A_119 : memref<400x64xf32, #tpu.memory_space<vmem>>) dst(%dma_wait3A_116 : memref<400x64xf32, #tpu.memory_space<hbm>>)
      tpu.yield
    }) : () -> ()
    %lt3A = arith.constant 15 : i32
    %lt3A_102 = arith.cmpi slt, %arg1, %lt3A : i32
    %convert_element_type3A_103 = arith.extui %lt3A_102 : i1 to i32
    %cond3A_104 = arith.constant 0 : i32
    %cond3A_105 = arith.cmpi ne, %convert_element_type3A_103, %cond3A_104 : i32
    scf.if %cond3A_105 {
      %add3A_106 = arith.constant 400 : i32
      %add3A_107 = arith.addi %mul3A_9, %add3A_106 : i32
      "tpu.region"() ({
        %run_scoped3A = tpu.sem_alloc : memref<!tpu.dma_semaphore, #tpu.memory_space<semaphore_mem>>
        %dma_start3A = arith.constant 0 : i32
        %dma_start3A_117 = arith.constant 0 : i32
        %dma_start3A_118 = tpu.memref_slice %arg21[%dma_start3A, %dma_start3A_117] : memref<400x64xf32, #tpu.memory_space<vmem>> -> memref<240x64xf32, #tpu.memory_space<vmem>>
        %dma_start3A_119 = arith.constant 0 : i32
        %dma_start3A_120 = tpu.memref_slice %arg26[%add3A_107, %dma_start3A_119] : memref<10240x64xf32, #tpu.memory_space<vmem_shared>> -> memref<240x64xf32, #tpu.memory_space<vmem_shared>>
        %dma_start3A_121 = arith.constant 0 : i32
        %dma_start3A_122 = arith.constant 0 : i32
        %dma_start3A_123 = tpu.memref_slice %arg21[%dma_start3A_121, %dma_start3A_122] : memref<400x64xf32, #tpu.memory_space<vmem>> -> memref<240x64xf32, #tpu.memory_space<vmem>>
        %dma_start3A_124 = arith.constant 0 : i32
        %dma_start3A_125 = tpu.memref_slice %arg26[%add3A_107, %dma_start3A_124] : memref<10240x64xf32, #tpu.memory_space<vmem_shared>> -> memref<240x64xf32, #tpu.memory_space<vmem_shared>>
        tpu.enqueue_dma source(%dma_start3A_125 : memref<240x64xf32, #tpu.memory_space<vmem_shared>>) target(%dma_start3A_123 : memref<240x64xf32, #tpu.memory_space<vmem>>) target_semaphore(%run_scoped3A : memref<!tpu.dma_semaphore, #tpu.memory_space<semaphore_mem>>)
        %dma_wait3A = arith.constant 0 : i32
        %dma_wait3A_126 = arith.constant 0 : i32
        %dma_wait3A_127 = tpu.memref_slice %arg21[%dma_wait3A, %dma_wait3A_126] : memref<400x64xf32, #tpu.memory_space<vmem>> -> memref<240x64xf32, #tpu.memory_space<vmem>>
        %dma_wait3A_128 = arith.constant 0 : i32
        %dma_wait3A_129 = tpu.memref_slice %arg26[%add3A_107, %dma_wait3A_128] : memref<10240x64xf32, #tpu.memory_space<vmem_shared>> -> memref<240x64xf32, #tpu.memory_space<vmem_shared>>
        %dma_wait3A_130 = arith.constant 0 : i32
        %dma_wait3A_131 = arith.constant 0 : i32
        %dma_wait3A_132 = tpu.memref_slice %arg21[%dma_wait3A_130, %dma_wait3A_131] : memref<400x64xf32, #tpu.memory_space<vmem>> -> memref<240x64xf32, #tpu.memory_space<vmem>>
        %dma_wait3A_133 = arith.constant 0 : i32
        %dma_wait3A_134 = tpu.memref_slice %arg26[%add3A_107, %dma_wait3A_133] : memref<10240x64xf32, #tpu.memory_space<vmem_shared>> -> memref<240x64xf32, #tpu.memory_space<vmem_shared>>
        tpu.wait_dma2 semaphore(%run_scoped3A : memref<!tpu.dma_semaphore, #tpu.memory_space<semaphore_mem>>) src(%dma_wait3A_134 : memref<240x64xf32, #tpu.memory_space<vmem_shared>>) dst(%dma_wait3A_132 : memref<240x64xf32, #tpu.memory_space<vmem>>)
        tpu.yield
      }) : () -> ()
      %add3A_108 = arith.constant 400 : i32
      %add3A_109 = arith.addi %mul3A_9, %add3A_108 : i32
      "tpu.region"() ({
        %run_scoped3A = tpu.sem_alloc : memref<!tpu.dma_semaphore, #tpu.memory_space<semaphore_mem>>
        %dma_start3A = arith.constant 0 : i32
        %dma_start3A_117 = tpu.memref_slice %arg19[%dma_start3A] : memref<400xf32, #tpu.memory_space<vmem>> -> memref<240xf32, #tpu.memory_space<vmem>>
        %dma_start3A_118 = tpu.memref_slice %arg27[%add3A_109] : memref<10240xf32, #tpu.memory_space<vmem_shared>> -> memref<240xf32, #tpu.memory_space<vmem_shared>>
        %dma_start3A_119 = arith.constant 0 : i32
        %dma_start3A_120 = tpu.memref_slice %arg19[%dma_start3A_119] : memref<400xf32, #tpu.memory_space<vmem>> -> memref<240xf32, #tpu.memory_space<vmem>>
        %dma_start3A_121 = tpu.memref_slice %arg27[%add3A_109] : memref<10240xf32, #tpu.memory_space<vmem_shared>> -> memref<240xf32, #tpu.memory_space<vmem_shared>>
        tpu.enqueue_dma source(%dma_start3A_121 : memref<240xf32, #tpu.memory_space<vmem_shared>>) target(%dma_start3A_120 : memref<240xf32, #tpu.memory_space<vmem>>) target_semaphore(%run_scoped3A : memref<!tpu.dma_semaphore, #tpu.memory_space<semaphore_mem>>)
        %dma_wait3A = arith.constant 0 : i32
        %dma_wait3A_122 = tpu.memref_slice %arg19[%dma_wait3A] : memref<400xf32, #tpu.memory_space<vmem>> -> memref<240xf32, #tpu.memory_space<vmem>>
        %dma_wait3A_123 = tpu.memref_slice %arg27[%add3A_109] : memref<10240xf32, #tpu.memory_space<vmem_shared>> -> memref<240xf32, #tpu.memory_space<vmem_shared>>
        %dma_wait3A_124 = arith.constant 0 : i32
        %dma_wait3A_125 = tpu.memref_slice %arg19[%dma_wait3A_124] : memref<400xf32, #tpu.memory_space<vmem>> -> memref<240xf32, #tpu.memory_space<vmem>>
        %dma_wait3A_126 = tpu.memref_slice %arg27[%add3A_109] : memref<10240xf32, #tpu.memory_space<vmem_shared>> -> memref<240xf32, #tpu.memory_space<vmem_shared>>
        tpu.wait_dma2 semaphore(%run_scoped3A : memref<!tpu.dma_semaphore, #tpu.memory_space<semaphore_mem>>) src(%dma_wait3A_126 : memref<240xf32, #tpu.memory_space<vmem_shared>>) dst(%dma_wait3A_125 : memref<240xf32, #tpu.memory_space<vmem>>)
        tpu.yield
      }) : () -> ()
      %parallel_loop3A_110 = arith.constant 0 : i32
      %parallel_loop3A_111 = arith.constant 240 : i32
      %parallel_loop3A_112 = arith.constant 1 : i32
      scf.for %parallel_loop3A_117 = %parallel_loop3A_110 to %parallel_loop3A_111 step %parallel_loop3A_112  : i32 {
        %parallel_loop3A_118 = vector.broadcast %parallel_loop3A_117 : i32 to vector<16xi32>
        %parallel_loop3A_119 = tpu.vector_load_idx %arg19[%parallel_loop3A_118] : memref<400xf32, #tpu.memory_space<vmem>>[vector<16xi32>], vector<16xf32>,
        %parallel_loop3A_120 = arith.constant 0.000000e+00 : f32
        %parallel_loop3A_121 = vector.broadcast %parallel_loop3A_120 : f32 to vector<16xf32>
        %parallel_loop3A_122 = arith.cmpf oeq, %parallel_loop3A_119, %parallel_loop3A_121 : vector<16xf32>
        %parallel_loop3A_123 = arith.constant 1.000000e+00 : f32
        %parallel_loop3A_124 = vector.broadcast %parallel_loop3A_123 : f32 to vector<16xf32>
        %parallel_loop3A_125 = arith.select %parallel_loop3A_122, %parallel_loop3A_124, %parallel_loop3A_119 : vector<16xi1>, vector<16xf32>
        %parallel_loop3A_126 = arith.constant 1.000000e+00 : f32
        %parallel_loop3A_127 = vector.broadcast %parallel_loop3A_126 : f32 to vector<16xf32>
        %parallel_loop3A_128 = arith.divf %parallel_loop3A_127, %parallel_loop3A_125 : vector<16xf32>
        %parallel_loop3A_129 = arith.index_cast %parallel_loop3A_117 : i32 to index
        %parallel_loop3A_130 = arith.constant 0 : index
        %parallel_loop3A_131 = tpu.vector_load %arg21[%parallel_loop3A_129, %parallel_loop3A_130] {strides = array<i32>} : memref<400x64xf32, #tpu.memory_space<vmem>>, vector<16xf32>,
        %parallel_loop3A_132 = arith.mulf %parallel_loop3A_131, %parallel_loop3A_128 : vector<16xf32>
        %parallel_loop3A_133 = arith.addf %parallel_loop3A_132, %get3A_85 : vector<16xf32>
        %parallel_loop3A_134 = arith.index_cast %parallel_loop3A_117 : i32 to index
        %parallel_loop3A_135 = arith.constant 0 : index
        %parallel_loop3A_136 = tpu.vector_load %arg21[%parallel_loop3A_134, %parallel_loop3A_135] {strides = array<i32>} : memref<400x64xf32, #tpu.memory_space<vmem>>, vector<16xf32>,
        tpu.vector_store %arg21[%parallel_loop3A_134, %parallel_loop3A_135], %parallel_loop3A_133 {strides = array<i32>} : memref<400x64xf32, #tpu.memory_space<vmem>>, vector<16xf32>,
        %parallel_loop3A_137 = arith.index_cast %parallel_loop3A_117 : i32 to index
        %parallel_loop3A_138 = arith.constant 16 : index
        %parallel_loop3A_139 = tpu.vector_load %arg21[%parallel_loop3A_137, %parallel_loop3A_138] {strides = array<i32>} : memref<400x64xf32, #tpu.memory_space<vmem>>, vector<16xf32>,
        %parallel_loop3A_140 = arith.mulf %parallel_loop3A_139, %parallel_loop3A_128 : vector<16xf32>
        %parallel_loop3A_141 = arith.addf %parallel_loop3A_140, %get3A_87 : vector<16xf32>
        %parallel_loop3A_142 = arith.index_cast %parallel_loop3A_117 : i32 to index
        %parallel_loop3A_143 = arith.constant 16 : index
        %parallel_loop3A_144 = tpu.vector_load %arg21[%parallel_loop3A_142, %parallel_loop3A_143] {strides = array<i32>} : memref<400x64xf32, #tpu.memory_space<vmem>>, vector<16xf32>,
        tpu.vector_store %arg21[%parallel_loop3A_142, %parallel_loop3A_143], %parallel_loop3A_141 {strides = array<i32>} : memref<400x64xf32, #tpu.memory_space<vmem>>, vector<16xf32>,
        %parallel_loop3A_145 = arith.index_cast %parallel_loop3A_117 : i32 to index
        %parallel_loop3A_146 = arith.constant 32 : index
        %parallel_loop3A_147 = tpu.vector_load %arg21[%parallel_loop3A_145, %parallel_loop3A_146] {strides = array<i32>} : memref<400x64xf32, #tpu.memory_space<vmem>>, vector<16xf32>,
        %parallel_loop3A_148 = arith.mulf %parallel_loop3A_147, %parallel_loop3A_128 : vector<16xf32>
        %parallel_loop3A_149 = arith.addf %parallel_loop3A_148, %get3A_89 : vector<16xf32>
        %parallel_loop3A_150 = arith.index_cast %parallel_loop3A_117 : i32 to index
        %parallel_loop3A_151 = arith.constant 32 : index
        %parallel_loop3A_152 = tpu.vector_load %arg21[%parallel_loop3A_150, %parallel_loop3A_151] {strides = array<i32>} : memref<400x64xf32, #tpu.memory_space<vmem>>, vector<16xf32>,
        tpu.vector_store %arg21[%parallel_loop3A_150, %parallel_loop3A_151], %parallel_loop3A_149 {strides = array<i32>} : memref<400x64xf32, #tpu.memory_space<vmem>>, vector<16xf32>,
        %parallel_loop3A_153 = arith.index_cast %parallel_loop3A_117 : i32 to index
        %parallel_loop3A_154 = arith.constant 48 : index
        %parallel_loop3A_155 = tpu.vector_load %arg21[%parallel_loop3A_153, %parallel_loop3A_154] {strides = array<i32>} : memref<400x64xf32, #tpu.memory_space<vmem>>, vector<16xf32>,
        %parallel_loop3A_156 = arith.mulf %parallel_loop3A_155, %parallel_loop3A_128 : vector<16xf32>
        %parallel_loop3A_157 = arith.addf %parallel_loop3A_156, %get3A_91 : vector<16xf32>
        %parallel_loop3A_158 = arith.index_cast %parallel_loop3A_117 : i32 to index
        %parallel_loop3A_159 = arith.constant 48 : index
        %parallel_loop3A_160 = tpu.vector_load %arg21[%parallel_loop3A_158, %parallel_loop3A_159] {strides = array<i32>} : memref<400x64xf32, #tpu.memory_space<vmem>>, vector<16xf32>,
        tpu.vector_store %arg21[%parallel_loop3A_158, %parallel_loop3A_159], %parallel_loop3A_157 {strides = array<i32>} : memref<400x64xf32, #tpu.memory_space<vmem>>, vector<16xf32>,
      } {sc.loop_unroll_factor = 4 : i64, sc.parallel_access}
      %add3A_113 = arith.constant 400 : i32
      %add3A_114 = arith.addi %mul3A_9, %add3A_113 : i32
      %mul3A_115 = arith.constant 64 : i32
      %mul3A_116 = arith.muli %arg0, %mul3A_115 : i32
      "tpu.region"() ({
        %run_scoped3A = tpu.sem_alloc : memref<!tpu.dma_semaphore, #tpu.memory_space<semaphore_mem>>
        %dma_start3A = arith.constant 0 : i32
        %dma_start3A_117 = arith.constant 0 : i32
        %dma_start3A_118 = tpu.memref_slice %arg21[%dma_start3A, %dma_start3A_117] : memref<400x64xf32, #tpu.memory_space<vmem>> -> memref<240x64xf32, #tpu.memory_space<vmem>>
        %dma_start3A_119 = tpu.memref_slice %arg10[%add3A_114, %mul3A_116] : memref<10000x128xf32, #tpu.memory_space<hbm>> -> memref<240x64xf32, #tpu.memory_space<hbm>>
        %dma_start3A_120 = tpu.memref_slice %arg10[%add3A_114, %mul3A_116] : memref<10000x128xf32, #tpu.memory_space<hbm>> -> memref<240x64xf32, #tpu.memory_space<hbm>>
        %dma_start3A_121 = arith.constant 0 : i32
        %dma_start3A_122 = arith.constant 0 : i32
        %dma_start3A_123 = tpu.memref_slice %arg21[%dma_start3A_121, %dma_start3A_122] : memref<400x64xf32, #tpu.memory_space<vmem>> -> memref<240x64xf32, #tpu.memory_space<vmem>>
        tpu.enqueue_dma source(%dma_start3A_123 : memref<240x64xf32, #tpu.memory_space<vmem>>) target(%dma_start3A_120 : memref<240x64xf32, #tpu.memory_space<hbm>>) target_semaphore(%run_scoped3A : memref<!tpu.dma_semaphore, #tpu.memory_space<semaphore_mem>>)
        %dma_wait3A = arith.constant 0 : i32
        %dma_wait3A_124 = arith.constant 0 : i32
        %dma_wait3A_125 = tpu.memref_slice %arg21[%dma_wait3A, %dma_wait3A_124] : memref<400x64xf32, #tpu.memory_space<vmem>> -> memref<240x64xf32, #tpu.memory_space<vmem>>
        %dma_wait3A_126 = tpu.memref_slice %arg10[%add3A_114, %mul3A_116] : memref<10000x128xf32, #tpu.memory_space<hbm>> -> memref<240x64xf32, #tpu.memory_space<hbm>>
        %dma_wait3A_127 = tpu.memref_slice %arg10[%add3A_114, %mul3A_116] : memref<10000x128xf32, #tpu.memory_space<hbm>> -> memref<240x64xf32, #tpu.memory_space<hbm>>
        %dma_wait3A_128 = arith.constant 0 : i32
        %dma_wait3A_129 = arith.constant 0 : i32
        %dma_wait3A_130 = tpu.memref_slice %arg21[%dma_wait3A_128, %dma_wait3A_129] : memref<400x64xf32, #tpu.memory_space<vmem>> -> memref<240x64xf32, #tpu.memory_space<vmem>>
        tpu.wait_dma2 semaphore(%run_scoped3A : memref<!tpu.dma_semaphore, #tpu.memory_space<semaphore_mem>>) src(%dma_wait3A_130 : memref<240x64xf32, #tpu.memory_space<vmem>>) dst(%dma_wait3A_127 : memref<240x64xf32, #tpu.memory_space<hbm>>)
        tpu.yield
      }) : () -> ()
    } else {
    }
    return
  }
}

module attributes {stable_mosaic.version = 14 : i64} {
  func.func @body(%arg0: memref<10000x128xf32, #tpu.memory_space<vmem>>, %arg1: memref<128x128xf32, #tpu.memory_space<vmem>>, %arg2: memref<2x128xf32, #tpu.memory_space<vmem>>, %arg3: memref<10240x64xf32, #tpu.memory_space<vmem>>, %arg4: memref<10240x64xf32, #tpu.memory_space<vmem>>, %arg5: memref<10000xf32, #tpu.memory_space<vmem>>, %arg6: memref<10000xf32, #tpu.memory_space<vmem>>) attributes {dimension_semantics = [], scalar_prefetch = 0 : i64, scratch_operands = 0 : i64, tpu.core_type = #tpu.core_type<tc>} {
    %get3A = arith.constant 0 : index
    %get3A_0 = arith.constant 0 : index
    %get3A_1 = vector.load %arg0[%get3A, %get3A_0] : memref<10000x128xf32, #tpu.memory_space<vmem>>, vector<10000x128xf32>
    %get3A_2 = arith.constant 0 : index
    %get3A_3 = arith.constant 0 : index
    %get3A_4 = vector.load %arg1[%get3A_2, %get3A_3] : memref<128x128xf32, #tpu.memory_space<vmem>>, vector<128x128xf32>
    %dot_general3A = arith.constant dense<0.000000e+00> : vector<10000x128xf32>
    %dot_general3A_5 = tpu.matmul %get3A_1, %get3A_4, %dot_general3A {dimension_numbers = #tpu.dot_dimension_numbers<[1], [1], [0], [0], [0, 0, 1, 0], [], []>, transpose_lhs_hint = false} : vector<10000x128xf32>, vector<128x128xf32>, vector<10000x128xf32> -> vector<10000x128xf32>
    %broadcast_in_dim3A = arith.constant 0.000000e+00 : f32
    %broadcast_in_dim3A_6 = vector.broadcast %broadcast_in_dim3A : f32 to vector<240x64xf32>
    %slice3A = vector.extract_strided_slice %dot_general3A_5 {offsets = [0, 0], sizes = [10000, 64], strides = [1, 1]} : vector<10000x128xf32> to vector<10000x64xf32>
    %concatenate3A = tpu.concatenate %slice3A, %broadcast_in_dim3A_6 in 0 : vector<10000x64xf32>, vector<240x64xf32> -> vector<10240x64xf32>
    %swap3A = arith.constant 0 : index
    %swap3A_7 = arith.constant 0 : index
    %swap3A_8 = vector.load %arg3[%swap3A, %swap3A_7] : memref<10240x64xf32, #tpu.memory_space<vmem>>, vector<10240x64xf32>
    tpu.vector_store %arg3[%swap3A, %swap3A_7], %concatenate3A {strides = array<i32>} : memref<10240x64xf32, #tpu.memory_space<vmem>>, vector<10240x64xf32>,
    %slice3A_9 = vector.extract_strided_slice %dot_general3A_5 {offsets = [0, 64], sizes = [10000, 64], strides = [1, 1]} : vector<10000x128xf32> to vector<10000x64xf32>
    %concatenate3A_10 = tpu.concatenate %slice3A_9, %broadcast_in_dim3A_6 in 0 : vector<10000x64xf32>, vector<240x64xf32> -> vector<10240x64xf32>
    %swap3A_11 = arith.constant 0 : index
    %swap3A_12 = arith.constant 0 : index
    %swap3A_13 = vector.load %arg4[%swap3A_11, %swap3A_12] : memref<10240x64xf32, #tpu.memory_space<vmem>>, vector<10240x64xf32>
    tpu.vector_store %arg4[%swap3A_11, %swap3A_12], %concatenate3A_10 {strides = array<i32>} : memref<10240x64xf32, #tpu.memory_space<vmem>>, vector<10240x64xf32>,
    %get3A_14 = arith.constant 0 : index
    %get3A_15 = arith.constant 0 : index
    %get3A_16 = vector.load %arg2[%get3A_14, %get3A_15] : memref<2x128xf32, #tpu.memory_space<vmem>>, vector<2x128xf32>
    %dot_general3A_17 = arith.constant dense<0.000000e+00> : vector<2x10000xf32>
    %dot_general3A_18 = tpu.matmul %get3A_16, %get3A_1, %dot_general3A_17 {dimension_numbers = #tpu.dot_dimension_numbers<[1], [1], [0], [0], [0, 0, 1, 0], [], []>, transpose_lhs_hint = false} : vector<2x128xf32>, vector<10000x128xf32>, vector<2x10000xf32> -> vector<2x10000xf32>
    %slice3A_19 = vector.extract_strided_slice %dot_general3A_18 {offsets = [0, 0], sizes = [1, 10000], strides = [1, 1]} : vector<2x10000xf32> to vector<1x10000xf32>
    %squeeze3A = vector.shape_cast %slice3A_19 : vector<1x10000xf32> to vector<10000xf32>
    %swap3A_20 = arith.constant 0 : index
    %swap3A_21 = vector.load %arg5[%swap3A_20] : memref<10000xf32, #tpu.memory_space<vmem>>, vector<10000xf32>
    tpu.vector_store %arg5[%swap3A_20], %squeeze3A {strides = array<i32>} : memref<10000xf32, #tpu.memory_space<vmem>>, vector<10000xf32>,
    %slice3A_22 = vector.extract_strided_slice %dot_general3A_18 {offsets = [1, 0], sizes = [1, 10000], strides = [1, 1]} : vector<2x10000xf32> to vector<1x10000xf32>
    %squeeze3A_23 = vector.shape_cast %slice3A_22 : vector<1x10000xf32> to vector<10000xf32>
    %swap3A_24 = arith.constant 0 : index
    %swap3A_25 = vector.load %arg6[%swap3A_24] : memref<10000xf32, #tpu.memory_space<vmem>>, vector<10000xf32>
    tpu.vector_store %arg6[%swap3A_24], %squeeze3A_23 {strides = array<i32>} : memref<10000xf32, #tpu.memory_space<vmem>>, vector<10000xf32>,
    return
  }
}

</mosaic_0001>

<sc_bundles>
// kernel: kernel.4.cloned.1.call-start
scs
__scs_entry_jumppad:
0x0: {  	(pc) =	sbr.rel $0x88, $3  }
0x1: {  	(tag) =	ssettag $0x0;
	lr =	simm.s32 $0x1  }
0x2: {  	[smem:$0x3F99] =	sst lr;
	_ =	strace $0xD0000000  }
0x3: {  	_ = 	snop  }
0x4: {  	_ = 	snop  }
0x5: {  	_ = 	snop  }
0x6: {  	_ = 	snop  }
0x7: {  	_ = 	snop  }
__scs_overlays_trampoline_lowered:
0x8: {  	[smem:$0x3FA8] =	sst s0  }
0x9: {  	[smem:$0x3FA9] =	sst s1  }
0xa: {  	[smem:$0x3FAA] =	sst s2  }
0xb: {  	[smem:$0x3FAB] =	sst s3  }
0xc: {  	[smem:$0x3FAC] =	sst s4  }
0xd: {  	[smem:$0x3FAD] =	sst s5  }
0xe: {  	[smem:$0x3FAE] =	sst s6  }
0xf: {  	[smem:$0x3FAF] =	sst s7  }
0x10: {  	[smem:$0x3FB0] =	sst s8  }
0x11: {  	[smem:$0x3FB1] =	sst s9;
	s0 =	simm.s32 @!p0 $0x0  }
0x12: {  	s1 =	sld [smem:$0x3F97];
	s0 =	simm.s32 @p0 $0x1  }
0x13: {  	[smem:$0x3FB2] =	sst s0;
	s0 =	simm.s32 @!p1 $0x0  }
0x14: {  	s2 =	sld [smem:$0x3F96];
	s0 =	simm.s32 @p1 $0x1  }
0x15: {  	[smem:$0x3FB3] =	sst s0;
	s0 =	simm.s32 @!p2 $0x0  }
0x16: {  	s3 =	sld [smem:$0x3FDB];
	s0 =	simm.s32 @p2 $0x1  }
0x17: {  	s4 =	simm.s32 $0x1BF5;
	[smem:$0x3FB5] =	sst s0  }
0x18: {  	s0 =	sld [smem:$0x3F98];
	_ =	swait.ge [sflag:s4], $0x0  }
0x19: {  	s7 =	sld [smem:$0x3F99]  }
0x1a: {  	s8 =	sadd.s32 $0xFFFFE003, lr  }
0x1b: {  	s9 =	sadd.s32 $0xFFFFFEF7, lr;
	s5 =	simm.s32 $0xFFFFFFFF;
	p2 =	slt.u32 s8, $0xFFFFF086  }
0x1c: {  	p1 =	slt.u32 s9, $0xF7A;
	s5 =	simm.s32 @!p2 $0x0  }
0x1d: {  	s5 =	simm.s32 @p1 $0x1;
	p0 =	seq.s32 s7, s2  }
0x1e: {  	s7 =	smul.u32 @!p0 $0xF7A, s2;
	p2 =	seq.s32 @!p0 s5, $0x0  }
0x1f: {  	s9 =	smul.u32 $0xF7A, s1;
	s8 =	simm.s32 @!p0 $0x1BF5;
	p2 =	por !p2, p0  }
0x20: {  	[sflag:s8] =	ssyncset.s32 @!p0 $0xFFFFF086;
	s6 =	sadd.s32 @!p0 s3, s7;
	s7 =	simm.s32 @!p0 $0x108  }
0x21: {  	s3 =	sadd.s32 s3, s9;
	s6 =	sadd.s32 @!p0 $0x88, s6;
	s7 =	simm.s32 @p2 $0x1082  }
0x22: {  	[simem:s7], [sflag:s8] =	dma.local @!p0 [hbm:s6], $0xF7A  }
0x23: {  	s9 =	sor.u32 $0xD0000000, s2;
	s6 =	simm.s32 $0x108;
	_ =	swait.ge @!p0 [sflag:s8], $0x0  }
0x24: {  	s3 =	sadd.s32 $0x88, s3;
	s6 =	simm.s32 @!p1 $0x1082;
	[sflag:s4] =	ssyncset.s32 $0xFFFFF086  }
0x25: {  	[simem:s6], [sflag:s4] =	dma.local [hbm:s3], $0xF7A  }
0x26: {  	[smem:$0x3F99] =	sst s1;
	(tag) =	ssettag s2;
	_ =	strace s9  }
0x27: {  	s1 =	sld [smem:$0x3FA9]  }
0x28: {  	s2 =	sld [smem:$0x3FAA]  }
0x29: {  	s4 =	sld [smem:$0x3FAC]  }
0x2a: {  	p0 =	seq.s32 s5, $0x0;
	s5 =	sld [smem:$0x3FAD]  }
0x2b: {  	s6 =	sld [smem:$0x3FAE]  }
0x2c: {  	s7 =	sld [smem:$0x3FAF]  }
0x2d: {  	s3 =	simm.s32 $0x108;
	s8 =	sld [smem:$0x3FB0]  }
0x2e: {  	s3 =	simm.s32 @!p0 $0x1082;
	s9 =	sld [smem:$0x3FB1]  }
0x2f: {  	lr =	sadd.s32 s0, s3;
	s0 =	sld [smem:$0x3FA8]  }
0x30: {  	s3 =	sld [smem:$0x3FAB]  }
0x31: {  	[smem:$0x3FB4] =	sst s10  }
0x32: {  	s10 =	sld [smem:$0x3FB2];
	_ =	sdelay $0x3  }
0x33: {  	p0 =	seq.s32 s10, $0x1;
	s10 =	sld [smem:$0x3FB4];
	_ =	sdelay $0x3  }
0x34: {  	[smem:$0x3FB4] =	sst s10  }
0x35: {  	s10 =	sld [smem:$0x3FB3];
	_ =	sdelay $0x3  }
0x36: {  	p1 =	seq.s32 s10, $0x1;
	s10 =	sld [smem:$0x3FB4];
	_ =	sdelay $0x3  }
0x37: {  	[smem:$0x3FB4] =	sst s10  }
0x38: {  	s10 =	sld [smem:$0x3FB5]  }
0x39: {  	_ = 	snop;
	(pc) =	sbr.ind lr, $3  }
0x3a: {  	_ = 	snop  }
0x3b: {  	_ = 	snop  }
0x3c: {  	p2 =	seq.s32 s10, $0x1;
	s10 =	sld [smem:$0x3FB4]  }
0x3d: {  	_ =	shalt  }
0x3e: {  	_ =	shalt  }
0x3f: {  	_ =	shalt  }
0x40: {  	_ =	shalt  }
0x41: {  	_ =	shalt  }
0x42: {  	_ =	shalt  }
0x43: {  	_ =	shalt  }
0x44: {  	_ =	shalt  }
0x45: {  	_ =	shalt  }
0x46: {  	_ =	shalt  }
0x47: {  	_ =	shalt  }
0x48: {  	_ =	shalt  }
0x49: {  	_ =	shalt  }
0x4a: {  	_ =	shalt  }
0x4b: {  	_ =	shalt  }
0x4c: {  	_ =	shalt  }
0x4d: {  	_ =	shalt  }
0x4e: {  	_ =	shalt  }
0x4f: {  	_ =	shalt  }
0x50: {  	_ =	shalt  }
0x51: {  	_ =	shalt  }
0x52: {  	_ =	shalt  }
0x53: {  	_ =	shalt  }
0x54: {  	_ =	shalt  }
0x55: {  	_ =	shalt  }
0x56: {  	_ =	shalt  }
0x57: {  	_ =	shalt  }
0x58: {  	_ =	shalt  }
0x59: {  	_ =	shalt  }
0x5a: {  	_ =	shalt  }
0x5b: {  	_ =	shalt  }
0x5c: {  	_ =	shalt  }
0x5d: {  	_ =	shalt  }
0x5e: {  	_ =	shalt  }
0x5f: {  	_ =	shalt  }
0x60: {  	_ =	shalt  }
0x61: {  	_ =	shalt  }
0x62: {  	_ =	shalt  }
0x63: {  	_ =	shalt  }
0x64: {  	_ =	shalt  }
0x65: {  	_ =	shalt  }
0x66: {  	_ =	shalt  }
0x67: {  	_ =	shalt  }
0x68: {  	_ =	shalt  }
0x69: {  	_ =	shalt  }
0x6a: {  	_ =	shalt  }
0x6b: {  	_ =	shalt  }
0x6c: {  	_ =	shalt  }
0x6d: {  	_ =	shalt  }
0x6e: {  	_ =	shalt  }
0x6f: {  	_ =	shalt  }
0x70: {  	_ =	shalt  }
0x71: {  	_ =	shalt  }
0x72: {  	_ =	shalt  }
0x73: {  	_ =	shalt  }
0x74: {  	_ =	shalt  }
0x75: {  	_ =	shalt  }
0x76: {  	_ =	shalt  }
0x77: {  	_ =	shalt  }
0x78: {  	_ =	shalt  }
0x79: {  	_ =	shalt  }
0x7a: {  	_ =	shalt  }
0x7b: {  	_ =	shalt  }
0x7c: {  	_ =	shalt  }
0x7d: {  	_ =	shalt  }
0x7e: {  	_ =	shalt  }
0x7f: {  	_ =	shalt  }
0x80: {  	_ =	shalt  }
0x81: {  	_ =	shalt  }
0x82: {  	_ =	shalt  }
0x83: {  	_ =	shalt  }
0x84: {  	_ =	shalt  }
0x85: {  	_ =	shalt  }
0x86: {  	_ =	shalt  }
0x87: {  	_ =	shalt  }
.Lfunc_end0:
.L_simem_size_0:
called_computation_lowered:
.L_overlay_start_0:
0x88: {  	s2 =	sld [smem:$0x3FD9]  }
0x89: {  	s3 =	sld [smem:$0x3FFE];
	_ =	sdelay $0x1  }
0x8a: {  	s1 =	srdreg.scid  }
0x8b: {  	s0 =	sand.u32 $0x1, s1  }
0x8c: {  	s17 =	sshll.u32 s0, $0xA;
	s2 =	sadd.s32 s3, s2  }
0x8d: {  	s2 =	sadd.s32 s2, s17  }
0x8e: {  	[smem:$0x3FC0] =	sst s2  }
0x8f: {  	_ = 	snop  }
0x90: {  	s2 =	sld [smem:$0x3FC2]  }
0x91: {  	s18 =	sld [smem:$0x3FD0];
	(tm) =	ssettm $0x1  }
0x92: {  	s4 =	sld [smem:$0x3FFB];
	_ =	sdelay $0x3  }
0x93: {  	_ =	strace s4  }
0x94: {  	s4 =	sld [smem:$0x3FFC];
	_ =	sdelay $0x3  }
0x95: {  	_ =	strace s4  }
0x96: {  	s4 =	sld [smem:$0x3FFD];
	_ =	sdelay $0x3  }
0x97: {  	_ =	strace s4  }
0x98: {  	_ =	strace $0x8FFFFFFF  }
0x99: {  	s19 =	sld [smem:$0x3FDB];
	_ =	sdelay $0x1  }
0x9a: {  	s5 =	simm.s32 $_scs_section_size  }
0x9b: {  	s6 =	simm.s32 $_size__tile_overlayer_lowered;
	s7 =	simm.s32 $_tile_overlayer_lowered  }
0x9c: {  	s22 =	simm.s32 $0x1BFF;
	s21 =	sshll.u32 s7, $0x1;
	s4 =	sadd.s32 s5, s19  }
0x9d: {  	s8 =	simm.s32 $0x0;
	s20 =	sshll.u32 s6, $0x1;
	s6 =	sadd.s32 s21, s4  }
0x9e: {  	[timem:s8], [sflag:s22] =	dma.local [hbm:s6], s20  }
0x9f: {  	_ =	swait.ge [sflag:s22], s20  }
0xa0: {  	s5 =	ssub.s32 $0x0, s20;
	[sflag:s22] =	ssyncset.done $0x0  }
0xa1: {  	[sflag:s22] =	ssyncadd.s32 s5;
	_ =	sdelay $0x1  }
0xa2: {  	s23 =	simm.s32 $0x1B8B  }
0xa3: {  	_ =	swait.ge [sflag:s23], $0x1  }
0xa4: {  	[sflag:s23] =	ssyncset.done $0x0  }
0xa5: {  	s25 =	simm.s32 $0x1B8E;
	s24 =	sld [smem:$0x3FFE];
	[sflag:s23] =	ssyncadd.s32 $0xFFFFFFFF  }
0xa6: {  	s26 =	simm.s32 $execute0_lowered;
	[smem:$0x3FD2] =	sst s25  }
0xa7: {  	s6 =	sshll.u32 s26, $0x1;
	_ =	strace $0x80000046;
	[dreg:$0x1] =	wrdreg $0xFFFFFFFF  }
0xa8: {  	s28 =	simm.s32 $_size_execute0_lowered;
	s4 =	sadd.s32 s4, s6;
	[dreg:$0x0] =	wrdreg $0x0  }
0xa9: {  	s6 =	sshll.u32 s28, $0x1;
	[dreg:$0x2] =	wrdreg s4  }
0xaa: {  	[dreg:$0x3] =	wrdreg s6  }
0xab: {  	[dreg:$0x4] =	wrdreg $0xC0  }
0xac: {  	_ =	task [dreg:s8], $0x5FFFF  }
0xad: {  	[dreg:$0x1] =	wrdreg $0xFFFFFFFF  }
0xae: {  	[dreg:$0x0] =	wrdreg $0x60  }
0xaf: {  	[dreg:$0x2] =	wrdreg s24  }
0xb0: {  	[dreg:$0x3] =	wrdreg s2  }
0xb1: {  	[dreg:$0x4] =	wrdreg s18  }
0xb2: {  	[dreg:$0x5] =	wrdreg $0x155400  }
0xb3: {  	[dreg:$0x6] =	wrdreg $0x1F5400  }
0xb4: {  	[dreg:$0x7] =	wrdreg $0x9  }
0xb5: {  	_ =	task.clear_ibuf [dreg:s8], $0x8FFFF;
	_ =	strace $0x90000046  }
0xb6: {  	s29 =	simm.s32 $0x9;
	_ =	strace $0x80000048  }
0xb7: {  	_ =	swait.ge [sflag:s29], $0x1  }
0xb8: {  	[sflag:s29] =	ssyncadd.s32 $0xFFFFFFFF  }
0xb9: {  	_ =	strace $0x90000048  }
0xba: {  	_ =	sfence  }
0xbb: {  	s30 =	sld [smem:$0x0];
	_ =	sdelay $0x2  }
0xbc: {  	s31 =	sshll.u32 s1, $0xD;
	s1 =	sshrl.u32 s1, $0x2  }
0xbd: {  	s3 =	sand.u32 $0x4000, s31;
	s1 =	sadd.s32 s1, s30  }
0xbe: {  	s0 =	sor.u32 s3, s0;
	s1 =	sshll.u32 s1, $0x11  }
0xbf: {  	s0 =	sor.u32 s1, s0  }
0xc0: {  	s0 =	sadd.s32 $0x8F2B, s0  }
0xc1: {  	[sflag:s0] =	ssyncadd.remote.s32 $0x1  }
0xc2: {  	_ =	sfence.sel $0xFFFF  }
0xc3: {  	[dreg:$0x0] =	wrdreg $0xFFFFFFFF;
	(pc) =	sbr.abs _section_cstart, $3  }
0xc4: {  	[dreg:$0x1] =	wrdreg $0xFFFFFFFF  }
0xc5: {  	_ =	task.clear_ibuf [dreg:s8], $0x2FFFF;
	_ =	strace $0x9FFFFFFF  }
0xc6: {  	(tm) =	ssettm $0x7FFFFFFF  }
0xc7: {  	_ =	shalt  }
tec
execute0_lowered:
.L_overlay_start_1:
0x0: {  	(tag) =	ssettag $0x1  }
0x1: {  	s0 =	rddreg [dreg:$0x0]  }
0x2: {  	s6 =	rddreg [dreg:$0x1]  }
0x3: {  	s8 =	rddreg [dreg:$0x2]  }
0x4: {  	s1 =	rddreg [dreg:$0x3]  }
0x5: {  	s2 =	rddreg [dreg:$0x4]  }
0x6: {  	s3 =	simm.s32 $0x0;
	s21 =	srdreg.scid;
	s17 =	stileid.u32  }
0x7: {  	s30 =	simm.s32 $0x2710;
	s31 =	simm.s32 $0x5140;
	s28 =	simm.s32 $0x2  }
0x8: {  	[smem:$0x7FF] =	sst s3;
	s4 =	sadd.s32 $0x15C00, s0;
	s12 =	smul.u32 $0x280, s17  }
0x9: {  	s5 =	sadd.s32 $0x1600, s0;
	s7 =	sadd.s32 $0x3DC00, s0;
	s13 =	smul.u32 $0x28000, s17  }
0xa: {  	s9 =	sadd.s32 $0x15000, s0;
	s10 =	sadd.s32 $0x15600, s0;
	s16 =	smul.u32 $0x4E20, s17  }
0xb: {  	s22 =	sadd.s32 $0x1400, s0;
	s11 =	sadd.s32 $0x29C00, s0;
	s18 =	smul.u32 $0x14000, s17  }
0xc: {  	p1 =	seq.s32 s17, $0xF;
	_ =	strace $0x80000047;
	[dreg:$0x6] =	wrdreg s9  }
0xd: {  	s17 =	simm.s32 $0xED80;
	[dreg:$0x7] =	wrdreg s10;
	s9 =	sand.u32 $0x1, s21  }
0xe: {  	[dreg:$0x8] =	wrdreg s22;
	s23 =	ssub.s32 $0x2, s9;
	s25 =	sshll.u32 s9, $0x6  }
0xf: {  	s14 =	sshll.u32 s9, $0x3;
	s13 =	sshrl.u32 s13, $0x2;
	s15 =	sadd.s32 $0x190, s12  }
0x10: {  	s12 =	sadd.s32 s12, s2;
	p0 =	seq.s32 s9, $0x1;
	s24 =	sshrl.u32 s23, $0x1  }
0x11: {  	s6 =	sadd.s32 s6, s14;
	s26 =	sadd.s32 s13, s1;
	s29 =	sshll.u32 s15, $0x6  }
0x12: {  	[dreg:$0xc] =	wrdreg s12;
	s13 =	sshrl.u32 s16, $0x3;
	s20 =	sshll.u32 s15, $0x7  }
0x13: {  	s9 =	sor.u32 s25, s18;
	s12 =	simm.s32 $0x6;
	[dreg:$0x9] =	wrdreg s6  }
0x14: {  	s18 =	simm.s32 $0x7;
	s0 =	ssub.s32 s23, s24;
	[dreg:$0xa] =	wrdreg s26  }
0x15: {  	s6 =	sadd.s32 s29, s1;
	s14 =	sadd.s32 s5, s13;
	s19 =	sadd.s32 s7, s13  }
0x16: {  	s10 =	sor.u32 s25, s20;
	s22 =	sshrl.u32 s9, $0x3;
	s25 =	sadd.s32 s15, s2  }
0x17: {  	s15 =	simm.s32 $0xB;
	s9 =	simm.s32 $0x52D0;
	[dreg:$0xb] =	wrdreg s6  }
0x18: {  	s20 =	simm.s32 $0x1;
	[dreg:$0xe] =	wrdreg s19;
	s6 =	sadd.s32 $0x32, s13  }
0x19: {  	s23 =	sshrl.u32 s10, $0x3;
	[dreg:$0x13] =	wrdreg s25;
	s0 =	smax.u32 s0, $0x1  }
0x1a: {  	s26 =	sadd.s32 $0x9C40, s14;
	[dreg:$0xd] =	wrdreg s14;
	s29 =	sadd.s32 $0x9C72, s14  }
0x1b: {  	s19 =	simm.s32 $0x8660;
	s25 =	simm.s32 $0x8;
	[dreg:$0x14] =	wrdreg s0  }
0x1c: {  	s14 =	simm.s32 $0xA;
	s10 =	simm.s32 $0x0;
	[dreg:$0x15] =	wrdreg s26  }
0x1d: {  	s21 =	sadd.s32 s5, s6;
	s6 =	sadd.s32 s7, s6;
	[dreg:$0x16] =	wrdreg s29  }
.Ltmp0:
0x1e: {  	s24 =	sadd.s32 s8, s23;
	[dreg:$0xf] =	wrdreg s21;
	(pc) =	sbr.rel .LBB2_1-.Ltmp0, $4  }
0x1f: {  	s23 =	sadd.s32 $0x4B0, s16;
	s26 =	simm.s32 $0x87F0;
	[dreg:$0x10] =	wrdreg s6  }
0x20: {  	s6 =	sadd.s32 s8, s22;
	[dreg:$0x12] =	wrdreg s24;
	s22 =	sadd.s32 $0x320, s16  }
0x21: {  	v1 =	vimm.s32 $0x0;
	vm0 =	vcmask $0x300;
	s24 =	simm.s32 $0x4E20;
	s21 =	simm.s32 $0x190;
	s8 =	simm.s32 $0x4FB0  }
0x22: {  	v0 =	vimm.f32 $0.0e+00;
	v1 =	vsel vm0, $0x3, v1;
	s16 =	simm.s32 $0x4;
	[dreg:$0x11] =	wrdreg s6;
	s6 =	simm.s32 $0x8980  }
.LBB2_32:
0x23: {  	s10 =	sadd.s32 $0x1, s10;
	s0 =	rddreg [dreg:$0x14]  }
0x24: {  	p2 =	sne.s32 s10, s0  }
.Ltmp1:
0x25: {  	_ = 	snop;
	(pc) =	sbr.rel @!p2 .LBB2_33-.Ltmp1, $2  }
0x26: {  	_ =	sdelay $0x2  }
0x27: {  	s24 =	simm.s32 $0x4E20  }
.LBB2_1:
0x28: {  	[dreg:$0x17] =	wrdreg s10  }
0x29: {  	s0 =	rddreg [dreg:$0x6]  }
0x2a: {  	[tilespmem:s3], [sflag:$0xB] =	stream.linear.gather [hbm4b:s0+s3], $0x2710, $0x38;
	[tilespmem:$0x1F7C0] =	vst v63  }
0x2b: {  	_ =	swait.ge [sflag:s15], $0x2710  }
0x2c: {  	[sflag:s15] =	ssyncset.done $0x0  }
0x2d: {  	s10 =	rddreg [dreg:$0x7];
	[sflag:s15] =	ssyncadd.s32 $0xFFFFD8F0  }
0x2e: {  	[tilespmem:s30], [sflag:$0xB] =	stream.linear.gather [hbm4b:s10+s3], $0x2710, $0x38;
	[tilespmem:$0x1F7C0] =	vst v63  }
0x2f: {  	_ =	swait.ge [sflag:s15], $0x2710  }
0x30: {  	[sflag:s15] =	ssyncset.done $0x0  }
0x31: {  	s29 =	simm.s32 $0x15400;
	s13 =	rddreg [dreg:$0x8];
	[sflag:s15] =	ssyncadd.s32 $0xFFFFD8F0  }
0x32: {  	[tilespmem:s29], [sflag:$0xB] =	stream.linear.gather [hbm4b:s13+s3], $0x100, $0x38;
	[tilespmem:$0x1F7C0] =	vst v63  }
0x33: {  	_ =	swait.ge [sflag:s15], $0x100  }
0x34: {  	[sflag:s15] =	ssyncset.done $0x0  }
0x35: {  	s29 =	simm.s32 $0x15500;
	s13 =	rddreg [dreg:$0x9];
	[sflag:s15] =	ssyncadd.s32 $0xFFFFFF00  }
0x36: {  	[tilespmem:s29], [sflag:$0xB] =	stream.linear.gather [hbm4b:s13+s3], $0x40, $0x38;
	[tilespmem:$0x1F7C0] =	vst v63  }
0x37: {  	_ =	swait.ge [sflag:s15], $0x40  }
0x38: {  	[sflag:s15] =	ssyncset.done $0x0  }
0x39: {  	s0 =	simm.s32 $0x0;
	s10 =	simm.s32 $0x100;
	[sflag:s15] =	ssyncadd.s32 $0xFFFFFFC0  }
.LBB2_2:
0x3a: {  	p2 =	sne.s32 s10, $0x18F00;
	[tilespmem:s0+$0x89B0] =	vst v0;
	s13 =	smov.u32 s10;
	s10 =	sadd.s32 $0x100, s10  }
.Ltmp2:
0x3b: {  	[tilespmem:s0+$0x89A0] =	vst v0;
	(pc) =	sbr.rel @p2 .LBB2_2-.Ltmp2, $3  }
0x3c: {  	[tilespmem:s0+$0x8980] =	vst v0  }
0x3d: {  	[tilespmem:s0+$0x8990] =	vst v0;
	_ =	sdelay $0x1  }
0x3e: {  	s0 =	sshra.s32 s13, $0x2  }
0x3f: {  	[tilespmem:s0+$0x89B0] =	vst v0  }
0x40: {  	[tilespmem:s0+$0x89A0] =	vst v0  }
0x41: {  	[tilespmem:s0+$0x8980] =	vst v0  }
0x42: {  	[tilespmem:s0+$0x8990] =	vst v0  }
0x43: {  	[tilespmem:$0x15180] =	vst v0  }
0x44: {  	[tilespmem:$0x15190] =	vst v0  }
0x45: {  	[tilespmem:$0x151A0] =	vst v0  }
0x46: {  	[tilespmem:$0x151B0] =	vst v0  }
0x47: {  	[tilespmem:$0x151C0] =	vst v0  }
0x48: {  	[tilespmem:$0x151D0] =	vst v0  }
0x49: {  	[tilespmem:$0x151E0] =	vst v0  }
0x4a: {  	[tilespmem:$0x151F0] =	vst v0  }
0x4b: {  	[tilespmem:$0x15200] =	vst v0  }
0x4c: {  	[tilespmem:$0x15210] =	vst v0  }
0x4d: {  	[tilespmem:$0x15220] =	vst v0  }
0x4e: {  	[tilespmem:$0x15230] =	vst v0  }
0x4f: {  	[tilespmem:$0x15240] =	vst v0  }
0x50: {  	[tilespmem:$0x15250] =	vst v0  }
0x51: {  	[tilespmem:$0x15260] =	vst v0  }
0x52: {  	[tilespmem:$0x15270] =	vst v0  }
0x53: {  	[tilespmem:$0x15280] =	vst v0  }
0x54: {  	[tilespmem:$0x15290] =	vst v0  }
0x55: {  	[tilespmem:$0x152A0] =	vst v0  }
0x56: {  	[tilespmem:$0x152B0] =	vst v0  }
0x57: {  	[tilespmem:$0x152C0] =	vst v0  }
0x58: {  	[tilespmem:$0x152D0] =	vst v0  }
0x59: {  	[tilespmem:$0x152E0] =	vst v0  }
0x5a: {  	[tilespmem:$0x152F0] =	vst v0  }
0x5b: {  	[tilespmem:$0x15300] =	vst v0  }
0x5c: {  	[tilespmem:$0x15310] =	vst v0  }
0x5d: {  	[tilespmem:$0x15320] =	vst v0  }
0x5e: {  	[tilespmem:$0x15330] =	vst v0  }
0x5f: {  	[tilespmem:$0x15340] =	vst v0  }
0x60: {  	[tilespmem:$0x15350] =	vst v0  }
0x61: {  	[tilespmem:$0x15360] =	vst v0  }
0x62: {  	[tilespmem:$0x15370] =	vst v0  }
0x63: {  	[tilespmem:$0x15380] =	vst v0  }
0x64: {  	[tilespmem:$0x15390] =	vst v0  }
0x65: {  	[tilespmem:$0x153A0] =	vst v0  }
0x66: {  	[tilespmem:$0x153B0] =	vst v0  }
0x67: {  	[tilespmem:$0x153C0] =	vst v0  }
0x68: {  	[tilespmem:$0x153D0] =	vst v0  }
0x69: {  	[tilespmem:$0x153E0] =	vst v0  }
0x6a: {  	s10 =	rddreg [dreg:$0xa];
	[tilespmem:$0x153F0] =	vst v0  }
0x6b: {  	[spmem:s10] =	stream.linear.scatter [tilespmem:s6], [sflag:$0xB], $0x6400, $0x38;
	[tilespmem:$0x1F7C0] =	vst v63  }
0x6c: {  	_ =	swait.ge [sflag:s15], $0x6400  }
0x6d: {  	[sflag:s15] =	ssyncset.done $0x0  }
0x6e: {  	s13 =	rddreg [dreg:$0xb];
	[sflag:s15] =	ssyncadd.s32 $0xFFFF9C00  }
0x6f: {  	[spmem:s13] =	stream.linear.scatter [tilespmem:s6], [sflag:$0xB], $0x3C00, $0x38;
	[tilespmem:$0x1F7C0] =	vst v63  }
0x70: {  	_ =	swait.ge [sflag:s15], $0x3C00  }
0x71: {  	[sflag:s15] =	ssyncset.done $0x0  }
0x72: {  	s10 =	simm.s32 $0x15180;
	s29 =	rddreg [dreg:$0xc];
	[sflag:s15] =	ssyncadd.s32 $0xFFFFC400  }
0x73: {  	[spmem:s29] =	stream.linear.scatter [tilespmem:s10], [sflag:$0xB], $0x280, $0x38;
	[tilespmem:$0x1F7C0] =	vst v63  }
0x74: {  	_ =	swait.ge [sflag:s15], $0x280  }
0x75: {  	[sflag:s15] =	ssyncset.done $0x0  }
0x76: {  	[sflag:s15] =	ssyncadd.s32 $0xFFFFFD80  }
0x77: {  	[bflag:$0x0] =	sbarrier.arrive $0xFFFF  }
0x78: {  	v2 =	vld [tilespmem:$0x15400]  }
0x79: {  	v3 =	vld [tilespmem:$0x15410]  }
0x7a: {  	v4 =	vld [tilespmem:$0x15420]  }
0x7b: {  	v5 =	vld [tilespmem:$0x15430]  }
0x7c: {  	v6 =	vld [tilespmem:$0x15440]  }
0x7d: {  	v7 =	vld [tilespmem:$0x15450]  }
0x7e: {  	v8 =	vld [tilespmem:$0x15460]  }
0x7f: {  	v9 =	vld [tilespmem:$0x15470]  }
0x80: {  	v10 =	vld [tilespmem:$0x15480]  }
0x81: {  	v11 =	vld [tilespmem:$0x15490]  }
0x82: {  	v12 =	vld [tilespmem:$0x154A0]  }
0x83: {  	v13 =	vld [tilespmem:$0x154B0]  }
0x84: {  	v14 =	vld [tilespmem:$0x154C0]  }
0x85: {  	v15 =	vld [tilespmem:$0x154D0]  }
0x86: {  	v16 =	vld [tilespmem:$0x154E0];
	s10 =	rddreg [dreg:$0xd]  }
0x87: {  	v17 =	vld [tilespmem:$0x154F0];
	[tilespmem:s24], [sflag:$0x5] =	stream.linear.gather [hbm4b:s10+s3], $0x190, $0x38  }
0x88: {  	s29 =	simm.s32 $0x5;
	s13 =	rddreg [dreg:$0x15]  }
0x89: {  	[tilespmem:s31], [sflag:$0x5] =	stream.linear.gather [hbm4b:s13+s3], $0x190, $0x38;
	[tilespmem:$0x1F7C0] =	vst v63  }
0x8a: {  	s15 =	rddreg [dreg:$0xe];
	s10 =	simm.s32 $0x4E200;
	s13 =	simm.s32 $0x5460  }
0x8b: {  	[tilespmem:s13], [sflag:$0x7] =	stream.strided.gather [hbm4b:s15+s21], $0x1900, s10, s21, $0x38;
	[tilespmem:$0x1F7C0] =	vst v63  }
0x8c: {  	_ =	swait.ge [sflag:s29], $0x190  }
.Ltmp3:
0x8d: {  	[sflag:s29] =	ssyncset.done $0x0;
	(pc) =	sbr.rel @!p0 .LBB2_4-.Ltmp3, $4  }
0x8e: {  	[sflag:s29] =	ssyncadd.s32 $0xFFFFFE70  }
0x8f: {  	_ =	swait.ge [sflag:s29], $0x190  }
0x90: {  	[sflag:s29] =	ssyncset.done $0x0  }
0x91: {  	[sflag:s29] =	ssyncadd.s32 $0xFFFFFE70  }
0x92: {  	[tilespmem:s6], [sflag:$0x1] =	stream.indirect.gather [hbm4b:s11+s21], $0x40, s24, s21, $0xb8;
	[tilespmem:$0x1F7C0] =	vst v63  }
0x93: {  	s15 =	simm.s32 $0x0;
	s0 =	rddreg [dreg:$0xf]  }
0x94: {  	[tilespmem:s8], [sflag:$0x6] =	stream.linear.gather [hbm4b:s0+s15], $0x190, $0x38;
	[tilespmem:$0x1F7C0] =	vst v63  }
0x95: {  	s13 =	rddreg [dreg:$0x16]  }
0x96: {  	[tilespmem:s9], [sflag:$0x6] =	stream.linear.gather [hbm4b:s13+s15], $0x190, $0x38;
	[tilespmem:$0x1F7C0] =	vst v63  }
0x97: {  	s24 =	rddreg [dreg:$0x10];
	s29 =	simm.s32 $0x6D60  }
0x98: {  	[tilespmem:s29], [sflag:$0x8] =	stream.strided.gather [hbm4b:s24+s21], $0x1900, s10, s21, $0x38;
	[tilespmem:$0x1F7C0] =	vst v63  }
0x99: {  	_ =	swait.ge [sflag:s12], $0x190  }
0x9a: {  	[sflag:s12] =	ssyncset.done $0x0  }
0x9b: {  	[sflag:s12] =	ssyncadd.s32 $0xFFFFFE70  }
0x9c: {  	_ =	swait.ge [sflag:s12], $0x190  }
0x9d: {  	[sflag:s12] =	ssyncset.done $0x0  }
0x9e: {  	[sflag:s12] =	ssyncadd.s32 $0xFFFFFE70  }
0x9f: {  	[tilespmem:s17], [sflag:$0x2] =	stream.indirect.gather [hbm4b:s11+s21], $0x40, s8, s21, $0xb8;
	[tilespmem:$0x1F7C0] =	vst v63  }
.LBB2_16:
0xa0: {  	_ =	swait.ge [sflag:s18], $0x1900  }
0xa1: {  	[sflag:s18] =	ssyncset.done $0x0  }
0xa2: {  	s10 =	simm.s32 $0x5160;
	[sflag:s18] =	ssyncadd.s32 $0xFFFFE700  }
0xa3: {  	s0 =	simm.s32 $0x4E40;
	v18 =	vld [tilespmem:s10+$0x10]  }
0xa4: {  	v19 =	vld [tilespmem:s0+$0x10]  }
0xa5: {  	v20 =	vld [tilespmem:s0+$0xFFFFFFE0]  }
0xa6: {  	v21 =	vld [tilespmem:s10+$0xFFFFFFF0]  }
0xa7: {  	v22 =	vld [tilespmem:s0+$0xFFFFFFF0]  }
0xa8: {  	v23 =	vld [tilespmem:s10+$0x0]  }
0xa9: {  	v24 =	vld [tilespmem:s0+$0x0]  }
0xaa: {  	s13 =	simm.s32 $0x60E0;
	v25 =	vld [tilespmem:s10+$0xFFFFFFE0]  }
0xab: {  	v26 =	vld [tilespmem:s13+$0xFFFFF3B0]  }
0xac: {  	v27 =	vld [tilespmem:s13+$0xFFFFF540]  }
0xad: {  	v28 =	vld [tilespmem:s13+$0xFFFFF6D0]  }
0xae: {  	v29 =	vld [tilespmem:s13+$0xFFFFF860]  }
0xaf: {  	v30 =	vld [tilespmem:s13+$0xFFFFF9F0]  }
0xb0: {  	v31 =	vld [tilespmem:s13+$0xFFFFFB80]  }
0xb1: {  	v32 =	vld [tilespmem:s13+$0xFFFFFD10]  }
0xb2: {  	v33 =	vld [tilespmem:s13+$0xFFFFF380]  }
0xb3: {  	v34 =	vld [tilespmem:s13+$0xFFFFF390]  }
0xb4: {  	v35 =	vld [tilespmem:s13+$0xFFFFF3A0]  }
0xb5: {  	v36 =	vld [tilespmem:s13+$0xFFFFF510]  }
0xb6: {  	v37 =	vld [tilespmem:s13+$0xFFFFF520]  }
0xb7: {  	v18 =	vld.idx.msk [tilespmem:v18+s3+$0x0], $0xffff  }
0xb8: {  	v19 =	vld.idx.msk [tilespmem:v19+s30+$0x0], $0xffff  }
0xb9: {  	v61 =	vld [tilespmem:s13+$0x4E0]  }
0xba: {  	v38 =	vld [tilespmem:s13+$0xFFFFF530]  }
0xbb: {  	v62 =	vld [tilespmem:s13+$0x670]  }
0xbc: {  	v39 =	vld [tilespmem:s13+$0xFFFFF6A0]  }
0xbd: {  	v63 =	vld [tilespmem:s13+$0x800];
	v18 =	vadd.f32 v19, v18;
	v19 =	vmul.f32 v26, v2  }
0xbe: {  	v40 =	vld [tilespmem:s13+$0xFFFFF6B0]  }
0xbf: {  	v41 =	vld [tilespmem:s13+$0xFFFFF6C0];
	v18 =	vadd.f32 v19, v18;
	v19 =	vmul.f32 v27, v3  }
0xc0: {  	v42 =	vld [tilespmem:s13+$0xFFFFF830]  }
0xc1: {  	v45 =	vld [tilespmem:s13+$0xFFFFF9D0];
	v18 =	vadd.f32 v19, v18;
	v19 =	vmul.f32 v28, v4  }
0xc2: {  	v53 =	vld [tilespmem:s13+$0xFFFFFCF0]  }
0xc3: {  	v20 =	vld.idx.msk [tilespmem:v20+s30+$0x0], $0xffff;
	v18 =	vadd.f32 v19, v18;
	v19 =	vmul.f32 v29, v5  }
0xc4: {  	v21 =	vld.idx.msk [tilespmem:v21+s3+$0x0], $0xffff  }
0xc5: {  	v25 =	vld.idx.msk [tilespmem:v25+s3+$0x0], $0xffff;
	v18 =	vadd.f32 v19, v18;
	v19 =	vmul.f32 v30, v6  }
0xc6: {  	v26 =	vld [tilespmem:s13+$0xFFFFFEA0]  }
0xc7: {  	v22 =	vld.idx.msk [tilespmem:v22+s30+$0x0], $0xffff;
	v18 =	vadd.f32 v19, v18;
	v19 =	vmul.f32 v31, v7  }
0xc8: {  	v27 =	vld [tilespmem:s13+$0x30]  }
0xc9: {  	v23 =	vld.idx.msk [tilespmem:v23+s3+$0x0], $0xffff;
	v18 =	vadd.f32 v19, v18;
	v19 =	vmul.f32 v32, v8  }
0xca: {  	v28 =	vld [tilespmem:s13+$0x1C0]  }
0xcb: {  	v24 =	vld.idx.msk [tilespmem:v24+s30+$0x0], $0xffff;
	v18 =	vadd.f32 v19, v18;
	v19 =	vmul.f32 v26, v9  }
0xcc: {  	v29 =	vld [tilespmem:s13+$0x350]  }
0xcd: {  	v47 =	vld [tilespmem:s13+$0xFFFFF9E0];
	v46 =	vmul.f32 v35, v2;
	v18 =	vadd.f32 v19, v18;
	v19 =	vmul.f32 v27, v10  }
0xce: {  	v48 =	vld [tilespmem:s13+$0xFFFFFB60];
	v49 =	vmul.f32 v38, v3;
	v51 =	vmul.f32 v39, v4  }
0xcf: {  	v50 =	vld [tilespmem:s13+$0xFFFFFB70];
	v58 =	vmul.f32 v53, v8;
	v18 =	vadd.f32 v19, v18;
	v19 =	vmul.f32 v28, v11  }
0xd0: {  	v55 =	vld [tilespmem:s13+$0xFFFFFE70];
	v20 =	vadd.f32 v20, v25;
	v23 =	vadd.f32 v24, v23;
	v24 =	vmul.f32 v33, v2  }
0xd1: {  	v52 =	vld [tilespmem:s13+$0xFFFFFCE0];
	v21 =	vadd.f32 v22, v21;
	v18 =	vadd.f32 v19, v18;
	v19 =	vmul.f32 v29, v12  }
0xd2: {  	v25 =	vld [tilespmem:s13+$0xFFFFF850];
	v20 =	vadd.f32 v24, v20;
	v24 =	vmul.f32 v36, v3;
	v29 =	vmul.f32 v34, v2  }
0xd3: {  	v22 =	vld [tilespmem:s13+$0xFFFFF9C0];
	v23 =	vadd.f32 v46, v23;
	v18 =	vadd.f32 v19, v18;
	v19 =	vmul.f32 v61, v13  }
0xd4: {  	v20 =	vadd.f32 v24, v20;
	v24 =	vmul.f32 v37, v3;
	v26 =	vld [tilespmem:s13+$0x990];
	v21 =	vadd.f32 v29, v21  }
0xd5: {  	v60 =	vmul.f32 v55, v9;
	v29 =	vld [tilespmem:s13+$0xFFFFFB50];
	v18 =	vadd.f32 v19, v18;
	v19 =	vmul.f32 v62, v14  }
0xd6: {  	v23 =	vadd.f32 v49, v23;
	v28 =	vld [tilespmem:s13+$0xFFFFF840];
	v21 =	vadd.f32 v24, v21;
	v24 =	vmul.f32 v40, v4  }
0xd7: {  	v25 =	vmul.f32 v25, v5;
	v27 =	vld [tilespmem:s13+$0xB20];
	v18 =	vadd.f32 v19, v18;
	v19 =	vmul.f32 v63, v15  }
0xd8: {  	v54 =	vld [tilespmem:s13+$0xFFFFFD00];
	v20 =	vadd.f32 v51, v20;
	v21 =	vadd.f32 v24, v21;
	v24 =	vmul.f32 v42, v5  }
0xd9: {  	v56 =	vld [tilespmem:s13+$0x20];
	v26 =	vmul.f32 v26, v16;
	v18 =	vadd.f32 v19, v18;
	v19 =	vmul.f32 v41, v4  }
0xda: {  	v22 =	vmul.f32 v22, v6;
	v29 =	vmul.f32 v29, v7;
	v20 =	vadd.f32 v24, v20;
	v24 =	vld [tilespmem:s13+$0xFFFFFE90]  }
0xdb: {  	v59 =	vld [tilespmem:s13+$0x320];
	v19 =	vadd.f32 v19, v23;
	v23 =	vmul.f32 v28, v5;
	v18 =	vadd.f32 v26, v18  }
0xdc: {  	v61 =	vld [tilespmem:s13+$0x330];
	v26 =	vmul.f32 v27, v17;
	v20 =	vadd.f32 v22, v20;
	v22 =	vmul.f32 v47, v6  }
0xdd: {  	v28 =	vld [tilespmem:s13+$0xFFFFFE80];
	v21 =	vadd.f32 v23, v21;
	v23 =	vmul.f32 v45, v6;
	v19 =	vadd.f32 v25, v19  }
0xde: {  	v27 =	vld [tilespmem:s13+$0x10];
	v18 =	vadd.f32 v26, v18;
	v20 =	vadd.f32 v29, v20;
	v29 =	vmul.f32 v52, v8  }
0xdf: {  	v25 =	vld [tilespmem:s13+$0x0];
	v24 =	vmul.f32 v24, v9;
	v21 =	vadd.f32 v23, v21;
	v23 =	vmul.f32 v48, v7  }
0xe0: {  	v26 =	vld [tilespmem:s13+$0x190];
	v19 =	vadd.f32 v22, v19;
	v22 =	vmul.f32 v50, v7;
	v57 =	vmul.f32 $9.999999770e-03, v18  }
0xe1: {  	v62 =	vld [tilespmem:s13+$0x4D0];
	vm0 =	vge.f32 v18, $0.0e+00;
	v20 =	vadd.f32 v29, v20;
	v21 =	vadd.f32 v23, v21  }
0xe2: {  	v29 =	vmul.f32 v54, v8;
	v28 =	vmul.f32 v28, v9;
	v23 =	vld [tilespmem:s13+$0x1A0];
	v19 =	vadd.f32 v22, v19  }
0xe3: {  	v27 =	vmul.f32 v27, v10;
	v22 =	vld [tilespmem:s13+$0x1B0];
	v18 =	vsel vm0, v18, v57;
	v21 =	vadd.f32 v58, v21  }
0xe4: {  	v20 =	vadd.f32 v60, v20;
	v25 =	vmul.f32 v25, v10;
	v19 =	vadd.f32 v29, v19;
	v29 =	vld [tilespmem:s13+$0x340]  }
0xe5: {  	v18 =	vmul.f32 $1.442695020e+00, v18;
	v26 =	vmul.f32 v26, v11;
	v21 =	vadd.f32 v28, v21;
	v28 =	vld [tilespmem:s13+$0x4B0]  }
0xe6: {  	v20 =	vadd.f32 v25, v20;
	v25 =	vmul.f32 v56, v10;
	v19 =	vadd.f32 v24, v19;
	v24 =	vld [tilespmem:s13+$0x4C0]  }
0xe7: {  	(erf) = vpow2.f32 v18;
	v18 =	vadd.f32 v27, v21;
	v21 =	vmul.f32 v23, v11;
	v23 =	vld [tilespmem:s13+$0x640]  }
0xe8: {  	v20 =	vadd.f32 v26, v20;
	v22 =	vmul.f32 v22, v11;
	v19 =	vadd.f32 v25, v19;
	v25 =	vld [tilespmem:s13+$0x650]  }
0xe9: {  	v26 =	vmul.f32 v59, v12;
	v27 =	vld [tilespmem:s13+$0x660];
	v18 =	vadd.f32 v21, v18;
	v21 =	vmul.f32 v61, v12  }
0xea: {  	v19 =	vadd.f32 v22, v19;
	v22 =	vmul.f32 v29, v12;
	v29 =	vld [tilespmem:s13+$0x7D0]  }
0xeb: {  	v20 =	vadd.f32 v26, v20;
	v26 =	vmul.f32 v28, v13;
	v18 =	vadd.f32 v21, v18;
	v21 =	vld [tilespmem:s13+$0x7E0]  }
0xec: {  	v24 =	vmul.f32 v24, v13;
	v28 =	vld [tilespmem:s13+$0x7F0];
	v19 =	vadd.f32 v22, v19  }
0xed: {  	v63 =	vld [tilespmem:s13+$0x960];
	v22 =	vmul.f32 v62, v13;
	v26 =	vadd.f32 v26, v20;
	v23 =	vmul.f32 v23, v14  }
0xee: {  	v20 =	vld [tilespmem:s13+$0x970];
	v18 =	vadd.f32 v24, v18;
	v24 =	vmul.f32 v25, v14  }
0xef: {  	v22 =	vadd.f32 v22, v19;
	v25 =	vmul.f32 v27, v14;
	v19 =	vld [tilespmem:s13+$0x980];
	v23 =	vadd.f32 v23, v26  }
0xf0: {  	s10 =	simm.s32 $0x8680;
	v27 =	vpop (erf);
	v26 =	vmul.f32 v29, v15;
	v24 =	vadd.f32 v24, v18;
	v18 =	vld [tilespmem:s13+$0xAF0];
	v29 =	vmul.f32 v21, v15  }
0xf1: {  	[tilespmem:s10+$0x10] =	vst v27;
	v25 =	vadd.f32 v25, v22;
	v27 =	vmul.f32 v28, v15;
	v21 =	vld [tilespmem:s13+$0xB00]  }
0xf2: {  	s24 =	simm.s32 $0x0;
	s29 =	simm.s32 $0x51A0;
	v22 =	vld [tilespmem:s13+$0xB10];
	v23 =	vadd.f32 v26, v23;
	v26 =	vmul.f32 v63, v16;
	v24 =	vadd.f32 v29, v24  }
.LBB2_17:
0xf3: {  	v28 =	vld [tilespmem:s29+$0x10];
	v20 =	vmul.f32 v20, v16;
	v25 =	vadd.f32 v27, v25;
	s0 =	sadd.s32 $0x40, s0  }
0xf4: {  	s24 =	sadd.s32 $0x40, s24;
	v27 =	vld [tilespmem:s0+$0x10];
	v23 =	vadd.f32 v26, v23;
	v19 =	vmul.f32 v19, v16  }
0xf5: {  	p2 =	slt.u32 s24, $0x140;
	v26 =	vld [tilespmem:s0+$0xFFFFFFE0];
	v18 =	vmul.f32 v18, v17;
	v20 =	vadd.f32 v20, v24  }
0xf6: {  	v24 =	vld [tilespmem:s29+$0xFFFFFFF0];
	v21 =	vmul.f32 v21, v17;
	v19 =	vadd.f32 v19, v25  }
0xf7: {  	v25 =	vld [tilespmem:s0+$0xFFFFFFF0];
	v18 =	vadd.f32 v18, v23;
	v22 =	vmul.f32 v22, v17  }
0xf8: {  	v23 =	vld [tilespmem:s29+$0x0];
	v20 =	vadd.f32 v21, v20  }
0xf9: {  	v21 =	vld [tilespmem:s0+$0x0];
	vm0 =	vge.f32 v18, $0.0e+00;
	v29 =	vmul.f32 $9.999999770e-03, v18;
	v19 =	vadd.f32 v22, v19  }
0xfa: {  	v22 =	vld [tilespmem:s29+$0xFFFFFFE0];
	vm1 =	vge.f32 v20, $0.0e+00;
	v30 =	vmul.f32 $9.999999770e-03, v20  }
0xfb: {  	v28 =	vld.idx.msk [tilespmem:v28+s3+$0x0], $0xffff;
	v18 =	vsel vm0, v18, v29;
	vm0 =	vge.f32 v19, $0.0e+00;
	v29 =	vmul.f32 $9.999999770e-03, v19  }
0xfc: {  	s13 =	sadd.s32 $0x40, s13;
	v27 =	vld.idx.msk [tilespmem:v27+s30+$0x0], $0xffff;
	v18 =	vmul.f32 $1.442695020e+00, v18;
	v20 =	vsel vm1, v20, v30  }
0xfd: {  	v30 =	vld [tilespmem:s13+$0xFFFFF3B0];
	v20 =	vmul.f32 $1.442695020e+00, v20;
	v19 =	vsel vm0, v19, v29  }
0xfe: {  	v26 =	vld.idx.msk [tilespmem:v26+s30+$0x0], $0xffff;
	v19 =	vmul.f32 $1.442695020e+00, v19;
	(erf) = vpow2.f32 v18  }
0xff: {  	v18 =	vld [tilespmem:s13+$0xFFFFF540];
	(erf) = vpow2.f32 v20  }
0x100: {  	v20 =	vld.idx.msk [tilespmem:v24+s3+$0x0], $0xffff;
	(erf) = vpow2.f32 v19  }
0x101: {  	v19 =	vld [tilespmem:s13+$0xFFFFF6D0]  }
0x102: {  	v24 =	vadd.f32 v27, v28;
	v22 =	vld.idx.msk [tilespmem:v22+s3+$0x0], $0xffff;
	v27 =	vmul.f32 v30, v2  }
0x103: {  	v28 =	vld [tilespmem:s13+$0xFFFFF860]  }
0x104: {  	v25 =	vld.idx.msk [tilespmem:v25+s30+$0x0], $0xffff;
	v24 =	vadd.f32 v27, v24;
	v18 =	vmul.f32 v18, v3  }
0x105: {  	v27 =	vld [tilespmem:s13+$0xFFFFF9F0]  }
0x106: {  	v23 =	vld.idx.msk [tilespmem:v23+s3+$0x0], $0xffff;
	v18 =	vadd.f32 v18, v24;
	v19 =	vmul.f32 v19, v4  }
0x107: {  	v24 =	vld [tilespmem:s13+$0xFFFFFB80];
	v29 =	vpop (erf)  }
0x108: {  	v22 =	vadd.f32 v26, v22;
	v21 =	vld.idx.msk [tilespmem:v21+s30+$0x0], $0xffff;
	v18 =	vadd.f32 v19, v18;
	v19 =	vmul.f32 v28, v5;
	v26 =	vpop (erf)  }
0x109: {  	v28 =	vld [tilespmem:s13+$0xFFFFFD10];
	[tilespmem:s10+$0xFFFFFFE0] =	vst v29;
	v29 =	vpop (erf)  }
0x10a: {  	v20 =	vadd.f32 v25, v20;
	v30 =	vld [tilespmem:s13+$0xFFFFF380];
	v18 =	vadd.f32 v19, v18;
	v19 =	vmul.f32 v27, v6;
	[tilespmem:s10+$0xFFFFFFF0] =	vst v26  }
0x10b: {  	v25 =	vld [tilespmem:s13+$0xFFFFFEA0];
	[tilespmem:s10+$0x0] =	vst v29  }
0x10c: {  	v26 =	vld [tilespmem:s13+$0xFFFFF390];
	v18 =	vadd.f32 v19, v18;
	v19 =	vmul.f32 v24, v7  }
0x10d: {  	v24 =	vld [tilespmem:s13+$0x30]  }
0x10e: {  	v21 =	vadd.f32 v21, v23;
	v23 =	vld [tilespmem:s13+$0xFFFFF3A0];
	v18 =	vadd.f32 v19, v18;
	v19 =	vmul.f32 v28, v8  }
0x10f: {  	v27 =	vmul.f32 v30, v2;
	v28 =	vld [tilespmem:s13+$0x1C0]  }
0x110: {  	v29 =	vld [tilespmem:s13+$0xFFFFF510];
	v18 =	vadd.f32 v19, v18;
	v19 =	vmul.f32 v25, v9  }
0x111: {  	v22 =	vadd.f32 v27, v22;
	v25 =	vmul.f32 v26, v2;
	v26 =	vld [tilespmem:s13+$0x350]  }
0x112: {  	v27 =	vld [tilespmem:s13+$0xFFFFF520];
	v18 =	vadd.f32 v19, v18;
	v19 =	vmul.f32 v24, v10  }
0x113: {  	v20 =	vadd.f32 v25, v20;
	v23 =	vmul.f32 v23, v2;
	v24 =	vld [tilespmem:s13+$0x4E0]  }
0x114: {  	v25 =	vld [tilespmem:s13+$0xFFFFF530];
	v18 =	vadd.f32 v19, v18;
	v19 =	vmul.f32 v28, v11  }
0x115: {  	v28 =	vmul.f32 v29, v3;
	v21 =	vadd.f32 v23, v21;
	v23 =	vld [tilespmem:s13+$0x670]  }
0x116: {  	v29 =	vld [tilespmem:s13+$0xFFFFF6A0];
	v18 =	vadd.f32 v19, v18;
	v19 =	vmul.f32 v26, v12  }
0x117: {  	v22 =	vadd.f32 v28, v22;
	v26 =	vmul.f32 v27, v3;
	v27 =	vld [tilespmem:s13+$0x800]  }
0x118: {  	v28 =	vld [tilespmem:s13+$0xFFFFF6B0];
	v18 =	vadd.f32 v19, v18;
	v19 =	vmul.f32 v24, v13  }
0x119: {  	v20 =	vadd.f32 v26, v20;
	v24 =	vmul.f32 v25, v3;
	v25 =	vld [tilespmem:s13+$0x990]  }
0x11a: {  	v26 =	vld [tilespmem:s13+$0xFFFFF6C0];
	v18 =	vadd.f32 v19, v18;
	v19 =	vmul.f32 v23, v14  }
0x11b: {  	v23 =	vmul.f32 v29, v4;
	v21 =	vadd.f32 v24, v21;
	v24 =	vld [tilespmem:s13+$0xB20]  }
0x11c: {  	v29 =	vld [tilespmem:s13+$0xFFFFF830];
	v18 =	vadd.f32 v19, v18;
	v19 =	vmul.f32 v27, v15  }
0x11d: {  	v22 =	vadd.f32 v23, v22;
	v23 =	vmul.f32 v28, v4;
	v27 =	vld [tilespmem:s13+$0xFFFFF840]  }
0x11e: {  	v28 =	vld [tilespmem:s13+$0xFFFFF850];
	v18 =	vadd.f32 v19, v18;
	v19 =	vmul.f32 v25, v16  }
0x11f: {  	v25 =	vld [tilespmem:s13+$0xFFFFF9C0];
	v20 =	vadd.f32 v23, v20;
	v23 =	vmul.f32 v26, v4  }
0x120: {  	v26 =	vld [tilespmem:s13+$0xFFFFF9D0];
	v18 =	vadd.f32 v19, v18;
	v19 =	vmul.f32 v24, v17  }
0x121: {  	v24 =	vmul.f32 v29, v5;
	v21 =	vadd.f32 v23, v21;
	v23 =	vld [tilespmem:s13+$0xFFFFF9E0]  }
0x122: {  	v29 =	vld [tilespmem:s13+$0xFFFFFB50];
	v27 =	vmul.f32 v27, v5;
	v18 =	vadd.f32 v19, v18  }
0x123: {  	v19 =	vadd.f32 v24, v22;
	v22 =	vld [tilespmem:s13+$0xFFFFFB60];
	v24 =	vmul.f32 v28, v5  }
0x124: {  	v25 =	vmul.f32 v25, v6;
	v20 =	vadd.f32 v27, v20;
	v27 =	vld [tilespmem:s13+$0xFFFFFB70];
	v28 =	vmul.f32 $9.999999770e-03, v18  }
0x125: {  	vm0 =	vge.f32 v18, $0.0e+00;
	v30 =	vld [tilespmem:s13+$0xFFFFFCE0];
	v26 =	vmul.f32 v26, v6;
	v21 =	vadd.f32 v24, v21  }
0x126: {  	v19 =	vadd.f32 v25, v19;
	v24 =	vld [tilespmem:s13+$0xFFFFFCF0];
	v23 =	vmul.f32 v23, v6;
	v18 =	vsel vm0, v18, v28  }
0x127: {  	v25 =	vmul.f32 v29, v7;
	v20 =	vadd.f32 v26, v20;
	v26 =	vld [tilespmem:s13+$0xFFFFFD00];
	v18 =	vmul.f32 $1.442695020e+00, v18  }
0x128: {  	v28 =	vld [tilespmem:s13+$0xFFFFFE70];
	v22 =	vmul.f32 v22, v7;
	v21 =	vadd.f32 v23, v21  }
0x129: {  	v19 =	vadd.f32 v25, v19;
	v23 =	vld [tilespmem:s13+$0xFFFFFE80];
	v25 =	vmul.f32 v27, v7;
	(erf) = vpow2.f32 v18  }
0x12a: {  	v18 =	vmul.f32 v30, v8;
	v20 =	vadd.f32 v22, v20;
	v22 =	vld [tilespmem:s13+$0xFFFFFE90]  }
0x12b: {  	v27 =	vld [tilespmem:s13+$0x0];
	v24 =	vmul.f32 v24, v8;
	v21 =	vadd.f32 v25, v21  }
0x12c: {  	v18 =	vadd.f32 v18, v19;
	v19 =	vld [tilespmem:s13+$0x10];
	v25 =	vmul.f32 v26, v8  }
0x12d: {  	v26 =	vmul.f32 v28, v9;
	v20 =	vadd.f32 v24, v20;
	v24 =	vld [tilespmem:s13+$0x20]  }
0x12e: {  	v28 =	vld [tilespmem:s13+$0x190];
	v23 =	vmul.f32 v23, v9;
	v21 =	vadd.f32 v25, v21  }
0x12f: {  	v18 =	vadd.f32 v26, v18;
	v25 =	vld [tilespmem:s13+$0x1A0];
	v22 =	vmul.f32 v22, v9  }
0x130: {  	v29 =	vmul.f32 v27, v10;
	v20 =	vadd.f32 v23, v20;
	v23 =	vld [tilespmem:s13+$0x1B0]  }
0x131: {  	v27 =	vld [tilespmem:s13+$0x320];
	v19 =	vmul.f32 v19, v10;
	v21 =	vadd.f32 v22, v21  }
0x132: {  	s10 =	sadd.s32 $0x40, s10;
	v18 =	vadd.f32 v29, v18;
	v22 =	vld [tilespmem:s13+$0x330];
	v24 =	vmul.f32 v24, v10;
	v26 =	vpop (erf)  }
0x133: {  	v28 =	vmul.f32 v28, v11;
	v19 =	vadd.f32 v19, v20;
	v20 =	vld [tilespmem:s13+$0x340];
	[tilespmem:s10+$0x10] =	vst v26  }
0x134: {  	v26 =	vld [tilespmem:s13+$0x4B0];
	v25 =	vmul.f32 v25, v11;
	v21 =	vadd.f32 v24, v21  }
0x135: {  	v18 =	vadd.f32 v28, v18;
	v24 =	vld [tilespmem:s13+$0x4C0];
	v23 =	vmul.f32 v23, v11  }
0x136: {  	v27 =	vmul.f32 v27, v12;
	v19 =	vadd.f32 v25, v19;
	v25 =	vld [tilespmem:s13+$0x4D0]  }
0x137: {  	v28 =	vld [tilespmem:s13+$0x640];
	v22 =	vmul.f32 v22, v12;
	v21 =	vadd.f32 v23, v21  }
0x138: {  	v18 =	vadd.f32 v27, v18;
	v23 =	vld [tilespmem:s13+$0x650];
	v20 =	vmul.f32 v20, v12  }
0x139: {  	v26 =	vmul.f32 v26, v13;
	v19 =	vadd.f32 v22, v19;
	v22 =	vld [tilespmem:s13+$0x660]  }
0x13a: {  	v27 =	vld [tilespmem:s13+$0x7D0];
	v24 =	vmul.f32 v24, v13;
	v20 =	vadd.f32 v20, v21  }
0x13b: {  	v18 =	vadd.f32 v26, v18;
	v21 =	vld [tilespmem:s13+$0x7E0];
	v25 =	vmul.f32 v25, v13  }
0x13c: {  	v26 =	vmul.f32 v28, v14;
	v19 =	vadd.f32 v24, v19;
	v24 =	vld [tilespmem:s13+$0x7F0]  }
0x13d: {  	v28 =	vld [tilespmem:s13+$0x960];
	v23 =	vmul.f32 v23, v14;
	v25 =	vadd.f32 v25, v20  }
.Ltmp4:
0x13e: {  	v26 =	vadd.f32 v26, v18;
	v20 =	vld [tilespmem:s13+$0x970];
	v22 =	vmul.f32 v22, v14;
	(pc) =	sbr.rel @p2 .LBB2_17-.Ltmp4, $4  }
0x13f: {  	v27 =	vmul.f32 v27, v15;
	v29 =	vadd.f32 v23, v19;
	v19 =	vld [tilespmem:s13+$0x980]  }
0x140: {  	v18 =	vld [tilespmem:s13+$0xAF0];
	v30 =	vmul.f32 v21, v15;
	v25 =	vadd.f32 v22, v25  }
0x141: {  	v23 =	vadd.f32 v27, v26;
	v21 =	vld [tilespmem:s13+$0xB00];
	v27 =	vmul.f32 v24, v15  }
0x142: {  	s29 =	sadd.s32 $0x40, s29;
	v26 =	vmul.f32 v28, v16;
	v24 =	vadd.f32 v30, v29;
	v22 =	vld [tilespmem:s13+$0xB10]  }
0x143: {  	_ = 	snop  }
0x144: {  	v20 =	vmul.f32 v20, v16;
	v25 =	vadd.f32 v27, v25  }
0x145: {  	v23 =	vadd.f32 v26, v23;
	v19 =	vmul.f32 v19, v16;
	v18 =	vmul.f32 v18, v17  }
0x146: {  	v20 =	vadd.f32 v20, v24;
	v21 =	vmul.f32 v21, v17  }
0x147: {  	v19 =	vadd.f32 v19, v25;
	v18 =	vadd.f32 v18, v23;
	v22 =	vmul.f32 v22, v17  }
0x148: {  	v20 =	vadd.f32 v21, v20  }
0x149: {  	v21 =	vmul.f32 $9.999999770e-03, v18;
	v19 =	vadd.f32 v22, v19  }
0x14a: {  	vm0 =	vge.f32 v18, $0.0e+00;
	v22 =	vmul.f32 $9.999999770e-03, v20  }
0x14b: {  	vm1 =	vge.f32 v20, $0.0e+00;
	v18 =	vsel vm0, v18, v21;
	v21 =	vmul.f32 $9.999999770e-03, v19  }
0x14c: {  	vm14 =	vge.f32 v19, $0.0e+00;
	v18 =	vmul.f32 $1.442695020e+00, v18;
	v20 =	vsel vm1, v20, v22  }
0x14d: {  	v20 =	vmul.f32 $1.442695020e+00, v20;
	v19 =	vsel vm14, v19, v21  }
0x14e: {  	v19 =	vmul.f32 $1.442695020e+00, v19;
	(erf) = vpow2.f32 v18  }
0x14f: {  	(erf) = vpow2.f32 v20  }
0x150: {  	(erf) = vpow2.f32 v19;
	_ =	sdelay $0x6  }
0x151: {  	v18 =	vpop (erf)  }
0x152: {  	v19 =	vpop (erf);
	[tilespmem:s10+$0xFFFFFFE0] =	vst v18  }
0x153: {  	v18 =	vpop (erf);
	[tilespmem:s10+$0xFFFFFFF0] =	vst v19  }
0x154: {  	[tilespmem:s10+$0x0] =	vst v18  }
0x155: {  	v18 =	vld [tilespmem:$0x52C0]  }
0x156: {  	v19 =	vld [tilespmem:$0x4FA0];
	_ =	sdelay $0x5  }
0x157: {  	s0 =	simm.s32 $0x0;
	v20 =	vld [tilespmem:$0x55E0]  }
0x158: {  	v18 =	vld.idx.msk [tilespmem:v18+s0+$0x0], $0xffff  }
0x159: {  	v19 =	vld.idx.msk [tilespmem:v19+s30+$0x0], $0xffff;
	_ =	sdelay $0x1  }
0x15a: {  	v21 =	vld [tilespmem:$0x5770];
	_ =	sdelay $0x1  }
0x15b: {  	v22 =	vld [tilespmem:$0x5900]  }
0x15c: {  	v18 =	vadd.f32 v19, v18;
	v19 =	vmul.f32 v20, v2  }
0x15d: {  	v20 =	vld [tilespmem:$0x5A90]  }
0x15e: {  	v18 =	vadd.f32 v19, v18;
	v19 =	vmul.f32 v21, v3  }
0x15f: {  	v21 =	vld [tilespmem:$0x5C20]  }
0x160: {  	v18 =	vadd.f32 v19, v18;
	v19 =	vmul.f32 v22, v4  }
0x161: {  	v22 =	vld [tilespmem:$0x5DB0]  }
0x162: {  	v18 =	vadd.f32 v19, v18;
	v19 =	vmul.f32 v20, v5  }
0x163: {  	v20 =	vld [tilespmem:$0x5F40]  }
0x164: {  	v18 =	vadd.f32 v19, v18;
	v19 =	vmul.f32 v21, v6  }
0x165: {  	v21 =	vld [tilespmem:$0x60D0]  }
0x166: {  	v18 =	vadd.f32 v19, v18;
	v19 =	vmul.f32 v22, v7  }
0x167: {  	v22 =	vld [tilespmem:$0x6260]  }
0x168: {  	v18 =	vadd.f32 v19, v18;
	v19 =	vmul.f32 v20, v8  }
0x169: {  	v20 =	vld [tilespmem:$0x63F0]  }
0x16a: {  	v18 =	vadd.f32 v19, v18;
	v19 =	vmul.f32 v21, v9  }
0x16b: {  	v21 =	vld [tilespmem:$0x6580]  }
0x16c: {  	v18 =	vadd.f32 v19, v18;
	v19 =	vmul.f32 v22, v10  }
0x16d: {  	v22 =	vld [tilespmem:$0x6710]  }
0x16e: {  	v18 =	vadd.f32 v19, v18;
	v19 =	vmul.f32 v20, v11  }
0x16f: {  	v20 =	vld [tilespmem:$0x68A0]  }
0x170: {  	v18 =	vadd.f32 v19, v18;
	v19 =	vmul.f32 v21, v12  }
0x171: {  	v21 =	vld [tilespmem:$0x6A30]  }
0x172: {  	v18 =	vadd.f32 v19, v18;
	v19 =	vmul.f32 v22, v13  }
0x173: {  	v22 =	vld [tilespmem:$0x6BC0]  }
0x174: {  	v18 =	vadd.f32 v19, v18;
	v19 =	vmul.f32 v20, v14  }
0x175: {  	v20 =	vld [tilespmem:$0x6D50]  }
0x176: {  	v18 =	vadd.f32 v19, v18;
	v19 =	vmul.f32 v21, v15;
	_ =	sdelay $0x1  }
0x177: {  	v18 =	vadd.f32 v19, v18;
	v19 =	vmul.f32 v22, v16;
	_ =	sdelay $0x1  }
0x178: {  	v18 =	vadd.f32 v19, v18;
	v19 =	vmul.f32 v20, v17;
	_ =	sdelay $0x1  }
0x179: {  	v18 =	vadd.f32 v19, v18;
	_ =	sdelay $0x1  }
0x17a: {  	v19 =	vmul.f32 $9.999999770e-03, v18  }
0x17b: {  	vm15 =	vge.f32 v18, $0.0e+00  }
0x17c: {  	v18 =	vsel vm15, v18, v19  }
0x17d: {  	v18 =	vmul.f32 $1.442695020e+00, v18;
	_ =	sdelay $0x1  }
0x17e: {  	(erf) = vpow2.f32 v18  }
0x17f: {  	s6 =	simm.s32 $0x3  }
0x180: {  	v21 =	vmov s6  }
0x181: {  	s13 =	simm.s32 $0x4;
	v21 =	vshrl.u32 v21, $0x3  }
0x182: {  	v22 =	vmov s13;
	s13 =	simm.s32 $0x5;
	v21 =	vshll.u32 v21, v1  }
0x183: {  	s24 =	simm.s32 $0x1;
	s29 =	simm.s32 $0x2;
	v23 =	vmov s13;
	v22 =	vshrl.u32 v22, $0x3;
	v21 =	vadd.s32 $0x3, v21  }
0x184: {  	v20 =	vmov s29;
	v19 =	vmov s24;
	v18 =	vmov s0  }
0x185: {  	v23 =	vshrl.u32 v23, $0x3;
	v19 =	vshrl.u32 v19, $0x3;
	v18 =	vshrl.u32 v18, $0x3  }
0x186: {  	v20 =	vshrl.u32 v20, $0x3;
	v19 =	vshll.u32 v19, v1;
	v18 =	vshll.u32 v18, v1  }
0x187: {  	v20 =	vshll.u32 v20, v1;
	v19 =	vadd.s32 $0x1, v19;
	v18 =	vbroadcast v18, $0x0;
	v25 =	vpop (erf)  }
0x188: {  	v22 =	vshll.u32 v22, v1;
	v20 =	vadd.s32 $0x2, v20;
	s24 =	simm.s32 $0x6;
	v19 =	vbroadcast v19, $0x0;
	[tilespmem:$0x87E0] =	vst v25  }
0x189: {  	v21 =	vbroadcast v21, $0x0;
	v23 =	vshll.u32 v23, v1;
	v20 =	vbroadcast v20, $0x0;
	[spmem:s2] =	stream.indirect.scatter.add.f32 [tilespmem:s19], [sflag:$0x9], $0x1, s31, s21, $0xb8;
	[tilespmem:$0x1F7C0] =	vst v63  }
0x18a: {  	s29 =	simm.s32 $0x7;
	v22 =	vadd.s32 $0x4, v22;
	v23 =	vadd.s32 $0x5, v23;
	v24 =	vmov s24;
	_ =	swait.ge [sflag:s20], $0x6400  }
0x18b: {  	v22 =	vbroadcast v22, $0x0;
	v24 =	vshrl.u32 v24, $0x3;
	v25 =	vmov s29;
	[sflag:s20] =	ssyncset.done $0x0  }
0x18c: {  	v23 =	vbroadcast v23, $0x0;
	v24 =	vshll.u32 v24, v1;
	v25 =	vshrl.u32 v25, $0x3;
	[sflag:s20] =	ssyncadd.s32 $0xFFFF9C00  }
0x18d: {  	v24 =	vadd.s32 $0x6, v24;
	v25 =	vshll.u32 v25, v1;
	v26 =	vld.idx.msk [tilespmem:v18+s19+$0x0], $0xffff  }
0x18e: {  	v18 =	vbroadcast v24, $0x0;
	v24 =	vadd.s32 $0x7, v25;
	v25 =	vld.idx.msk [tilespmem:v19+s19+$0x0], $0xffff  }
0x18f: {  	v27 =	vld.idx.msk [tilespmem:v20+s19+$0x0], $0xffff  }
0x190: {  	v21 =	vld.idx.msk [tilespmem:v21+s19+$0x0], $0xffff;
	v24 =	vbroadcast v24, $0x0  }
0x191: {  	v28 =	vld.idx.msk [tilespmem:v22+s19+$0x0], $0xffff  }
0x192: {  	s0 =	simm.s32 $0x8A80;
	v20 =	vld.idx.msk [tilespmem:v23+s19+$0x0], $0xffff  }
0x193: {  	v22 =	vld [tilespmem:s0+$0xF0]  }
0x194: {  	v23 =	vld [tilespmem:s0+$0xFFFFFF00]  }
0x195: {  	v19 =	vld.idx.msk [tilespmem:v18+s19+$0x0], $0xffff  }
0x196: {  	v18 =	vld.idx.msk [tilespmem:v24+s19+$0x0], $0xffff  }
0x197: {  	v24 =	vld [tilespmem:s0+$0xFFFFFF10]  }
0x198: {  	v29 =	vld [tilespmem:s0+$0xFFFFFF20]  }
0x199: {  	v30 =	vld [tilespmem:s0+$0xFFFFFF30]  }
0x19a: {  	v31 =	vld [tilespmem:s0+$0xFFFFFF40];
	v23 =	vmul.f32 v23, v26  }
0x19b: {  	v32 =	vld [tilespmem:s0+$0xFFFFFF50];
	v22 =	vmul.f32 v22, v18  }
0x19c: {  	[tilespmem:s0+$0xFFFFFF00] =	vst v23;
	v23 =	vld [tilespmem:s0+$0xFFFFFF70];
	v24 =	vmul.f32 v24, v26  }
0x19d: {  	v33 =	vld [tilespmem:s0+$0xFFFFFF60];
	[tilespmem:s0+$0xF0] =	vst v22;
	v22 =	vmul.f32 v29, v26  }
0x19e: {  	[tilespmem:s0+$0xFFFFFF10] =	vst v24;
	v24 =	vmul.f32 v30, v26;
	v29 =	vld [tilespmem:s0+$0xFFFFFF90]  }
0x19f: {  	v26 =	vld [tilespmem:s0+$0xFFFFFF80];
	[tilespmem:s0+$0xFFFFFF20] =	vst v22;
	v22 =	vmul.f32 v31, v25  }
0x1a0: {  	v30 =	vld [tilespmem:s0+$0xFFFFFFA0];
	[tilespmem:s0+$0xFFFFFF30] =	vst v24;
	v24 =	vmul.f32 v32, v25  }
0x1a1: {  	v23 =	vmul.f32 v23, v25;
	v31 =	vld [tilespmem:s0+$0xFFFFFFB0];
	[tilespmem:s0+$0xFFFFFF40] =	vst v22  }
0x1a2: {  	s6 =	simm.s32 $0x8;
	v22 =	vmul.f32 v33, v25;
	[tilespmem:s0+$0xFFFFFF50] =	vst v24;
	v24 =	vld [tilespmem:s0+$0xFFFFFFC0]  }
0x1a3: {  	v54 =	vmov s6;
	s6 =	simm.s32 $0xC;
	[tilespmem:s0+$0xFFFFFF70] =	vst v23;
	v23 =	vmul.f32 v29, v27;
	v29 =	vld [tilespmem:s0+$0xFFFFFFE0]  }
0x1a4: {  	v35 =	vmov s6;
	s24 =	simm.s32 $0xA;
	[tilespmem:s0+$0xFFFFFF60] =	vst v22;
	v22 =	vmul.f32 v26, v27;
	v26 =	vld [tilespmem:s0+$0xFFFFFFD0]  }
0x1a5: {  	s13 =	simm.s32 $0x9;
	v59 =	vshrl.u32 v35, $0x3;
	v56 =	vmov s24;
	s24 =	simm.s32 $0xD;
	v61 =	vld [tilespmem:s0+$0x30]  }
0x1a6: {  	v55 =	vmov s13;
	v36 =	vmov s24;
	[tilespmem:s0+$0xFFFFFF80] =	vst v22;
	v22 =	vmul.f32 v30, v27;
	v30 =	vld [tilespmem:s0+$0xFFFFFFF0]  }
0x1a7: {  	v57 =	vshrl.u32 v56, $0x3;
	v60 =	vshrl.u32 v36, $0x3;
	s29 =	simm.s32 $0xB;
	[tilespmem:s0+$0xFFFFFF90] =	vst v23;
	v23 =	vmul.f32 v31, v27;
	v27 =	vld [tilespmem:s0+$0x0]  }
0x1a8: {  	v35 =	vshll.u32 v60, v1;
	v34 =	vmov s29;
	s29 =	simm.s32 $0xE;
	[tilespmem:s0+$0xFFFFFFA0] =	vst v22;
	v22 =	vmul.f32 v24, v21;
	v24 =	vld [tilespmem:s0+$0x10]  }
0x1a9: {  	v37 =	vmov s29;
	[tilespmem:s0+$0xFFFFFFB0] =	vst v23;
	v29 =	vmul.f32 v29, v21;
	v23 =	vmul.f32 v26, v21;
	v26 =	vld [tilespmem:s0+$0x20]  }
0x1aa: {  	v58 =	vshrl.u32 v34, $0x3;
	v34 =	vshll.u32 v59, v1;
	v62 =	vld [tilespmem:s0+$0x60];
	v32 =	vshll.u32 v57, v1;
	[tilespmem:s0+$0xFFFFFFC0] =	vst v22  }
0x1ab: {  	v25 =	vshrl.u32 v54, $0x3;
	v31 =	vshrl.u32 v55, $0x3;
	[tilespmem:s0+$0xFFFFFFE0] =	vst v29;
	v21 =	vmul.f32 v30, v21;
	v30 =	vld [tilespmem:s0+$0x40]  }
0x1ac: {  	v25 =	vshll.u32 v25, v1;
	v31 =	vshll.u32 v31, v1;
	[tilespmem:s0+$0xFFFFFFD0] =	vst v23;
	v23 =	vmul.f32 v27, v28;
	v27 =	vld [tilespmem:s0+$0x50]  }
0x1ad: {  	v22 =	vbroadcast v25, $0x0;
	v25 =	vshrl.u32 v37, $0x3;
	[tilespmem:s0+$0xFFFFFFF0] =	vst v21;
	v21 =	vmul.f32 v24, v28  }
0x1ae: {  	v29 =	vshll.u32 v58, v1;
	v38 =	vshll.u32 v25, v1;
	[tilespmem:s0+$0x0] =	vst v23;
	v23 =	vld [tilespmem:s0+$0x70];
	v24 =	vmul.f32 v26, v28  }
0x1af: {  	v25 =	vadd.s32 $0x1, v31;
	v33 =	vadd.s32 $0x3, v29;
	v28 =	vmul.f32 v61, v28;
	[tilespmem:s0+$0x10] =	vst v21;
	v21 =	vld [tilespmem:s0+$0x80]  }
0x1b0: {  	v29 =	vadd.s32 $0x4, v34;
	v34 =	vmul.f32 v62, v20;
	[tilespmem:s0+$0x20] =	vst v24;
	v63 =	vmul.f32 v30, v20;
	v24 =	vld [tilespmem:s0+$0x90]  }
0x1b1: {  	v31 =	vadd.s32 $0x2, v32;
	v26 =	vbroadcast v25, $0x0;
	v25 =	vld [tilespmem:s0+$0xA0];
	[tilespmem:s0+$0x30] =	vst v28;
	v32 =	vmul.f32 v27, v20  }
0x1b2: {  	s10 =	simm.s32 $0x10;
	s13 =	simm.s32 $0xF;
	v30 =	vadd.s32 $0x5, v35;
	v28 =	vbroadcast v31, $0x0;
	v31 =	vadd.s32 $0x6, v38;
	v27 =	vld [tilespmem:s0+$0xB0];
	[tilespmem:s0+$0x40] =	vst v63  }
.LBB2_19:
0x1b3: {  	p2 =	slt.u32 s10, $0x188;
	v33 =	vbroadcast v33, $0x0;
	v35 =	vmov s13;
	[tilespmem:s0+$0x50] =	vst v32;
	v20 =	vmul.f32 v23, v20;
	v23 =	vld [tilespmem:s0+$0xC0]  }
0x1b4: {  	v29 =	vbroadcast v29, $0x0;
	v32 =	vshrl.u32 v35, $0x3;
	[tilespmem:s0+$0x60] =	vst v34;
	v21 =	vmul.f32 v21, v19;
	v34 =	vld [tilespmem:s0+$0xD0]  }
0x1b5: {  	v30 =	vbroadcast v30, $0x0;
	v32 =	vshll.u32 v32, v1;
	[tilespmem:s0+$0x70] =	vst v20;
	v20 =	vmul.f32 v24, v19;
	v24 =	vld [tilespmem:s0+$0xE0]  }
0x1b6: {  	v31 =	vbroadcast v31, $0x0;
	v22 =	vld.idx.msk [tilespmem:v22+s19+$0x0], $0xffff;
	v32 =	vadd.s32 $0x7, v32;
	[tilespmem:s0+$0x80] =	vst v21;
	v21 =	vmul.f32 v25, v19  }
0x1b7: {  	v25 =	vld.idx.msk [tilespmem:v26+s19+$0x0], $0xffff;
	v26 =	vbroadcast v32, $0x0;
	[tilespmem:s0+$0x90] =	vst v20;
	v19 =	vmul.f32 v27, v19  }
0x1b8: {  	v27 =	vld.idx.msk [tilespmem:v28+s19+$0x0], $0xffff;
	[tilespmem:s0+$0xA0] =	vst v21;
	v20 =	vmul.f32 v23, v18  }
0x1b9: {  	v23 =	vld.idx.msk [tilespmem:v33+s19+$0x0], $0xffff;
	[tilespmem:s0+$0xB0] =	vst v19;
	v19 =	vmul.f32 v34, v18  }
0x1ba: {  	v21 =	vld.idx.msk [tilespmem:v29+s19+$0x0], $0xffff;
	[tilespmem:s0+$0xC0] =	vst v20;
	v18 =	vmul.f32 v24, v18  }
0x1bb: {  	v20 =	vld.idx.msk [tilespmem:v30+s19+$0x0], $0xffff;
	[tilespmem:s0+$0xD0] =	vst v19  }
0x1bc: {  	v19 =	vld.idx.msk [tilespmem:v31+s19+$0x0], $0xffff;
	[tilespmem:s0+$0xE0] =	vst v18  }
0x1bd: {  	s0 =	sadd.s32 $0x200, s0;
	v18 =	vld.idx.msk [tilespmem:v26+s19+$0x0], $0xffff  }
0x1be: {  	v24 =	vld [tilespmem:s0+$0xF0]  }
0x1bf: {  	v26 =	vld [tilespmem:s0+$0xFFFFFF00]  }
0x1c0: {  	v28 =	vld [tilespmem:s0+$0xFFFFFF10]  }
0x1c1: {  	v29 =	vld [tilespmem:s0+$0xFFFFFF20]  }
0x1c2: {  	v30 =	vld [tilespmem:s0+$0xFFFFFF30]  }
0x1c3: {  	v31 =	vld [tilespmem:s0+$0xFFFFFF40];
	v24 =	vmul.f32 v24, v18  }
0x1c4: {  	v26 =	vmul.f32 v26, v22;
	v32 =	vld [tilespmem:s0+$0xFFFFFF50]  }
0x1c5: {  	v28 =	vmul.f32 v28, v22;
	v33 =	vld [tilespmem:s0+$0xFFFFFF60];
	[tilespmem:s0+$0xF0] =	vst v24  }
0x1c6: {  	[tilespmem:s0+$0xFFFFFF00] =	vst v26;
	v24 =	vmul.f32 v29, v22;
	v26 =	vld [tilespmem:s0+$0xFFFFFF70]  }
0x1c7: {  	[tilespmem:s0+$0xFFFFFF10] =	vst v28;
	v22 =	vmul.f32 v30, v22;
	v28 =	vld [tilespmem:s0+$0xFFFFFF80]  }
0x1c8: {  	[tilespmem:s0+$0xFFFFFF20] =	vst v24;
	v24 =	vmul.f32 v31, v25;
	v29 =	vld [tilespmem:s0+$0xFFFFFF90]  }
0x1c9: {  	[tilespmem:s0+$0xFFFFFF30] =	vst v22;
	v22 =	vmul.f32 v32, v25;
	v30 =	vld [tilespmem:s0+$0xFFFFFFA0]  }
0x1ca: {  	[tilespmem:s0+$0xFFFFFF40] =	vst v24;
	v24 =	vmul.f32 v33, v25;
	v31 =	vld [tilespmem:s0+$0xFFFFFFB0]  }
0x1cb: {  	v32 =	vmov s10;
	[tilespmem:s0+$0xFFFFFF50] =	vst v22;
	v22 =	vmul.f32 v26, v25;
	v25 =	vld [tilespmem:s0+$0xFFFFFFC0]  }
0x1cc: {  	s13 =	sadd.s32 $0x1, s10;
	s24 =	sadd.s32 $0x2, s10;
	v26 =	vshrl.u32 v32, $0x3;
	[tilespmem:s0+$0xFFFFFF60] =	vst v24;
	v24 =	vmul.f32 v28, v27;
	v28 =	vld [tilespmem:s0+$0xFFFFFFD0]  }
0x1cd: {  	v33 =	vmov s24;
	s24 =	sadd.s32 $0x4, s10;
	v32 =	vmov s13;
	s13 =	sadd.s32 $0x3, s10;
	[tilespmem:s0+$0xFFFFFF70] =	vst v22;
	v22 =	vmul.f32 v29, v27;
	v29 =	vld [tilespmem:s0+$0xFFFFFFE0]  }
0x1ce: {  	v35 =	vmov s24;
	s24 =	sadd.s32 $0x6, s10;
	v34 =	vmov s13;
	s13 =	sadd.s32 $0x5, s10;
	[tilespmem:s0+$0xFFFFFF80] =	vst v24;
	v24 =	vmul.f32 v30, v27;
	v30 =	vld [tilespmem:s0+$0xFFFFFFF0]  }
0x1cf: {  	v37 =	vmov s24;
	v36 =	vmov s13;
	[tilespmem:s0+$0xFFFFFF90] =	vst v22;
	v22 =	vmul.f32 v31, v27;
	v27 =	vld [tilespmem:s0+$0x0]  }
0x1d0: {  	v26 =	vshll.u32 v26, v1;
	v31 =	vshrl.u32 v32, $0x3;
	[tilespmem:s0+$0xFFFFFFA0] =	vst v24;
	v24 =	vmul.f32 v25, v23;
	v25 =	vld [tilespmem:s0+$0x10]  }
0x1d1: {  	v32 =	vshrl.u32 v33, $0x3;
	v33 =	vshrl.u32 v34, $0x3;
	[tilespmem:s0+$0xFFFFFFB0] =	vst v22;
	v28 =	vmul.f32 v28, v23;
	v34 =	vld [tilespmem:s0+$0x20]  }
0x1d2: {  	v35 =	vshrl.u32 v35, $0x3;
	v36 =	vshrl.u32 v36, $0x3;
	[tilespmem:s0+$0xFFFFFFC0] =	vst v24;
	v24 =	vmul.f32 v29, v23;
	v29 =	vld [tilespmem:s0+$0x30]  }
0x1d3: {  	v22 =	vbroadcast v26, $0x0;
	v26 =	vshrl.u32 v37, $0x3;
	[tilespmem:s0+$0xFFFFFFD0] =	vst v28;
	v23 =	vmul.f32 v30, v23;
	v28 =	vld [tilespmem:s0+$0x40]  }
0x1d4: {  	v30 =	vshll.u32 v31, v1;
	v31 =	vshll.u32 v32, v1;
	[tilespmem:s0+$0xFFFFFFE0] =	vst v24;
	v24 =	vmul.f32 v27, v21;
	v27 =	vld [tilespmem:s0+$0x50]  }
0x1d5: {  	v35 =	vshll.u32 v35, v1;
	v32 =	vshll.u32 v33, v1;
	[tilespmem:s0+$0xFFFFFFF0] =	vst v23;
	v25 =	vmul.f32 v25, v21;
	v37 =	vld [tilespmem:s0+$0x60]  }
.Ltmp5:
0x1d6: {  	v36 =	vshll.u32 v36, v1;
	v38 =	vshll.u32 v26, v1;
	[tilespmem:s0+$0x0] =	vst v24;
	v24 =	vmul.f32 v34, v21;
	v23 =	vld [tilespmem:s0+$0x70];
	(pc) =	sbr.rel @p2 .LBB2_19-.Ltmp5, $4  }
0x1d7: {  	v26 =	vadd.s32 $0x1, v30;
	v31 =	vadd.s32 $0x2, v31;
	[tilespmem:s0+$0x10] =	vst v25;
	v25 =	vmul.f32 v29, v21;
	v21 =	vld [tilespmem:s0+$0x80]  }
0x1d8: {  	v33 =	vadd.s32 $0x3, v32;
	v29 =	vadd.s32 $0x4, v35;
	[tilespmem:s0+$0x20] =	vst v24;
	v34 =	vmul.f32 v28, v20;
	v24 =	vld [tilespmem:s0+$0x90]  }
0x1d9: {  	v30 =	vadd.s32 $0x5, v36;
	v26 =	vbroadcast v26, $0x0;
	[tilespmem:s0+$0x30] =	vst v25;
	v32 =	vmul.f32 v27, v20;
	v25 =	vld [tilespmem:s0+$0xA0]  }
0x1da: {  	s13 =	sadd.s32 $0x7, s10;
	s10 =	sadd.s32 $0x8, s10;
	v28 =	vbroadcast v31, $0x0;
	v31 =	vadd.s32 $0x6, v38;
	[tilespmem:s0+$0x40] =	vst v34;
	v34 =	vmul.f32 v37, v20;
	v27 =	vld [tilespmem:s0+$0xB0]  }
0x1db: {  	_ = 	snop  }
0x1dc: {  	v36 =	vld [tilespmem:s0+$0xC0]  }
0x1dd: {  	v37 =	vld [tilespmem:s0+$0xD0]  }
0x1de: {  	v35 =	vmov s13;
	v38 =	vld [tilespmem:s0+$0xE0]  }
0x1df: {  	v22 =	vld.idx.msk [tilespmem:v22+s19+$0x0], $0xffff;
	v35 =	vshrl.u32 v35, $0x3  }
0x1e0: {  	v26 =	vld.idx.msk [tilespmem:v26+s19+$0x0], $0xffff;
	v35 =	vshll.u32 v35, v1  }
0x1e1: {  	v33 =	vbroadcast v33, $0x0;
	v20 =	vmul.f32 v23, v20;
	s10 =	sadd.s32 $0x200, s0;
	v28 =	vld.idx.msk [tilespmem:v28+s19+$0x0], $0xffff;
	v35 =	vadd.s32 $0x7, v35  }
0x1e2: {  	v21 =	vmul.f32 v21, v19;
	v50 =	vld [tilespmem:s10+$0xFFFFFF20];
	v35 =	vbroadcast v35, $0x0  }
0x1e3: {  	v29 =	vbroadcast v29, $0x0;
	v51 =	vld [tilespmem:s10+$0xFFFFFF60];
	[tilespmem:s0+$0x70] =	vst v20;
	v20 =	vmul.f32 v24, v19  }
0x1e4: {  	v30 =	vbroadcast v30, $0x0;
	[tilespmem:s0+$0x80] =	vst v21;
	v21 =	vmul.f32 v25, v19;
	v25 =	vld [tilespmem:s10+$0xF0]  }
0x1e5: {  	[tilespmem:s0+$0x90] =	vst v20;
	v20 =	vld [tilespmem:s10+$0xFFFFFF00]  }
0x1e6: {  	v19 =	vmul.f32 v27, v19;
	v27 =	vld [tilespmem:s10+$0xFFFFFF10]  }
0x1e7: {  	[tilespmem:s0+$0x50] =	vst v32;
	v33 =	vld.idx.msk [tilespmem:v33+s19+$0x0], $0xffff  }
0x1e8: {  	v31 =	vbroadcast v31, $0x0;
	[tilespmem:s0+$0xA0] =	vst v21;
	v21 =	vmul.f32 v36, v18;
	v24 =	vld.idx.msk [tilespmem:v35+s19+$0x0], $0xffff  }
0x1e9: {  	v29 =	vld.idx.msk [tilespmem:v29+s19+$0x0], $0xffff;
	[tilespmem:s0+$0xB0] =	vst v19;
	v19 =	vmul.f32 v37, v18  }
0x1ea: {  	v23 =	vld.idx.msk [tilespmem:v30+s19+$0x0], $0xffff;
	v18 =	vmul.f32 v38, v18;
	[tilespmem:s0+$0xC0] =	vst v21  }
0x1eb: {  	v21 =	vld [tilespmem:s10+$0xFFFFFF30];
	[tilespmem:s0+$0xD0] =	vst v19  }
0x1ec: {  	v19 =	vld [tilespmem:s10+$0xFFFFFF40];
	[tilespmem:s0+$0xE0] =	vst v18;
	v18 =	vmul.f32 v20, v22  }
0x1ed: {  	[tilespmem:s0+$0x60] =	vst v34;
	v20 =	vld [tilespmem:s10+$0xFFFFFF50];
	v25 =	vmul.f32 v25, v24  }
0x1ee: {  	v49 =	vld.idx.msk [tilespmem:v31+s19+$0x0], $0xffff;
	v27 =	vmul.f32 v27, v22;
	[tilespmem:s10+$0xFFFFFF00] =	vst v18  }
0x1ef: {  	v18 =	vmul.f32 v50, v22;
	[tilespmem:s10+$0xF0] =	vst v25;
	v25 =	vld [tilespmem:s10+$0xFFFFFF70]  }
0x1f0: {  	[tilespmem:s10+$0xFFFFFF10] =	vst v27;
	v21 =	vmul.f32 v21, v22;
	v22 =	vld [tilespmem:s10+$0xFFFFFF80]  }
0x1f1: {  	[tilespmem:s10+$0xFFFFFF20] =	vst v18;
	v18 =	vmul.f32 v19, v26;
	v19 =	vld [tilespmem:s10+$0xFFFFFF90]  }
0x1f2: {  	[tilespmem:s10+$0xFFFFFF30] =	vst v21;
	v20 =	vmul.f32 v20, v26;
	v21 =	vld [tilespmem:s10+$0xFFFFFFA0]  }
0x1f3: {  	v27 =	vld [tilespmem:s10+$0xFFFFFFB0];
	[tilespmem:s10+$0xFFFFFF40] =	vst v18;
	v18 =	vmul.f32 v51, v26  }
0x1f4: {  	[tilespmem:s10+$0xFFFFFF50] =	vst v20;
	v20 =	vmul.f32 v25, v26;
	v25 =	vld [tilespmem:s10+$0xFFFFFFC0]  }
0x1f5: {  	[tilespmem:s10+$0xFFFFFF60] =	vst v18;
	v18 =	vmul.f32 v22, v28;
	v22 =	vld [tilespmem:s10+$0xFFFFFFD0]  }
0x1f6: {  	v19 =	vmul.f32 v19, v28;
	[tilespmem:s10+$0xFFFFFF70] =	vst v20;
	v20 =	vld [tilespmem:s10+$0xFFFFFFE0]  }
0x1f7: {  	[tilespmem:s10+$0xFFFFFF80] =	vst v18;
	v18 =	vmul.f32 v21, v28;
	v21 =	vld [tilespmem:s10+$0xFFFFFFF0]  }
0x1f8: {  	[tilespmem:s10+$0xFFFFFF90] =	vst v19;
	v19 =	vmul.f32 v27, v28;
	v26 =	vld [tilespmem:s10+$0x0]  }
0x1f9: {  	[tilespmem:s10+$0xFFFFFFA0] =	vst v18;
	v18 =	vmul.f32 v25, v33;
	v25 =	vld [tilespmem:s10+$0x10]  }
0x1fa: {  	[tilespmem:s10+$0xFFFFFFB0] =	vst v19;
	v19 =	vmul.f32 v22, v33;
	v22 =	vld [tilespmem:s10+$0x20]  }
0x1fb: {  	[tilespmem:s10+$0xFFFFFFC0] =	vst v18;
	v18 =	vmul.f32 v20, v33;
	v20 =	vld [tilespmem:s10+$0x30]  }
0x1fc: {  	[tilespmem:s10+$0xFFFFFFD0] =	vst v19;
	v19 =	vmul.f32 v21, v33;
	v21 =	vld [tilespmem:s10+$0x40]  }
0x1fd: {  	[tilespmem:s10+$0xFFFFFFE0] =	vst v18;
	v18 =	vmul.f32 v26, v29;
	v26 =	vld [tilespmem:s10+$0x50]  }
0x1fe: {  	[tilespmem:s10+$0xFFFFFFF0] =	vst v19;
	v19 =	vmul.f32 v25, v29;
	v25 =	vld [tilespmem:s10+$0x60]  }
0x1ff: {  	[tilespmem:s10+$0x0] =	vst v18;
	v18 =	vmul.f32 v22, v29;
	v22 =	vld [tilespmem:s10+$0x70]  }
0x200: {  	[tilespmem:s10+$0x10] =	vst v19;
	v19 =	vmul.f32 v20, v29;
	v20 =	vld [tilespmem:s10+$0x80]  }
0x201: {  	[tilespmem:s10+$0x20] =	vst v18;
	v18 =	vmul.f32 v21, v23;
	v21 =	vld [tilespmem:s10+$0x90]  }
0x202: {  	[tilespmem:s10+$0x30] =	vst v19;
	v19 =	vmul.f32 v26, v23;
	v26 =	vld [tilespmem:s10+$0xA0]  }
0x203: {  	[tilespmem:s10+$0x40] =	vst v18;
	v18 =	vmul.f32 v25, v23;
	v25 =	vld [tilespmem:s10+$0xB0]  }
0x204: {  	[tilespmem:s10+$0x50] =	vst v19;
	v19 =	vmul.f32 v22, v23;
	v22 =	vld [tilespmem:s10+$0xC0]  }
0x205: {  	[tilespmem:s10+$0x60] =	vst v18;
	v18 =	vmul.f32 v20, v49;
	v20 =	vld [tilespmem:s10+$0xD0]  }
0x206: {  	[tilespmem:s10+$0x70] =	vst v19;
	v19 =	vmul.f32 v21, v49;
	v21 =	vld [tilespmem:s10+$0xE0]  }
0x207: {  	[tilespmem:s10+$0x80] =	vst v18;
	v18 =	vmul.f32 v26, v49  }
0x208: {  	[tilespmem:s10+$0x90] =	vst v19;
	v19 =	vmul.f32 v25, v49  }
0x209: {  	[tilespmem:s10+$0xA0] =	vst v18;
	v18 =	vmul.f32 v22, v24  }
0x20a: {  	[tilespmem:s10+$0xB0] =	vst v19;
	v19 =	vmul.f32 v20, v24  }
0x20b: {  	[tilespmem:s10+$0xC0] =	vst v18;
	v18 =	vmul.f32 v21, v24  }
0x20c: {  	p2 =	seq.s32 s15, $0x18;
	[tilespmem:s10+$0xD0] =	vst v19  }
0x20d: {  	s13 =	simm.s32 $0x8980;
	s0 =	simm.s32 @!p2 $0x3;
	[tilespmem:s10+$0xE0] =	vst v18  }
0x20e: {  	[spmem:s1] =	stream.indirect.scatter.add.f32 [tilespmem:s13], [sflag:$0x3], $0x40, s31, s21, $0xb8;
	[tilespmem:$0x1F7C0] =	vst v63  }
0x20f: {  	_ =	swait.ge @!p2 [sflag:s0], $0x6400  }
0x210: {  	[sflag:s0] =	ssyncset.done @!p2 $0x0  }
0x211: {  	s10 =	smul.u32 @!p2 $0x320, s15;
	[sflag:s0] =	ssyncadd.s32 @!p2 $0xFFFF9C00;
	s0 =	simm.s32 @!p2 $0x9  }
0x212: {  	_ =	swait.ge @!p2 [sflag:s0], $0x190  }
0x213: {  	s10 =	sadd.s32 @!p2 s10, s22;
	[sflag:s0] =	ssyncset.done @!p2 $0x0  }
0x214: {  	[sflag:s0] =	ssyncadd.s32 @!p2 $0xFFFFFE70;
	s0 =	sshrl.u32 @!p2 s10, $0x3  }
0x215: {  	s24 =	simm.s32 @!p2 $0x4E20;
	s13 =	simm.s32 @!p2 $0x0;
	s10 =	sadd.s32 @!p2 s5, s0  }
0x216: {  	[tilespmem:s24], [sflag:$0x5] =	stream.linear.gather @!p2 [hbm4b:s10+s13], $0x190, $0x38;
	[tilespmem:$0x1F7C0] =	vst v63  }
0x217: {  	s29 =	simm.s32 @!p2 $0x5140;
	s0 =	sadd.s32 @!p2 s7, s0;
	s10 =	sadd.s32 @!p2 $0x9C40, s10  }
0x218: {  	[tilespmem:s29], [sflag:$0x5] =	stream.linear.gather @!p2 [hbm4b:s10+s13], $0x190, $0x38;
	[tilespmem:$0x1F7C0] =	vst v63  }
0x219: {  	s10 =	simm.s32 @!p2 $0x190;
	s13 =	simm.s32 @!p2 $0x4E200;
	s29 =	simm.s32 @!p2 $0x5460  }
0x21a: {  	[tilespmem:s29], [sflag:$0x7] =	stream.strided.gather @!p2 [hbm4b:s0+s10], $0x1900, s13, s10, $0x38;
	[tilespmem:$0x1F7C0] =	vst v63  }
0x21b: {  	s0 =	simm.s32 @!p2 $0x5  }
0x21c: {  	_ =	swait.ge @!p2 [sflag:s0], $0x190  }
0x21d: {  	[sflag:s0] =	ssyncset.done @!p2 $0x0  }
0x21e: {  	[sflag:s0] =	ssyncadd.s32 @!p2 $0xFFFFFE70  }
0x21f: {  	_ =	swait.ge @!p2 [sflag:s0], $0x190  }
0x220: {  	[sflag:s0] =	ssyncset.done @!p2 $0x0  }
0x221: {  	[sflag:s0] =	ssyncadd.s32 @!p2 $0xFFFFFE70;
	s0 =	simm.s32 @!p2 $0x8980  }
0x222: {  	[tilespmem:s0], [sflag:$0x1] =	stream.indirect.gather @!p2 [hbm4b:s11+s10], $0x40, s24, s10, $0xb8;
	[tilespmem:$0x1F7C0] =	vst v63  }
0x223: {  	_ =	swait.ge [sflag:s25], $0x1900  }
0x224: {  	[sflag:s25] =	ssyncset.done $0x0  }
0x225: {  	s24 =	simm.s32 $0x52F0;
	[sflag:s25] =	ssyncadd.s32 $0xFFFFE700  }
0x226: {  	s0 =	simm.s32 $0x4FD0;
	v18 =	vld [tilespmem:s24+$0x10]  }
0x227: {  	v19 =	vld [tilespmem:s0+$0x10]  }
0x228: {  	v20 =	vld [tilespmem:s0+$0xFFFFFFE0]  }
0x229: {  	v21 =	vld [tilespmem:s24+$0xFFFFFFF0]  }
0x22a: {  	v22 =	vld [tilespmem:s0+$0xFFFFFFF0]  }
0x22b: {  	v23 =	vld [tilespmem:s24+$0x0]  }
0x22c: {  	v24 =	vld [tilespmem:s0+$0x0]  }
0x22d: {  	s13 =	simm.s32 $0x79E0;
	v25 =	vld [tilespmem:s24+$0xFFFFFFE0]  }
0x22e: {  	v26 =	vld [tilespmem:s13+$0xFFFFF3B0]  }
0x22f: {  	v27 =	vld [tilespmem:s13+$0xFFFFF540]  }
0x230: {  	v28 =	vld [tilespmem:s13+$0xFFFFF6D0]  }
0x231: {  	v29 =	vld [tilespmem:s13+$0xFFFFF860]  }
0x232: {  	v52 =	vld [tilespmem:s13+$0xFFFFF9F0]  }
0x233: {  	v53 =	vld [tilespmem:s13+$0xFFFFFB80]  }
0x234: {  	v54 =	vld [tilespmem:s13+$0xFFFFFD10]  }
0x235: {  	v55 =	vld [tilespmem:s13+$0xFFFFF380]  }
0x236: {  	v56 =	vld [tilespmem:s13+$0xFFFFF390]  }
0x237: {  	v57 =	vld [tilespmem:s13+$0xFFFFF3A0]  }
0x238: {  	v58 =	vld [tilespmem:s13+$0xFFFFF510]  }
0x239: {  	v18 =	vld.idx.msk [tilespmem:v18+s3+$0x0], $0xffff  }
0x23a: {  	v19 =	vld.idx.msk [tilespmem:v19+s30+$0x0], $0xffff  }
0x23b: {  	v59 =	vld [tilespmem:s13+$0xFFFFF520]  }
0x23c: {  	v60 =	vld [tilespmem:s13+$0x4E0]  }
0x23d: {  	v61 =	vld [tilespmem:s13+$0xFFFFF530]  }
0x23e: {  	v62 =	vld [tilespmem:s13+$0x670]  }
0x23f: {  	v39 =	vld [tilespmem:s13+$0xFFFFF6A0];
	v18 =	vadd.f32 v19, v18;
	v19 =	vmul.f32 v26, v2  }
0x240: {  	v63 =	vld [tilespmem:s13+$0x800]  }
0x241: {  	v40 =	vld [tilespmem:s13+$0xFFFFF6B0];
	v18 =	vadd.f32 v19, v18;
	v19 =	vmul.f32 v27, v3  }
0x242: {  	v41 =	vld [tilespmem:s13+$0xFFFFF6C0]  }
0x243: {  	v42 =	vld [tilespmem:s13+$0xFFFFF830];
	v18 =	vadd.f32 v19, v18;
	v19 =	vmul.f32 v28, v4  }
0x244: {  	v44 =	vld [tilespmem:s13+$0xFFFFF9E0]  }
0x245: {  	v20 =	vld.idx.msk [tilespmem:v20+s30+$0x0], $0xffff;
	v18 =	vadd.f32 v19, v18;
	v19 =	vmul.f32 v29, v5  }
0x246: {  	v21 =	vld.idx.msk [tilespmem:v21+s3+$0x0], $0xffff  }
0x247: {  	v25 =	vld.idx.msk [tilespmem:v25+s3+$0x0], $0xffff;
	v18 =	vadd.f32 v19, v18;
	v19 =	vmul.f32 v52, v6  }
0x248: {  	v26 =	vld [tilespmem:s13+$0xFFFFFEA0]  }
0x249: {  	v22 =	vld.idx.msk [tilespmem:v22+s30+$0x0], $0xffff;
	v18 =	vadd.f32 v19, v18;
	v19 =	vmul.f32 v53, v7  }
0x24a: {  	v27 =	vld [tilespmem:s13+$0x30]  }
0x24b: {  	v23 =	vld.idx.msk [tilespmem:v23+s3+$0x0], $0xffff;
	v18 =	vadd.f32 v19, v18;
	v19 =	vmul.f32 v54, v8  }
0x24c: {  	v28 =	vld [tilespmem:s13+$0x1C0]  }
0x24d: {  	v24 =	vld.idx.msk [tilespmem:v24+s30+$0x0], $0xffff;
	v18 =	vadd.f32 v19, v18;
	v19 =	vmul.f32 v26, v9  }
0x24e: {  	v29 =	vld [tilespmem:s13+$0x350]  }
0x24f: {  	v46 =	vld [tilespmem:s13+$0xFFFFFB50];
	v18 =	vadd.f32 v19, v18;
	v19 =	vmul.f32 v27, v10  }
0x250: {  	v48 =	vld [tilespmem:s13+$0xFFFFFB60];
	v33 =	vmul.f32 v55, v2;
	v45 =	vmul.f32 v58, v3  }
0x251: {  	v49 =	vld [tilespmem:s13+$0xFFFFFB70];
	v47 =	vmul.f32 v59, v3;
	v18 =	vadd.f32 v19, v18;
	v19 =	vmul.f32 v28, v11  }
0x252: {  	v50 =	vld [tilespmem:s13+$0xFFFFFCE0];
	v21 =	vadd.f32 v22, v21;
	v22 =	vadd.f32 v24, v23;
	v23 =	vmul.f32 v56, v2  }
0x253: {  	v58 =	vld [tilespmem:s13+$0x1B0];
	v20 =	vadd.f32 v20, v25;
	v18 =	vadd.f32 v19, v18;
	v19 =	vmul.f32 v29, v12  }
0x254: {  	v51 =	vmul.f32 v39, v4;
	v25 =	vld [tilespmem:s13+$0xFFFFF850];
	v21 =	vadd.f32 v23, v21;
	v23 =	vmul.f32 v57, v2  }
0x255: {  	v20 =	vadd.f32 v33, v20;
	v52 =	vld [tilespmem:s13+$0xFFFFFCF0];
	v18 =	vadd.f32 v19, v18;
	v19 =	vmul.f32 v60, v13  }
0x256: {  	v55 =	vmul.f32 v48, v7;
	v22 =	vadd.f32 v23, v22;
	v23 =	vmul.f32 v61, v3;
	v26 =	vld [tilespmem:s13+$0x990]  }
0x257: {  	v20 =	vadd.f32 v45, v20;
	v27 =	vld [tilespmem:s13+$0xB20];
	v18 =	vadd.f32 v19, v18;
	v19 =	vmul.f32 v62, v14  }
0x258: {  	v21 =	vadd.f32 v47, v21;
	v22 =	vadd.f32 v23, v22;
	v23 =	vmul.f32 v40, v4;
	v28 =	vld [tilespmem:s13+$0xFFFFF840]  }
0x259: {  	v32 =	vmul.f32 v50, v8;
	v29 =	vld [tilespmem:s13+$0xFFFFF9C0];
	v18 =	vadd.f32 v19, v18;
	v19 =	vmul.f32 v63, v15  }
0x25a: {  	v24 =	vld [tilespmem:s13+$0xFFFFF9D0];
	v20 =	vadd.f32 v51, v20;
	v21 =	vadd.f32 v23, v21;
	v23 =	vmul.f32 v42, v5  }
0x25b: {  	v56 =	vld [tilespmem:s13+$0x1A0];
	v18 =	vadd.f32 v19, v18;
	v19 =	vmul.f32 v26, v16;
	v26 =	vmul.f32 v41, v4  }
0x25c: {  	v20 =	vadd.f32 v23, v20;
	v23 =	vmul.f32 v25, v5;
	v25 =	vld [tilespmem:s13+$0xFFFFFE90];
	v57 =	vmul.f32 v52, v8  }
0x25d: {  	v61 =	vld [tilespmem:s13+$0x4B0];
	v18 =	vadd.f32 v19, v18;
	v19 =	vadd.f32 v26, v22;
	v22 =	vmul.f32 v28, v5  }
0x25e: {  	v54 =	vld [tilespmem:s13+$0xFFFFFE70];
	v27 =	vmul.f32 v27, v17;
	v28 =	vmul.f32 v29, v6  }
0x25f: {  	v53 =	vld [tilespmem:s13+$0xFFFFFD00];
	v21 =	vadd.f32 v22, v21;
	v22 =	vmul.f32 v24, v6;
	v19 =	vadd.f32 v23, v19  }
0x260: {  	v26 =	vld [tilespmem:s13+$0xFFFFFE80];
	v23 =	vmul.f32 v44, v6;
	v20 =	vadd.f32 v28, v20;
	v28 =	vmul.f32 v46, v7  }
0x261: {  	v25 =	vmul.f32 v25, v9;
	v24 =	vld [tilespmem:s13+$0x0];
	v18 =	vadd.f32 v27, v18;
	v21 =	vadd.f32 v22, v21  }
0x262: {  	v22 =	vld [tilespmem:s13+$0x20];
	v19 =	vadd.f32 v23, v19;
	v20 =	vadd.f32 v28, v20;
	v28 =	vmul.f32 v49, v7  }
0x263: {  	v59 =	vmul.f32 v54, v9;
	v27 =	vld [tilespmem:s13+$0x10];
	v29 =	vmul.f32 $9.999999770e-03, v18;
	vm0 =	vge.f32 v18, $0.0e+00  }
0x264: {  	v23 =	vld [tilespmem:s13+$0x190];
	v21 =	vadd.f32 v55, v21;
	v19 =	vadd.f32 v28, v19;
	v28 =	vmul.f32 v53, v8  }
0x265: {  	v26 =	vmul.f32 v26, v9;
	v18 =	vsel vm0, v18, v29;
	v29 =	vld [tilespmem:s13+$0x320];
	v20 =	vadd.f32 v32, v20  }
0x266: {  	v60 =	vld [tilespmem:s13+$0x330];
	v18 =	vmul.f32 $1.442695020e+00, v18;
	v21 =	vadd.f32 v57, v21;
	v19 =	vadd.f32 v28, v19  }
0x267: {  	v24 =	vmul.f32 v24, v10;
	v28 =	vld [tilespmem:s13+$0x340];
	v20 =	vadd.f32 v59, v20;
	v22 =	vmul.f32 v22, v10  }
0x268: {  	v21 =	vadd.f32 v26, v21;
	v26 =	vmul.f32 v27, v10;
	v19 =	vadd.f32 v25, v19;
	v25 =	vld [tilespmem:s13+$0x4C0]  }
0x269: {  	v23 =	vmul.f32 v23, v11;
	(erf) = vpow2.f32 v18;
	v20 =	vadd.f32 v24, v20;
	v24 =	vld [tilespmem:s13+$0x4D0]  }
0x26a: {  	v27 =	vmul.f32 v29, v12;
	v29 =	vld [tilespmem:s13+$0x660];
	v18 =	vadd.f32 v26, v21;
	v21 =	vmul.f32 v56, v11  }
0x26b: {  	v26 =	vld [tilespmem:s13+$0x640];
	v19 =	vadd.f32 v22, v19;
	v22 =	vmul.f32 v58, v11  }
0x26c: {  	v20 =	vadd.f32 v23, v20;
	v23 =	vld [tilespmem:s13+$0x650];
	v18 =	vadd.f32 v21, v18;
	v21 =	vmul.f32 v60, v12  }
0x26d: {  	v19 =	vadd.f32 v22, v19;
	v22 =	vmul.f32 v28, v12;
	v28 =	vld [tilespmem:s13+$0x7D0]  }
0x26e: {  	v20 =	vadd.f32 v27, v20;
	v27 =	vmul.f32 v61, v13;
	v18 =	vadd.f32 v21, v18;
	v21 =	vld [tilespmem:s13+$0x7E0]  }
0x26f: {  	v25 =	vmul.f32 v25, v13;
	v19 =	vadd.f32 v22, v19;
	v22 =	vmul.f32 v24, v13;
	v24 =	vld [tilespmem:s13+$0x7F0]  }
0x270: {  	v62 =	vld [tilespmem:s13+$0x960];
	v27 =	vadd.f32 v27, v20;
	v26 =	vmul.f32 v26, v14  }
0x271: {  	v20 =	vld [tilespmem:s13+$0x970];
	v23 =	vmul.f32 v23, v14;
	v18 =	vadd.f32 v25, v18;
	v22 =	vadd.f32 v22, v19  }
0x272: {  	v25 =	vmul.f32 v29, v14;
	v19 =	vld [tilespmem:s13+$0x980];
	v26 =	vadd.f32 v26, v27;
	v27 =	vmul.f32 v28, v15  }
0x273: {  	v28 =	vadd.f32 v23, v18;
	v18 =	vld [tilespmem:s13+$0xAF0];
	v29 =	vmul.f32 v21, v15  }
0x274: {  	s10 =	simm.s32 $0x8810;
	v63 =	vpop (erf);
	v25 =	vadd.f32 v25, v22;
	v23 =	vadd.f32 v27, v26;
	v21 =	vld [tilespmem:s13+$0xB00];
	v27 =	vmul.f32 v24, v15  }
0x275: {  	s29 =	simm.s32 $0x5330;
	s24 =	simm.s32 $0x0;
	[tilespmem:s10+$0x10] =	vst v63;
	v22 =	vld [tilespmem:s13+$0xB10];
	v26 =	vmul.f32 v62, v16;
	v24 =	vadd.f32 v29, v28  }
.LBB2_21:
0x276: {  	v28 =	vld [tilespmem:s29+$0x10];
	v20 =	vmul.f32 v20, v16;
	v25 =	vadd.f32 v27, v25;
	s0 =	sadd.s32 $0x40, s0  }
0x277: {  	s24 =	sadd.s32 $0x40, s24;
	v27 =	vld [tilespmem:s0+$0x10];
	v23 =	vadd.f32 v26, v23;
	v19 =	vmul.f32 v19, v16  }
0x278: {  	p3 =	slt.u32 s24, $0x140;
	v26 =	vld [tilespmem:s0+$0xFFFFFFE0];
	v18 =	vmul.f32 v18, v17;
	v20 =	vadd.f32 v20, v24  }
0x279: {  	v24 =	vld [tilespmem:s29+$0xFFFFFFF0];
	v21 =	vmul.f32 v21, v17;
	v19 =	vadd.f32 v19, v25  }
0x27a: {  	v25 =	vld [tilespmem:s0+$0xFFFFFFF0];
	v18 =	vadd.f32 v18, v23;
	v22 =	vmul.f32 v22, v17  }
0x27b: {  	v23 =	vld [tilespmem:s29+$0x0];
	v20 =	vadd.f32 v21, v20  }
0x27c: {  	v21 =	vld [tilespmem:s0+$0x0];
	vm0 =	vge.f32 v18, $0.0e+00;
	v29 =	vmul.f32 $9.999999770e-03, v18;
	v19 =	vadd.f32 v22, v19  }
0x27d: {  	v22 =	vld [tilespmem:s29+$0xFFFFFFE0];
	vm1 =	vge.f32 v20, $0.0e+00;
	v30 =	vmul.f32 $9.999999770e-03, v20  }
0x27e: {  	v28 =	vld.idx.msk [tilespmem:v28+s3+$0x0], $0xffff;
	v18 =	vsel vm0, v18, v29;
	vm0 =	vge.f32 v19, $0.0e+00;
	v29 =	vmul.f32 $9.999999770e-03, v19  }
0x27f: {  	s13 =	sadd.s32 $0x40, s13;
	v27 =	vld.idx.msk [tilespmem:v27+s30+$0x0], $0xffff;
	v18 =	vmul.f32 $1.442695020e+00, v18;
	v20 =	vsel vm1, v20, v30  }
0x280: {  	v30 =	vld [tilespmem:s13+$0xFFFFF3B0];
	v20 =	vmul.f32 $1.442695020e+00, v20;
	v19 =	vsel vm0, v19, v29  }
0x281: {  	v26 =	vld.idx.msk [tilespmem:v26+s30+$0x0], $0xffff;
	v19 =	vmul.f32 $1.442695020e+00, v19;
	(erf) = vpow2.f32 v18  }
0x282: {  	v18 =	vld [tilespmem:s13+$0xFFFFF540];
	(erf) = vpow2.f32 v20  }
0x283: {  	v20 =	vld.idx.msk [tilespmem:v24+s3+$0x0], $0xffff;
	(erf) = vpow2.f32 v19  }
0x284: {  	v19 =	vld [tilespmem:s13+$0xFFFFF6D0]  }
0x285: {  	v24 =	vadd.f32 v27, v28;
	v22 =	vld.idx.msk [tilespmem:v22+s3+$0x0], $0xffff;
	v27 =	vmul.f32 v30, v2  }
0x286: {  	v28 =	vld [tilespmem:s13+$0xFFFFF860]  }
0x287: {  	v25 =	vld.idx.msk [tilespmem:v25+s30+$0x0], $0xffff;
	v24 =	vadd.f32 v27, v24;
	v18 =	vmul.f32 v18, v3  }
0x288: {  	v27 =	vld [tilespmem:s13+$0xFFFFF9F0]  }
0x289: {  	v23 =	vld.idx.msk [tilespmem:v23+s3+$0x0], $0xffff;
	v18 =	vadd.f32 v18, v24;
	v19 =	vmul.f32 v19, v4  }
0x28a: {  	v24 =	vld [tilespmem:s13+$0xFFFFFB80];
	v29 =	vpop (erf)  }
0x28b: {  	v22 =	vadd.f32 v26, v22;
	v21 =	vld.idx.msk [tilespmem:v21+s30+$0x0], $0xffff;
	v18 =	vadd.f32 v19, v18;
	v19 =	vmul.f32 v28, v5;
	v26 =	vpop (erf)  }
0x28c: {  	v28 =	vld [tilespmem:s13+$0xFFFFFD10];
	[tilespmem:s10+$0xFFFFFFE0] =	vst v29;
	v29 =	vpop (erf)  }
0x28d: {  	v20 =	vadd.f32 v25, v20;
	v30 =	vld [tilespmem:s13+$0xFFFFF380];
	v18 =	vadd.f32 v19, v18;
	v19 =	vmul.f32 v27, v6;
	[tilespmem:s10+$0xFFFFFFF0] =	vst v26  }
0x28e: {  	v25 =	vld [tilespmem:s13+$0xFFFFFEA0];
	[tilespmem:s10+$0x0] =	vst v29  }
0x28f: {  	v26 =	vld [tilespmem:s13+$0xFFFFF390];
	v18 =	vadd.f32 v19, v18;
	v19 =	vmul.f32 v24, v7  }
0x290: {  	v24 =	vld [tilespmem:s13+$0x30]  }
0x291: {  	v21 =	vadd.f32 v21, v23;
	v23 =	vld [tilespmem:s13+$0xFFFFF3A0];
	v18 =	vadd.f32 v19, v18;
	v19 =	vmul.f32 v28, v8  }
0x292: {  	v27 =	vmul.f32 v30, v2;
	v28 =	vld [tilespmem:s13+$0x1C0]  }
0x293: {  	v29 =	vld [tilespmem:s13+$0xFFFFF510];
	v18 =	vadd.f32 v19, v18;
	v19 =	vmul.f32 v25, v9  }
0x294: {  	v22 =	vadd.f32 v27, v22;
	v25 =	vmul.f32 v26, v2;
	v26 =	vld [tilespmem:s13+$0x350]  }
0x295: {  	v27 =	vld [tilespmem:s13+$0xFFFFF520];
	v18 =	vadd.f32 v19, v18;
	v19 =	vmul.f32 v24, v10  }
0x296: {  	v20 =	vadd.f32 v25, v20;
	v23 =	vmul.f32 v23, v2;
	v24 =	vld [tilespmem:s13+$0x4E0]  }
0x297: {  	v25 =	vld [tilespmem:s13+$0xFFFFF530];
	v18 =	vadd.f32 v19, v18;
	v19 =	vmul.f32 v28, v11  }
0x298: {  	v28 =	vmul.f32 v29, v3;
	v21 =	vadd.f32 v23, v21;
	v23 =	vld [tilespmem:s13+$0x670]  }
0x299: {  	v29 =	vld [tilespmem:s13+$0xFFFFF6A0];
	v18 =	vadd.f32 v19, v18;
	v19 =	vmul.f32 v26, v12  }
0x29a: {  	v22 =	vadd.f32 v28, v22;
	v26 =	vmul.f32 v27, v3;
	v27 =	vld [tilespmem:s13+$0x800]  }
0x29b: {  	v28 =	vld [tilespmem:s13+$0xFFFFF6B0];
	v18 =	vadd.f32 v19, v18;
	v19 =	vmul.f32 v24, v13  }
0x29c: {  	v20 =	vadd.f32 v26, v20;
	v24 =	vmul.f32 v25, v3;
	v25 =	vld [tilespmem:s13+$0x990]  }
0x29d: {  	v26 =	vld [tilespmem:s13+$0xFFFFF6C0];
	v18 =	vadd.f32 v19, v18;
	v19 =	vmul.f32 v23, v14  }
0x29e: {  	v23 =	vmul.f32 v29, v4;
	v21 =	vadd.f32 v24, v21;
	v24 =	vld [tilespmem:s13+$0xB20]  }
0x29f: {  	v29 =	vld [tilespmem:s13+$0xFFFFF830];
	v18 =	vadd.f32 v19, v18;
	v19 =	vmul.f32 v27, v15  }
0x2a0: {  	v22 =	vadd.f32 v23, v22;
	v23 =	vmul.f32 v28, v4;
	v27 =	vld [tilespmem:s13+$0xFFFFF840]  }
0x2a1: {  	v28 =	vld [tilespmem:s13+$0xFFFFF850];
	v18 =	vadd.f32 v19, v18;
	v19 =	vmul.f32 v25, v16  }
0x2a2: {  	v25 =	vld [tilespmem:s13+$0xFFFFF9C0];
	v20 =	vadd.f32 v23, v20;
	v23 =	vmul.f32 v26, v4  }
0x2a3: {  	v26 =	vld [tilespmem:s13+$0xFFFFF9D0];
	v18 =	vadd.f32 v19, v18;
	v19 =	vmul.f32 v24, v17  }
0x2a4: {  	v24 =	vmul.f32 v29, v5;
	v21 =	vadd.f32 v23, v21;
	v23 =	vld [tilespmem:s13+$0xFFFFF9E0]  }
0x2a5: {  	v29 =	vld [tilespmem:s13+$0xFFFFFB50];
	v27 =	vmul.f32 v27, v5;
	v18 =	vadd.f32 v19, v18  }
0x2a6: {  	v19 =	vadd.f32 v24, v22;
	v22 =	vld [tilespmem:s13+$0xFFFFFB60];
	v24 =	vmul.f32 v28, v5  }
0x2a7: {  	v25 =	vmul.f32 v25, v6;
	v20 =	vadd.f32 v27, v20;
	v27 =	vld [tilespmem:s13+$0xFFFFFB70];
	v28 =	vmul.f32 $9.999999770e-03, v18  }
0x2a8: {  	vm0 =	vge.f32 v18, $0.0e+00;
	v30 =	vld [tilespmem:s13+$0xFFFFFCE0];
	v26 =	vmul.f32 v26, v6;
	v21 =	vadd.f32 v24, v21  }
0x2a9: {  	v19 =	vadd.f32 v25, v19;
	v24 =	vld [tilespmem:s13+$0xFFFFFCF0];
	v23 =	vmul.f32 v23, v6;
	v18 =	vsel vm0, v18, v28  }
0x2aa: {  	v25 =	vmul.f32 v29, v7;
	v20 =	vadd.f32 v26, v20;
	v26 =	vld [tilespmem:s13+$0xFFFFFD00];
	v18 =	vmul.f32 $1.442695020e+00, v18  }
0x2ab: {  	v28 =	vld [tilespmem:s13+$0xFFFFFE70];
	v22 =	vmul.f32 v22, v7;
	v21 =	vadd.f32 v23, v21  }
0x2ac: {  	v19 =	vadd.f32 v25, v19;
	v23 =	vld [tilespmem:s13+$0xFFFFFE80];
	v25 =	vmul.f32 v27, v7;
	(erf) = vpow2.f32 v18  }
0x2ad: {  	v18 =	vmul.f32 v30, v8;
	v20 =	vadd.f32 v22, v20;
	v22 =	vld [tilespmem:s13+$0xFFFFFE90]  }
0x2ae: {  	v27 =	vld [tilespmem:s13+$0x0];
	v24 =	vmul.f32 v24, v8;
	v21 =	vadd.f32 v25, v21  }
0x2af: {  	v18 =	vadd.f32 v18, v19;
	v19 =	vld [tilespmem:s13+$0x10];
	v25 =	vmul.f32 v26, v8  }
0x2b0: {  	v26 =	vmul.f32 v28, v9;
	v20 =	vadd.f32 v24, v20;
	v24 =	vld [tilespmem:s13+$0x20]  }
0x2b1: {  	v28 =	vld [tilespmem:s13+$0x190];
	v23 =	vmul.f32 v23, v9;
	v21 =	vadd.f32 v25, v21  }
0x2b2: {  	v18 =	vadd.f32 v26, v18;
	v25 =	vld [tilespmem:s13+$0x1A0];
	v22 =	vmul.f32 v22, v9  }
0x2b3: {  	v29 =	vmul.f32 v27, v10;
	v20 =	vadd.f32 v23, v20;
	v23 =	vld [tilespmem:s13+$0x1B0]  }
0x2b4: {  	v27 =	vld [tilespmem:s13+$0x320];
	v19 =	vmul.f32 v19, v10;
	v21 =	vadd.f32 v22, v21  }
0x2b5: {  	s10 =	sadd.s32 $0x40, s10;
	v18 =	vadd.f32 v29, v18;
	v22 =	vld [tilespmem:s13+$0x330];
	v24 =	vmul.f32 v24, v10;
	v26 =	vpop (erf)  }
0x2b6: {  	v28 =	vmul.f32 v28, v11;
	v19 =	vadd.f32 v19, v20;
	v20 =	vld [tilespmem:s13+$0x340];
	[tilespmem:s10+$0x10] =	vst v26  }
0x2b7: {  	v26 =	vld [tilespmem:s13+$0x4B0];
	v25 =	vmul.f32 v25, v11;
	v21 =	vadd.f32 v24, v21  }
0x2b8: {  	v18 =	vadd.f32 v28, v18;
	v24 =	vld [tilespmem:s13+$0x4C0];
	v23 =	vmul.f32 v23, v11  }
0x2b9: {  	v27 =	vmul.f32 v27, v12;
	v19 =	vadd.f32 v25, v19;
	v25 =	vld [tilespmem:s13+$0x4D0]  }
0x2ba: {  	v28 =	vld [tilespmem:s13+$0x640];
	v22 =	vmul.f32 v22, v12;
	v21 =	vadd.f32 v23, v21  }
0x2bb: {  	v18 =	vadd.f32 v27, v18;
	v23 =	vld [tilespmem:s13+$0x650];
	v20 =	vmul.f32 v20, v12  }
0x2bc: {  	v26 =	vmul.f32 v26, v13;
	v19 =	vadd.f32 v22, v19;
	v22 =	vld [tilespmem:s13+$0x660]  }
0x2bd: {  	v27 =	vld [tilespmem:s13+$0x7D0];
	v24 =	vmul.f32 v24, v13;
	v20 =	vadd.f32 v20, v21  }
0x2be: {  	v18 =	vadd.f32 v26, v18;
	v21 =	vld [tilespmem:s13+$0x7E0];
	v25 =	vmul.f32 v25, v13  }
0x2bf: {  	v26 =	vmul.f32 v28, v14;
	v19 =	vadd.f32 v24, v19;
	v24 =	vld [tilespmem:s13+$0x7F0]  }
0x2c0: {  	v28 =	vld [tilespmem:s13+$0x960];
	v23 =	vmul.f32 v23, v14;
	v25 =	vadd.f32 v25, v20  }
.Ltmp6:
0x2c1: {  	v26 =	vadd.f32 v26, v18;
	v20 =	vld [tilespmem:s13+$0x970];
	v22 =	vmul.f32 v22, v14;
	(pc) =	sbr.rel @p3 .LBB2_21-.Ltmp6, $4  }
0x2c2: {  	v27 =	vmul.f32 v27, v15;
	v29 =	vadd.f32 v23, v19;
	v19 =	vld [tilespmem:s13+$0x980]  }
0x2c3: {  	v18 =	vld [tilespmem:s13+$0xAF0];
	v30 =	vmul.f32 v21, v15;
	v25 =	vadd.f32 v22, v25  }
0x2c4: {  	v23 =	vadd.f32 v27, v26;
	v21 =	vld [tilespmem:s13+$0xB00];
	v27 =	vmul.f32 v24, v15  }
0x2c5: {  	s29 =	sadd.s32 $0x40, s29;
	v26 =	vmul.f32 v28, v16;
	v24 =	vadd.f32 v30, v29;
	v22 =	vld [tilespmem:s13+$0xB10]  }
0x2c6: {  	_ = 	snop  }
0x2c7: {  	v20 =	vmul.f32 v20, v16;
	v25 =	vadd.f32 v27, v25  }
0x2c8: {  	v23 =	vadd.f32 v26, v23;
	v19 =	vmul.f32 v19, v16;
	v18 =	vmul.f32 v18, v17  }
0x2c9: {  	v20 =	vadd.f32 v20, v24;
	v21 =	vmul.f32 v21, v17  }
0x2ca: {  	v19 =	vadd.f32 v19, v25;
	v18 =	vadd.f32 v18, v23;
	v22 =	vmul.f32 v22, v17  }
0x2cb: {  	v20 =	vadd.f32 v21, v20  }
0x2cc: {  	v21 =	vmul.f32 $9.999999770e-03, v18;
	v19 =	vadd.f32 v22, v19  }
0x2cd: {  	vm0 =	vge.f32 v18, $0.0e+00;
	v22 =	vmul.f32 $9.999999770e-03, v20  }
0x2ce: {  	vm1 =	vge.f32 v20, $0.0e+00;
	v18 =	vsel vm0, v18, v21;
	v21 =	vmul.f32 $9.999999770e-03, v19  }
0x2cf: {  	vm14 =	vge.f32 v19, $0.0e+00;
	v18 =	vmul.f32 $1.442695020e+00, v18;
	v20 =	vsel vm1, v20, v22  }
0x2d0: {  	v20 =	vmul.f32 $1.442695020e+00, v20;
	v19 =	vsel vm14, v19, v21  }
0x2d1: {  	v19 =	vmul.f32 $1.442695020e+00, v19;
	(erf) = vpow2.f32 v18  }
0x2d2: {  	(erf) = vpow2.f32 v20  }
0x2d3: {  	(erf) = vpow2.f32 v19;
	_ =	sdelay $0x6  }
0x2d4: {  	v18 =	vpop (erf)  }
0x2d5: {  	v19 =	vpop (erf);
	[tilespmem:s10+$0xFFFFFFE0] =	vst v18  }
0x2d6: {  	v18 =	vpop (erf);
	[tilespmem:s10+$0xFFFFFFF0] =	vst v19  }
0x2d7: {  	[tilespmem:s10+$0x0] =	vst v18  }
0x2d8: {  	v18 =	vld [tilespmem:$0x5450]  }
0x2d9: {  	v19 =	vld [tilespmem:$0x5130];
	_ =	sdelay $0x5  }
0x2da: {  	s0 =	simm.s32 $0x0;
	v20 =	vld [tilespmem:$0x6EE0]  }
0x2db: {  	v18 =	vld.idx.msk [tilespmem:v18+s0+$0x0], $0xffff  }
0x2dc: {  	v19 =	vld.idx.msk [tilespmem:v19+s30+$0x0], $0xffff;
	_ =	sdelay $0x1  }
0x2dd: {  	v21 =	vld [tilespmem:$0x7070];
	_ =	sdelay $0x1  }
0x2de: {  	v22 =	vld [tilespmem:$0x7200]  }
0x2df: {  	v18 =	vadd.f32 v19, v18;
	v19 =	vmul.f32 v20, v2  }
0x2e0: {  	v20 =	vld [tilespmem:$0x7390]  }
0x2e1: {  	v18 =	vadd.f32 v19, v18;
	v19 =	vmul.f32 v21, v3  }
0x2e2: {  	v21 =	vld [tilespmem:$0x7520]  }
0x2e3: {  	v18 =	vadd.f32 v19, v18;
	v19 =	vmul.f32 v22, v4  }
0x2e4: {  	v22 =	vld [tilespmem:$0x76B0]  }
0x2e5: {  	v18 =	vadd.f32 v19, v18;
	v19 =	vmul.f32 v20, v5  }
0x2e6: {  	v20 =	vld [tilespmem:$0x7840]  }
0x2e7: {  	v18 =	vadd.f32 v19, v18;
	v19 =	vmul.f32 v21, v6  }
0x2e8: {  	v21 =	vld [tilespmem:$0x79D0]  }
0x2e9: {  	v18 =	vadd.f32 v19, v18;
	v19 =	vmul.f32 v22, v7  }
0x2ea: {  	v22 =	vld [tilespmem:$0x7B60]  }
0x2eb: {  	v18 =	vadd.f32 v19, v18;
	v19 =	vmul.f32 v20, v8  }
0x2ec: {  	v20 =	vld [tilespmem:$0x7CF0]  }
0x2ed: {  	v18 =	vadd.f32 v19, v18;
	v19 =	vmul.f32 v21, v9  }
0x2ee: {  	v21 =	vld [tilespmem:$0x7E80]  }
0x2ef: {  	v18 =	vadd.f32 v19, v18;
	v19 =	vmul.f32 v22, v10  }
0x2f0: {  	v22 =	vld [tilespmem:$0x8010]  }
0x2f1: {  	v18 =	vadd.f32 v19, v18;
	v19 =	vmul.f32 v20, v11  }
0x2f2: {  	v20 =	vld [tilespmem:$0x81A0]  }
0x2f3: {  	v18 =	vadd.f32 v19, v18;
	v19 =	vmul.f32 v21, v12  }
0x2f4: {  	v21 =	vld [tilespmem:$0x8330]  }
0x2f5: {  	v18 =	vadd.f32 v19, v18;
	v19 =	vmul.f32 v22, v13  }
0x2f6: {  	v22 =	vld [tilespmem:$0x84C0]  }
0x2f7: {  	v18 =	vadd.f32 v19, v18;
	v19 =	vmul.f32 v20, v14  }
0x2f8: {  	v20 =	vld [tilespmem:$0x8650]  }
0x2f9: {  	v18 =	vadd.f32 v19, v18;
	v19 =	vmul.f32 v21, v15;
	_ =	sdelay $0x1  }
0x2fa: {  	v18 =	vadd.f32 v19, v18;
	v19 =	vmul.f32 v22, v16;
	_ =	sdelay $0x1  }
0x2fb: {  	v18 =	vadd.f32 v19, v18;
	v19 =	vmul.f32 v20, v17;
	_ =	sdelay $0x1  }
0x2fc: {  	v18 =	vadd.f32 v19, v18;
	_ =	sdelay $0x1  }
0x2fd: {  	v19 =	vmul.f32 $9.999999770e-03, v18  }
0x2fe: {  	vm15 =	vge.f32 v18, $0.0e+00  }
0x2ff: {  	v18 =	vsel vm15, v18, v19  }
0x300: {  	v18 =	vmul.f32 $1.442695020e+00, v18;
	_ =	sdelay $0x1  }
0x301: {  	(erf) = vpow2.f32 v18  }
0x302: {  	s6 =	simm.s32 $0x3  }
0x303: {  	v21 =	vmov s6  }
0x304: {  	s13 =	simm.s32 $0x4;
	v21 =	vshrl.u32 v21, $0x3  }
0x305: {  	v22 =	vmov s13;
	s13 =	simm.s32 $0x5;
	v21 =	vshll.u32 v21, v1  }
0x306: {  	s24 =	simm.s32 $0x1;
	s29 =	simm.s32 $0x2;
	v23 =	vmov s13;
	v22 =	vshrl.u32 v22, $0x3;
	v21 =	vadd.s32 $0x3, v21  }
0x307: {  	v20 =	vmov s29;
	v19 =	vmov s24;
	v18 =	vmov s0  }
0x308: {  	v23 =	vshrl.u32 v23, $0x3;
	v19 =	vshrl.u32 v19, $0x3;
	v18 =	vshrl.u32 v18, $0x3  }
0x309: {  	v20 =	vshrl.u32 v20, $0x3;
	v19 =	vshll.u32 v19, v1;
	v18 =	vshll.u32 v18, v1  }
0x30a: {  	v20 =	vshll.u32 v20, v1;
	v19 =	vadd.s32 $0x1, v19;
	v18 =	vbroadcast v18, $0x0;
	v25 =	vpop (erf)  }
0x30b: {  	v22 =	vshll.u32 v22, v1;
	v20 =	vadd.s32 $0x2, v20;
	s24 =	simm.s32 $0x6;
	v19 =	vbroadcast v19, $0x0;
	[tilespmem:$0x8970] =	vst v25  }
0x30c: {  	v21 =	vbroadcast v21, $0x0;
	v23 =	vshll.u32 v23, v1;
	v20 =	vbroadcast v20, $0x0;
	[spmem:s2] =	stream.indirect.scatter.add.f32 [tilespmem:s26], [sflag:$0xA], $0x1, s9, s21, $0xb8;
	[tilespmem:$0x1F7C0] =	vst v63  }
0x30d: {  	s29 =	simm.s32 $0x7;
	v22 =	vadd.s32 $0x4, v22;
	v23 =	vadd.s32 $0x5, v23;
	v24 =	vmov s24;
	_ =	swait.ge [sflag:s28], $0x6400  }
0x30e: {  	v22 =	vbroadcast v22, $0x0;
	v24 =	vshrl.u32 v24, $0x3;
	v25 =	vmov s29;
	[sflag:s28] =	ssyncset.done $0x0  }
0x30f: {  	v23 =	vbroadcast v23, $0x0;
	v24 =	vshll.u32 v24, v1;
	v25 =	vshrl.u32 v25, $0x3;
	[sflag:s28] =	ssyncadd.s32 $0xFFFF9C00  }
0x310: {  	v24 =	vadd.s32 $0x6, v24;
	v25 =	vshll.u32 v25, v1;
	v26 =	vld.idx.msk [tilespmem:v18+s26+$0x0], $0xffff  }
0x311: {  	v18 =	vbroadcast v24, $0x0;
	v24 =	vadd.s32 $0x7, v25;
	v25 =	vld.idx.msk [tilespmem:v19+s26+$0x0], $0xffff  }
0x312: {  	v27 =	vld.idx.msk [tilespmem:v20+s26+$0x0], $0xffff  }
0x313: {  	v21 =	vld.idx.msk [tilespmem:v21+s26+$0x0], $0xffff;
	v24 =	vbroadcast v24, $0x0  }
0x314: {  	v28 =	vld.idx.msk [tilespmem:v22+s26+$0x0], $0xffff  }
0x315: {  	s0 =	simm.s32 $0xEE80;
	v20 =	vld.idx.msk [tilespmem:v23+s26+$0x0], $0xffff  }
0x316: {  	v22 =	vld [tilespmem:s0+$0xF0]  }
0x317: {  	v23 =	vld [tilespmem:s0+$0xFFFFFF00]  }
0x318: {  	v19 =	vld.idx.msk [tilespmem:v18+s26+$0x0], $0xffff  }
0x319: {  	v18 =	vld.idx.msk [tilespmem:v24+s26+$0x0], $0xffff  }
0x31a: {  	v24 =	vld [tilespmem:s0+$0xFFFFFF10]  }
0x31b: {  	v29 =	vld [tilespmem:s0+$0xFFFFFF20]  }
0x31c: {  	v30 =	vld [tilespmem:s0+$0xFFFFFF30]  }
0x31d: {  	v31 =	vld [tilespmem:s0+$0xFFFFFF40];
	v23 =	vmul.f32 v23, v26  }
0x31e: {  	v32 =	vld [tilespmem:s0+$0xFFFFFF50];
	v22 =	vmul.f32 v22, v18  }
0x31f: {  	[tilespmem:s0+$0xFFFFFF00] =	vst v23;
	v23 =	vld [tilespmem:s0+$0xFFFFFF70];
	v24 =	vmul.f32 v24, v26  }
0x320: {  	v33 =	vld [tilespmem:s0+$0xFFFFFF60];
	[tilespmem:s0+$0xF0] =	vst v22;
	v22 =	vmul.f32 v29, v26  }
0x321: {  	[tilespmem:s0+$0xFFFFFF10] =	vst v24;
	v24 =	vmul.f32 v30, v26;
	v29 =	vld [tilespmem:s0+$0xFFFFFF90]  }
0x322: {  	v26 =	vld [tilespmem:s0+$0xFFFFFF80];
	[tilespmem:s0+$0xFFFFFF20] =	vst v22;
	v22 =	vmul.f32 v31, v25  }
0x323: {  	v30 =	vld [tilespmem:s0+$0xFFFFFFA0];
	[tilespmem:s0+$0xFFFFFF30] =	vst v24;
	v24 =	vmul.f32 v32, v25  }
0x324: {  	v23 =	vmul.f32 v23, v25;
	v31 =	vld [tilespmem:s0+$0xFFFFFFB0];
	[tilespmem:s0+$0xFFFFFF40] =	vst v22  }
0x325: {  	s6 =	simm.s32 $0x8;
	v22 =	vmul.f32 v33, v25;
	[tilespmem:s0+$0xFFFFFF50] =	vst v24;
	v24 =	vld [tilespmem:s0+$0xFFFFFFC0]  }
0x326: {  	v54 =	vmov s6;
	s6 =	simm.s32 $0xC;
	[tilespmem:s0+$0xFFFFFF70] =	vst v23;
	v23 =	vmul.f32 v29, v27;
	v29 =	vld [tilespmem:s0+$0xFFFFFFE0]  }
0x327: {  	v35 =	vmov s6;
	s24 =	simm.s32 $0xA;
	[tilespmem:s0+$0xFFFFFF60] =	vst v22;
	v22 =	vmul.f32 v26, v27;
	v26 =	vld [tilespmem:s0+$0xFFFFFFD0]  }
0x328: {  	s13 =	simm.s32 $0x9;
	v59 =	vshrl.u32 v35, $0x3;
	v56 =	vmov s24;
	s24 =	simm.s32 $0xD;
	v61 =	vld [tilespmem:s0+$0x30]  }
0x329: {  	v55 =	vmov s13;
	v36 =	vmov s24;
	[tilespmem:s0+$0xFFFFFF80] =	vst v22;
	v22 =	vmul.f32 v30, v27;
	v30 =	vld [tilespmem:s0+$0xFFFFFFF0]  }
0x32a: {  	v57 =	vshrl.u32 v56, $0x3;
	v60 =	vshrl.u32 v36, $0x3;
	s29 =	simm.s32 $0xB;
	[tilespmem:s0+$0xFFFFFF90] =	vst v23;
	v23 =	vmul.f32 v31, v27;
	v27 =	vld [tilespmem:s0+$0x0]  }
0x32b: {  	v35 =	vshll.u32 v60, v1;
	v34 =	vmov s29;
	s29 =	simm.s32 $0xE;
	[tilespmem:s0+$0xFFFFFFA0] =	vst v22;
	v22 =	vmul.f32 v24, v21;
	v24 =	vld [tilespmem:s0+$0x10]  }
0x32c: {  	v37 =	vmov s29;
	[tilespmem:s0+$0xFFFFFFB0] =	vst v23;
	v29 =	vmul.f32 v29, v21;
	v23 =	vmul.f32 v26, v21;
	v26 =	vld [tilespmem:s0+$0x20]  }
0x32d: {  	v58 =	vshrl.u32 v34, $0x3;
	v34 =	vshll.u32 v59, v1;
	v62 =	vld [tilespmem:s0+$0x60];
	v32 =	vshll.u32 v57, v1;
	[tilespmem:s0+$0xFFFFFFC0] =	vst v22  }
0x32e: {  	v25 =	vshrl.u32 v54, $0x3;
	v31 =	vshrl.u32 v55, $0x3;
	[tilespmem:s0+$0xFFFFFFE0] =	vst v29;
	v21 =	vmul.f32 v30, v21;
	v30 =	vld [tilespmem:s0+$0x40]  }
0x32f: {  	v25 =	vshll.u32 v25, v1;
	v31 =	vshll.u32 v31, v1;
	[tilespmem:s0+$0xFFFFFFD0] =	vst v23;
	v23 =	vmul.f32 v27, v28;
	v27 =	vld [tilespmem:s0+$0x50]  }
0x330: {  	v22 =	vbroadcast v25, $0x0;
	v25 =	vshrl.u32 v37, $0x3;
	[tilespmem:s0+$0xFFFFFFF0] =	vst v21;
	v21 =	vmul.f32 v24, v28  }
0x331: {  	v29 =	vshll.u32 v58, v1;
	v38 =	vshll.u32 v25, v1;
	[tilespmem:s0+$0x0] =	vst v23;
	v23 =	vld [tilespmem:s0+$0x70];
	v24 =	vmul.f32 v26, v28  }
0x332: {  	v25 =	vadd.s32 $0x1, v31;
	v33 =	vadd.s32 $0x3, v29;
	v28 =	vmul.f32 v61, v28;
	[tilespmem:s0+$0x10] =	vst v21;
	v21 =	vld [tilespmem:s0+$0x80]  }
0x333: {  	v29 =	vadd.s32 $0x4, v34;
	v34 =	vmul.f32 v62, v20;
	[tilespmem:s0+$0x20] =	vst v24;
	v63 =	vmul.f32 v30, v20;
	v24 =	vld [tilespmem:s0+$0x90]  }
0x334: {  	v31 =	vadd.s32 $0x2, v32;
	v26 =	vbroadcast v25, $0x0;
	v25 =	vld [tilespmem:s0+$0xA0];
	[tilespmem:s0+$0x30] =	vst v28;
	v32 =	vmul.f32 v27, v20  }
0x335: {  	s10 =	simm.s32 $0x10;
	s13 =	simm.s32 $0xF;
	v30 =	vadd.s32 $0x5, v35;
	v28 =	vbroadcast v31, $0x0;
	v31 =	vadd.s32 $0x6, v38;
	v27 =	vld [tilespmem:s0+$0xB0];
	[tilespmem:s0+$0x40] =	vst v63  }
.LBB2_23:
0x336: {  	p3 =	slt.u32 s10, $0x188;
	v33 =	vbroadcast v33, $0x0;
	v35 =	vmov s13;
	[tilespmem:s0+$0x50] =	vst v32;
	v20 =	vmul.f32 v23, v20;
	v23 =	vld [tilespmem:s0+$0xC0]  }
0x337: {  	v29 =	vbroadcast v29, $0x0;
	v32 =	vshrl.u32 v35, $0x3;
	[tilespmem:s0+$0x60] =	vst v34;
	v21 =	vmul.f32 v21, v19;
	v34 =	vld [tilespmem:s0+$0xD0]  }
0x338: {  	v30 =	vbroadcast v30, $0x0;
	v32 =	vshll.u32 v32, v1;
	[tilespmem:s0+$0x70] =	vst v20;
	v20 =	vmul.f32 v24, v19;
	v24 =	vld [tilespmem:s0+$0xE0]  }
0x339: {  	v31 =	vbroadcast v31, $0x0;
	v22 =	vld.idx.msk [tilespmem:v22+s26+$0x0], $0xffff;
	v32 =	vadd.s32 $0x7, v32;
	[tilespmem:s0+$0x80] =	vst v21;
	v21 =	vmul.f32 v25, v19  }
0x33a: {  	v25 =	vld.idx.msk [tilespmem:v26+s26+$0x0], $0xffff;
	v26 =	vbroadcast v32, $0x0;
	[tilespmem:s0+$0x90] =	vst v20;
	v19 =	vmul.f32 v27, v19  }
0x33b: {  	v27 =	vld.idx.msk [tilespmem:v28+s26+$0x0], $0xffff;
	[tilespmem:s0+$0xA0] =	vst v21;
	v20 =	vmul.f32 v23, v18  }
0x33c: {  	v23 =	vld.idx.msk [tilespmem:v33+s26+$0x0], $0xffff;
	[tilespmem:s0+$0xB0] =	vst v19;
	v19 =	vmul.f32 v34, v18  }
0x33d: {  	v21 =	vld.idx.msk [tilespmem:v29+s26+$0x0], $0xffff;
	[tilespmem:s0+$0xC0] =	vst v20;
	v18 =	vmul.f32 v24, v18  }
0x33e: {  	v20 =	vld.idx.msk [tilespmem:v30+s26+$0x0], $0xffff;
	[tilespmem:s0+$0xD0] =	vst v19  }
0x33f: {  	v19 =	vld.idx.msk [tilespmem:v31+s26+$0x0], $0xffff;
	[tilespmem:s0+$0xE0] =	vst v18  }
0x340: {  	s0 =	sadd.s32 $0x200, s0;
	v18 =	vld.idx.msk [tilespmem:v26+s26+$0x0], $0xffff  }
0x341: {  	v24 =	vld [tilespmem:s0+$0xF0]  }
0x342: {  	v26 =	vld [tilespmem:s0+$0xFFFFFF00]  }
0x343: {  	v28 =	vld [tilespmem:s0+$0xFFFFFF10]  }
0x344: {  	v29 =	vld [tilespmem:s0+$0xFFFFFF20]  }
0x345: {  	v30 =	vld [tilespmem:s0+$0xFFFFFF30]  }
0x346: {  	v31 =	vld [tilespmem:s0+$0xFFFFFF40];
	v24 =	vmul.f32 v24, v18  }
0x347: {  	v26 =	vmul.f32 v26, v22;
	v32 =	vld [tilespmem:s0+$0xFFFFFF50]  }
0x348: {  	v28 =	vmul.f32 v28, v22;
	v33 =	vld [tilespmem:s0+$0xFFFFFF60];
	[tilespmem:s0+$0xF0] =	vst v24  }
0x349: {  	[tilespmem:s0+$0xFFFFFF00] =	vst v26;
	v24 =	vmul.f32 v29, v22;
	v26 =	vld [tilespmem:s0+$0xFFFFFF70]  }
0x34a: {  	[tilespmem:s0+$0xFFFFFF10] =	vst v28;
	v22 =	vmul.f32 v30, v22;
	v28 =	vld [tilespmem:s0+$0xFFFFFF80]  }
0x34b: {  	[tilespmem:s0+$0xFFFFFF20] =	vst v24;
	v24 =	vmul.f32 v31, v25;
	v29 =	vld [tilespmem:s0+$0xFFFFFF90]  }
0x34c: {  	[tilespmem:s0+$0xFFFFFF30] =	vst v22;
	v22 =	vmul.f32 v32, v25;
	v30 =	vld [tilespmem:s0+$0xFFFFFFA0]  }
0x34d: {  	[tilespmem:s0+$0xFFFFFF40] =	vst v24;
	v24 =	vmul.f32 v33, v25;
	v31 =	vld [tilespmem:s0+$0xFFFFFFB0]  }
0x34e: {  	v32 =	vmov s10;
	[tilespmem:s0+$0xFFFFFF50] =	vst v22;
	v22 =	vmul.f32 v26, v25;
	v25 =	vld [tilespmem:s0+$0xFFFFFFC0]  }
0x34f: {  	s13 =	sadd.s32 $0x1, s10;
	s24 =	sadd.s32 $0x2, s10;
	v26 =	vshrl.u32 v32, $0x3;
	[tilespmem:s0+$0xFFFFFF60] =	vst v24;
	v24 =	vmul.f32 v28, v27;
	v28 =	vld [tilespmem:s0+$0xFFFFFFD0]  }
0x350: {  	v33 =	vmov s24;
	s24 =	sadd.s32 $0x4, s10;
	v32 =	vmov s13;
	s13 =	sadd.s32 $0x3, s10;
	[tilespmem:s0+$0xFFFFFF70] =	vst v22;
	v22 =	vmul.f32 v29, v27;
	v29 =	vld [tilespmem:s0+$0xFFFFFFE0]  }
0x351: {  	v35 =	vmov s24;
	s24 =	sadd.s32 $0x6, s10;
	v34 =	vmov s13;
	s13 =	sadd.s32 $0x5, s10;
	[tilespmem:s0+$0xFFFFFF80] =	vst v24;
	v24 =	vmul.f32 v30, v27;
	v30 =	vld [tilespmem:s0+$0xFFFFFFF0]  }
0x352: {  	v37 =	vmov s24;
	v36 =	vmov s13;
	[tilespmem:s0+$0xFFFFFF90] =	vst v22;
	v22 =	vmul.f32 v31, v27;
	v27 =	vld [tilespmem:s0+$0x0]  }
0x353: {  	v26 =	vshll.u32 v26, v1;
	v31 =	vshrl.u32 v32, $0x3;
	[tilespmem:s0+$0xFFFFFFA0] =	vst v24;
	v24 =	vmul.f32 v25, v23;
	v25 =	vld [tilespmem:s0+$0x10]  }
0x354: {  	v32 =	vshrl.u32 v33, $0x3;
	v33 =	vshrl.u32 v34, $0x3;
	[tilespmem:s0+$0xFFFFFFB0] =	vst v22;
	v28 =	vmul.f32 v28, v23;
	v34 =	vld [tilespmem:s0+$0x20]  }
0x355: {  	v35 =	vshrl.u32 v35, $0x3;
	v36 =	vshrl.u32 v36, $0x3;
	[tilespmem:s0+$0xFFFFFFC0] =	vst v24;
	v24 =	vmul.f32 v29, v23;
	v29 =	vld [tilespmem:s0+$0x30]  }
0x356: {  	v22 =	vbroadcast v26, $0x0;
	v26 =	vshrl.u32 v37, $0x3;
	[tilespmem:s0+$0xFFFFFFD0] =	vst v28;
	v23 =	vmul.f32 v30, v23;
	v28 =	vld [tilespmem:s0+$0x40]  }
0x357: {  	v30 =	vshll.u32 v31, v1;
	v31 =	vshll.u32 v32, v1;
	[tilespmem:s0+$0xFFFFFFE0] =	vst v24;
	v24 =	vmul.f32 v27, v21;
	v27 =	vld [tilespmem:s0+$0x50]  }
0x358: {  	v35 =	vshll.u32 v35, v1;
	v32 =	vshll.u32 v33, v1;
	[tilespmem:s0+$0xFFFFFFF0] =	vst v23;
	v25 =	vmul.f32 v25, v21;
	v37 =	vld [tilespmem:s0+$0x60]  }
.Ltmp7:
0x359: {  	v36 =	vshll.u32 v36, v1;
	v38 =	vshll.u32 v26, v1;
	[tilespmem:s0+$0x0] =	vst v24;
	v24 =	vmul.f32 v34, v21;
	v23 =	vld [tilespmem:s0+$0x70];
	(pc) =	sbr.rel @p3 .LBB2_23-.Ltmp7, $4  }
0x35a: {  	v26 =	vadd.s32 $0x1, v30;
	v31 =	vadd.s32 $0x2, v31;
	[tilespmem:s0+$0x10] =	vst v25;
	v25 =	vmul.f32 v29, v21;
	v21 =	vld [tilespmem:s0+$0x80]  }
0x35b: {  	v33 =	vadd.s32 $0x3, v32;
	v29 =	vadd.s32 $0x4, v35;
	[tilespmem:s0+$0x20] =	vst v24;
	v34 =	vmul.f32 v28, v20;
	v24 =	vld [tilespmem:s0+$0x90]  }
0x35c: {  	v30 =	vadd.s32 $0x5, v36;
	v26 =	vbroadcast v26, $0x0;
	[tilespmem:s0+$0x30] =	vst v25;
	v32 =	vmul.f32 v27, v20;
	v25 =	vld [tilespmem:s0+$0xA0]  }
0x35d: {  	s13 =	sadd.s32 $0x7, s10;
	s10 =	sadd.s32 $0x8, s10;
	v28 =	vbroadcast v31, $0x0;
	v31 =	vadd.s32 $0x6, v38;
	[tilespmem:s0+$0x40] =	vst v34;
	v34 =	vmul.f32 v37, v20;
	v27 =	vld [tilespmem:s0+$0xB0]  }
0x35e: {  	_ = 	snop  }
0x35f: {  	v36 =	vld [tilespmem:s0+$0xC0]  }
0x360: {  	v37 =	vld [tilespmem:s0+$0xD0]  }
0x361: {  	v38 =	vld [tilespmem:s0+$0xE0]  }
0x362: {  	v22 =	vld.idx.msk [tilespmem:v22+s26+$0x0], $0xffff  }
0x363: {  	v26 =	vld.idx.msk [tilespmem:v26+s26+$0x0], $0xffff  }
0x364: {  	s10 =	sadd.s32 $0x200, s0;
	v28 =	vld.idx.msk [tilespmem:v28+s26+$0x0], $0xffff  }
0x365: {  	v62 =	vld [tilespmem:s10+$0xF0]  }
0x366: {  	v35 =	vmov s13;
	v63 =	vld [tilespmem:s10+$0xFFFFFF00]  }
0x367: {  	[tilespmem:s0+$0x50] =	vst v32;
	v20 =	vmul.f32 v23, v20;
	v35 =	vshrl.u32 v35, $0x3;
	v39 =	vld [tilespmem:s10+$0xFFFFFF60]  }
0x368: {  	[tilespmem:s0+$0x60] =	vst v34;
	v21 =	vmul.f32 v21, v19;
	v40 =	vld [tilespmem:s10+$0xFFFFFF70];
	v35 =	vshll.u32 v35, v1  }
0x369: {  	v41 =	vld [tilespmem:s10+$0xFFFFFF80];
	[tilespmem:s0+$0x70] =	vst v20;
	v60 =	vmul.f32 v24, v19;
	v35 =	vadd.s32 $0x7, v35;
	v61 =	vmul.f32 v25, v19  }
0x36a: {  	v42 =	vld [tilespmem:s10+$0xFFFFFFA0];
	[tilespmem:s0+$0x80] =	vst v21;
	v35 =	vbroadcast v35, $0x0;
	v19 =	vmul.f32 v27, v19  }
0x36b: {  	v43 =	vld [tilespmem:s10+$0xFFFFFFB0];
	[tilespmem:s0+$0x90] =	vst v60  }
0x36c: {  	v34 =	vmul.f32 v36, v18;
	v36 =	vld [tilespmem:s10+$0xFFFFFF20];
	[tilespmem:s0+$0xB0] =	vst v19;
	v19 =	vmul.f32 v37, v18  }
0x36d: {  	[tilespmem:s0+$0xA0] =	vst v61;
	v18 =	vmul.f32 v38, v18;
	v37 =	vld [tilespmem:s10+$0xFFFFFF30]  }
0x36e: {  	v38 =	vld [tilespmem:s10+$0xFFFFFF50];
	[tilespmem:s0+$0xD0] =	vst v19  }
0x36f: {  	v19 =	vld [tilespmem:s10+$0xFFFFFF40];
	[tilespmem:s0+$0xE0] =	vst v18;
	v18 =	vmul.f32 v63, v22  }
0x370: {  	v44 =	vmul.f32 v40, v26;
	[tilespmem:s0+$0xC0] =	vst v34;
	v24 =	vld.idx.msk [tilespmem:v35+s26+$0x0], $0xffff  }
0x371: {  	v33 =	vbroadcast v33, $0x0;
	v45 =	vld [tilespmem:s10+$0xFFFFFFC0];
	[tilespmem:s10+$0xFFFFFF00] =	vst v18;
	v18 =	vmul.f32 v36, v22  }
0x372: {  	[tilespmem:s10+$0xFFFFFF70] =	vst v44;
	v35 =	vld [tilespmem:s10+$0xFFFFFF10];
	v21 =	vmul.f32 v37, v22  }
0x373: {  	v46 =	vld [tilespmem:s10+$0xFFFFFFD0];
	v20 =	vmul.f32 v38, v26;
	[tilespmem:s10+$0xFFFFFF20] =	vst v18  }
0x374: {  	v18 =	vmul.f32 v19, v26;
	v19 =	vld [tilespmem:s10+$0xFFFFFF90];
	[tilespmem:s10+$0xFFFFFF30] =	vst v21  }
0x375: {  	v29 =	vbroadcast v29, $0x0;
	v47 =	vld [tilespmem:s10+$0xFFFFFFE0];
	[tilespmem:s10+$0xFFFFFF50] =	vst v20;
	v25 =	vmul.f32 v62, v24  }
0x376: {  	v48 =	vld [tilespmem:s10+$0xFFFFFFF0];
	[tilespmem:s10+$0xFFFFFF40] =	vst v18;
	v18 =	vmul.f32 v39, v26  }
0x377: {  	v33 =	vld.idx.msk [tilespmem:v33+s26+$0x0], $0xffff;
	v27 =	vmul.f32 v35, v22;
	[tilespmem:s10+$0xF0] =	vst v25  }
0x378: {  	v49 =	vld [tilespmem:s10+$0x0];
	[tilespmem:s10+$0xFFFFFF60] =	vst v18;
	v18 =	vmul.f32 v41, v28  }
0x379: {  	v30 =	vbroadcast v30, $0x0;
	v50 =	vld [tilespmem:s10+$0x10];
	[tilespmem:s10+$0xFFFFFF10] =	vst v27;
	v19 =	vmul.f32 v19, v28  }
0x37a: {  	v51 =	vld [tilespmem:s10+$0x20];
	[tilespmem:s10+$0xFFFFFF80] =	vst v18;
	v18 =	vmul.f32 v42, v28  }
0x37b: {  	v29 =	vld.idx.msk [tilespmem:v29+s26+$0x0], $0xffff;
	[tilespmem:s10+$0xFFFFFF90] =	vst v19;
	v19 =	vmul.f32 v43, v28  }
0x37c: {  	v52 =	vld [tilespmem:s10+$0x30];
	[tilespmem:s10+$0xFFFFFFA0] =	vst v18;
	v18 =	vmul.f32 v45, v33  }
0x37d: {  	v31 =	vbroadcast v31, $0x0;
	v53 =	vld [tilespmem:s10+$0x40];
	[tilespmem:s10+$0xFFFFFFB0] =	vst v19;
	v19 =	vmul.f32 v46, v33  }
0x37e: {  	v54 =	vld [tilespmem:s10+$0x50];
	[tilespmem:s10+$0xFFFFFFC0] =	vst v18;
	v18 =	vmul.f32 v47, v33  }
0x37f: {  	v23 =	vld.idx.msk [tilespmem:v30+s26+$0x0], $0xffff;
	[tilespmem:s10+$0xFFFFFFD0] =	vst v19;
	v19 =	vmul.f32 v48, v33  }
0x380: {  	v55 =	vld [tilespmem:s10+$0x60];
	[tilespmem:s10+$0xFFFFFFE0] =	vst v18;
	v18 =	vmul.f32 v49, v29  }
0x381: {  	v56 =	vld [tilespmem:s10+$0x70];
	[tilespmem:s10+$0xFFFFFFF0] =	vst v19;
	v19 =	vmul.f32 v50, v29  }
0x382: {  	v57 =	vld [tilespmem:s10+$0x80];
	[tilespmem:s10+$0x0] =	vst v18;
	v18 =	vmul.f32 v51, v29  }
0x383: {  	v30 =	vld.idx.msk [tilespmem:v31+s26+$0x0], $0xffff;
	[tilespmem:s10+$0x10] =	vst v19;
	v19 =	vmul.f32 v52, v29  }
0x384: {  	v58 =	vld [tilespmem:s10+$0x90];
	[tilespmem:s10+$0x20] =	vst v18;
	v18 =	vmul.f32 v53, v23  }
0x385: {  	v59 =	vld [tilespmem:s10+$0xA0];
	[tilespmem:s10+$0x30] =	vst v19;
	v19 =	vmul.f32 v54, v23  }
0x386: {  	v60 =	vld [tilespmem:s10+$0xB0];
	[tilespmem:s10+$0x40] =	vst v18;
	v18 =	vmul.f32 v55, v23  }
0x387: {  	v61 =	vld [tilespmem:s10+$0xC0];
	[tilespmem:s10+$0x50] =	vst v19;
	v19 =	vmul.f32 v56, v23  }
0x388: {  	v62 =	vld [tilespmem:s10+$0xD0];
	[tilespmem:s10+$0x60] =	vst v18;
	v18 =	vmul.f32 v57, v30  }
0x389: {  	v63 =	vld [tilespmem:s10+$0xE0];
	[tilespmem:s10+$0x70] =	vst v19;
	v19 =	vmul.f32 v58, v30  }
0x38a: {  	[tilespmem:s10+$0x80] =	vst v18;
	v18 =	vmul.f32 v59, v30  }
0x38b: {  	[tilespmem:s10+$0x90] =	vst v19;
	v19 =	vmul.f32 v60, v30  }
0x38c: {  	[tilespmem:s10+$0xA0] =	vst v18;
	v18 =	vmul.f32 v61, v24  }
.Ltmp8:
0x38d: {  	[tilespmem:s10+$0xB0] =	vst v19;
	v19 =	vmul.f32 v62, v24;
	(pc) =	sbr.rel @p2 .LBB2_26-.Ltmp8, $4  }
0x38e: {  	[tilespmem:s10+$0xC0] =	vst v18;
	v18 =	vmul.f32 v63, v24  }
0x38f: {  	[tilespmem:s10+$0xD0] =	vst v19  }
0x390: {  	[tilespmem:s10+$0xE0] =	vst v18  }
0x391: {  	[spmem:s1] =	stream.indirect.scatter.add.f32 [tilespmem:s17], [sflag:$0x4], $0x40, s9, s21, $0xb8;
	[tilespmem:$0x1F7C0] =	vst v63  }
0x392: {  	_ =	swait.ge [sflag:s16], $0x6400  }
0x393: {  	s0 =	smul.u32 $0x320, s15;
	[sflag:s16] =	ssyncset.done $0x0  }
0x394: {  	[sflag:s16] =	ssyncadd.s32 $0xFFFF9C00  }
0x395: {  	s0 =	sadd.s32 s0, s23;
	_ =	swait.ge [sflag:s14], $0x190  }
0x396: {  	s0 =	sshrl.u32 s0, $0x3;
	[sflag:s14] =	ssyncset.done $0x0  }
0x397: {  	s10 =	sadd.s32 s5, s0;
	[sflag:s14] =	ssyncadd.s32 $0xFFFFFE70  }
0x398: {  	[tilespmem:s8], [sflag:$0x6] =	stream.linear.gather [hbm4b:s10+s3], $0x190, $0x38;
	[tilespmem:$0x1F7C0] =	vst v63  }
0x399: {  	s10 =	sadd.s32 $0x9C40, s10  }
0x39a: {  	[tilespmem:s9], [sflag:$0x6] =	stream.linear.gather [hbm4b:s10+s3], $0x190, $0x38;
	[tilespmem:$0x1F7C0] =	vst v63  }
0x39b: {  	s6 =	simm.s32 $0x4E200;
	s29 =	simm.s32 $0x6D60;
	s0 =	sadd.s32 s7, s0  }
0x39c: {  	[tilespmem:s29], [sflag:$0x8] =	stream.strided.gather [hbm4b:s0+s21], $0x1900, s6, s21, $0x38;
	[tilespmem:$0x1F7C0] =	vst v63  }
0x39d: {  	_ =	swait.ge [sflag:s12], $0x190  }
0x39e: {  	[sflag:s12] =	ssyncset.done $0x0  }
.Ltmp9:
0x39f: {  	[sflag:s12] =	ssyncadd.s32 $0xFFFFFE70;
	(pc) =	sbr.rel .LBB2_16-.Ltmp9, $4  }
0x3a0: {  	_ =	swait.ge [sflag:s12], $0x190  }
0x3a1: {  	[sflag:s12] =	ssyncset.done $0x0  }
0x3a2: {  	s15 =	sadd.s32 $0x1, s15;
	[sflag:s12] =	ssyncadd.s32 $0xFFFFFE70  }
0x3a3: {  	[tilespmem:s17], [sflag:$0x2] =	stream.indirect.gather [hbm4b:s11+s21], $0x40, s8, s21, $0xb8;
	[tilespmem:$0x1F7C0] =	vst v63  }
.LBB2_4:
0x3a4: {  	[tilespmem:s6], [sflag:$0x1] =	stream.indirect.gather [hbm4b:s4+s21], $0x40, s24, s21, $0xb8;
	[tilespmem:$0x1F7C0] =	vst v63  }
0x3a5: {  	s15 =	simm.s32 $0x0;
	s0 =	rddreg [dreg:$0xf]  }
0x3a6: {  	[tilespmem:s8], [sflag:$0x6] =	stream.linear.gather [hbm4b:s0+s15], $0x190, $0x38;
	[tilespmem:$0x1F7C0] =	vst v63  }
0x3a7: {  	s13 =	rddreg [dreg:$0x16]  }
0x3a8: {  	[tilespmem:s9], [sflag:$0x6] =	stream.linear.gather [hbm4b:s13+s15], $0x190, $0x38;
	[tilespmem:$0x1F7C0] =	vst v63  }
0x3a9: {  	s24 =	rddreg [dreg:$0x10];
	s29 =	simm.s32 $0x6D60  }
0x3aa: {  	[tilespmem:s29], [sflag:$0x8] =	stream.strided.gather [hbm4b:s24+s21], $0x1900, s10, s21, $0x38;
	[tilespmem:$0x1F7C0] =	vst v63  }
0x3ab: {  	_ =	swait.ge [sflag:s12], $0x190  }
0x3ac: {  	[sflag:s12] =	ssyncset.done $0x0  }
0x3ad: {  	[sflag:s12] =	ssyncadd.s32 $0xFFFFFE70  }
0x3ae: {  	_ =	swait.ge [sflag:s12], $0x190  }
0x3af: {  	[sflag:s12] =	ssyncset.done $0x0  }
0x3b0: {  	[sflag:s12] =	ssyncadd.s32 $0xFFFFFE70  }
0x3b1: {  	[tilespmem:s17], [sflag:$0x2] =	stream.indirect.gather [hbm4b:s4+s21], $0x40, s8, s21, $0xb8;
	[tilespmem:$0x1F7C0] =	vst v63  }
.LBB2_5:
0x3b2: {  	_ =	swait.ge [sflag:s18], $0x1900  }
0x3b3: {  	[sflag:s18] =	ssyncset.done $0x0  }
0x3b4: {  	s10 =	simm.s32 $0x5160;
	[sflag:s18] =	ssyncadd.s32 $0xFFFFE700  }
0x3b5: {  	s0 =	simm.s32 $0x4E40;
	v18 =	vld [tilespmem:s10+$0x10]  }
0x3b6: {  	v19 =	vld [tilespmem:s0+$0x10]  }
0x3b7: {  	v20 =	vld [tilespmem:s0+$0xFFFFFFE0]  }
0x3b8: {  	v21 =	vld [tilespmem:s10+$0xFFFFFFF0]  }
0x3b9: {  	v22 =	vld [tilespmem:s0+$0xFFFFFFF0]  }
0x3ba: {  	v23 =	vld [tilespmem:s10+$0x0]  }
0x3bb: {  	v24 =	vld [tilespmem:s0+$0x0]  }
0x3bc: {  	s13 =	simm.s32 $0x60E0;
	v25 =	vld [tilespmem:s10+$0xFFFFFFE0]  }
0x3bd: {  	v26 =	vld [tilespmem:s13+$0xFFFFF3B0]  }
0x3be: {  	v27 =	vld [tilespmem:s13+$0xFFFFF540]  }
0x3bf: {  	v28 =	vld [tilespmem:s13+$0xFFFFF6D0]  }
0x3c0: {  	v29 =	vld [tilespmem:s13+$0xFFFFF860]  }
0x3c1: {  	v30 =	vld [tilespmem:s13+$0xFFFFF9F0]  }
0x3c2: {  	v31 =	vld [tilespmem:s13+$0xFFFFFB80]  }
0x3c3: {  	v32 =	vld [tilespmem:s13+$0xFFFFFD10]  }
0x3c4: {  	v33 =	vld [tilespmem:s13+$0xFFFFF380]  }
0x3c5: {  	v34 =	vld [tilespmem:s13+$0xFFFFF390]  }
0x3c6: {  	v35 =	vld [tilespmem:s13+$0xFFFFF3A0]  }
0x3c7: {  	v36 =	vld [tilespmem:s13+$0xFFFFF510]  }
0x3c8: {  	v37 =	vld [tilespmem:s13+$0xFFFFF520]  }
0x3c9: {  	v18 =	vld.idx.msk [tilespmem:v18+s3+$0x0], $0xffff  }
0x3ca: {  	v19 =	vld.idx.msk [tilespmem:v19+s30+$0x0], $0xffff  }
0x3cb: {  	v61 =	vld [tilespmem:s13+$0x4E0]  }
0x3cc: {  	v38 =	vld [tilespmem:s13+$0xFFFFF530]  }
0x3cd: {  	v62 =	vld [tilespmem:s13+$0x670]  }
0x3ce: {  	v39 =	vld [tilespmem:s13+$0xFFFFF6A0]  }
0x3cf: {  	v63 =	vld [tilespmem:s13+$0x800];
	v18 =	vadd.f32 v19, v18;
	v19 =	vmul.f32 v26, v2  }
0x3d0: {  	v40 =	vld [tilespmem:s13+$0xFFFFF6B0]  }
0x3d1: {  	v41 =	vld [tilespmem:s13+$0xFFFFF6C0];
	v18 =	vadd.f32 v19, v18;
	v19 =	vmul.f32 v27, v3  }
0x3d2: {  	v42 =	vld [tilespmem:s13+$0xFFFFF830]  }
0x3d3: {  	v45 =	vld [tilespmem:s13+$0xFFFFF9D0];
	v18 =	vadd.f32 v19, v18;
	v19 =	vmul.f32 v28, v4  }
0x3d4: {  	v53 =	vld [tilespmem:s13+$0xFFFFFCF0]  }
0x3d5: {  	v20 =	vld.idx.msk [tilespmem:v20+s30+$0x0], $0xffff;
	v18 =	vadd.f32 v19, v18;
	v19 =	vmul.f32 v29, v5  }
0x3d6: {  	v21 =	vld.idx.msk [tilespmem:v21+s3+$0x0], $0xffff  }
0x3d7: {  	v25 =	vld.idx.msk [tilespmem:v25+s3+$0x0], $0xffff;
	v18 =	vadd.f32 v19, v18;
	v19 =	vmul.f32 v30, v6  }
0x3d8: {  	v26 =	vld [tilespmem:s13+$0xFFFFFEA0]  }
0x3d9: {  	v22 =	vld.idx.msk [tilespmem:v22+s30+$0x0], $0xffff;
	v18 =	vadd.f32 v19, v18;
	v19 =	vmul.f32 v31, v7  }
0x3da: {  	v27 =	vld [tilespmem:s13+$0x30]  }
0x3db: {  	v23 =	vld.idx.msk [tilespmem:v23+s3+$0x0], $0xffff;
	v18 =	vadd.f32 v19, v18;
	v19 =	vmul.f32 v32, v8  }
0x3dc: {  	v28 =	vld [tilespmem:s13+$0x1C0]  }
0x3dd: {  	v24 =	vld.idx.msk [tilespmem:v24+s30+$0x0], $0xffff;
	v18 =	vadd.f32 v19, v18;
	v19 =	vmul.f32 v26, v9  }
0x3de: {  	v29 =	vld [tilespmem:s13+$0x350]  }
0x3df: {  	v47 =	vld [tilespmem:s13+$0xFFFFF9E0];
	v46 =	vmul.f32 v35, v2;
	v18 =	vadd.f32 v19, v18;
	v19 =	vmul.f32 v27, v10  }
0x3e0: {  	v48 =	vld [tilespmem:s13+$0xFFFFFB60];
	v49 =	vmul.f32 v38, v3;
	v51 =	vmul.f32 v39, v4  }
0x3e1: {  	v50 =	vld [tilespmem:s13+$0xFFFFFB70];
	v58 =	vmul.f32 v53, v8;
	v18 =	vadd.f32 v19, v18;
	v19 =	vmul.f32 v28, v11  }
0x3e2: {  	v55 =	vld [tilespmem:s13+$0xFFFFFE70];
	v20 =	vadd.f32 v20, v25;
	v23 =	vadd.f32 v24, v23;
	v24 =	vmul.f32 v33, v2  }
0x3e3: {  	v52 =	vld [tilespmem:s13+$0xFFFFFCE0];
	v21 =	vadd.f32 v22, v21;
	v18 =	vadd.f32 v19, v18;
	v19 =	vmul.f32 v29, v12  }
0x3e4: {  	v25 =	vld [tilespmem:s13+$0xFFFFF850];
	v20 =	vadd.f32 v24, v20;
	v24 =	vmul.f32 v36, v3;
	v29 =	vmul.f32 v34, v2  }
0x3e5: {  	v22 =	vld [tilespmem:s13+$0xFFFFF9C0];
	v23 =	vadd.f32 v46, v23;
	v18 =	vadd.f32 v19, v18;
	v19 =	vmul.f32 v61, v13  }
0x3e6: {  	v20 =	vadd.f32 v24, v20;
	v24 =	vmul.f32 v37, v3;
	v26 =	vld [tilespmem:s13+$0x990];
	v21 =	vadd.f32 v29, v21  }
0x3e7: {  	v60 =	vmul.f32 v55, v9;
	v29 =	vld [tilespmem:s13+$0xFFFFFB50];
	v18 =	vadd.f32 v19, v18;
	v19 =	vmul.f32 v62, v14  }
0x3e8: {  	v23 =	vadd.f32 v49, v23;
	v28 =	vld [tilespmem:s13+$0xFFFFF840];
	v21 =	vadd.f32 v24, v21;
	v24 =	vmul.f32 v40, v4  }
0x3e9: {  	v25 =	vmul.f32 v25, v5;
	v27 =	vld [tilespmem:s13+$0xB20];
	v18 =	vadd.f32 v19, v18;
	v19 =	vmul.f32 v63, v15  }
0x3ea: {  	v54 =	vld [tilespmem:s13+$0xFFFFFD00];
	v20 =	vadd.f32 v51, v20;
	v21 =	vadd.f32 v24, v21;
	v24 =	vmul.f32 v42, v5  }
0x3eb: {  	v56 =	vld [tilespmem:s13+$0x20];
	v26 =	vmul.f32 v26, v16;
	v18 =	vadd.f32 v19, v18;
	v19 =	vmul.f32 v41, v4  }
0x3ec: {  	v22 =	vmul.f32 v22, v6;
	v29 =	vmul.f32 v29, v7;
	v20 =	vadd.f32 v24, v20;
	v24 =	vld [tilespmem:s13+$0xFFFFFE90]  }
0x3ed: {  	v59 =	vld [tilespmem:s13+$0x320];
	v19 =	vadd.f32 v19, v23;
	v23 =	vmul.f32 v28, v5;
	v18 =	vadd.f32 v26, v18  }
0x3ee: {  	v61 =	vld [tilespmem:s13+$0x330];
	v26 =	vmul.f32 v27, v17;
	v20 =	vadd.f32 v22, v20;
	v22 =	vmul.f32 v47, v6  }
0x3ef: {  	v28 =	vld [tilespmem:s13+$0xFFFFFE80];
	v21 =	vadd.f32 v23, v21;
	v23 =	vmul.f32 v45, v6;
	v19 =	vadd.f32 v25, v19  }
0x3f0: {  	v27 =	vld [tilespmem:s13+$0x10];
	v18 =	vadd.f32 v26, v18;
	v20 =	vadd.f32 v29, v20;
	v29 =	vmul.f32 v52, v8  }
0x3f1: {  	v25 =	vld [tilespmem:s13+$0x0];
	v24 =	vmul.f32 v24, v9;
	v21 =	vadd.f32 v23, v21;
	v23 =	vmul.f32 v48, v7  }
0x3f2: {  	v26 =	vld [tilespmem:s13+$0x190];
	v19 =	vadd.f32 v22, v19;
	v22 =	vmul.f32 v50, v7;
	v57 =	vmul.f32 $9.999999770e-03, v18  }
0x3f3: {  	v62 =	vld [tilespmem:s13+$0x4D0];
	vm0 =	vge.f32 v18, $0.0e+00;
	v20 =	vadd.f32 v29, v20;
	v21 =	vadd.f32 v23, v21  }
0x3f4: {  	v29 =	vmul.f32 v54, v8;
	v28 =	vmul.f32 v28, v9;
	v23 =	vld [tilespmem:s13+$0x1A0];
	v19 =	vadd.f32 v22, v19  }
0x3f5: {  	v27 =	vmul.f32 v27, v10;
	v22 =	vld [tilespmem:s13+$0x1B0];
	v18 =	vsel vm0, v18, v57;
	v21 =	vadd.f32 v58, v21  }
0x3f6: {  	v20 =	vadd.f32 v60, v20;
	v25 =	vmul.f32 v25, v10;
	v19 =	vadd.f32 v29, v19;
	v29 =	vld [tilespmem:s13+$0x340]  }
0x3f7: {  	v18 =	vmul.f32 $1.442695020e+00, v18;
	v26 =	vmul.f32 v26, v11;
	v21 =	vadd.f32 v28, v21;
	v28 =	vld [tilespmem:s13+$0x4B0]  }
0x3f8: {  	v20 =	vadd.f32 v25, v20;
	v25 =	vmul.f32 v56, v10;
	v19 =	vadd.f32 v24, v19;
	v24 =	vld [tilespmem:s13+$0x4C0]  }
0x3f9: {  	(erf) = vpow2.f32 v18;
	v18 =	vadd.f32 v27, v21;
	v21 =	vmul.f32 v23, v11;
	v23 =	vld [tilespmem:s13+$0x640]  }
0x3fa: {  	v20 =	vadd.f32 v26, v20;
	v22 =	vmul.f32 v22, v11;
	v19 =	vadd.f32 v25, v19;
	v25 =	vld [tilespmem:s13+$0x650]  }
0x3fb: {  	v26 =	vmul.f32 v59, v12;
	v27 =	vld [tilespmem:s13+$0x660];
	v18 =	vadd.f32 v21, v18;
	v21 =	vmul.f32 v61, v12  }
0x3fc: {  	v19 =	vadd.f32 v22, v19;
	v22 =	vmul.f32 v29, v12;
	v29 =	vld [tilespmem:s13+$0x7D0]  }
0x3fd: {  	v20 =	vadd.f32 v26, v20;
	v26 =	vmul.f32 v28, v13;
	v18 =	vadd.f32 v21, v18;
	v21 =	vld [tilespmem:s13+$0x7E0]  }
0x3fe: {  	v24 =	vmul.f32 v24, v13;
	v28 =	vld [tilespmem:s13+$0x7F0];
	v19 =	vadd.f32 v22, v19  }
0x3ff: {  	v63 =	vld [tilespmem:s13+$0x960];
	v22 =	vmul.f32 v62, v13;
	v26 =	vadd.f32 v26, v20;
	v23 =	vmul.f32 v23, v14  }
0x400: {  	v20 =	vld [tilespmem:s13+$0x970];
	v18 =	vadd.f32 v24, v18;
	v24 =	vmul.f32 v25, v14  }
0x401: {  	v22 =	vadd.f32 v22, v19;
	v25 =	vmul.f32 v27, v14;
	v19 =	vld [tilespmem:s13+$0x980];
	v23 =	vadd.f32 v23, v26  }
0x402: {  	s10 =	simm.s32 $0x8680;
	v27 =	vpop (erf);
	v26 =	vmul.f32 v29, v15;
	v24 =	vadd.f32 v24, v18;
	v18 =	vld [tilespmem:s13+$0xAF0];
	v29 =	vmul.f32 v21, v15  }
0x403: {  	[tilespmem:s10+$0x10] =	vst v27;
	v25 =	vadd.f32 v25, v22;
	v27 =	vmul.f32 v28, v15;
	v21 =	vld [tilespmem:s13+$0xB00]  }
0x404: {  	s24 =	simm.s32 $0x0;
	s29 =	simm.s32 $0x51A0;
	v22 =	vld [tilespmem:s13+$0xB10];
	v23 =	vadd.f32 v26, v23;
	v26 =	vmul.f32 v63, v16;
	v24 =	vadd.f32 v29, v24  }
.LBB2_6:
0x405: {  	v28 =	vld [tilespmem:s29+$0x10];
	v20 =	vmul.f32 v20, v16;
	v25 =	vadd.f32 v27, v25;
	s0 =	sadd.s32 $0x40, s0  }
0x406: {  	s24 =	sadd.s32 $0x40, s24;
	v27 =	vld [tilespmem:s0+$0x10];
	v23 =	vadd.f32 v26, v23;
	v19 =	vmul.f32 v19, v16  }
0x407: {  	p2 =	slt.u32 s24, $0x140;
	v26 =	vld [tilespmem:s0+$0xFFFFFFE0];
	v18 =	vmul.f32 v18, v17;
	v20 =	vadd.f32 v20, v24  }
0x408: {  	v24 =	vld [tilespmem:s29+$0xFFFFFFF0];
	v21 =	vmul.f32 v21, v17;
	v19 =	vadd.f32 v19, v25  }
0x409: {  	v25 =	vld [tilespmem:s0+$0xFFFFFFF0];
	v18 =	vadd.f32 v18, v23;
	v22 =	vmul.f32 v22, v17  }
0x40a: {  	v23 =	vld [tilespmem:s29+$0x0];
	v20 =	vadd.f32 v21, v20  }
0x40b: {  	v21 =	vld [tilespmem:s0+$0x0];
	vm0 =	vge.f32 v18, $0.0e+00;
	v29 =	vmul.f32 $9.999999770e-03, v18;
	v19 =	vadd.f32 v22, v19  }
0x40c: {  	v22 =	vld [tilespmem:s29+$0xFFFFFFE0];
	vm1 =	vge.f32 v20, $0.0e+00;
	v30 =	vmul.f32 $9.999999770e-03, v20  }
0x40d: {  	v28 =	vld.idx.msk [tilespmem:v28+s3+$0x0], $0xffff;
	v18 =	vsel vm0, v18, v29;
	vm0 =	vge.f32 v19, $0.0e+00;
	v29 =	vmul.f32 $9.999999770e-03, v19  }
0x40e: {  	s13 =	sadd.s32 $0x40, s13;
	v27 =	vld.idx.msk [tilespmem:v27+s30+$0x0], $0xffff;
	v18 =	vmul.f32 $1.442695020e+00, v18;
	v20 =	vsel vm1, v20, v30  }
0x40f: {  	v30 =	vld [tilespmem:s13+$0xFFFFF3B0];
	v20 =	vmul.f32 $1.442695020e+00, v20;
	v19 =	vsel vm0, v19, v29  }
0x410: {  	v26 =	vld.idx.msk [tilespmem:v26+s30+$0x0], $0xffff;
	v19 =	vmul.f32 $1.442695020e+00, v19;
	(erf) = vpow2.f32 v18  }
0x411: {  	v18 =	vld [tilespmem:s13+$0xFFFFF540];
	(erf) = vpow2.f32 v20  }
0x412: {  	v20 =	vld.idx.msk [tilespmem:v24+s3+$0x0], $0xffff;
	(erf) = vpow2.f32 v19  }
0x413: {  	v19 =	vld [tilespmem:s13+$0xFFFFF6D0]  }
0x414: {  	v24 =	vadd.f32 v27, v28;
	v22 =	vld.idx.msk [tilespmem:v22+s3+$0x0], $0xffff;
	v27 =	vmul.f32 v30, v2  }
0x415: {  	v28 =	vld [tilespmem:s13+$0xFFFFF860]  }
0x416: {  	v25 =	vld.idx.msk [tilespmem:v25+s30+$0x0], $0xffff;
	v24 =	vadd.f32 v27, v24;
	v18 =	vmul.f32 v18, v3  }
0x417: {  	v27 =	vld [tilespmem:s13+$0xFFFFF9F0]  }
0x418: {  	v23 =	vld.idx.msk [tilespmem:v23+s3+$0x0], $0xffff;
	v18 =	vadd.f32 v18, v24;
	v19 =	vmul.f32 v19, v4  }
0x419: {  	v24 =	vld [tilespmem:s13+$0xFFFFFB80];
	v29 =	vpop (erf)  }
0x41a: {  	v22 =	vadd.f32 v26, v22;
	v21 =	vld.idx.msk [tilespmem:v21+s30+$0x0], $0xffff;
	v18 =	vadd.f32 v19, v18;
	v19 =	vmul.f32 v28, v5;
	v26 =	vpop (erf)  }
0x41b: {  	v28 =	vld [tilespmem:s13+$0xFFFFFD10];
	[tilespmem:s10+$0xFFFFFFE0] =	vst v29;
	v29 =	vpop (erf)  }
0x41c: {  	v20 =	vadd.f32 v25, v20;
	v30 =	vld [tilespmem:s13+$0xFFFFF380];
	v18 =	vadd.f32 v19, v18;
	v19 =	vmul.f32 v27, v6;
	[tilespmem:s10+$0xFFFFFFF0] =	vst v26  }
0x41d: {  	v25 =	vld [tilespmem:s13+$0xFFFFFEA0];
	[tilespmem:s10+$0x0] =	vst v29  }
0x41e: {  	v26 =	vld [tilespmem:s13+$0xFFFFF390];
	v18 =	vadd.f32 v19, v18;
	v19 =	vmul.f32 v24, v7  }
0x41f: {  	v24 =	vld [tilespmem:s13+$0x30]  }
0x420: {  	v21 =	vadd.f32 v21, v23;
	v23 =	vld [tilespmem:s13+$0xFFFFF3A0];
	v18 =	vadd.f32 v19, v18;
	v19 =	vmul.f32 v28, v8  }
0x421: {  	v27 =	vmul.f32 v30, v2;
	v28 =	vld [tilespmem:s13+$0x1C0]  }
0x422: {  	v29 =	vld [tilespmem:s13+$0xFFFFF510];
	v18 =	vadd.f32 v19, v18;
	v19 =	vmul.f32 v25, v9  }
0x423: {  	v22 =	vadd.f32 v27, v22;
	v25 =	vmul.f32 v26, v2;
	v26 =	vld [tilespmem:s13+$0x350]  }
0x424: {  	v27 =	vld [tilespmem:s13+$0xFFFFF520];
	v18 =	vadd.f32 v19, v18;
	v19 =	vmul.f32 v24, v10  }
0x425: {  	v20 =	vadd.f32 v25, v20;
	v23 =	vmul.f32 v23, v2;
	v24 =	vld [tilespmem:s13+$0x4E0]  }
0x426: {  	v25 =	vld [tilespmem:s13+$0xFFFFF530];
	v18 =	vadd.f32 v19, v18;
	v19 =	vmul.f32 v28, v11  }
0x427: {  	v28 =	vmul.f32 v29, v3;
	v21 =	vadd.f32 v23, v21;
	v23 =	vld [tilespmem:s13+$0x670]  }
0x428: {  	v29 =	vld [tilespmem:s13+$0xFFFFF6A0];
	v18 =	vadd.f32 v19, v18;
	v19 =	vmul.f32 v26, v12  }
0x429: {  	v22 =	vadd.f32 v28, v22;
	v26 =	vmul.f32 v27, v3;
	v27 =	vld [tilespmem:s13+$0x800]  }
0x42a: {  	v28 =	vld [tilespmem:s13+$0xFFFFF6B0];
	v18 =	vadd.f32 v19, v18;
	v19 =	vmul.f32 v24, v13  }
0x42b: {  	v20 =	vadd.f32 v26, v20;
	v24 =	vmul.f32 v25, v3;
	v25 =	vld [tilespmem:s13+$0x990]  }
0x42c: {  	v26 =	vld [tilespmem:s13+$0xFFFFF6C0];
	v18 =	vadd.f32 v19, v18;
	v19 =	vmul.f32 v23, v14  }
0x42d: {  	v23 =	vmul.f32 v29, v4;
	v21 =	vadd.f32 v24, v21;
	v24 =	vld [tilespmem:s13+$0xB20]  }
0x42e: {  	v29 =	vld [tilespmem:s13+$0xFFFFF830];
	v18 =	vadd.f32 v19, v18;
	v19 =	vmul.f32 v27, v15  }
0x42f: {  	v22 =	vadd.f32 v23, v22;
	v23 =	vmul.f32 v28, v4;
	v27 =	vld [tilespmem:s13+$0xFFFFF840]  }
0x430: {  	v28 =	vld [tilespmem:s13+$0xFFFFF850];
	v18 =	vadd.f32 v19, v18;
	v19 =	vmul.f32 v25, v16  }
0x431: {  	v25 =	vld [tilespmem:s13+$0xFFFFF9C0];
	v20 =	vadd.f32 v23, v20;
	v23 =	vmul.f32 v26, v4  }
0x432: {  	v26 =	vld [tilespmem:s13+$0xFFFFF9D0];
	v18 =	vadd.f32 v19, v18;
	v19 =	vmul.f32 v24, v17  }
0x433: {  	v24 =	vmul.f32 v29, v5;
	v21 =	vadd.f32 v23, v21;
	v23 =	vld [tilespmem:s13+$0xFFFFF9E0]  }
0x434: {  	v29 =	vld [tilespmem:s13+$0xFFFFFB50];
	v27 =	vmul.f32 v27, v5;
	v18 =	vadd.f32 v19, v18  }
0x435: {  	v19 =	vadd.f32 v24, v22;
	v22 =	vld [tilespmem:s13+$0xFFFFFB60];
	v24 =	vmul.f32 v28, v5  }
0x436: {  	v25 =	vmul.f32 v25, v6;
	v20 =	vadd.f32 v27, v20;
	v27 =	vld [tilespmem:s13+$0xFFFFFB70];
	v28 =	vmul.f32 $9.999999770e-03, v18  }
0x437: {  	vm0 =	vge.f32 v18, $0.0e+00;
	v30 =	vld [tilespmem:s13+$0xFFFFFCE0];
	v26 =	vmul.f32 v26, v6;
	v21 =	vadd.f32 v24, v21  }
0x438: {  	v19 =	vadd.f32 v25, v19;
	v24 =	vld [tilespmem:s13+$0xFFFFFCF0];
	v23 =	vmul.f32 v23, v6;
	v18 =	vsel vm0, v18, v28  }
0x439: {  	v25 =	vmul.f32 v29, v7;
	v20 =	vadd.f32 v26, v20;
	v26 =	vld [tilespmem:s13+$0xFFFFFD00];
	v18 =	vmul.f32 $1.442695020e+00, v18  }
0x43a: {  	v28 =	vld [tilespmem:s13+$0xFFFFFE70];
	v22 =	vmul.f32 v22, v7;
	v21 =	vadd.f32 v23, v21  }
0x43b: {  	v19 =	vadd.f32 v25, v19;
	v23 =	vld [tilespmem:s13+$0xFFFFFE80];
	v25 =	vmul.f32 v27, v7;
	(erf) = vpow2.f32 v18  }
0x43c: {  	v18 =	vmul.f32 v30, v8;
	v20 =	vadd.f32 v22, v20;
	v22 =	vld [tilespmem:s13+$0xFFFFFE90]  }
0x43d: {  	v27 =	vld [tilespmem:s13+$0x0];
	v24 =	vmul.f32 v24, v8;
	v21 =	vadd.f32 v25, v21  }
0x43e: {  	v18 =	vadd.f32 v18, v19;
	v19 =	vld [tilespmem:s13+$0x10];
	v25 =	vmul.f32 v26, v8  }
0x43f: {  	v26 =	vmul.f32 v28, v9;
	v20 =	vadd.f32 v24, v20;
	v24 =	vld [tilespmem:s13+$0x20]  }
0x440: {  	v28 =	vld [tilespmem:s13+$0x190];
	v23 =	vmul.f32 v23, v9;
	v21 =	vadd.f32 v25, v21  }
0x441: {  	v18 =	vadd.f32 v26, v18;
	v25 =	vld [tilespmem:s13+$0x1A0];
	v22 =	vmul.f32 v22, v9  }
0x442: {  	v29 =	vmul.f32 v27, v10;
	v20 =	vadd.f32 v23, v20;
	v23 =	vld [tilespmem:s13+$0x1B0]  }
0x443: {  	v27 =	vld [tilespmem:s13+$0x320];
	v19 =	vmul.f32 v19, v10;
	v21 =	vadd.f32 v22, v21  }
0x444: {  	s10 =	sadd.s32 $0x40, s10;
	v18 =	vadd.f32 v29, v18;
	v22 =	vld [tilespmem:s13+$0x330];
	v24 =	vmul.f32 v24, v10;
	v26 =	vpop (erf)  }
0x445: {  	v28 =	vmul.f32 v28, v11;
	v19 =	vadd.f32 v19, v20;
	v20 =	vld [tilespmem:s13+$0x340];
	[tilespmem:s10+$0x10] =	vst v26  }
0x446: {  	v26 =	vld [tilespmem:s13+$0x4B0];
	v25 =	vmul.f32 v25, v11;
	v21 =	vadd.f32 v24, v21  }
0x447: {  	v18 =	vadd.f32 v28, v18;
	v24 =	vld [tilespmem:s13+$0x4C0];
	v23 =	vmul.f32 v23, v11  }
0x448: {  	v27 =	vmul.f32 v27, v12;
	v19 =	vadd.f32 v25, v19;
	v25 =	vld [tilespmem:s13+$0x4D0]  }
0x449: {  	v28 =	vld [tilespmem:s13+$0x640];
	v22 =	vmul.f32 v22, v12;
	v21 =	vadd.f32 v23, v21  }
0x44a: {  	v18 =	vadd.f32 v27, v18;
	v23 =	vld [tilespmem:s13+$0x650];
	v20 =	vmul.f32 v20, v12  }
0x44b: {  	v26 =	vmul.f32 v26, v13;
	v19 =	vadd.f32 v22, v19;
	v22 =	vld [tilespmem:s13+$0x660]  }
0x44c: {  	v27 =	vld [tilespmem:s13+$0x7D0];
	v24 =	vmul.f32 v24, v13;
	v20 =	vadd.f32 v20, v21  }
0x44d: {  	v18 =	vadd.f32 v26, v18;
	v21 =	vld [tilespmem:s13+$0x7E0];
	v25 =	vmul.f32 v25, v13  }
0x44e: {  	v26 =	vmul.f32 v28, v14;
	v19 =	vadd.f32 v24, v19;
	v24 =	vld [tilespmem:s13+$0x7F0]  }
0x44f: {  	v28 =	vld [tilespmem:s13+$0x960];
	v23 =	vmul.f32 v23, v14;
	v25 =	vadd.f32 v25, v20  }
.Ltmp10:
0x450: {  	v26 =	vadd.f32 v26, v18;
	v20 =	vld [tilespmem:s13+$0x970];
	v22 =	vmul.f32 v22, v14;
	(pc) =	sbr.rel @p2 .LBB2_6-.Ltmp10, $4  }
0x451: {  	v27 =	vmul.f32 v27, v15;
	v29 =	vadd.f32 v23, v19;
	v19 =	vld [tilespmem:s13+$0x980]  }
0x452: {  	v18 =	vld [tilespmem:s13+$0xAF0];
	v30 =	vmul.f32 v21, v15;
	v25 =	vadd.f32 v22, v25  }
0x453: {  	v23 =	vadd.f32 v27, v26;
	v21 =	vld [tilespmem:s13+$0xB00];
	v27 =	vmul.f32 v24, v15  }
0x454: {  	s29 =	sadd.s32 $0x40, s29;
	v26 =	vmul.f32 v28, v16;
	v24 =	vadd.f32 v30, v29;
	v22 =	vld [tilespmem:s13+$0xB10]  }
0x455: {  	_ = 	snop  }
0x456: {  	v20 =	vmul.f32 v20, v16;
	v25 =	vadd.f32 v27, v25  }
0x457: {  	v23 =	vadd.f32 v26, v23;
	v19 =	vmul.f32 v19, v16;
	v18 =	vmul.f32 v18, v17  }
0x458: {  	v20 =	vadd.f32 v20, v24;
	v21 =	vmul.f32 v21, v17  }
0x459: {  	v19 =	vadd.f32 v19, v25;
	v18 =	vadd.f32 v18, v23;
	v22 =	vmul.f32 v22, v17  }
0x45a: {  	v20 =	vadd.f32 v21, v20  }
0x45b: {  	v21 =	vmul.f32 $9.999999770e-03, v18;
	v19 =	vadd.f32 v22, v19  }
0x45c: {  	vm0 =	vge.f32 v18, $0.0e+00;
	v22 =	vmul.f32 $9.999999770e-03, v20  }
0x45d: {  	vm1 =	vge.f32 v20, $0.0e+00;
	v18 =	vsel vm0, v18, v21;
	v21 =	vmul.f32 $9.999999770e-03, v19  }
0x45e: {  	vm14 =	vge.f32 v19, $0.0e+00;
	v18 =	vmul.f32 $1.442695020e+00, v18;
	v20 =	vsel vm1, v20, v22  }
0x45f: {  	v20 =	vmul.f32 $1.442695020e+00, v20;
	v19 =	vsel vm14, v19, v21  }
0x460: {  	v19 =	vmul.f32 $1.442695020e+00, v19;
	(erf) = vpow2.f32 v18  }
0x461: {  	(erf) = vpow2.f32 v20  }
0x462: {  	(erf) = vpow2.f32 v19;
	_ =	sdelay $0x6  }
0x463: {  	v18 =	vpop (erf)  }
0x464: {  	v19 =	vpop (erf);
	[tilespmem:s10+$0xFFFFFFE0] =	vst v18  }
0x465: {  	v18 =	vpop (erf);
	[tilespmem:s10+$0xFFFFFFF0] =	vst v19  }
0x466: {  	[tilespmem:s10+$0x0] =	vst v18  }
0x467: {  	v18 =	vld [tilespmem:$0x52C0]  }
0x468: {  	v19 =	vld [tilespmem:$0x4FA0];
	_ =	sdelay $0x5  }
0x469: {  	s0 =	simm.s32 $0x0;
	v20 =	vld [tilespmem:$0x55E0]  }
0x46a: {  	v18 =	vld.idx.msk [tilespmem:v18+s0+$0x0], $0xffff  }
0x46b: {  	v19 =	vld.idx.msk [tilespmem:v19+s30+$0x0], $0xffff;
	_ =	sdelay $0x1  }
0x46c: {  	v21 =	vld [tilespmem:$0x5770];
	_ =	sdelay $0x1  }
0x46d: {  	v22 =	vld [tilespmem:$0x5900]  }
0x46e: {  	v18 =	vadd.f32 v19, v18;
	v19 =	vmul.f32 v20, v2  }
0x46f: {  	v20 =	vld [tilespmem:$0x5A90]  }
0x470: {  	v18 =	vadd.f32 v19, v18;
	v19 =	vmul.f32 v21, v3  }
0x471: {  	v21 =	vld [tilespmem:$0x5C20]  }
0x472: {  	v18 =	vadd.f32 v19, v18;
	v19 =	vmul.f32 v22, v4  }
0x473: {  	v22 =	vld [tilespmem:$0x5DB0]  }
0x474: {  	v18 =	vadd.f32 v19, v18;
	v19 =	vmul.f32 v20, v5  }
0x475: {  	v20 =	vld [tilespmem:$0x5F40]  }
0x476: {  	v18 =	vadd.f32 v19, v18;
	v19 =	vmul.f32 v21, v6  }
0x477: {  	v21 =	vld [tilespmem:$0x60D0]  }
0x478: {  	v18 =	vadd.f32 v19, v18;
	v19 =	vmul.f32 v22, v7  }
0x479: {  	v22 =	vld [tilespmem:$0x6260]  }
0x47a: {  	v18 =	vadd.f32 v19, v18;
	v19 =	vmul.f32 v20, v8  }
0x47b: {  	v20 =	vld [tilespmem:$0x63F0]  }
0x47c: {  	v18 =	vadd.f32 v19, v18;
	v19 =	vmul.f32 v21, v9  }
0x47d: {  	v21 =	vld [tilespmem:$0x6580]  }
0x47e: {  	v18 =	vadd.f32 v19, v18;
	v19 =	vmul.f32 v22, v10  }
0x47f: {  	v22 =	vld [tilespmem:$0x6710]  }
0x480: {  	v18 =	vadd.f32 v19, v18;
	v19 =	vmul.f32 v20, v11  }
0x481: {  	v20 =	vld [tilespmem:$0x68A0]  }
0x482: {  	v18 =	vadd.f32 v19, v18;
	v19 =	vmul.f32 v21, v12  }
0x483: {  	v21 =	vld [tilespmem:$0x6A30]  }
0x484: {  	v18 =	vadd.f32 v19, v18;
	v19 =	vmul.f32 v22, v13  }
0x485: {  	v22 =	vld [tilespmem:$0x6BC0]  }
0x486: {  	v18 =	vadd.f32 v19, v18;
	v19 =	vmul.f32 v20, v14  }
0x487: {  	v20 =	vld [tilespmem:$0x6D50]  }
0x488: {  	v18 =	vadd.f32 v19, v18;
	v19 =	vmul.f32 v21, v15;
	_ =	sdelay $0x1  }
0x489: {  	v18 =	vadd.f32 v19, v18;
	v19 =	vmul.f32 v22, v16;
	_ =	sdelay $0x1  }
0x48a: {  	v18 =	vadd.f32 v19, v18;
	v19 =	vmul.f32 v20, v17;
	_ =	sdelay $0x1  }
0x48b: {  	v18 =	vadd.f32 v19, v18;
	_ =	sdelay $0x1  }
0x48c: {  	v19 =	vmul.f32 $9.999999770e-03, v18  }
0x48d: {  	vm15 =	vge.f32 v18, $0.0e+00  }
0x48e: {  	v18 =	vsel vm15, v18, v19  }
0x48f: {  	v18 =	vmul.f32 $1.442695020e+00, v18;
	_ =	sdelay $0x1  }
0x490: {  	(erf) = vpow2.f32 v18  }
0x491: {  	s6 =	simm.s32 $0x3  }
0x492: {  	v21 =	vmov s6  }
0x493: {  	s13 =	simm.s32 $0x4;
	v21 =	vshrl.u32 v21, $0x3  }
0x494: {  	v22 =	vmov s13;
	s13 =	simm.s32 $0x5;
	v21 =	vshll.u32 v21, v1  }
0x495: {  	s24 =	simm.s32 $0x1;
	s29 =	simm.s32 $0x2;
	v23 =	vmov s13;
	v22 =	vshrl.u32 v22, $0x3;
	v21 =	vadd.s32 $0x3, v21  }
0x496: {  	v20 =	vmov s29;
	v19 =	vmov s24;
	v18 =	vmov s0  }
0x497: {  	v23 =	vshrl.u32 v23, $0x3;
	v19 =	vshrl.u32 v19, $0x3;
	v18 =	vshrl.u32 v18, $0x3  }
0x498: {  	v20 =	vshrl.u32 v20, $0x3;
	v19 =	vshll.u32 v19, v1;
	v18 =	vshll.u32 v18, v1  }
0x499: {  	v20 =	vshll.u32 v20, v1;
	v19 =	vadd.s32 $0x1, v19;
	v18 =	vbroadcast v18, $0x0;
	v25 =	vpop (erf)  }
0x49a: {  	v22 =	vshll.u32 v22, v1;
	v20 =	vadd.s32 $0x2, v20;
	s24 =	simm.s32 $0x6;
	v19 =	vbroadcast v19, $0x0;
	[tilespmem:$0x87E0] =	vst v25  }
0x49b: {  	v21 =	vbroadcast v21, $0x0;
	v23 =	vshll.u32 v23, v1;
	v20 =	vbroadcast v20, $0x0;
	[spmem:s2] =	stream.indirect.scatter.add.f32 [tilespmem:s19], [sflag:$0x9], $0x1, s31, s21, $0xb8;
	[tilespmem:$0x1F7C0] =	vst v63  }
0x49c: {  	s29 =	simm.s32 $0x7;
	v22 =	vadd.s32 $0x4, v22;
	v23 =	vadd.s32 $0x5, v23;
	v24 =	vmov s24;
	_ =	swait.ge [sflag:s20], $0x6400  }
0x49d: {  	v22 =	vbroadcast v22, $0x0;
	v24 =	vshrl.u32 v24, $0x3;
	v25 =	vmov s29;
	[sflag:s20] =	ssyncset.done $0x0  }
0x49e: {  	v23 =	vbroadcast v23, $0x0;
	v24 =	vshll.u32 v24, v1;
	v25 =	vshrl.u32 v25, $0x3;
	[sflag:s20] =	ssyncadd.s32 $0xFFFF9C00  }
0x49f: {  	v24 =	vadd.s32 $0x6, v24;
	v25 =	vshll.u32 v25, v1;
	v26 =	vld.idx.msk [tilespmem:v18+s19+$0x0], $0xffff  }
0x4a0: {  	v18 =	vbroadcast v24, $0x0;
	v24 =	vadd.s32 $0x7, v25;
	v25 =	vld.idx.msk [tilespmem:v19+s19+$0x0], $0xffff  }
0x4a1: {  	v27 =	vld.idx.msk [tilespmem:v20+s19+$0x0], $0xffff  }
0x4a2: {  	v21 =	vld.idx.msk [tilespmem:v21+s19+$0x0], $0xffff;
	v24 =	vbroadcast v24, $0x0  }
0x4a3: {  	v28 =	vld.idx.msk [tilespmem:v22+s19+$0x0], $0xffff  }
0x4a4: {  	s0 =	simm.s32 $0x8A80;
	v20 =	vld.idx.msk [tilespmem:v23+s19+$0x0], $0xffff  }
0x4a5: {  	v22 =	vld [tilespmem:s0+$0xF0]  }
0x4a6: {  	v23 =	vld [tilespmem:s0+$0xFFFFFF00]  }
0x4a7: {  	v19 =	vld.idx.msk [tilespmem:v18+s19+$0x0], $0xffff  }
0x4a8: {  	v18 =	vld.idx.msk [tilespmem:v24+s19+$0x0], $0xffff  }
0x4a9: {  	v24 =	vld [tilespmem:s0+$0xFFFFFF10]  }
0x4aa: {  	v29 =	vld [tilespmem:s0+$0xFFFFFF20]  }
0x4ab: {  	v30 =	vld [tilespmem:s0+$0xFFFFFF30]  }
0x4ac: {  	v31 =	vld [tilespmem:s0+$0xFFFFFF40];
	v23 =	vmul.f32 v23, v26  }
0x4ad: {  	v32 =	vld [tilespmem:s0+$0xFFFFFF50];
	v22 =	vmul.f32 v22, v18  }
0x4ae: {  	[tilespmem:s0+$0xFFFFFF00] =	vst v23;
	v23 =	vld [tilespmem:s0+$0xFFFFFF70];
	v24 =	vmul.f32 v24, v26  }
0x4af: {  	v33 =	vld [tilespmem:s0+$0xFFFFFF60];
	[tilespmem:s0+$0xF0] =	vst v22;
	v22 =	vmul.f32 v29, v26  }
0x4b0: {  	[tilespmem:s0+$0xFFFFFF10] =	vst v24;
	v24 =	vmul.f32 v30, v26;
	v29 =	vld [tilespmem:s0+$0xFFFFFF90]  }
0x4b1: {  	v26 =	vld [tilespmem:s0+$0xFFFFFF80];
	[tilespmem:s0+$0xFFFFFF20] =	vst v22;
	v22 =	vmul.f32 v31, v25  }
0x4b2: {  	v30 =	vld [tilespmem:s0+$0xFFFFFFA0];
	[tilespmem:s0+$0xFFFFFF30] =	vst v24;
	v24 =	vmul.f32 v32, v25  }
0x4b3: {  	v23 =	vmul.f32 v23, v25;
	v31 =	vld [tilespmem:s0+$0xFFFFFFB0];
	[tilespmem:s0+$0xFFFFFF40] =	vst v22  }
0x4b4: {  	s6 =	simm.s32 $0x8;
	v22 =	vmul.f32 v33, v25;
	[tilespmem:s0+$0xFFFFFF50] =	vst v24;
	v24 =	vld [tilespmem:s0+$0xFFFFFFC0]  }
0x4b5: {  	v54 =	vmov s6;
	s6 =	simm.s32 $0xC;
	[tilespmem:s0+$0xFFFFFF70] =	vst v23;
	v23 =	vmul.f32 v29, v27;
	v29 =	vld [tilespmem:s0+$0xFFFFFFE0]  }
0x4b6: {  	v35 =	vmov s6;
	s24 =	simm.s32 $0xA;
	[tilespmem:s0+$0xFFFFFF60] =	vst v22;
	v22 =	vmul.f32 v26, v27;
	v26 =	vld [tilespmem:s0+$0xFFFFFFD0]  }
0x4b7: {  	s13 =	simm.s32 $0x9;
	v59 =	vshrl.u32 v35, $0x3;
	v56 =	vmov s24;
	s24 =	simm.s32 $0xD;
	v61 =	vld [tilespmem:s0+$0x30]  }
0x4b8: {  	v55 =	vmov s13;
	v36 =	vmov s24;
	[tilespmem:s0+$0xFFFFFF80] =	vst v22;
	v22 =	vmul.f32 v30, v27;
	v30 =	vld [tilespmem:s0+$0xFFFFFFF0]  }
0x4b9: {  	v57 =	vshrl.u32 v56, $0x3;
	v60 =	vshrl.u32 v36, $0x3;
	s29 =	simm.s32 $0xB;
	[tilespmem:s0+$0xFFFFFF90] =	vst v23;
	v23 =	vmul.f32 v31, v27;
	v27 =	vld [tilespmem:s0+$0x0]  }
0x4ba: {  	v35 =	vshll.u32 v60, v1;
	v34 =	vmov s29;
	s29 =	simm.s32 $0xE;
	[tilespmem:s0+$0xFFFFFFA0] =	vst v22;
	v22 =	vmul.f32 v24, v21;
	v24 =	vld [tilespmem:s0+$0x10]  }
0x4bb: {  	v37 =	vmov s29;
	[tilespmem:s0+$0xFFFFFFB0] =	vst v23;
	v29 =	vmul.f32 v29, v21;
	v23 =	vmul.f32 v26, v21;
	v26 =	vld [tilespmem:s0+$0x20]  }
0x4bc: {  	v58 =	vshrl.u32 v34, $0x3;
	v34 =	vshll.u32 v59, v1;
	v62 =	vld [tilespmem:s0+$0x60];
	v32 =	vshll.u32 v57, v1;
	[tilespmem:s0+$0xFFFFFFC0] =	vst v22  }
0x4bd: {  	v25 =	vshrl.u32 v54, $0x3;
	v31 =	vshrl.u32 v55, $0x3;
	[tilespmem:s0+$0xFFFFFFE0] =	vst v29;
	v21 =	vmul.f32 v30, v21;
	v30 =	vld [tilespmem:s0+$0x40]  }
0x4be: {  	v25 =	vshll.u32 v25, v1;
	v31 =	vshll.u32 v31, v1;
	[tilespmem:s0+$0xFFFFFFD0] =	vst v23;
	v23 =	vmul.f32 v27, v28;
	v27 =	vld [tilespmem:s0+$0x50]  }
0x4bf: {  	v22 =	vbroadcast v25, $0x0;
	v25 =	vshrl.u32 v37, $0x3;
	[tilespmem:s0+$0xFFFFFFF0] =	vst v21;
	v21 =	vmul.f32 v24, v28  }
0x4c0: {  	v29 =	vshll.u32 v58, v1;
	v38 =	vshll.u32 v25, v1;
	[tilespmem:s0+$0x0] =	vst v23;
	v23 =	vld [tilespmem:s0+$0x70];
	v24 =	vmul.f32 v26, v28  }
0x4c1: {  	v25 =	vadd.s32 $0x1, v31;
	v33 =	vadd.s32 $0x3, v29;
	v28 =	vmul.f32 v61, v28;
	[tilespmem:s0+$0x10] =	vst v21;
	v21 =	vld [tilespmem:s0+$0x80]  }
0x4c2: {  	v29 =	vadd.s32 $0x4, v34;
	v34 =	vmul.f32 v62, v20;
	[tilespmem:s0+$0x20] =	vst v24;
	v63 =	vmul.f32 v30, v20;
	v24 =	vld [tilespmem:s0+$0x90]  }
0x4c3: {  	v31 =	vadd.s32 $0x2, v32;
	v26 =	vbroadcast v25, $0x0;
	v25 =	vld [tilespmem:s0+$0xA0];
	[tilespmem:s0+$0x30] =	vst v28;
	v32 =	vmul.f32 v27, v20  }
0x4c4: {  	s10 =	simm.s32 $0x10;
	s13 =	simm.s32 $0xF;
	v30 =	vadd.s32 $0x5, v35;
	v28 =	vbroadcast v31, $0x0;
	v31 =	vadd.s32 $0x6, v38;
	v27 =	vld [tilespmem:s0+$0xB0];
	[tilespmem:s0+$0x40] =	vst v63  }
.LBB2_8:
0x4c5: {  	p2 =	slt.u32 s10, $0x188;
	v33 =	vbroadcast v33, $0x0;
	v35 =	vmov s13;
	[tilespmem:s0+$0x50] =	vst v32;
	v20 =	vmul.f32 v23, v20;
	v23 =	vld [tilespmem:s0+$0xC0]  }
0x4c6: {  	v29 =	vbroadcast v29, $0x0;
	v32 =	vshrl.u32 v35, $0x3;
	[tilespmem:s0+$0x60] =	vst v34;
	v21 =	vmul.f32 v21, v19;
	v34 =	vld [tilespmem:s0+$0xD0]  }
0x4c7: {  	v30 =	vbroadcast v30, $0x0;
	v32 =	vshll.u32 v32, v1;
	[tilespmem:s0+$0x70] =	vst v20;
	v20 =	vmul.f32 v24, v19;
	v24 =	vld [tilespmem:s0+$0xE0]  }
0x4c8: {  	v31 =	vbroadcast v31, $0x0;
	v22 =	vld.idx.msk [tilespmem:v22+s19+$0x0], $0xffff;
	v32 =	vadd.s32 $0x7, v32;
	[tilespmem:s0+$0x80] =	vst v21;
	v21 =	vmul.f32 v25, v19  }
0x4c9: {  	v25 =	vld.idx.msk [tilespmem:v26+s19+$0x0], $0xffff;
	v26 =	vbroadcast v32, $0x0;
	[tilespmem:s0+$0x90] =	vst v20;
	v19 =	vmul.f32 v27, v19  }
0x4ca: {  	v27 =	vld.idx.msk [tilespmem:v28+s19+$0x0], $0xffff;
	[tilespmem:s0+$0xA0] =	vst v21;
	v20 =	vmul.f32 v23, v18  }
0x4cb: {  	v23 =	vld.idx.msk [tilespmem:v33+s19+$0x0], $0xffff;
	[tilespmem:s0+$0xB0] =	vst v19;
	v19 =	vmul.f32 v34, v18  }
0x4cc: {  	v21 =	vld.idx.msk [tilespmem:v29+s19+$0x0], $0xffff;
	[tilespmem:s0+$0xC0] =	vst v20;
	v18 =	vmul.f32 v24, v18  }
0x4cd: {  	v20 =	vld.idx.msk [tilespmem:v30+s19+$0x0], $0xffff;
	[tilespmem:s0+$0xD0] =	vst v19  }
0x4ce: {  	v19 =	vld.idx.msk [tilespmem:v31+s19+$0x0], $0xffff;
	[tilespmem:s0+$0xE0] =	vst v18  }
0x4cf: {  	s0 =	sadd.s32 $0x200, s0;
	v18 =	vld.idx.msk [tilespmem:v26+s19+$0x0], $0xffff  }
0x4d0: {  	v24 =	vld [tilespmem:s0+$0xF0]  }
0x4d1: {  	v26 =	vld [tilespmem:s0+$0xFFFFFF00]  }
0x4d2: {  	v28 =	vld [tilespmem:s0+$0xFFFFFF10]  }
0x4d3: {  	v29 =	vld [tilespmem:s0+$0xFFFFFF20]  }
0x4d4: {  	v30 =	vld [tilespmem:s0+$0xFFFFFF30]  }
0x4d5: {  	v31 =	vld [tilespmem:s0+$0xFFFFFF40];
	v24 =	vmul.f32 v24, v18  }
0x4d6: {  	v26 =	vmul.f32 v26, v22;
	v32 =	vld [tilespmem:s0+$0xFFFFFF50]  }
0x4d7: {  	v28 =	vmul.f32 v28, v22;
	v33 =	vld [tilespmem:s0+$0xFFFFFF60];
	[tilespmem:s0+$0xF0] =	vst v24  }
0x4d8: {  	[tilespmem:s0+$0xFFFFFF00] =	vst v26;
	v24 =	vmul.f32 v29, v22;
	v26 =	vld [tilespmem:s0+$0xFFFFFF70]  }
0x4d9: {  	[tilespmem:s0+$0xFFFFFF10] =	vst v28;
	v22 =	vmul.f32 v30, v22;
	v28 =	vld [tilespmem:s0+$0xFFFFFF80]  }
0x4da: {  	[tilespmem:s0+$0xFFFFFF20] =	vst v24;
	v24 =	vmul.f32 v31, v25;
	v29 =	vld [tilespmem:s0+$0xFFFFFF90]  }
0x4db: {  	[tilespmem:s0+$0xFFFFFF30] =	vst v22;
	v22 =	vmul.f32 v32, v25;
	v30 =	vld [tilespmem:s0+$0xFFFFFFA0]  }
0x4dc: {  	[tilespmem:s0+$0xFFFFFF40] =	vst v24;
	v24 =	vmul.f32 v33, v25;
	v31 =	vld [tilespmem:s0+$0xFFFFFFB0]  }
0x4dd: {  	v32 =	vmov s10;
	[tilespmem:s0+$0xFFFFFF50] =	vst v22;
	v22 =	vmul.f32 v26, v25;
	v25 =	vld [tilespmem:s0+$0xFFFFFFC0]  }
0x4de: {  	s13 =	sadd.s32 $0x1, s10;
	s24 =	sadd.s32 $0x2, s10;
	v26 =	vshrl.u32 v32, $0x3;
	[tilespmem:s0+$0xFFFFFF60] =	vst v24;
	v24 =	vmul.f32 v28, v27;
	v28 =	vld [tilespmem:s0+$0xFFFFFFD0]  }
0x4df: {  	v33 =	vmov s24;
	s24 =	sadd.s32 $0x4, s10;
	v32 =	vmov s13;
	s13 =	sadd.s32 $0x3, s10;
	[tilespmem:s0+$0xFFFFFF70] =	vst v22;
	v22 =	vmul.f32 v29, v27;
	v29 =	vld [tilespmem:s0+$0xFFFFFFE0]  }
0x4e0: {  	v35 =	vmov s24;
	s24 =	sadd.s32 $0x6, s10;
	v34 =	vmov s13;
	s13 =	sadd.s32 $0x5, s10;
	[tilespmem:s0+$0xFFFFFF80] =	vst v24;
	v24 =	vmul.f32 v30, v27;
	v30 =	vld [tilespmem:s0+$0xFFFFFFF0]  }
0x4e1: {  	v37 =	vmov s24;
	v36 =	vmov s13;
	[tilespmem:s0+$0xFFFFFF90] =	vst v22;
	v22 =	vmul.f32 v31, v27;
	v27 =	vld [tilespmem:s0+$0x0]  }
0x4e2: {  	v26 =	vshll.u32 v26, v1;
	v31 =	vshrl.u32 v32, $0x3;
	[tilespmem:s0+$0xFFFFFFA0] =	vst v24;
	v24 =	vmul.f32 v25, v23;
	v25 =	vld [tilespmem:s0+$0x10]  }
0x4e3: {  	v32 =	vshrl.u32 v33, $0x3;
	v33 =	vshrl.u32 v34, $0x3;
	[tilespmem:s0+$0xFFFFFFB0] =	vst v22;
	v28 =	vmul.f32 v28, v23;
	v34 =	vld [tilespmem:s0+$0x20]  }
0x4e4: {  	v35 =	vshrl.u32 v35, $0x3;
	v36 =	vshrl.u32 v36, $0x3;
	[tilespmem:s0+$0xFFFFFFC0] =	vst v24;
	v24 =	vmul.f32 v29, v23;
	v29 =	vld [tilespmem:s0+$0x30]  }
0x4e5: {  	v22 =	vbroadcast v26, $0x0;
	v26 =	vshrl.u32 v37, $0x3;
	[tilespmem:s0+$0xFFFFFFD0] =	vst v28;
	v23 =	vmul.f32 v30, v23;
	v28 =	vld [tilespmem:s0+$0x40]  }
0x4e6: {  	v30 =	vshll.u32 v31, v1;
	v31 =	vshll.u32 v32, v1;
	[tilespmem:s0+$0xFFFFFFE0] =	vst v24;
	v24 =	vmul.f32 v27, v21;
	v27 =	vld [tilespmem:s0+$0x50]  }
0x4e7: {  	v35 =	vshll.u32 v35, v1;
	v32 =	vshll.u32 v33, v1;
	[tilespmem:s0+$0xFFFFFFF0] =	vst v23;
	v25 =	vmul.f32 v25, v21;
	v37 =	vld [tilespmem:s0+$0x60]  }
.Ltmp11:
0x4e8: {  	v36 =	vshll.u32 v36, v1;
	v38 =	vshll.u32 v26, v1;
	[tilespmem:s0+$0x0] =	vst v24;
	v24 =	vmul.f32 v34, v21;
	v23 =	vld [tilespmem:s0+$0x70];
	(pc) =	sbr.rel @p2 .LBB2_8-.Ltmp11, $4  }
0x4e9: {  	v26 =	vadd.s32 $0x1, v30;
	v31 =	vadd.s32 $0x2, v31;
	[tilespmem:s0+$0x10] =	vst v25;
	v25 =	vmul.f32 v29, v21;
	v21 =	vld [tilespmem:s0+$0x80]  }
0x4ea: {  	v33 =	vadd.s32 $0x3, v32;
	v29 =	vadd.s32 $0x4, v35;
	[tilespmem:s0+$0x20] =	vst v24;
	v34 =	vmul.f32 v28, v20;
	v24 =	vld [tilespmem:s0+$0x90]  }
0x4eb: {  	v30 =	vadd.s32 $0x5, v36;
	v26 =	vbroadcast v26, $0x0;
	[tilespmem:s0+$0x30] =	vst v25;
	v32 =	vmul.f32 v27, v20;
	v25 =	vld [tilespmem:s0+$0xA0]  }
0x4ec: {  	s13 =	sadd.s32 $0x7, s10;
	s10 =	sadd.s32 $0x8, s10;
	v28 =	vbroadcast v31, $0x0;
	v31 =	vadd.s32 $0x6, v38;
	[tilespmem:s0+$0x40] =	vst v34;
	v34 =	vmul.f32 v37, v20;
	v27 =	vld [tilespmem:s0+$0xB0]  }
0x4ed: {  	_ = 	snop  }
0x4ee: {  	v36 =	vld [tilespmem:s0+$0xC0]  }
0x4ef: {  	v37 =	vld [tilespmem:s0+$0xD0]  }
0x4f0: {  	v35 =	vmov s13;
	v38 =	vld [tilespmem:s0+$0xE0]  }
0x4f1: {  	v22 =	vld.idx.msk [tilespmem:v22+s19+$0x0], $0xffff;
	v35 =	vshrl.u32 v35, $0x3  }
0x4f2: {  	v26 =	vld.idx.msk [tilespmem:v26+s19+$0x0], $0xffff;
	v35 =	vshll.u32 v35, v1  }
0x4f3: {  	v33 =	vbroadcast v33, $0x0;
	v20 =	vmul.f32 v23, v20;
	s10 =	sadd.s32 $0x200, s0;
	v28 =	vld.idx.msk [tilespmem:v28+s19+$0x0], $0xffff;
	v35 =	vadd.s32 $0x7, v35  }
0x4f4: {  	v21 =	vmul.f32 v21, v19;
	v50 =	vld [tilespmem:s10+$0xFFFFFF20];
	v35 =	vbroadcast v35, $0x0  }
0x4f5: {  	v29 =	vbroadcast v29, $0x0;
	v51 =	vld [tilespmem:s10+$0xFFFFFF60];
	[tilespmem:s0+$0x70] =	vst v20;
	v20 =	vmul.f32 v24, v19  }
0x4f6: {  	v30 =	vbroadcast v30, $0x0;
	[tilespmem:s0+$0x80] =	vst v21;
	v21 =	vmul.f32 v25, v19;
	v25 =	vld [tilespmem:s10+$0xF0]  }
0x4f7: {  	[tilespmem:s0+$0x90] =	vst v20;
	v20 =	vld [tilespmem:s10+$0xFFFFFF00]  }
0x4f8: {  	v19 =	vmul.f32 v27, v19;
	v27 =	vld [tilespmem:s10+$0xFFFFFF10]  }
0x4f9: {  	[tilespmem:s0+$0x50] =	vst v32;
	v33 =	vld.idx.msk [tilespmem:v33+s19+$0x0], $0xffff  }
0x4fa: {  	v31 =	vbroadcast v31, $0x0;
	[tilespmem:s0+$0xA0] =	vst v21;
	v21 =	vmul.f32 v36, v18;
	v24 =	vld.idx.msk [tilespmem:v35+s19+$0x0], $0xffff  }
0x4fb: {  	v29 =	vld.idx.msk [tilespmem:v29+s19+$0x0], $0xffff;
	[tilespmem:s0+$0xB0] =	vst v19;
	v19 =	vmul.f32 v37, v18  }
0x4fc: {  	v23 =	vld.idx.msk [tilespmem:v30+s19+$0x0], $0xffff;
	v18 =	vmul.f32 v38, v18;
	[tilespmem:s0+$0xC0] =	vst v21  }
0x4fd: {  	v21 =	vld [tilespmem:s10+$0xFFFFFF30];
	[tilespmem:s0+$0xD0] =	vst v19  }
0x4fe: {  	v19 =	vld [tilespmem:s10+$0xFFFFFF40];
	[tilespmem:s0+$0xE0] =	vst v18;
	v18 =	vmul.f32 v20, v22  }
0x4ff: {  	[tilespmem:s0+$0x60] =	vst v34;
	v20 =	vld [tilespmem:s10+$0xFFFFFF50];
	v25 =	vmul.f32 v25, v24  }
0x500: {  	v49 =	vld.idx.msk [tilespmem:v31+s19+$0x0], $0xffff;
	v27 =	vmul.f32 v27, v22;
	[tilespmem:s10+$0xFFFFFF00] =	vst v18  }
0x501: {  	v18 =	vmul.f32 v50, v22;
	[tilespmem:s10+$0xF0] =	vst v25;
	v25 =	vld [tilespmem:s10+$0xFFFFFF70]  }
0x502: {  	[tilespmem:s10+$0xFFFFFF10] =	vst v27;
	v21 =	vmul.f32 v21, v22;
	v22 =	vld [tilespmem:s10+$0xFFFFFF80]  }
0x503: {  	[tilespmem:s10+$0xFFFFFF20] =	vst v18;
	v18 =	vmul.f32 v19, v26;
	v19 =	vld [tilespmem:s10+$0xFFFFFF90]  }
0x504: {  	[tilespmem:s10+$0xFFFFFF30] =	vst v21;
	v20 =	vmul.f32 v20, v26;
	v21 =	vld [tilespmem:s10+$0xFFFFFFA0]  }
0x505: {  	v27 =	vld [tilespmem:s10+$0xFFFFFFB0];
	[tilespmem:s10+$0xFFFFFF40] =	vst v18;
	v18 =	vmul.f32 v51, v26  }
0x506: {  	[tilespmem:s10+$0xFFFFFF50] =	vst v20;
	v20 =	vmul.f32 v25, v26;
	v25 =	vld [tilespmem:s10+$0xFFFFFFC0]  }
0x507: {  	[tilespmem:s10+$0xFFFFFF60] =	vst v18;
	v18 =	vmul.f32 v22, v28;
	v22 =	vld [tilespmem:s10+$0xFFFFFFD0]  }
0x508: {  	v19 =	vmul.f32 v19, v28;
	[tilespmem:s10+$0xFFFFFF70] =	vst v20;
	v20 =	vld [tilespmem:s10+$0xFFFFFFE0]  }
0x509: {  	[tilespmem:s10+$0xFFFFFF80] =	vst v18;
	v18 =	vmul.f32 v21, v28;
	v21 =	vld [tilespmem:s10+$0xFFFFFFF0]  }
0x50a: {  	[tilespmem:s10+$0xFFFFFF90] =	vst v19;
	v19 =	vmul.f32 v27, v28;
	v26 =	vld [tilespmem:s10+$0x0]  }
0x50b: {  	[tilespmem:s10+$0xFFFFFFA0] =	vst v18;
	v18 =	vmul.f32 v25, v33;
	v25 =	vld [tilespmem:s10+$0x10]  }
0x50c: {  	[tilespmem:s10+$0xFFFFFFB0] =	vst v19;
	v19 =	vmul.f32 v22, v33;
	v22 =	vld [tilespmem:s10+$0x20]  }
0x50d: {  	[tilespmem:s10+$0xFFFFFFC0] =	vst v18;
	v18 =	vmul.f32 v20, v33;
	v20 =	vld [tilespmem:s10+$0x30]  }
0x50e: {  	[tilespmem:s10+$0xFFFFFFD0] =	vst v19;
	v19 =	vmul.f32 v21, v33;
	v21 =	vld [tilespmem:s10+$0x40]  }
0x50f: {  	[tilespmem:s10+$0xFFFFFFE0] =	vst v18;
	v18 =	vmul.f32 v26, v29;
	v26 =	vld [tilespmem:s10+$0x50]  }
0x510: {  	[tilespmem:s10+$0xFFFFFFF0] =	vst v19;
	v19 =	vmul.f32 v25, v29;
	v25 =	vld [tilespmem:s10+$0x60]  }
0x511: {  	[tilespmem:s10+$0x0] =	vst v18;
	v18 =	vmul.f32 v22, v29;
	v22 =	vld [tilespmem:s10+$0x70]  }
0x512: {  	[tilespmem:s10+$0x10] =	vst v19;
	v19 =	vmul.f32 v20, v29;
	v20 =	vld [tilespmem:s10+$0x80]  }
0x513: {  	[tilespmem:s10+$0x20] =	vst v18;
	v18 =	vmul.f32 v21, v23;
	v21 =	vld [tilespmem:s10+$0x90]  }
0x514: {  	[tilespmem:s10+$0x30] =	vst v19;
	v19 =	vmul.f32 v26, v23;
	v26 =	vld [tilespmem:s10+$0xA0]  }
0x515: {  	[tilespmem:s10+$0x40] =	vst v18;
	v18 =	vmul.f32 v25, v23;
	v25 =	vld [tilespmem:s10+$0xB0]  }
0x516: {  	[tilespmem:s10+$0x50] =	vst v19;
	v19 =	vmul.f32 v22, v23;
	v22 =	vld [tilespmem:s10+$0xC0]  }
0x517: {  	[tilespmem:s10+$0x60] =	vst v18;
	v18 =	vmul.f32 v20, v49;
	v20 =	vld [tilespmem:s10+$0xD0]  }
0x518: {  	[tilespmem:s10+$0x70] =	vst v19;
	v19 =	vmul.f32 v21, v49;
	v21 =	vld [tilespmem:s10+$0xE0]  }
0x519: {  	[tilespmem:s10+$0x80] =	vst v18;
	v18 =	vmul.f32 v26, v49  }
0x51a: {  	[tilespmem:s10+$0x90] =	vst v19;
	v19 =	vmul.f32 v25, v49  }
0x51b: {  	[tilespmem:s10+$0xA0] =	vst v18;
	v18 =	vmul.f32 v22, v24  }
0x51c: {  	[tilespmem:s10+$0xB0] =	vst v19;
	v19 =	vmul.f32 v20, v24  }
0x51d: {  	[tilespmem:s10+$0xC0] =	vst v18;
	v18 =	vmul.f32 v21, v24  }
0x51e: {  	p2 =	seq.s32 s15, $0x18;
	[tilespmem:s10+$0xD0] =	vst v19  }
0x51f: {  	s13 =	simm.s32 $0x8980;
	s0 =	simm.s32 @!p2 $0x3;
	[tilespmem:s10+$0xE0] =	vst v18  }
0x520: {  	[spmem:s1] =	stream.indirect.scatter.add.f32 [tilespmem:s13], [sflag:$0x3], $0x40, s31, s21, $0xb8;
	[tilespmem:$0x1F7C0] =	vst v63  }
0x521: {  	_ =	swait.ge @!p2 [sflag:s0], $0x6400  }
0x522: {  	[sflag:s0] =	ssyncset.done @!p2 $0x0  }
0x523: {  	s10 =	smul.u32 @!p2 $0x320, s15;
	[sflag:s0] =	ssyncadd.s32 @!p2 $0xFFFF9C00;
	s0 =	simm.s32 @!p2 $0x9  }
0x524: {  	_ =	swait.ge @!p2 [sflag:s0], $0x190  }
0x525: {  	s10 =	sadd.s32 @!p2 s10, s22;
	[sflag:s0] =	ssyncset.done @!p2 $0x0  }
0x526: {  	[sflag:s0] =	ssyncadd.s32 @!p2 $0xFFFFFE70;
	s0 =	sshrl.u32 @!p2 s10, $0x3  }
0x527: {  	s24 =	simm.s32 @!p2 $0x4E20;
	s13 =	simm.s32 @!p2 $0x0;
	s10 =	sadd.s32 @!p2 s5, s0  }
0x528: {  	[tilespmem:s24], [sflag:$0x5] =	stream.linear.gather @!p2 [hbm4b:s10+s13], $0x190, $0x38;
	[tilespmem:$0x1F7C0] =	vst v63  }
0x529: {  	s29 =	simm.s32 @!p2 $0x5140;
	s0 =	sadd.s32 @!p2 s7, s0;
	s10 =	sadd.s32 @!p2 $0x9C40, s10  }
0x52a: {  	[tilespmem:s29], [sflag:$0x5] =	stream.linear.gather @!p2 [hbm4b:s10+s13], $0x190, $0x38;
	[tilespmem:$0x1F7C0] =	vst v63  }
0x52b: {  	s10 =	simm.s32 @!p2 $0x190;
	s13 =	simm.s32 @!p2 $0x4E200;
	s29 =	simm.s32 @!p2 $0x5460  }
0x52c: {  	[tilespmem:s29], [sflag:$0x7] =	stream.strided.gather @!p2 [hbm4b:s0+s10], $0x1900, s13, s10, $0x38;
	[tilespmem:$0x1F7C0] =	vst v63  }
0x52d: {  	s0 =	simm.s32 @!p2 $0x5  }
0x52e: {  	_ =	swait.ge @!p2 [sflag:s0], $0x190  }
0x52f: {  	[sflag:s0] =	ssyncset.done @!p2 $0x0  }
0x530: {  	[sflag:s0] =	ssyncadd.s32 @!p2 $0xFFFFFE70  }
0x531: {  	_ =	swait.ge @!p2 [sflag:s0], $0x190  }
0x532: {  	[sflag:s0] =	ssyncset.done @!p2 $0x0  }
0x533: {  	[sflag:s0] =	ssyncadd.s32 @!p2 $0xFFFFFE70;
	s0 =	simm.s32 @!p2 $0x8980  }
0x534: {  	[tilespmem:s0], [sflag:$0x1] =	stream.indirect.gather @!p2 [hbm4b:s4+s10], $0x40, s24, s10, $0xb8;
	[tilespmem:$0x1F7C0] =	vst v63  }
0x535: {  	_ =	swait.ge [sflag:s25], $0x1900  }
0x536: {  	[sflag:s25] =	ssyncset.done $0x0  }
0x537: {  	s24 =	simm.s32 $0x52F0;
	[sflag:s25] =	ssyncadd.s32 $0xFFFFE700  }
0x538: {  	s0 =	simm.s32 $0x4FD0;
	v18 =	vld [tilespmem:s24+$0x10]  }
0x539: {  	v19 =	vld [tilespmem:s0+$0x10]  }
0x53a: {  	v20 =	vld [tilespmem:s0+$0xFFFFFFE0]  }
0x53b: {  	v21 =	vld [tilespmem:s24+$0xFFFFFFF0]  }
0x53c: {  	v22 =	vld [tilespmem:s0+$0xFFFFFFF0]  }
0x53d: {  	v23 =	vld [tilespmem:s24+$0x0]  }
0x53e: {  	v24 =	vld [tilespmem:s0+$0x0]  }
0x53f: {  	s13 =	simm.s32 $0x79E0;
	v25 =	vld [tilespmem:s24+$0xFFFFFFE0]  }
0x540: {  	v26 =	vld [tilespmem:s13+$0xFFFFF3B0]  }
0x541: {  	v27 =	vld [tilespmem:s13+$0xFFFFF540]  }
0x542: {  	v28 =	vld [tilespmem:s13+$0xFFFFF6D0]  }
0x543: {  	v29 =	vld [tilespmem:s13+$0xFFFFF860]  }
0x544: {  	v52 =	vld [tilespmem:s13+$0xFFFFF9F0]  }
0x545: {  	v53 =	vld [tilespmem:s13+$0xFFFFFB80]  }
0x546: {  	v54 =	vld [tilespmem:s13+$0xFFFFFD10]  }
0x547: {  	v55 =	vld [tilespmem:s13+$0xFFFFF380]  }
0x548: {  	v56 =	vld [tilespmem:s13+$0xFFFFF390]  }
0x549: {  	v57 =	vld [tilespmem:s13+$0xFFFFF3A0]  }
0x54a: {  	v58 =	vld [tilespmem:s13+$0xFFFFF510]  }
0x54b: {  	v18 =	vld.idx.msk [tilespmem:v18+s3+$0x0], $0xffff  }
0x54c: {  	v19 =	vld.idx.msk [tilespmem:v19+s30+$0x0], $0xffff  }
0x54d: {  	v59 =	vld [tilespmem:s13+$0xFFFFF520]  }
0x54e: {  	v60 =	vld [tilespmem:s13+$0x4E0]  }
0x54f: {  	v61 =	vld [tilespmem:s13+$0xFFFFF530]  }
0x550: {  	v62 =	vld [tilespmem:s13+$0x670]  }
0x551: {  	v39 =	vld [tilespmem:s13+$0xFFFFF6A0];
	v18 =	vadd.f32 v19, v18;
	v19 =	vmul.f32 v26, v2  }
0x552: {  	v63 =	vld [tilespmem:s13+$0x800]  }
0x553: {  	v40 =	vld [tilespmem:s13+$0xFFFFF6B0];
	v18 =	vadd.f32 v19, v18;
	v19 =	vmul.f32 v27, v3  }
0x554: {  	v41 =	vld [tilespmem:s13+$0xFFFFF6C0]  }
0x555: {  	v42 =	vld [tilespmem:s13+$0xFFFFF830];
	v18 =	vadd.f32 v19, v18;
	v19 =	vmul.f32 v28, v4  }
0x556: {  	v44 =	vld [tilespmem:s13+$0xFFFFF9E0]  }
0x557: {  	v20 =	vld.idx.msk [tilespmem:v20+s30+$0x0], $0xffff;
	v18 =	vadd.f32 v19, v18;
	v19 =	vmul.f32 v29, v5  }
0x558: {  	v21 =	vld.idx.msk [tilespmem:v21+s3+$0x0], $0xffff  }
0x559: {  	v25 =	vld.idx.msk [tilespmem:v25+s3+$0x0], $0xffff;
	v18 =	vadd.f32 v19, v18;
	v19 =	vmul.f32 v52, v6  }
0x55a: {  	v26 =	vld [tilespmem:s13+$0xFFFFFEA0]  }
0x55b: {  	v22 =	vld.idx.msk [tilespmem:v22+s30+$0x0], $0xffff;
	v18 =	vadd.f32 v19, v18;
	v19 =	vmul.f32 v53, v7  }
0x55c: {  	v27 =	vld [tilespmem:s13+$0x30]  }
0x55d: {  	v23 =	vld.idx.msk [tilespmem:v23+s3+$0x0], $0xffff;
	v18 =	vadd.f32 v19, v18;
	v19 =	vmul.f32 v54, v8  }
0x55e: {  	v28 =	vld [tilespmem:s13+$0x1C0]  }
0x55f: {  	v24 =	vld.idx.msk [tilespmem:v24+s30+$0x0], $0xffff;
	v18 =	vadd.f32 v19, v18;
	v19 =	vmul.f32 v26, v9  }
0x560: {  	v29 =	vld [tilespmem:s13+$0x350]  }
0x561: {  	v46 =	vld [tilespmem:s13+$0xFFFFFB50];
	v18 =	vadd.f32 v19, v18;
	v19 =	vmul.f32 v27, v10  }
0x562: {  	v48 =	vld [tilespmem:s13+$0xFFFFFB60];
	v33 =	vmul.f32 v55, v2;
	v45 =	vmul.f32 v58, v3  }
0x563: {  	v49 =	vld [tilespmem:s13+$0xFFFFFB70];
	v47 =	vmul.f32 v59, v3;
	v18 =	vadd.f32 v19, v18;
	v19 =	vmul.f32 v28, v11  }
0x564: {  	v50 =	vld [tilespmem:s13+$0xFFFFFCE0];
	v21 =	vadd.f32 v22, v21;
	v22 =	vadd.f32 v24, v23;
	v23 =	vmul.f32 v56, v2  }
0x565: {  	v58 =	vld [tilespmem:s13+$0x1B0];
	v20 =	vadd.f32 v20, v25;
	v18 =	vadd.f32 v19, v18;
	v19 =	vmul.f32 v29, v12  }
0x566: {  	v51 =	vmul.f32 v39, v4;
	v25 =	vld [tilespmem:s13+$0xFFFFF850];
	v21 =	vadd.f32 v23, v21;
	v23 =	vmul.f32 v57, v2  }
0x567: {  	v20 =	vadd.f32 v33, v20;
	v52 =	vld [tilespmem:s13+$0xFFFFFCF0];
	v18 =	vadd.f32 v19, v18;
	v19 =	vmul.f32 v60, v13  }
0x568: {  	v55 =	vmul.f32 v48, v7;
	v22 =	vadd.f32 v23, v22;
	v23 =	vmul.f32 v61, v3;
	v26 =	vld [tilespmem:s13+$0x990]  }
0x569: {  	v20 =	vadd.f32 v45, v20;
	v27 =	vld [tilespmem:s13+$0xB20];
	v18 =	vadd.f32 v19, v18;
	v19 =	vmul.f32 v62, v14  }
0x56a: {  	v21 =	vadd.f32 v47, v21;
	v22 =	vadd.f32 v23, v22;
	v23 =	vmul.f32 v40, v4;
	v28 =	vld [tilespmem:s13+$0xFFFFF840]  }
0x56b: {  	v32 =	vmul.f32 v50, v8;
	v29 =	vld [tilespmem:s13+$0xFFFFF9C0];
	v18 =	vadd.f32 v19, v18;
	v19 =	vmul.f32 v63, v15  }
0x56c: {  	v24 =	vld [tilespmem:s13+$0xFFFFF9D0];
	v20 =	vadd.f32 v51, v20;
	v21 =	vadd.f32 v23, v21;
	v23 =	vmul.f32 v42, v5  }
0x56d: {  	v56 =	vld [tilespmem:s13+$0x1A0];
	v18 =	vadd.f32 v19, v18;
	v19 =	vmul.f32 v26, v16;
	v26 =	vmul.f32 v41, v4  }
0x56e: {  	v20 =	vadd.f32 v23, v20;
	v23 =	vmul.f32 v25, v5;
	v25 =	vld [tilespmem:s13+$0xFFFFFE90];
	v57 =	vmul.f32 v52, v8  }
0x56f: {  	v61 =	vld [tilespmem:s13+$0x4B0];
	v18 =	vadd.f32 v19, v18;
	v19 =	vadd.f32 v26, v22;
	v22 =	vmul.f32 v28, v5  }
0x570: {  	v54 =	vld [tilespmem:s13+$0xFFFFFE70];
	v27 =	vmul.f32 v27, v17;
	v28 =	vmul.f32 v29, v6  }
0x571: {  	v53 =	vld [tilespmem:s13+$0xFFFFFD00];
	v21 =	vadd.f32 v22, v21;
	v22 =	vmul.f32 v24, v6;
	v19 =	vadd.f32 v23, v19  }
0x572: {  	v26 =	vld [tilespmem:s13+$0xFFFFFE80];
	v23 =	vmul.f32 v44, v6;
	v20 =	vadd.f32 v28, v20;
	v28 =	vmul.f32 v46, v7  }
0x573: {  	v25 =	vmul.f32 v25, v9;
	v24 =	vld [tilespmem:s13+$0x0];
	v18 =	vadd.f32 v27, v18;
	v21 =	vadd.f32 v22, v21  }
0x574: {  	v22 =	vld [tilespmem:s13+$0x20];
	v19 =	vadd.f32 v23, v19;
	v20 =	vadd.f32 v28, v20;
	v28 =	vmul.f32 v49, v7  }
0x575: {  	v59 =	vmul.f32 v54, v9;
	v27 =	vld [tilespmem:s13+$0x10];
	v29 =	vmul.f32 $9.999999770e-03, v18;
	vm0 =	vge.f32 v18, $0.0e+00  }
0x576: {  	v23 =	vld [tilespmem:s13+$0x190];
	v21 =	vadd.f32 v55, v21;
	v19 =	vadd.f32 v28, v19;
	v28 =	vmul.f32 v53, v8  }
0x577: {  	v26 =	vmul.f32 v26, v9;
	v18 =	vsel vm0, v18, v29;
	v29 =	vld [tilespmem:s13+$0x320];
	v20 =	vadd.f32 v32, v20  }
0x578: {  	v60 =	vld [tilespmem:s13+$0x330];
	v18 =	vmul.f32 $1.442695020e+00, v18;
	v21 =	vadd.f32 v57, v21;
	v19 =	vadd.f32 v28, v19  }
0x579: {  	v24 =	vmul.f32 v24, v10;
	v28 =	vld [tilespmem:s13+$0x340];
	v20 =	vadd.f32 v59, v20;
	v22 =	vmul.f32 v22, v10  }
0x57a: {  	v21 =	vadd.f32 v26, v21;
	v26 =	vmul.f32 v27, v10;
	v19 =	vadd.f32 v25, v19;
	v25 =	vld [tilespmem:s13+$0x4C0]  }
0x57b: {  	v23 =	vmul.f32 v23, v11;
	(erf) = vpow2.f32 v18;
	v20 =	vadd.f32 v24, v20;
	v24 =	vld [tilespmem:s13+$0x4D0]  }
0x57c: {  	v27 =	vmul.f32 v29, v12;
	v29 =	vld [tilespmem:s13+$0x660];
	v18 =	vadd.f32 v26, v21;
	v21 =	vmul.f32 v56, v11  }
0x57d: {  	v26 =	vld [tilespmem:s13+$0x640];
	v19 =	vadd.f32 v22, v19;
	v22 =	vmul.f32 v58, v11  }
0x57e: {  	v20 =	vadd.f32 v23, v20;
	v23 =	vld [tilespmem:s13+$0x650];
	v18 =	vadd.f32 v21, v18;
	v21 =	vmul.f32 v60, v12  }
0x57f: {  	v19 =	vadd.f32 v22, v19;
	v22 =	vmul.f32 v28, v12;
	v28 =	vld [tilespmem:s13+$0x7D0]  }
0x580: {  	v20 =	vadd.f32 v27, v20;
	v27 =	vmul.f32 v61, v13;
	v18 =	vadd.f32 v21, v18;
	v21 =	vld [tilespmem:s13+$0x7E0]  }
0x581: {  	v25 =	vmul.f32 v25, v13;
	v19 =	vadd.f32 v22, v19;
	v22 =	vmul.f32 v24, v13;
	v24 =	vld [tilespmem:s13+$0x7F0]  }
0x582: {  	v62 =	vld [tilespmem:s13+$0x960];
	v27 =	vadd.f32 v27, v20;
	v26 =	vmul.f32 v26, v14  }
0x583: {  	v20 =	vld [tilespmem:s13+$0x970];
	v23 =	vmul.f32 v23, v14;
	v18 =	vadd.f32 v25, v18;
	v22 =	vadd.f32 v22, v19  }
0x584: {  	v25 =	vmul.f32 v29, v14;
	v19 =	vld [tilespmem:s13+$0x980];
	v26 =	vadd.f32 v26, v27;
	v27 =	vmul.f32 v28, v15  }
0x585: {  	v28 =	vadd.f32 v23, v18;
	v18 =	vld [tilespmem:s13+$0xAF0];
	v29 =	vmul.f32 v21, v15  }
0x586: {  	s10 =	simm.s32 $0x8810;
	v63 =	vpop (erf);
	v25 =	vadd.f32 v25, v22;
	v23 =	vadd.f32 v27, v26;
	v21 =	vld [tilespmem:s13+$0xB00];
	v27 =	vmul.f32 v24, v15  }
0x587: {  	s29 =	simm.s32 $0x5330;
	s24 =	simm.s32 $0x0;
	[tilespmem:s10+$0x10] =	vst v63;
	v22 =	vld [tilespmem:s13+$0xB10];
	v26 =	vmul.f32 v62, v16;
	v24 =	vadd.f32 v29, v28  }
.LBB2_10:
0x588: {  	v28 =	vld [tilespmem:s29+$0x10];
	v20 =	vmul.f32 v20, v16;
	v25 =	vadd.f32 v27, v25;
	s0 =	sadd.s32 $0x40, s0  }
0x589: {  	s24 =	sadd.s32 $0x40, s24;
	v27 =	vld [tilespmem:s0+$0x10];
	v23 =	vadd.f32 v26, v23;
	v19 =	vmul.f32 v19, v16  }
0x58a: {  	p3 =	slt.u32 s24, $0x140;
	v26 =	vld [tilespmem:s0+$0xFFFFFFE0];
	v18 =	vmul.f32 v18, v17;
	v20 =	vadd.f32 v20, v24  }
0x58b: {  	v24 =	vld [tilespmem:s29+$0xFFFFFFF0];
	v21 =	vmul.f32 v21, v17;
	v19 =	vadd.f32 v19, v25  }
0x58c: {  	v25 =	vld [tilespmem:s0+$0xFFFFFFF0];
	v18 =	vadd.f32 v18, v23;
	v22 =	vmul.f32 v22, v17  }
0x58d: {  	v23 =	vld [tilespmem:s29+$0x0];
	v20 =	vadd.f32 v21, v20  }
0x58e: {  	v21 =	vld [tilespmem:s0+$0x0];
	vm0 =	vge.f32 v18, $0.0e+00;
	v29 =	vmul.f32 $9.999999770e-03, v18;
	v19 =	vadd.f32 v22, v19  }
0x58f: {  	v22 =	vld [tilespmem:s29+$0xFFFFFFE0];
	vm1 =	vge.f32 v20, $0.0e+00;
	v30 =	vmul.f32 $9.999999770e-03, v20  }
0x590: {  	v28 =	vld.idx.msk [tilespmem:v28+s3+$0x0], $0xffff;
	v18 =	vsel vm0, v18, v29;
	vm0 =	vge.f32 v19, $0.0e+00;
	v29 =	vmul.f32 $9.999999770e-03, v19  }
0x591: {  	s13 =	sadd.s32 $0x40, s13;
	v27 =	vld.idx.msk [tilespmem:v27+s30+$0x0], $0xffff;
	v18 =	vmul.f32 $1.442695020e+00, v18;
	v20 =	vsel vm1, v20, v30  }
0x592: {  	v30 =	vld [tilespmem:s13+$0xFFFFF3B0];
	v20 =	vmul.f32 $1.442695020e+00, v20;
	v19 =	vsel vm0, v19, v29  }
0x593: {  	v26 =	vld.idx.msk [tilespmem:v26+s30+$0x0], $0xffff;
	v19 =	vmul.f32 $1.442695020e+00, v19;
	(erf) = vpow2.f32 v18  }
0x594: {  	v18 =	vld [tilespmem:s13+$0xFFFFF540];
	(erf) = vpow2.f32 v20  }
0x595: {  	v20 =	vld.idx.msk [tilespmem:v24+s3+$0x0], $0xffff;
	(erf) = vpow2.f32 v19  }
0x596: {  	v19 =	vld [tilespmem:s13+$0xFFFFF6D0]  }
0x597: {  	v24 =	vadd.f32 v27, v28;
	v22 =	vld.idx.msk [tilespmem:v22+s3+$0x0], $0xffff;
	v27 =	vmul.f32 v30, v2  }
0x598: {  	v28 =	vld [tilespmem:s13+$0xFFFFF860]  }
0x599: {  	v25 =	vld.idx.msk [tilespmem:v25+s30+$0x0], $0xffff;
	v24 =	vadd.f32 v27, v24;
	v18 =	vmul.f32 v18, v3  }
0x59a: {  	v27 =	vld [tilespmem:s13+$0xFFFFF9F0]  }
0x59b: {  	v23 =	vld.idx.msk [tilespmem:v23+s3+$0x0], $0xffff;
	v18 =	vadd.f32 v18, v24;
	v19 =	vmul.f32 v19, v4  }
0x59c: {  	v24 =	vld [tilespmem:s13+$0xFFFFFB80];
	v29 =	vpop (erf)  }
0x59d: {  	v22 =	vadd.f32 v26, v22;
	v21 =	vld.idx.msk [tilespmem:v21+s30+$0x0], $0xffff;
	v18 =	vadd.f32 v19, v18;
	v19 =	vmul.f32 v28, v5;
	v26 =	vpop (erf)  }
0x59e: {  	v28 =	vld [tilespmem:s13+$0xFFFFFD10];
	[tilespmem:s10+$0xFFFFFFE0] =	vst v29;
	v29 =	vpop (erf)  }
0x59f: {  	v20 =	vadd.f32 v25, v20;
	v30 =	vld [tilespmem:s13+$0xFFFFF380];
	v18 =	vadd.f32 v19, v18;
	v19 =	vmul.f32 v27, v6;
	[tilespmem:s10+$0xFFFFFFF0] =	vst v26  }
0x5a0: {  	v25 =	vld [tilespmem:s13+$0xFFFFFEA0];
	[tilespmem:s10+$0x0] =	vst v29  }
0x5a1: {  	v26 =	vld [tilespmem:s13+$0xFFFFF390];
	v18 =	vadd.f32 v19, v18;
	v19 =	vmul.f32 v24, v7  }
0x5a2: {  	v24 =	vld [tilespmem:s13+$0x30]  }
0x5a3: {  	v21 =	vadd.f32 v21, v23;
	v23 =	vld [tilespmem:s13+$0xFFFFF3A0];
	v18 =	vadd.f32 v19, v18;
	v19 =	vmul.f32 v28, v8  }
0x5a4: {  	v27 =	vmul.f32 v30, v2;
	v28 =	vld [tilespmem:s13+$0x1C0]  }
0x5a5: {  	v29 =	vld [tilespmem:s13+$0xFFFFF510];
	v18 =	vadd.f32 v19, v18;
	v19 =	vmul.f32 v25, v9  }
0x5a6: {  	v22 =	vadd.f32 v27, v22;
	v25 =	vmul.f32 v26, v2;
	v26 =	vld [tilespmem:s13+$0x350]  }
0x5a7: {  	v27 =	vld [tilespmem:s13+$0xFFFFF520];
	v18 =	vadd.f32 v19, v18;
	v19 =	vmul.f32 v24, v10  }
0x5a8: {  	v20 =	vadd.f32 v25, v20;
	v23 =	vmul.f32 v23, v2;
	v24 =	vld [tilespmem:s13+$0x4E0]  }
0x5a9: {  	v25 =	vld [tilespmem:s13+$0xFFFFF530];
	v18 =	vadd.f32 v19, v18;
	v19 =	vmul.f32 v28, v11  }
0x5aa: {  	v28 =	vmul.f32 v29, v3;
	v21 =	vadd.f32 v23, v21;
	v23 =	vld [tilespmem:s13+$0x670]  }
0x5ab: {  	v29 =	vld [tilespmem:s13+$0xFFFFF6A0];
	v18 =	vadd.f32 v19, v18;
	v19 =	vmul.f32 v26, v12  }
0x5ac: {  	v22 =	vadd.f32 v28, v22;
	v26 =	vmul.f32 v27, v3;
	v27 =	vld [tilespmem:s13+$0x800]  }
0x5ad: {  	v28 =	vld [tilespmem:s13+$0xFFFFF6B0];
	v18 =	vadd.f32 v19, v18;
	v19 =	vmul.f32 v24, v13  }
0x5ae: {  	v20 =	vadd.f32 v26, v20;
	v24 =	vmul.f32 v25, v3;
	v25 =	vld [tilespmem:s13+$0x990]  }
0x5af: {  	v26 =	vld [tilespmem:s13+$0xFFFFF6C0];
	v18 =	vadd.f32 v19, v18;
	v19 =	vmul.f32 v23, v14  }
0x5b0: {  	v23 =	vmul.f32 v29, v4;
	v21 =	vadd.f32 v24, v21;
	v24 =	vld [tilespmem:s13+$0xB20]  }
0x5b1: {  	v29 =	vld [tilespmem:s13+$0xFFFFF830];
	v18 =	vadd.f32 v19, v18;
	v19 =	vmul.f32 v27, v15  }
0x5b2: {  	v22 =	vadd.f32 v23, v22;
	v23 =	vmul.f32 v28, v4;
	v27 =	vld [tilespmem:s13+$0xFFFFF840]  }
0x5b3: {  	v28 =	vld [tilespmem:s13+$0xFFFFF850];
	v18 =	vadd.f32 v19, v18;
	v19 =	vmul.f32 v25, v16  }
0x5b4: {  	v25 =	vld [tilespmem:s13+$0xFFFFF9C0];
	v20 =	vadd.f32 v23, v20;
	v23 =	vmul.f32 v26, v4  }
0x5b5: {  	v26 =	vld [tilespmem:s13+$0xFFFFF9D0];
	v18 =	vadd.f32 v19, v18;
	v19 =	vmul.f32 v24, v17  }
0x5b6: {  	v24 =	vmul.f32 v29, v5;
	v21 =	vadd.f32 v23, v21;
	v23 =	vld [tilespmem:s13+$0xFFFFF9E0]  }
0x5b7: {  	v29 =	vld [tilespmem:s13+$0xFFFFFB50];
	v27 =	vmul.f32 v27, v5;
	v18 =	vadd.f32 v19, v18  }
0x5b8: {  	v19 =	vadd.f32 v24, v22;
	v22 =	vld [tilespmem:s13+$0xFFFFFB60];
	v24 =	vmul.f32 v28, v5  }
0x5b9: {  	v25 =	vmul.f32 v25, v6;
	v20 =	vadd.f32 v27, v20;
	v27 =	vld [tilespmem:s13+$0xFFFFFB70];
	v28 =	vmul.f32 $9.999999770e-03, v18  }
0x5ba: {  	vm0 =	vge.f32 v18, $0.0e+00;
	v30 =	vld [tilespmem:s13+$0xFFFFFCE0];
	v26 =	vmul.f32 v26, v6;
	v21 =	vadd.f32 v24, v21  }
0x5bb: {  	v19 =	vadd.f32 v25, v19;
	v24 =	vld [tilespmem:s13+$0xFFFFFCF0];
	v23 =	vmul.f32 v23, v6;
	v18 =	vsel vm0, v18, v28  }
0x5bc: {  	v25 =	vmul.f32 v29, v7;
	v20 =	vadd.f32 v26, v20;
	v26 =	vld [tilespmem:s13+$0xFFFFFD00];
	v18 =	vmul.f32 $1.442695020e+00, v18  }
0x5bd: {  	v28 =	vld [tilespmem:s13+$0xFFFFFE70];
	v22 =	vmul.f32 v22, v7;
	v21 =	vadd.f32 v23, v21  }
0x5be: {  	v19 =	vadd.f32 v25, v19;
	v23 =	vld [tilespmem:s13+$0xFFFFFE80];
	v25 =	vmul.f32 v27, v7;
	(erf) = vpow2.f32 v18  }
0x5bf: {  	v18 =	vmul.f32 v30, v8;
	v20 =	vadd.f32 v22, v20;
	v22 =	vld [tilespmem:s13+$0xFFFFFE90]  }
0x5c0: {  	v27 =	vld [tilespmem:s13+$0x0];
	v24 =	vmul.f32 v24, v8;
	v21 =	vadd.f32 v25, v21  }
0x5c1: {  	v18 =	vadd.f32 v18, v19;
	v19 =	vld [tilespmem:s13+$0x10];
	v25 =	vmul.f32 v26, v8  }
0x5c2: {  	v26 =	vmul.f32 v28, v9;
	v20 =	vadd.f32 v24, v20;
	v24 =	vld [tilespmem:s13+$0x20]  }
0x5c3: {  	v28 =	vld [tilespmem:s13+$0x190];
	v23 =	vmul.f32 v23, v9;
	v21 =	vadd.f32 v25, v21  }
0x5c4: {  	v18 =	vadd.f32 v26, v18;
	v25 =	vld [tilespmem:s13+$0x1A0];
	v22 =	vmul.f32 v22, v9  }
0x5c5: {  	v29 =	vmul.f32 v27, v10;
	v20 =	vadd.f32 v23, v20;
	v23 =	vld [tilespmem:s13+$0x1B0]  }
0x5c6: {  	v27 =	vld [tilespmem:s13+$0x320];
	v19 =	vmul.f32 v19, v10;
	v21 =	vadd.f32 v22, v21  }
0x5c7: {  	s10 =	sadd.s32 $0x40, s10;
	v18 =	vadd.f32 v29, v18;
	v22 =	vld [tilespmem:s13+$0x330];
	v24 =	vmul.f32 v24, v10;
	v26 =	vpop (erf)  }
0x5c8: {  	v28 =	vmul.f32 v28, v11;
	v19 =	vadd.f32 v19, v20;
	v20 =	vld [tilespmem:s13+$0x340];
	[tilespmem:s10+$0x10] =	vst v26  }
0x5c9: {  	v26 =	vld [tilespmem:s13+$0x4B0];
	v25 =	vmul.f32 v25, v11;
	v21 =	vadd.f32 v24, v21  }
0x5ca: {  	v18 =	vadd.f32 v28, v18;
	v24 =	vld [tilespmem:s13+$0x4C0];
	v23 =	vmul.f32 v23, v11  }
0x5cb: {  	v27 =	vmul.f32 v27, v12;
	v19 =	vadd.f32 v25, v19;
	v25 =	vld [tilespmem:s13+$0x4D0]  }
0x5cc: {  	v28 =	vld [tilespmem:s13+$0x640];
	v22 =	vmul.f32 v22, v12;
	v21 =	vadd.f32 v23, v21  }
0x5cd: {  	v18 =	vadd.f32 v27, v18;
	v23 =	vld [tilespmem:s13+$0x650];
	v20 =	vmul.f32 v20, v12  }
0x5ce: {  	v26 =	vmul.f32 v26, v13;
	v19 =	vadd.f32 v22, v19;
	v22 =	vld [tilespmem:s13+$0x660]  }
0x5cf: {  	v27 =	vld [tilespmem:s13+$0x7D0];
	v24 =	vmul.f32 v24, v13;
	v20 =	vadd.f32 v20, v21  }
0x5d0: {  	v18 =	vadd.f32 v26, v18;
	v21 =	vld [tilespmem:s13+$0x7E0];
	v25 =	vmul.f32 v25, v13  }
0x5d1: {  	v26 =	vmul.f32 v28, v14;
	v19 =	vadd.f32 v24, v19;
	v24 =	vld [tilespmem:s13+$0x7F0]  }
0x5d2: {  	v28 =	vld [tilespmem:s13+$0x960];
	v23 =	vmul.f32 v23, v14;
	v25 =	vadd.f32 v25, v20  }
.Ltmp12:
0x5d3: {  	v26 =	vadd.f32 v26, v18;
	v20 =	vld [tilespmem:s13+$0x970];
	v22 =	vmul.f32 v22, v14;
	(pc) =	sbr.rel @p3 .LBB2_10-.Ltmp12, $4  }
0x5d4: {  	v27 =	vmul.f32 v27, v15;
	v29 =	vadd.f32 v23, v19;
	v19 =	vld [tilespmem:s13+$0x980]  }
0x5d5: {  	v18 =	vld [tilespmem:s13+$0xAF0];
	v30 =	vmul.f32 v21, v15;
	v25 =	vadd.f32 v22, v25  }
0x5d6: {  	v23 =	vadd.f32 v27, v26;
	v21 =	vld [tilespmem:s13+$0xB00];
	v27 =	vmul.f32 v24, v15  }
0x5d7: {  	s29 =	sadd.s32 $0x40, s29;
	v26 =	vmul.f32 v28, v16;
	v24 =	vadd.f32 v30, v29;
	v22 =	vld [tilespmem:s13+$0xB10]  }
0x5d8: {  	_ = 	snop  }
0x5d9: {  	v20 =	vmul.f32 v20, v16;
	v25 =	vadd.f32 v27, v25  }
0x5da: {  	v23 =	vadd.f32 v26, v23;
	v19 =	vmul.f32 v19, v16;
	v18 =	vmul.f32 v18, v17  }
0x5db: {  	v20 =	vadd.f32 v20, v24;
	v21 =	vmul.f32 v21, v17  }
0x5dc: {  	v19 =	vadd.f32 v19, v25;
	v18 =	vadd.f32 v18, v23;
	v22 =	vmul.f32 v22, v17  }
0x5dd: {  	v20 =	vadd.f32 v21, v20  }
0x5de: {  	v21 =	vmul.f32 $9.999999770e-03, v18;
	v19 =	vadd.f32 v22, v19  }
0x5df: {  	vm0 =	vge.f32 v18, $0.0e+00;
	v22 =	vmul.f32 $9.999999770e-03, v20  }
0x5e0: {  	vm1 =	vge.f32 v20, $0.0e+00;
	v18 =	vsel vm0, v18, v21;
	v21 =	vmul.f32 $9.999999770e-03, v19  }
0x5e1: {  	vm14 =	vge.f32 v19, $0.0e+00;
	v18 =	vmul.f32 $1.442695020e+00, v18;
	v20 =	vsel vm1, v20, v22  }
0x5e2: {  	v20 =	vmul.f32 $1.442695020e+00, v20;
	v19 =	vsel vm14, v19, v21  }
0x5e3: {  	v19 =	vmul.f32 $1.442695020e+00, v19;
	(erf) = vpow2.f32 v18  }
0x5e4: {  	(erf) = vpow2.f32 v20  }
0x5e5: {  	(erf) = vpow2.f32 v19;
	_ =	sdelay $0x6  }
0x5e6: {  	v18 =	vpop (erf)  }
0x5e7: {  	v19 =	vpop (erf);
	[tilespmem:s10+$0xFFFFFFE0] =	vst v18  }
0x5e8: {  	v18 =	vpop (erf);
	[tilespmem:s10+$0xFFFFFFF0] =	vst v19  }
0x5e9: {  	[tilespmem:s10+$0x0] =	vst v18  }
0x5ea: {  	v18 =	vld [tilespmem:$0x5450]  }
0x5eb: {  	v19 =	vld [tilespmem:$0x5130];
	_ =	sdelay $0x5  }
0x5ec: {  	s0 =	simm.s32 $0x0;
	v20 =	vld [tilespmem:$0x6EE0]  }
0x5ed: {  	v18 =	vld.idx.msk [tilespmem:v18+s0+$0x0], $0xffff  }
0x5ee: {  	v19 =	vld.idx.msk [tilespmem:v19+s30+$0x0], $0xffff;
	_ =	sdelay $0x1  }
0x5ef: {  	v21 =	vld [tilespmem:$0x7070];
	_ =	sdelay $0x1  }
0x5f0: {  	v22 =	vld [tilespmem:$0x7200]  }
0x5f1: {  	v18 =	vadd.f32 v19, v18;
	v19 =	vmul.f32 v20, v2  }
0x5f2: {  	v20 =	vld [tilespmem:$0x7390]  }
0x5f3: {  	v18 =	vadd.f32 v19, v18;
	v19 =	vmul.f32 v21, v3  }
0x5f4: {  	v21 =	vld [tilespmem:$0x7520]  }
0x5f5: {  	v18 =	vadd.f32 v19, v18;
	v19 =	vmul.f32 v22, v4  }
0x5f6: {  	v22 =	vld [tilespmem:$0x76B0]  }
0x5f7: {  	v18 =	vadd.f32 v19, v18;
	v19 =	vmul.f32 v20, v5  }
0x5f8: {  	v20 =	vld [tilespmem:$0x7840]  }
0x5f9: {  	v18 =	vadd.f32 v19, v18;
	v19 =	vmul.f32 v21, v6  }
0x5fa: {  	v21 =	vld [tilespmem:$0x79D0]  }
0x5fb: {  	v18 =	vadd.f32 v19, v18;
	v19 =	vmul.f32 v22, v7  }
0x5fc: {  	v22 =	vld [tilespmem:$0x7B60]  }
0x5fd: {  	v18 =	vadd.f32 v19, v18;
	v19 =	vmul.f32 v20, v8  }
0x5fe: {  	v20 =	vld [tilespmem:$0x7CF0]  }
0x5ff: {  	v18 =	vadd.f32 v19, v18;
	v19 =	vmul.f32 v21, v9  }
0x600: {  	v21 =	vld [tilespmem:$0x7E80]  }
0x601: {  	v18 =	vadd.f32 v19, v18;
	v19 =	vmul.f32 v22, v10  }
0x602: {  	v22 =	vld [tilespmem:$0x8010]  }
0x603: {  	v18 =	vadd.f32 v19, v18;
	v19 =	vmul.f32 v20, v11  }
0x604: {  	v20 =	vld [tilespmem:$0x81A0]  }
0x605: {  	v18 =	vadd.f32 v19, v18;
	v19 =	vmul.f32 v21, v12  }
0x606: {  	v21 =	vld [tilespmem:$0x8330]  }
0x607: {  	v18 =	vadd.f32 v19, v18;
	v19 =	vmul.f32 v22, v13  }
0x608: {  	v22 =	vld [tilespmem:$0x84C0]  }
0x609: {  	v18 =	vadd.f32 v19, v18;
	v19 =	vmul.f32 v20, v14  }
0x60a: {  	v20 =	vld [tilespmem:$0x8650]  }
0x60b: {  	v18 =	vadd.f32 v19, v18;
	v19 =	vmul.f32 v21, v15;
	_ =	sdelay $0x1  }
0x60c: {  	v18 =	vadd.f32 v19, v18;
	v19 =	vmul.f32 v22, v16;
	_ =	sdelay $0x1  }
0x60d: {  	v18 =	vadd.f32 v19, v18;
	v19 =	vmul.f32 v20, v17;
	_ =	sdelay $0x1  }
0x60e: {  	v18 =	vadd.f32 v19, v18;
	_ =	sdelay $0x1  }
0x60f: {  	v19 =	vmul.f32 $9.999999770e-03, v18  }
0x610: {  	vm15 =	vge.f32 v18, $0.0e+00  }
0x611: {  	v18 =	vsel vm15, v18, v19  }
0x612: {  	v18 =	vmul.f32 $1.442695020e+00, v18;
	_ =	sdelay $0x1  }
0x613: {  	(erf) = vpow2.f32 v18  }
0x614: {  	s6 =	simm.s32 $0x3  }
0x615: {  	v21 =	vmov s6  }
0x616: {  	s13 =	simm.s32 $0x4;
	v21 =	vshrl.u32 v21, $0x3  }
0x617: {  	v22 =	vmov s13;
	s13 =	simm.s32 $0x5;
	v21 =	vshll.u32 v21, v1  }
0x618: {  	s24 =	simm.s32 $0x1;
	s29 =	simm.s32 $0x2;
	v23 =	vmov s13;
	v22 =	vshrl.u32 v22, $0x3;
	v21 =	vadd.s32 $0x3, v21  }
0x619: {  	v20 =	vmov s29;
	v19 =	vmov s24;
	v18 =	vmov s0  }
0x61a: {  	v23 =	vshrl.u32 v23, $0x3;
	v19 =	vshrl.u32 v19, $0x3;
	v18 =	vshrl.u32 v18, $0x3  }
0x61b: {  	v20 =	vshrl.u32 v20, $0x3;
	v19 =	vshll.u32 v19, v1;
	v18 =	vshll.u32 v18, v1  }
0x61c: {  	v20 =	vshll.u32 v20, v1;
	v19 =	vadd.s32 $0x1, v19;
	v18 =	vbroadcast v18, $0x0;
	v25 =	vpop (erf)  }
0x61d: {  	v22 =	vshll.u32 v22, v1;
	v20 =	vadd.s32 $0x2, v20;
	s24 =	simm.s32 $0x6;
	v19 =	vbroadcast v19, $0x0;
	[tilespmem:$0x8970] =	vst v25  }
0x61e: {  	v21 =	vbroadcast v21, $0x0;
	v23 =	vshll.u32 v23, v1;
	v20 =	vbroadcast v20, $0x0;
	[spmem:s2] =	stream.indirect.scatter.add.f32 [tilespmem:s26], [sflag:$0xA], $0x1, s9, s21, $0xb8;
	[tilespmem:$0x1F7C0] =	vst v63  }
0x61f: {  	s29 =	simm.s32 $0x7;
	v22 =	vadd.s32 $0x4, v22;
	v23 =	vadd.s32 $0x5, v23;
	v24 =	vmov s24;
	_ =	swait.ge [sflag:s28], $0x6400  }
0x620: {  	v22 =	vbroadcast v22, $0x0;
	v24 =	vshrl.u32 v24, $0x3;
	v25 =	vmov s29;
	[sflag:s28] =	ssyncset.done $0x0  }
0x621: {  	v23 =	vbroadcast v23, $0x0;
	v24 =	vshll.u32 v24, v1;
	v25 =	vshrl.u32 v25, $0x3;
	[sflag:s28] =	ssyncadd.s32 $0xFFFF9C00  }
0x622: {  	v24 =	vadd.s32 $0x6, v24;
	v25 =	vshll.u32 v25, v1;
	v26 =	vld.idx.msk [tilespmem:v18+s26+$0x0], $0xffff  }
0x623: {  	v18 =	vbroadcast v24, $0x0;
	v24 =	vadd.s32 $0x7, v25;
	v25 =	vld.idx.msk [tilespmem:v19+s26+$0x0], $0xffff  }
0x624: {  	v27 =	vld.idx.msk [tilespmem:v20+s26+$0x0], $0xffff  }
0x625: {  	v21 =	vld.idx.msk [tilespmem:v21+s26+$0x0], $0xffff;
	v24 =	vbroadcast v24, $0x0  }
0x626: {  	v28 =	vld.idx.msk [tilespmem:v22+s26+$0x0], $0xffff  }
0x627: {  	s0 =	simm.s32 $0xEE80;
	v20 =	vld.idx.msk [tilespmem:v23+s26+$0x0], $0xffff  }
0x628: {  	v22 =	vld [tilespmem:s0+$0xF0]  }
0x629: {  	v23 =	vld [tilespmem:s0+$0xFFFFFF00]  }
0x62a: {  	v19 =	vld.idx.msk [tilespmem:v18+s26+$0x0], $0xffff  }
0x62b: {  	v18 =	vld.idx.msk [tilespmem:v24+s26+$0x0], $0xffff  }
0x62c: {  	v24 =	vld [tilespmem:s0+$0xFFFFFF10]  }
0x62d: {  	v29 =	vld [tilespmem:s0+$0xFFFFFF20]  }
0x62e: {  	v30 =	vld [tilespmem:s0+$0xFFFFFF30]  }
0x62f: {  	v31 =	vld [tilespmem:s0+$0xFFFFFF40];
	v23 =	vmul.f32 v23, v26  }
0x630: {  	v32 =	vld [tilespmem:s0+$0xFFFFFF50];
	v22 =	vmul.f32 v22, v18  }
0x631: {  	[tilespmem:s0+$0xFFFFFF00] =	vst v23;
	v23 =	vld [tilespmem:s0+$0xFFFFFF70];
	v24 =	vmul.f32 v24, v26  }
0x632: {  	v33 =	vld [tilespmem:s0+$0xFFFFFF60];
	[tilespmem:s0+$0xF0] =	vst v22;
	v22 =	vmul.f32 v29, v26  }
0x633: {  	[tilespmem:s0+$0xFFFFFF10] =	vst v24;
	v24 =	vmul.f32 v30, v26;
	v29 =	vld [tilespmem:s0+$0xFFFFFF90]  }
0x634: {  	v26 =	vld [tilespmem:s0+$0xFFFFFF80];
	[tilespmem:s0+$0xFFFFFF20] =	vst v22;
	v22 =	vmul.f32 v31, v25  }
0x635: {  	v30 =	vld [tilespmem:s0+$0xFFFFFFA0];
	[tilespmem:s0+$0xFFFFFF30] =	vst v24;
	v24 =	vmul.f32 v32, v25  }
0x636: {  	v23 =	vmul.f32 v23, v25;
	v31 =	vld [tilespmem:s0+$0xFFFFFFB0];
	[tilespmem:s0+$0xFFFFFF40] =	vst v22  }
0x637: {  	s6 =	simm.s32 $0x8;
	v22 =	vmul.f32 v33, v25;
	[tilespmem:s0+$0xFFFFFF50] =	vst v24;
	v24 =	vld [tilespmem:s0+$0xFFFFFFC0]  }
0x638: {  	v54 =	vmov s6;
	s6 =	simm.s32 $0xC;
	[tilespmem:s0+$0xFFFFFF70] =	vst v23;
	v23 =	vmul.f32 v29, v27;
	v29 =	vld [tilespmem:s0+$0xFFFFFFE0]  }
0x639: {  	v35 =	vmov s6;
	s24 =	simm.s32 $0xA;
	[tilespmem:s0+$0xFFFFFF60] =	vst v22;
	v22 =	vmul.f32 v26, v27;
	v26 =	vld [tilespmem:s0+$0xFFFFFFD0]  }
0x63a: {  	s13 =	simm.s32 $0x9;
	v59 =	vshrl.u32 v35, $0x3;
	v56 =	vmov s24;
	s24 =	simm.s32 $0xD;
	v61 =	vld [tilespmem:s0+$0x30]  }
0x63b: {  	v55 =	vmov s13;
	v36 =	vmov s24;
	[tilespmem:s0+$0xFFFFFF80] =	vst v22;
	v22 =	vmul.f32 v30, v27;
	v30 =	vld [tilespmem:s0+$0xFFFFFFF0]  }
0x63c: {  	v57 =	vshrl.u32 v56, $0x3;
	v60 =	vshrl.u32 v36, $0x3;
	s29 =	simm.s32 $0xB;
	[tilespmem:s0+$0xFFFFFF90] =	vst v23;
	v23 =	vmul.f32 v31, v27;
	v27 =	vld [tilespmem:s0+$0x0]  }
0x63d: {  	v35 =	vshll.u32 v60, v1;
	v34 =	vmov s29;
	s29 =	simm.s32 $0xE;
	[tilespmem:s0+$0xFFFFFFA0] =	vst v22;
	v22 =	vmul.f32 v24, v21;
	v24 =	vld [tilespmem:s0+$0x10]  }
0x63e: {  	v37 =	vmov s29;
	[tilespmem:s0+$0xFFFFFFB0] =	vst v23;
	v29 =	vmul.f32 v29, v21;
	v23 =	vmul.f32 v26, v21;
	v26 =	vld [tilespmem:s0+$0x20]  }
0x63f: {  	v58 =	vshrl.u32 v34, $0x3;
	v34 =	vshll.u32 v59, v1;
	v62 =	vld [tilespmem:s0+$0x60];
	v32 =	vshll.u32 v57, v1;
	[tilespmem:s0+$0xFFFFFFC0] =	vst v22  }
0x640: {  	v25 =	vshrl.u32 v54, $0x3;
	v31 =	vshrl.u32 v55, $0x3;
	[tilespmem:s0+$0xFFFFFFE0] =	vst v29;
	v21 =	vmul.f32 v30, v21;
	v30 =	vld [tilespmem:s0+$0x40]  }
0x641: {  	v25 =	vshll.u32 v25, v1;
	v31 =	vshll.u32 v31, v1;
	[tilespmem:s0+$0xFFFFFFD0] =	vst v23;
	v23 =	vmul.f32 v27, v28;
	v27 =	vld [tilespmem:s0+$0x50]  }
0x642: {  	v22 =	vbroadcast v25, $0x0;
	v25 =	vshrl.u32 v37, $0x3;
	[tilespmem:s0+$0xFFFFFFF0] =	vst v21;
	v21 =	vmul.f32 v24, v28  }
0x643: {  	v29 =	vshll.u32 v58, v1;
	v38 =	vshll.u32 v25, v1;
	[tilespmem:s0+$0x0] =	vst v23;
	v23 =	vld [tilespmem:s0+$0x70];
	v24 =	vmul.f32 v26, v28  }
0x644: {  	v25 =	vadd.s32 $0x1, v31;
	v33 =	vadd.s32 $0x3, v29;
	v28 =	vmul.f32 v61, v28;
	[tilespmem:s0+$0x10] =	vst v21;
	v21 =	vld [tilespmem:s0+$0x80]  }
0x645: {  	v29 =	vadd.s32 $0x4, v34;
	v34 =	vmul.f32 v62, v20;
	[tilespmem:s0+$0x20] =	vst v24;
	v63 =	vmul.f32 v30, v20;
	v24 =	vld [tilespmem:s0+$0x90]  }
0x646: {  	v31 =	vadd.s32 $0x2, v32;
	v26 =	vbroadcast v25, $0x0;
	v25 =	vld [tilespmem:s0+$0xA0];
	[tilespmem:s0+$0x30] =	vst v28;
	v32 =	vmul.f32 v27, v20  }
0x647: {  	s10 =	simm.s32 $0x10;
	s13 =	simm.s32 $0xF;
	v30 =	vadd.s32 $0x5, v35;
	v28 =	vbroadcast v31, $0x0;
	v31 =	vadd.s32 $0x6, v38;
	v27 =	vld [tilespmem:s0+$0xB0];
	[tilespmem:s0+$0x40] =	vst v63  }
.LBB2_12:
0x648: {  	p3 =	slt.u32 s10, $0x188;
	v33 =	vbroadcast v33, $0x0;
	v35 =	vmov s13;
	[tilespmem:s0+$0x50] =	vst v32;
	v20 =	vmul.f32 v23, v20;
	v23 =	vld [tilespmem:s0+$0xC0]  }
0x649: {  	v29 =	vbroadcast v29, $0x0;
	v32 =	vshrl.u32 v35, $0x3;
	[tilespmem:s0+$0x60] =	vst v34;
	v21 =	vmul.f32 v21, v19;
	v34 =	vld [tilespmem:s0+$0xD0]  }
0x64a: {  	v30 =	vbroadcast v30, $0x0;
	v32 =	vshll.u32 v32, v1;
	[tilespmem:s0+$0x70] =	vst v20;
	v20 =	vmul.f32 v24, v19;
	v24 =	vld [tilespmem:s0+$0xE0]  }
0x64b: {  	v31 =	vbroadcast v31, $0x0;
	v22 =	vld.idx.msk [tilespmem:v22+s26+$0x0], $0xffff;
	v32 =	vadd.s32 $0x7, v32;
	[tilespmem:s0+$0x80] =	vst v21;
	v21 =	vmul.f32 v25, v19  }
0x64c: {  	v25 =	vld.idx.msk [tilespmem:v26+s26+$0x0], $0xffff;
	v26 =	vbroadcast v32, $0x0;
	[tilespmem:s0+$0x90] =	vst v20;
	v19 =	vmul.f32 v27, v19  }
0x64d: {  	v27 =	vld.idx.msk [tilespmem:v28+s26+$0x0], $0xffff;
	[tilespmem:s0+$0xA0] =	vst v21;
	v20 =	vmul.f32 v23, v18  }
0x64e: {  	v23 =	vld.idx.msk [tilespmem:v33+s26+$0x0], $0xffff;
	[tilespmem:s0+$0xB0] =	vst v19;
	v19 =	vmul.f32 v34, v18  }
0x64f: {  	v21 =	vld.idx.msk [tilespmem:v29+s26+$0x0], $0xffff;
	[tilespmem:s0+$0xC0] =	vst v20;
	v18 =	vmul.f32 v24, v18  }
0x650: {  	v20 =	vld.idx.msk [tilespmem:v30+s26+$0x0], $0xffff;
	[tilespmem:s0+$0xD0] =	vst v19  }
0x651: {  	v19 =	vld.idx.msk [tilespmem:v31+s26+$0x0], $0xffff;
	[tilespmem:s0+$0xE0] =	vst v18  }
0x652: {  	s0 =	sadd.s32 $0x200, s0;
	v18 =	vld.idx.msk [tilespmem:v26+s26+$0x0], $0xffff  }
0x653: {  	v24 =	vld [tilespmem:s0+$0xF0]  }
0x654: {  	v26 =	vld [tilespmem:s0+$0xFFFFFF00]  }
0x655: {  	v28 =	vld [tilespmem:s0+$0xFFFFFF10]  }
0x656: {  	v29 =	vld [tilespmem:s0+$0xFFFFFF20]  }
0x657: {  	v30 =	vld [tilespmem:s0+$0xFFFFFF30]  }
0x658: {  	v31 =	vld [tilespmem:s0+$0xFFFFFF40];
	v24 =	vmul.f32 v24, v18  }
0x659: {  	v26 =	vmul.f32 v26, v22;
	v32 =	vld [tilespmem:s0+$0xFFFFFF50]  }
0x65a: {  	v28 =	vmul.f32 v28, v22;
	v33 =	vld [tilespmem:s0+$0xFFFFFF60];
	[tilespmem:s0+$0xF0] =	vst v24  }
0x65b: {  	[tilespmem:s0+$0xFFFFFF00] =	vst v26;
	v24 =	vmul.f32 v29, v22;
	v26 =	vld [tilespmem:s0+$0xFFFFFF70]  }
0x65c: {  	[tilespmem:s0+$0xFFFFFF10] =	vst v28;
	v22 =	vmul.f32 v30, v22;
	v28 =	vld [tilespmem:s0+$0xFFFFFF80]  }
0x65d: {  	[tilespmem:s0+$0xFFFFFF20] =	vst v24;
	v24 =	vmul.f32 v31, v25;
	v29 =	vld [tilespmem:s0+$0xFFFFFF90]  }
0x65e: {  	[tilespmem:s0+$0xFFFFFF30] =	vst v22;
	v22 =	vmul.f32 v32, v25;
	v30 =	vld [tilespmem:s0+$0xFFFFFFA0]  }
0x65f: {  	[tilespmem:s0+$0xFFFFFF40] =	vst v24;
	v24 =	vmul.f32 v33, v25;
	v31 =	vld [tilespmem:s0+$0xFFFFFFB0]  }
0x660: {  	v32 =	vmov s10;
	[tilespmem:s0+$0xFFFFFF50] =	vst v22;
	v22 =	vmul.f32 v26, v25;
	v25 =	vld [tilespmem:s0+$0xFFFFFFC0]  }
0x661: {  	s13 =	sadd.s32 $0x1, s10;
	s24 =	sadd.s32 $0x2, s10;
	v26 =	vshrl.u32 v32, $0x3;
	[tilespmem:s0+$0xFFFFFF60] =	vst v24;
	v24 =	vmul.f32 v28, v27;
	v28 =	vld [tilespmem:s0+$0xFFFFFFD0]  }
0x662: {  	v33 =	vmov s24;
	s24 =	sadd.s32 $0x4, s10;
	v32 =	vmov s13;
	s13 =	sadd.s32 $0x3, s10;
	[tilespmem:s0+$0xFFFFFF70] =	vst v22;
	v22 =	vmul.f32 v29, v27;
	v29 =	vld [tilespmem:s0+$0xFFFFFFE0]  }
0x663: {  	v35 =	vmov s24;
	s24 =	sadd.s32 $0x6, s10;
	v34 =	vmov s13;
	s13 =	sadd.s32 $0x5, s10;
	[tilespmem:s0+$0xFFFFFF80] =	vst v24;
	v24 =	vmul.f32 v30, v27;
	v30 =	vld [tilespmem:s0+$0xFFFFFFF0]  }
0x664: {  	v37 =	vmov s24;
	v36 =	vmov s13;
	[tilespmem:s0+$0xFFFFFF90] =	vst v22;
	v22 =	vmul.f32 v31, v27;
	v27 =	vld [tilespmem:s0+$0x0]  }
0x665: {  	v26 =	vshll.u32 v26, v1;
	v31 =	vshrl.u32 v32, $0x3;
	[tilespmem:s0+$0xFFFFFFA0] =	vst v24;
	v24 =	vmul.f32 v25, v23;
	v25 =	vld [tilespmem:s0+$0x10]  }
0x666: {  	v32 =	vshrl.u32 v33, $0x3;
	v33 =	vshrl.u32 v34, $0x3;
	[tilespmem:s0+$0xFFFFFFB0] =	vst v22;
	v28 =	vmul.f32 v28, v23;
	v34 =	vld [tilespmem:s0+$0x20]  }
0x667: {  	v35 =	vshrl.u32 v35, $0x3;
	v36 =	vshrl.u32 v36, $0x3;
	[tilespmem:s0+$0xFFFFFFC0] =	vst v24;
	v24 =	vmul.f32 v29, v23;
	v29 =	vld [tilespmem:s0+$0x30]  }
0x668: {  	v22 =	vbroadcast v26, $0x0;
	v26 =	vshrl.u32 v37, $0x3;
	[tilespmem:s0+$0xFFFFFFD0] =	vst v28;
	v23 =	vmul.f32 v30, v23;
	v28 =	vld [tilespmem:s0+$0x40]  }
0x669: {  	v30 =	vshll.u32 v31, v1;
	v31 =	vshll.u32 v32, v1;
	[tilespmem:s0+$0xFFFFFFE0] =	vst v24;
	v24 =	vmul.f32 v27, v21;
	v27 =	vld [tilespmem:s0+$0x50]  }
0x66a: {  	v35 =	vshll.u32 v35, v1;
	v32 =	vshll.u32 v33, v1;
	[tilespmem:s0+$0xFFFFFFF0] =	vst v23;
	v25 =	vmul.f32 v25, v21;
	v37 =	vld [tilespmem:s0+$0x60]  }
.Ltmp13:
0x66b: {  	v36 =	vshll.u32 v36, v1;
	v38 =	vshll.u32 v26, v1;
	[tilespmem:s0+$0x0] =	vst v24;
	v24 =	vmul.f32 v34, v21;
	v23 =	vld [tilespmem:s0+$0x70];
	(pc) =	sbr.rel @p3 .LBB2_12-.Ltmp13, $4  }
0x66c: {  	v26 =	vadd.s32 $0x1, v30;
	v31 =	vadd.s32 $0x2, v31;
	[tilespmem:s0+$0x10] =	vst v25;
	v25 =	vmul.f32 v29, v21;
	v21 =	vld [tilespmem:s0+$0x80]  }
0x66d: {  	v33 =	vadd.s32 $0x3, v32;
	v29 =	vadd.s32 $0x4, v35;
	[tilespmem:s0+$0x20] =	vst v24;
	v34 =	vmul.f32 v28, v20;
	v24 =	vld [tilespmem:s0+$0x90]  }
0x66e: {  	v30 =	vadd.s32 $0x5, v36;
	v26 =	vbroadcast v26, $0x0;
	[tilespmem:s0+$0x30] =	vst v25;
	v32 =	vmul.f32 v27, v20;
	v25 =	vld [tilespmem:s0+$0xA0]  }
0x66f: {  	s13 =	sadd.s32 $0x7, s10;
	s10 =	sadd.s32 $0x8, s10;
	v28 =	vbroadcast v31, $0x0;
	v31 =	vadd.s32 $0x6, v38;
	[tilespmem:s0+$0x40] =	vst v34;
	v34 =	vmul.f32 v37, v20;
	v27 =	vld [tilespmem:s0+$0xB0]  }
0x670: {  	_ = 	snop  }
0x671: {  	v36 =	vld [tilespmem:s0+$0xC0]  }
0x672: {  	v37 =	vld [tilespmem:s0+$0xD0]  }
0x673: {  	v38 =	vld [tilespmem:s0+$0xE0]  }
0x674: {  	v22 =	vld.idx.msk [tilespmem:v22+s26+$0x0], $0xffff  }
0x675: {  	v26 =	vld.idx.msk [tilespmem:v26+s26+$0x0], $0xffff  }
0x676: {  	s10 =	sadd.s32 $0x200, s0;
	v28 =	vld.idx.msk [tilespmem:v28+s26+$0x0], $0xffff  }
0x677: {  	v62 =	vld [tilespmem:s10+$0xF0]  }
0x678: {  	v35 =	vmov s13;
	v63 =	vld [tilespmem:s10+$0xFFFFFF00]  }
0x679: {  	[tilespmem:s0+$0x50] =	vst v32;
	v20 =	vmul.f32 v23, v20;
	v35 =	vshrl.u32 v35, $0x3;
	v39 =	vld [tilespmem:s10+$0xFFFFFF60]  }
0x67a: {  	[tilespmem:s0+$0x60] =	vst v34;
	v21 =	vmul.f32 v21, v19;
	v40 =	vld [tilespmem:s10+$0xFFFFFF70];
	v35 =	vshll.u32 v35, v1  }
0x67b: {  	v41 =	vld [tilespmem:s10+$0xFFFFFF80];
	[tilespmem:s0+$0x70] =	vst v20;
	v60 =	vmul.f32 v24, v19;
	v35 =	vadd.s32 $0x7, v35;
	v61 =	vmul.f32 v25, v19  }
0x67c: {  	v42 =	vld [tilespmem:s10+$0xFFFFFFA0];
	[tilespmem:s0+$0x80] =	vst v21;
	v35 =	vbroadcast v35, $0x0;
	v19 =	vmul.f32 v27, v19  }
0x67d: {  	v43 =	vld [tilespmem:s10+$0xFFFFFFB0];
	[tilespmem:s0+$0x90] =	vst v60  }
0x67e: {  	v34 =	vmul.f32 v36, v18;
	v36 =	vld [tilespmem:s10+$0xFFFFFF20];
	[tilespmem:s0+$0xB0] =	vst v19;
	v19 =	vmul.f32 v37, v18  }
0x67f: {  	[tilespmem:s0+$0xA0] =	vst v61;
	v18 =	vmul.f32 v38, v18;
	v37 =	vld [tilespmem:s10+$0xFFFFFF30]  }
0x680: {  	v38 =	vld [tilespmem:s10+$0xFFFFFF50];
	[tilespmem:s0+$0xD0] =	vst v19  }
0x681: {  	v19 =	vld [tilespmem:s10+$0xFFFFFF40];
	[tilespmem:s0+$0xE0] =	vst v18;
	v18 =	vmul.f32 v63, v22  }
0x682: {  	v44 =	vmul.f32 v40, v26;
	[tilespmem:s0+$0xC0] =	vst v34;
	v24 =	vld.idx.msk [tilespmem:v35+s26+$0x0], $0xffff  }
0x683: {  	v33 =	vbroadcast v33, $0x0;
	v45 =	vld [tilespmem:s10+$0xFFFFFFC0];
	[tilespmem:s10+$0xFFFFFF00] =	vst v18;
	v18 =	vmul.f32 v36, v22  }
0x684: {  	[tilespmem:s10+$0xFFFFFF70] =	vst v44;
	v35 =	vld [tilespmem:s10+$0xFFFFFF10];
	v21 =	vmul.f32 v37, v22  }
0x685: {  	v46 =	vld [tilespmem:s10+$0xFFFFFFD0];
	v20 =	vmul.f32 v38, v26;
	[tilespmem:s10+$0xFFFFFF20] =	vst v18  }
0x686: {  	v18 =	vmul.f32 v19, v26;
	v19 =	vld [tilespmem:s10+$0xFFFFFF90];
	[tilespmem:s10+$0xFFFFFF30] =	vst v21  }
0x687: {  	v29 =	vbroadcast v29, $0x0;
	v47 =	vld [tilespmem:s10+$0xFFFFFFE0];
	[tilespmem:s10+$0xFFFFFF50] =	vst v20;
	v25 =	vmul.f32 v62, v24  }
0x688: {  	v48 =	vld [tilespmem:s10+$0xFFFFFFF0];
	[tilespmem:s10+$0xFFFFFF40] =	vst v18;
	v18 =	vmul.f32 v39, v26  }
0x689: {  	v33 =	vld.idx.msk [tilespmem:v33+s26+$0x0], $0xffff;
	v27 =	vmul.f32 v35, v22;
	[tilespmem:s10+$0xF0] =	vst v25  }
0x68a: {  	v49 =	vld [tilespmem:s10+$0x0];
	[tilespmem:s10+$0xFFFFFF60] =	vst v18;
	v18 =	vmul.f32 v41, v28  }
0x68b: {  	v30 =	vbroadcast v30, $0x0;
	v50 =	vld [tilespmem:s10+$0x10];
	[tilespmem:s10+$0xFFFFFF10] =	vst v27;
	v19 =	vmul.f32 v19, v28  }
0x68c: {  	v51 =	vld [tilespmem:s10+$0x20];
	[tilespmem:s10+$0xFFFFFF80] =	vst v18;
	v18 =	vmul.f32 v42, v28  }
0x68d: {  	v29 =	vld.idx.msk [tilespmem:v29+s26+$0x0], $0xffff;
	[tilespmem:s10+$0xFFFFFF90] =	vst v19;
	v19 =	vmul.f32 v43, v28  }
0x68e: {  	v52 =	vld [tilespmem:s10+$0x30];
	[tilespmem:s10+$0xFFFFFFA0] =	vst v18;
	v18 =	vmul.f32 v45, v33  }
0x68f: {  	v31 =	vbroadcast v31, $0x0;
	v53 =	vld [tilespmem:s10+$0x40];
	[tilespmem:s10+$0xFFFFFFB0] =	vst v19;
	v19 =	vmul.f32 v46, v33  }
0x690: {  	v54 =	vld [tilespmem:s10+$0x50];
	[tilespmem:s10+$0xFFFFFFC0] =	vst v18;
	v18 =	vmul.f32 v47, v33  }
0x691: {  	v23 =	vld.idx.msk [tilespmem:v30+s26+$0x0], $0xffff;
	[tilespmem:s10+$0xFFFFFFD0] =	vst v19;
	v19 =	vmul.f32 v48, v33  }
0x692: {  	v55 =	vld [tilespmem:s10+$0x60];
	[tilespmem:s10+$0xFFFFFFE0] =	vst v18;
	v18 =	vmul.f32 v49, v29  }
0x693: {  	v56 =	vld [tilespmem:s10+$0x70];
	[tilespmem:s10+$0xFFFFFFF0] =	vst v19;
	v19 =	vmul.f32 v50, v29  }
0x694: {  	v57 =	vld [tilespmem:s10+$0x80];
	[tilespmem:s10+$0x0] =	vst v18;
	v18 =	vmul.f32 v51, v29  }
0x695: {  	v30 =	vld.idx.msk [tilespmem:v31+s26+$0x0], $0xffff;
	[tilespmem:s10+$0x10] =	vst v19;
	v19 =	vmul.f32 v52, v29  }
0x696: {  	v58 =	vld [tilespmem:s10+$0x90];
	[tilespmem:s10+$0x20] =	vst v18;
	v18 =	vmul.f32 v53, v23  }
0x697: {  	v59 =	vld [tilespmem:s10+$0xA0];
	[tilespmem:s10+$0x30] =	vst v19;
	v19 =	vmul.f32 v54, v23  }
0x698: {  	v60 =	vld [tilespmem:s10+$0xB0];
	[tilespmem:s10+$0x40] =	vst v18;
	v18 =	vmul.f32 v55, v23  }
0x699: {  	v61 =	vld [tilespmem:s10+$0xC0];
	[tilespmem:s10+$0x50] =	vst v19;
	v19 =	vmul.f32 v56, v23  }
0x69a: {  	v62 =	vld [tilespmem:s10+$0xD0];
	[tilespmem:s10+$0x60] =	vst v18;
	v18 =	vmul.f32 v57, v30  }
0x69b: {  	v63 =	vld [tilespmem:s10+$0xE0];
	[tilespmem:s10+$0x70] =	vst v19;
	v19 =	vmul.f32 v58, v30  }
0x69c: {  	[tilespmem:s10+$0x80] =	vst v18;
	v18 =	vmul.f32 v59, v30  }
0x69d: {  	[tilespmem:s10+$0x90] =	vst v19;
	v19 =	vmul.f32 v60, v30  }
0x69e: {  	[tilespmem:s10+$0xA0] =	vst v18;
	v18 =	vmul.f32 v61, v24  }
.Ltmp14:
0x69f: {  	[tilespmem:s10+$0xB0] =	vst v19;
	v19 =	vmul.f32 v62, v24;
	(pc) =	sbr.rel @p2 .LBB2_26-.Ltmp14, $4  }
0x6a0: {  	[tilespmem:s10+$0xC0] =	vst v18;
	v18 =	vmul.f32 v63, v24  }
0x6a1: {  	[tilespmem:s10+$0xD0] =	vst v19  }
0x6a2: {  	[tilespmem:s10+$0xE0] =	vst v18  }
0x6a3: {  	[spmem:s1] =	stream.indirect.scatter.add.f32 [tilespmem:s17], [sflag:$0x4], $0x40, s9, s21, $0xb8;
	[tilespmem:$0x1F7C0] =	vst v63  }
0x6a4: {  	_ =	swait.ge [sflag:s16], $0x6400  }
0x6a5: {  	s0 =	smul.u32 $0x320, s15;
	[sflag:s16] =	ssyncset.done $0x0  }
0x6a6: {  	[sflag:s16] =	ssyncadd.s32 $0xFFFF9C00  }
0x6a7: {  	s0 =	sadd.s32 s0, s23;
	_ =	swait.ge [sflag:s14], $0x190  }
0x6a8: {  	s0 =	sshrl.u32 s0, $0x3;
	[sflag:s14] =	ssyncset.done $0x0  }
0x6a9: {  	s10 =	sadd.s32 s5, s0;
	[sflag:s14] =	ssyncadd.s32 $0xFFFFFE70  }
0x6aa: {  	[tilespmem:s8], [sflag:$0x6] =	stream.linear.gather [hbm4b:s10+s3], $0x190, $0x38;
	[tilespmem:$0x1F7C0] =	vst v63  }
0x6ab: {  	s10 =	sadd.s32 $0x9C40, s10  }
0x6ac: {  	[tilespmem:s9], [sflag:$0x6] =	stream.linear.gather [hbm4b:s10+s3], $0x190, $0x38;
	[tilespmem:$0x1F7C0] =	vst v63  }
0x6ad: {  	s6 =	simm.s32 $0x4E200;
	s29 =	simm.s32 $0x6D60;
	s0 =	sadd.s32 s7, s0  }
0x6ae: {  	[tilespmem:s29], [sflag:$0x8] =	stream.strided.gather [hbm4b:s0+s21], $0x1900, s6, s21, $0x38;
	[tilespmem:$0x1F7C0] =	vst v63  }
0x6af: {  	_ =	swait.ge [sflag:s12], $0x190  }
0x6b0: {  	[sflag:s12] =	ssyncset.done $0x0  }
.Ltmp15:
0x6b1: {  	[sflag:s12] =	ssyncadd.s32 $0xFFFFFE70;
	(pc) =	sbr.rel .LBB2_5-.Ltmp15, $4  }
0x6b2: {  	_ =	swait.ge [sflag:s12], $0x190  }
0x6b3: {  	[sflag:s12] =	ssyncset.done $0x0  }
0x6b4: {  	s15 =	sadd.s32 $0x1, s15;
	[sflag:s12] =	ssyncadd.s32 $0xFFFFFE70  }
0x6b5: {  	[tilespmem:s17], [sflag:$0x2] =	stream.indirect.gather [hbm4b:s4+s21], $0x40, s8, s21, $0xb8;
	[tilespmem:$0x1F7C0] =	vst v63  }
.LBB2_26:
0x6b6: {  	s0 =	simm.s32 $0x3  }
0x6b7: {  	_ =	swait.ge [sflag:s0], $0x6400  }
0x6b8: {  	[sflag:s0] =	ssyncset.done $0x0  }
0x6b9: {  	s10 =	simm.s32 $0x9;
	[sflag:s0] =	ssyncadd.s32 $0xFFFF9C00  }
0x6ba: {  	_ =	swait.ge [sflag:s10], $0x190  }
0x6bb: {  	[sflag:s10] =	ssyncset.done $0x0  }
0x6bc: {  	[sflag:s10] =	ssyncadd.s32 $0xFFFFFE70  }
0x6bd: {  	_ =	swait.ge [sflag:s16], $0x6400  }
0x6be: {  	[sflag:s16] =	ssyncset.done $0x0  }
0x6bf: {  	[sflag:s16] =	ssyncadd.s32 $0xFFFF9C00  }
0x6c0: {  	_ =	swait.ge [sflag:s14], $0x190  }
0x6c1: {  	[sflag:s14] =	ssyncset.done $0x0  }
0x6c2: {  	[sflag:s14] =	ssyncadd.s32 $0xFFFFFE70  }
0x6c3: {  	[bflag:$0x0] =	sbarrier.arrive $0xFFFF  }
0x6c4: {  	v5 =	vld [tilespmem:$0x15500]  }
0x6c5: {  	v4 =	vld [tilespmem:$0x15510]  }
0x6c6: {  	s6 =	simm.s32 $0x8980;
	s15 =	simm.s32 $0x2;
	v3 =	vld [tilespmem:$0x15520];
	s13 =	rddreg [dreg:$0xa]  }
0x6c7: {  	v2 =	vld [tilespmem:$0x15530];
	[tilespmem:s6], [sflag:$0xB] =	stream.linear.gather [spmem:s13], $0x6400, $0x38  }
0x6c8: {  	v6 =	vmov s15;
	s10 =	simm.s32 $0x0;
	s13 =	simm.s32 $0xB  }
0x6c9: {  	v6 =	vand.u32 $0xFFFFFFFE, v6;
	v7 =	vmov s10;
	_ =	swait.ge [sflag:s13], $0x6400  }
0x6ca: {  	v6 =	vbroadcast v6, $0x0;
	v7 =	vand.u32 $0xFFFFFFFC, v7;
	[sflag:s13] =	ssyncset.done $0x0  }
0x6cb: {  	s29 =	simm.s32 $0x1;
	v7 =	vbroadcast v7, $0x0;
	s24 =	rddreg [dreg:$0xc];
	[sflag:s13] =	ssyncadd.s32 $0xFFFF9C00  }
0x6cc: {  	v8 =	vmov s29;
	[tilespmem:s19], [sflag:$0xB] =	stream.linear.gather [spmem:s24], $0x190, $0x38;
	[tilespmem:$0x1F7C0] =	vst v63  }
0x6cd: {  	v8 =	vand.u32 $0xFFFFFFFD, v8;
	_ =	swait.ge [sflag:s13], $0x190  }
0x6ce: {  	v8 =	vbroadcast v8, $0x0;
	[sflag:s13] =	ssyncset.done $0x0  }
0x6cf: {  	[sflag:s13] =	ssyncadd.s32 $0xFFFFFE70  }
0x6d0: {  	v6 =	vld.idx.msk [tilespmem:v6+s19+$0x0], $0xffff  }
0x6d1: {  	s10 =	simm.s32 $0x4;
	v7 =	vld.idx.msk [tilespmem:v7+s19+$0x0], $0xffff  }
0x6d2: {  	v9 =	vmov s10;
	s13 =	simm.s32 $0x5  }
0x6d3: {  	s15 =	simm.s32 $0x3;
	v9 =	vand.u32 $0xFFFFFFFC, v9;
	v10 =	vmov s13  }
0x6d4: {  	v11 =	vmov s15;
	v9 =	vbroadcast v9, $0x0;
	v8 =	vld.idx.msk [tilespmem:v8+s19+$0x0], $0xffff;
	v10 =	vand.u32 $0xFFFFFFFD, v10  }
0x6d5: {  	v10 =	vbroadcast v10, $0x0;
	vm0 =	veq.f32 v6, $0.0e+00  }
0x6d6: {  	vm1 =	veq.f32 v7, $0.0e+00;
	v6 =	vsel vm0, $0x3F800000, v6  }
0x6d7: {  	s0 =	simm.s32 $0x8A00;
	v7 =	vsel vm1, $0x3F800000, v7;
	(erf) = vrcp.f32 v6  }
0x6d8: {  	v13 =	vld [tilespmem:s0+$0xFFFFFFA0];
	(erf) = vrcp.f32 v7  }
0x6d9: {  	s24 =	simm.s32 $0x6;
	vm11 =	veq.f32 v8, $0.0e+00;
	v6 =	vld.idx.msk [tilespmem:v11+s19+$0x0], $0xffff  }
0x6da: {  	v8 =	vsel vm11, $0x3F800000, v8;
	v7 =	vld.idx.msk [tilespmem:v9+s19+$0x0], $0xffff;
	v9 =	vmov s24  }
0x6db: {  	v12 =	vld.idx.msk [tilespmem:v10+s19+$0x0], $0xffff;
	(erf) = vrcp.f32 v8;
	v8 =	vand.u32 $0xFFFFFFFE, v9  }
0x6dc: {  	v9 =	vld [tilespmem:s0+$0x30];
	v8 =	vbroadcast v8, $0x0  }
0x6dd: {  	v10 =	vld [tilespmem:s0+$0xFFFFFF80]  }
0x6de: {  	s10 =	simm.s32 $0x8;
	v11 =	vld [tilespmem:s0+$0xFFFFFF90]  }
0x6df: {  	s29 =	simm.s32 $0x7;
	v14 =	vmov s10;
	v15 =	vld [tilespmem:s0+$0xFFFFFFB0]  }
0x6e0: {  	v17 =	vmov s29;
	v14 =	vand.u32 $0xFFFFFFFC, v14;
	v18 =	vld [tilespmem:s0+$0xFFFFFFC0];
	vm12 =	veq.f32 v6, $0.0e+00;
	v16 =	vpop (erf)  }
0x6e1: {  	s15 =	simm.s32 $0x9;
	v23 =	vbroadcast v14, $0x0;
	v21 =	vld [tilespmem:s0+$0xFFFFFFD0];
	v6 =	vsel vm12, $0x3F800000, v6;
	v9 =	vmul.f32 v9, v16;
	v19 =	vpop (erf)  }
0x6e2: {  	v20 =	vmov s15;
	v22 =	vld.idx.msk [tilespmem:v8+s19+$0x0], $0xffff;
	(erf) = vrcp.f32 v6;
	v10 =	vmul.f32 v19, v10  }
0x6e3: {  	v8 =	vmul.f32 v19, v11;
	v11 =	vmul.f32 v13, v19;
	v13 =	vld [tilespmem:s0+$0xFFFFFFE0];
	v9 =	vadd.f32 v9, v2  }
0x6e4: {  	vm13 =	veq.f32 v7, $0.0e+00;
	v6 =	vpop (erf);
	v14 =	vmul.f32 v15, v19;
	v15 =	vld [tilespmem:s0+$0xFFFFFFF0];
	v10 =	vadd.f32 v10, v5  }
0x6e5: {  	vm15 =	veq.f32 v12, $0.0e+00;
	v19 =	vld [tilespmem:s0+$0x0];
	v18 =	vmul.f32 v6, v18;
	v8 =	vadd.f32 v8, v4;
	[tilespmem:s0+$0x30] =	vst v9  }
0x6e6: {  	v62 =	vld [tilespmem:s0+$0x10];
	v7 =	vsel vm13, $0x3F800000, v7;
	v11 =	vadd.f32 v11, v3;
	v9 =	vand.u32 $0xFFFFFFFD, v20;
	[tilespmem:s0+$0xFFFFFF80] =	vst v10  }
0x6e7: {  	v63 =	vld [tilespmem:s0+$0x20];
	v18 =	vadd.f32 v18, v5;
	v10 =	vadd.f32 v14, v2;
	v14 =	vmul.f32 v6, v21;
	[tilespmem:s0+$0xFFFFFF90] =	vst v8  }
0x6e8: {  	v24 =	vld [tilespmem:s0+$0x40];
	vm14 =	veq.f32 v22, $0.0e+00;
	v8 =	vbroadcast v9, $0x0;
	[tilespmem:s0+$0xFFFFFFA0] =	vst v11;
	v13 =	vmul.f32 v13, v6  }
0x6e9: {  	v9 =	vld [tilespmem:s0+$0x50];
	v6 =	vmul.f32 v15, v6;
	v11 =	vadd.f32 v14, v4;
	[tilespmem:s0+$0xFFFFFFB0] =	vst v10;
	v10 =	vsel vm14, $0x3F800000, v22  }
0x6ea: {  	[tilespmem:s0+$0xFFFFFFC0] =	vst v18;
	v14 =	vmul.f32 v16, v19;
	(erf) = vrcp.f32 v10;
	v13 =	vadd.f32 v13, v3;
	v10 =	vld [tilespmem:s0+$0x60]  }
0x6eb: {  	v18 =	vmul.f32 v16, v62;
	v15 =	vadd.f32 v6, v2;
	[tilespmem:s0+$0xFFFFFFD0] =	vst v11;
	(erf) = vrcp.f32 v7;
	v11 =	vld [tilespmem:s0+$0x70]  }
0x6ec: {  	v19 =	vsel vm15, $0x3F800000, v12;
	v6 =	vld.idx.msk [tilespmem:v23+s19+$0x0], $0xffff;
	v12 =	vpop (erf);
	[tilespmem:s0+$0xFFFFFFE0] =	vst v13;
	v13 =	vadd.f32 v14, v5;
	v14 =	vmul.f32 v63, v16  }
0x6ed: {  	s15 =	simm.s32 $0x8A00;
	s13 =	simm.s32 $0xC;
	s24 =	simm.s32 $0xA;
	v7 =	vld.idx.msk [tilespmem:v17+s19+$0x0], $0xffff;
	(erf) = vrcp.f32 v19;
	[tilespmem:s0+$0xFFFFFFF0] =	vst v15;
	v15 =	vadd.f32 v18, v4;
	v16 =	vmul.f32 v12, v24  }
.LBB2_27:
0x6ee: {  	p2 =	slt.u32 s13, $0x18C;
	v17 =	vld.idx.msk [tilespmem:v8+s19+$0x0], $0xffff;
	v8 =	vmov s24;
	[tilespmem:s0+$0x0] =	vst v13;
	v13 =	vadd.f32 v14, v3;
	v9 =	vmul.f32 v12, v9;
	s15 =	sadd.s32 $0x100, s15  }
0x6ef: {  	v8 =	vand.u32 $0xFFFFFFFE, v8;
	v14 =	vld [tilespmem:s15+$0x30];
	[tilespmem:s0+$0x10] =	vst v15;
	v15 =	vadd.f32 v16, v5;
	v10 =	vmul.f32 v10, v12  }
0x6f0: {  	v8 =	vbroadcast v8, $0x0;
	v16 =	vld [tilespmem:s15+$0xFFFFFF80];
	[tilespmem:s0+$0x20] =	vst v13;
	v9 =	vadd.f32 v9, v4;
	v11 =	vmul.f32 v11, v12  }
0x6f1: {  	v12 =	vld [tilespmem:s15+$0xFFFFFF90];
	[tilespmem:s0+$0x40] =	vst v15;
	v10 =	vadd.f32 v10, v3  }
0x6f2: {  	v13 =	vld [tilespmem:s15+$0xFFFFFFA0];
	[tilespmem:s0+$0x50] =	vst v9;
	v9 =	vadd.f32 v11, v2  }
0x6f3: {  	s24 =	sadd.s32 $0x3, s10;
	s10 =	smov.u32 s13;
	v11 =	vmov s13;
	v15 =	vld [tilespmem:s15+$0xFFFFFFB0];
	v18 =	vpop (erf);
	[tilespmem:s0+$0x60] =	vst v10  }
0x6f4: {  	s29 =	sadd.s32 $0x1, s13;
	v19 =	vmov s24;
	v10 =	vand.u32 $0xFFFFFFFC, v11;
	v11 =	vld [tilespmem:s15+$0xFFFFFFC0];
	v23 =	vmul.f32 v14, v18;
	v20 =	vpop (erf);
	[tilespmem:s0+$0x70] =	vst v9;
	s0 =	smov.u32 s15  }
0x6f5: {  	vm0 =	veq.f32 v7, $0.0e+00;
	v9 =	vmov s29;
	v16 =	vmul.f32 v20, v16;
	v21 =	vld [tilespmem:s15+$0xFFFFFFD0]  }
0x6f6: {  	v7 =	vsel vm0, $0x3F800000, v7;
	v22 =	vld.idx.msk [tilespmem:v8+s19+$0x0], $0xffff;
	v8 =	vmul.f32 v20, v12;
	v12 =	vadd.f32 v23, v2;
	v14 =	vpop (erf)  }
0x6f7: {  	v16 =	vadd.f32 v16, v5;
	v13 =	vmul.f32 v13, v20;
	v23 =	vld [tilespmem:s15+$0xFFFFFFE0];
	(erf) = vrcp.f32 v7  }
0x6f8: {  	v24 =	vbroadcast v10, $0x0;
	v7 =	vadd.f32 v8, v4;
	v8 =	vmul.f32 v15, v20;
	v10 =	vld [tilespmem:s15+$0xFFFFFFF0];
	[tilespmem:s15+$0x30] =	vst v12  }
0x6f9: {  	v9 =	vand.u32 $0xFFFFFFFD, v9;
	[tilespmem:s15+$0xFFFFFF80] =	vst v16;
	v12 =	vadd.f32 v13, v3;
	v11 =	vmul.f32 v14, v11;
	v13 =	vld [tilespmem:s15+$0x0]  }
0x6fa: {  	vm0 =	veq.f32 v6, $0.0e+00;
	[tilespmem:s15+$0xFFFFFF90] =	vst v7;
	v7 =	vadd.f32 v8, v2;
	v15 =	vmul.f32 v14, v21;
	v16 =	vld [tilespmem:s15+$0x10]  }
0x6fb: {  	v6 =	vsel vm0, $0x3F800000, v6;
	v8 =	vbroadcast v9, $0x0;
	[tilespmem:s15+$0xFFFFFFA0] =	vst v12;
	v9 =	vadd.f32 v11, v5;
	v12 =	vld [tilespmem:s15+$0x20]  }
0x6fc: {  	vm0 =	veq.f32 v22, $0.0e+00;
	[tilespmem:s15+$0xFFFFFFB0] =	vst v7;
	v7 =	vadd.f32 v15, v4;
	v11 =	vmul.f32 v23, v14;
	v20 =	vld [tilespmem:s15+$0x40]  }
.Ltmp16:
0x6fd: {  	vm1 =	veq.f32 v17, $0.0e+00;
	v15 =	vsel vm0, $0x3F800000, v22;
	[tilespmem:s15+$0xFFFFFFC0] =	vst v9;
	v14 =	vmul.f32 v10, v14;
	v9 =	vld [tilespmem:s15+$0x50];
	(pc) =	sbr.rel @p2 .LBB2_27-.Ltmp16, $4  }
0x6fe: {  	(erf) = vrcp.f32 v15;
	[tilespmem:s15+$0xFFFFFFD0] =	vst v7;
	v15 =	vadd.f32 v11, v3;
	v13 =	vmul.f32 v18, v13;
	v10 =	vld [tilespmem:s15+$0x60]  }
0x6ff: {  	(erf) = vrcp.f32 v6;
	v21 =	vadd.f32 v14, v2;
	v16 =	vmul.f32 v18, v16;
	v11 =	vld [tilespmem:s15+$0x70]  }
0x700: {  	v17 =	vsel vm1, $0x3F800000, v17;
	v7 =	vld.idx.msk [tilespmem:v19+s19+$0x0], $0xffff;
	[tilespmem:s15+$0xFFFFFFE0] =	vst v15;
	v13 =	vadd.f32 v13, v5;
	v14 =	vmul.f32 v12, v18;
	v12 =	vpop (erf)  }
0x701: {  	s24 =	sadd.s32 $0x2, s10;
	s13 =	sadd.s32 $0x4, s13;
	v6 =	vld.idx.msk [tilespmem:v24+s19+$0x0], $0xffff;
	(erf) = vrcp.f32 v17;
	[tilespmem:s15+$0xFFFFFFF0] =	vst v21;
	v15 =	vadd.f32 v16, v4;
	v16 =	vmul.f32 v12, v20  }
0x702: {  	_ =	sdelay $0x2  }
0x703: {  	v17 =	vmov s24  }
0x704: {  	v8 =	vld.idx.msk [tilespmem:v8+s19+$0x0], $0xffff;
	s13 =	sadd.s32 $0x100, s15;
	v17 =	vand.u32 $0xFFFFFFFE, v17  }
0x705: {  	v18 =	vld [tilespmem:s13+$0x30];
	v17 =	vbroadcast v17, $0x0  }
0x706: {  	v19 =	vld [tilespmem:s13+$0xFFFFFF80]  }
0x707: {  	v20 =	vld [tilespmem:s13+$0xFFFFFF90]  }
0x708: {  	v56 =	vld [tilespmem:s13+$0x0]  }
0x709: {  	v9 =	vmul.f32 v12, v9;
	[tilespmem:s0+$0x0] =	vst v13;
	v41 =	vadd.f32 v14, v3;
	v10 =	vmul.f32 v10, v12;
	v61 =	vld [tilespmem:s13+$0x20]  }
0x70a: {  	s10 =	sadd.s32 $0x3, s10;
	v21 =	vld [tilespmem:s13+$0xFFFFFFA0];
	[tilespmem:s0+$0x10] =	vst v15;
	v43 =	vadd.f32 v16, v5;
	v11 =	vmul.f32 v11, v12  }
0x70b: {  	v47 =	vmov s10;
	v9 =	vadd.f32 v9, v4;
	[tilespmem:s0+$0x20] =	vst v41;
	v10 =	vadd.f32 v10, v3;
	v45 =	vpop (erf);
	v46 =	vld.idx.msk [tilespmem:v17+s19+$0x0], $0xffff  }
0x70c: {  	v42 =	vld [tilespmem:s13+$0xFFFFFFB0];
	[tilespmem:s0+$0x40] =	vst v43;
	vm0 =	veq.f32 v7, $0.0e+00;
	v11 =	vadd.f32 v11, v2;
	v48 =	vmul.f32 v18, v45  }
0x70d: {  	v22 =	vld [tilespmem:s13+$0xFFFFFFD0];
	[tilespmem:s0+$0x50] =	vst v9;
	v7 =	vsel vm0, $0x3F800000, v7;
	vm1 =	veq.f32 v6, $0.0e+00;
	v27 =	vmul.f32 v45, v56  }
0x70e: {  	v44 =	vld [tilespmem:s13+$0xFFFFFFC0];
	[tilespmem:s0+$0x60] =	vst v10;
	v49 =	vpop (erf);
	(erf) = vrcp.f32 v7;
	v30 =	vmul.f32 v61, v45;
	v53 =	vadd.f32 v48, v2  }
0x70f: {  	v6 =	vsel vm1, $0x3F800000, v6;
	v7 =	vld [tilespmem:s13+$0xFFFFFFF0];
	[tilespmem:s0+$0x70] =	vst v11;
	v50 =	vmul.f32 v49, v19;
	v29 =	vadd.f32 v27, v5  }
0x710: {  	v52 =	vld [tilespmem:s13+$0xFFFFFFE0];
	v51 =	vmul.f32 v49, v20;
	v34 =	vadd.f32 v30, v3;
	[tilespmem:s13+$0x30] =	vst v53;
	vm13 =	veq.f32 v46, $0.0e+00  }
0x711: {  	v58 =	vld [tilespmem:s13+$0x10];
	v54 =	vmul.f32 v21, v49;
	v55 =	vpop (erf);
	v9 =	vadd.f32 v50, v5;
	[tilespmem:s13+$0x0] =	vst v29;
	v60 =	vsel vm13, $0x3F800000, v46  }
0x712: {  	v63 =	vld [tilespmem:s13+$0x40];
	v19 =	vadd.f32 v51, v4;
	v62 =	vmul.f32 v55, v22;
	[tilespmem:s13+$0x20] =	vst v34;
	(erf) = vrcp.f32 v60  }
0x713: {  	v24 =	vld [tilespmem:s13+$0x50];
	v12 =	vmul.f32 v42, v49;
	v57 =	vadd.f32 v54, v3;
	[tilespmem:s13+$0xFFFFFF80] =	vst v9;
	(erf) = vrcp.f32 v6  }
0x714: {  	v25 =	vld [tilespmem:s13+$0x60];
	[tilespmem:s13+$0xFFFFFF90] =	vst v19;
	v7 =	vmul.f32 v7, v55;
	v6 =	vadd.f32 v62, v4  }
0x715: {  	v28 =	vld [tilespmem:s13+$0x70];
	s15 =	sadd.s32 $0x100, s13;
	vm14 =	veq.f32 v8, $0.0e+00;
	v15 =	vmul.f32 v55, v44;
	v59 =	vadd.f32 v12, v2;
	[tilespmem:s13+$0xFFFFFFA0] =	vst v57  }
0x716: {  	v32 =	vld [tilespmem:s15+$0x30];
	v8 =	vsel vm14, $0x3F800000, v8;
	[tilespmem:s13+$0xFFFFFFD0] =	vst v6;
	v6 =	vadd.f32 v7, v2;
	v7 =	vmul.f32 v45, v58  }
0x717: {  	v14 =	vld.idx.msk [tilespmem:v47+s19+$0x0], $0xffff;
	v23 =	vmul.f32 v52, v55;
	v22 =	vadd.f32 v15, v5;
	[tilespmem:s13+$0xFFFFFFB0] =	vst v59;
	v31 =	vpop (erf);
	(erf) = vrcp.f32 v8  }
0x718: {  	v33 =	vld [tilespmem:s15+$0xFFFFFF80];
	[tilespmem:s13+$0xFFFFFFF0] =	vst v6;
	v6 =	vadd.f32 v7, v4;
	v7 =	vmul.f32 v31, v63  }
0x719: {  	v36 =	vld [tilespmem:s15+$0xFFFFFF90];
	v26 =	vadd.f32 v23, v3;
	[tilespmem:s13+$0xFFFFFFC0] =	vst v22;
	v35 =	vmul.f32 v31, v24  }
0x71a: {  	v37 =	vld [tilespmem:s15+$0xFFFFFFA0];
	[tilespmem:s13+$0x10] =	vst v6;
	v6 =	vadd.f32 v7, v5;
	v7 =	vmul.f32 v25, v31  }
0x71b: {  	v40 =	vld [tilespmem:s15+$0xFFFFFFB0];
	[tilespmem:s13+$0xFFFFFFE0] =	vst v26;
	v39 =	vmul.f32 v28, v31;
	v38 =	vadd.f32 v35, v4;
	v41 =	vpop (erf)  }
0x71c: {  	vm15 =	veq.f32 v14, $0.0e+00;
	[tilespmem:s13+$0x40] =	vst v6;
	v6 =	vadd.f32 v7, v3;
	v7 =	vld [tilespmem:s15+$0xFFFFFFC0];
	v8 =	vmul.f32 v32, v41;
	v42 =	vpop (erf)  }
0x71d: {  	v14 =	vsel vm15, $0x3F800000, v14;
	v43 =	vadd.f32 v39, v2;
	v45 =	vld [tilespmem:s15+$0xFFFFFFD0];
	[tilespmem:s13+$0x50] =	vst v38;
	v44 =	vmul.f32 v42, v33  }
0x71e: {  	v46 =	vld [tilespmem:s15+$0xFFFFFFE0];
	(erf) = vrcp.f32 v14;
	[tilespmem:s13+$0x60] =	vst v6;
	v6 =	vmul.f32 v42, v36;
	v8 =	vadd.f32 v8, v2  }
0x71f: {  	v48 =	vld [tilespmem:s15+$0xFFFFFFF0];
	[tilespmem:s13+$0x70] =	vst v43;
	v9 =	vmul.f32 v37, v42;
	v47 =	vadd.f32 v44, v5  }
0x720: {  	v50 =	vld [tilespmem:s15+$0x0];
	v49 =	vpop (erf);
	v12 =	vmul.f32 v40, v42;
	v6 =	vadd.f32 v6, v4;
	[tilespmem:s15+$0x30] =	vst v8  }
0x721: {  	v51 =	vld [tilespmem:s15+$0x10];
	v9 =	vadd.f32 v9, v3;
	v7 =	vmul.f32 v49, v7;
	[tilespmem:s15+$0xFFFFFF80] =	vst v47  }
0x722: {  	v53 =	vld [tilespmem:s15+$0x20];
	v52 =	vmul.f32 v49, v45;
	[tilespmem:s15+$0xFFFFFF90] =	vst v6;
	v6 =	vadd.f32 v12, v2  }
0x723: {  	v55 =	vld [tilespmem:s15+$0x40];
	v54 =	vmul.f32 v46, v49;
	[tilespmem:s15+$0xFFFFFFA0] =	vst v9;
	v7 =	vadd.f32 v7, v5  }
0x724: {  	v56 =	vld [tilespmem:s15+$0x50];
	v11 =	vmul.f32 v48, v49;
	[tilespmem:s15+$0xFFFFFFB0] =	vst v6;
	v6 =	vadd.f32 v52, v4  }
0x725: {  	v57 =	vld [tilespmem:s15+$0x60];
	v8 =	vmul.f32 v41, v50;
	[tilespmem:s15+$0xFFFFFFC0] =	vst v7;
	v7 =	vadd.f32 v54, v3  }
0x726: {  	v58 =	vld [tilespmem:s15+$0x70];
	v10 =	vmul.f32 v41, v51;
	[tilespmem:s15+$0xFFFFFFD0] =	vst v6;
	v6 =	vadd.f32 v11, v2  }
0x727: {  	v59 =	vmul.f32 v53, v41;
	v60 =	vpop (erf);
	[tilespmem:s15+$0xFFFFFFE0] =	vst v7;
	v7 =	vadd.f32 v8, v5  }
0x728: {  	v61 =	vmul.f32 v60, v55;
	[tilespmem:s15+$0xFFFFFFF0] =	vst v6;
	v6 =	vadd.f32 v10, v4  }
0x729: {  	v62 =	vmul.f32 v60, v56;
	[tilespmem:s15+$0x0] =	vst v7;
	v7 =	vadd.f32 v59, v3  }
0x72a: {  	v9 =	vmul.f32 v57, v60;
	[tilespmem:s15+$0x10] =	vst v6;
	v6 =	vadd.f32 v61, v5  }
0x72b: {  	v63 =	vmul.f32 v58, v60;
	[tilespmem:s15+$0x20] =	vst v7;
	v7 =	vadd.f32 v62, v4  }
0x72c: {  	[tilespmem:s15+$0x40] =	vst v6;
	v6 =	vadd.f32 v9, v3  }
0x72d: {  	[tilespmem:s15+$0x50] =	vst v7;
	v7 =	vadd.f32 v63, v2  }
0x72e: {  	[tilespmem:s15+$0x60] =	vst v6  }
0x72f: {  	s24 =	simm.s32 $0x40;
	s29 =	simm.s32 $0x80;
	[tilespmem:s15+$0x70] =	vst v7  }
.Ltmp17:
0x730: {  	s15 =	simm.s32 $0xB;
	s0 =	rddreg [dreg:$0x11];
	(pc) =	sbr.rel @p1 .LBB2_32-.Ltmp17, $4  }
0x731: {  	[hbm4b:s0+s24] =	stream.strided.scatter [tilespmem:s6], [sflag:$0xB], $0x6400, s29, s24, $0x38;
	[tilespmem:$0x1F7C0] =	vst v63  }
0x732: {  	_ =	swait.ge [sflag:s15], $0x6400  }
0x733: {  	[sflag:s15] =	ssyncset.done $0x0  }
0x734: {  	s10 =	rddreg [dreg:$0x17];
	[sflag:s15] =	ssyncadd.s32 $0xFFFF9C00  }
0x735: {  	s0 =	rddreg [dreg:$0xb];
	s13 =	simm.s32 $0x2;
	s10 =	simm.s32 $0x0  }
0x736: {  	[tilespmem:s6], [sflag:$0xB] =	stream.linear.gather [spmem:s0], $0x3C00, $0x38;
	v6 =	vmov s13;
	[tilespmem:$0x1F7C0] =	vst v63  }
0x737: {  	v7 =	vmov s10;
	_ =	swait.ge [sflag:s15], $0x3C00;
	v6 =	vand.u32 $0xFFFFFFFE, v6  }
0x738: {  	v7 =	vand.u32 $0xFFFFFFFC, v7;
	[sflag:s15] =	ssyncset.done $0x0;
	v6 =	vbroadcast v6, $0x0  }
0x739: {  	s29 =	simm.s32 $0x1;
	s24 =	rddreg [dreg:$0x13];
	v7 =	vbroadcast v7, $0x0;
	[sflag:s15] =	ssyncadd.s32 $0xFFFFC400  }
0x73a: {  	v8 =	vmov s29;
	[tilespmem:s19], [sflag:$0xB] =	stream.linear.gather [spmem:s24], $0xF0, $0x38;
	[tilespmem:$0x1F7C0] =	vst v63  }
0x73b: {  	v8 =	vand.u32 $0xFFFFFFFD, v8;
	_ =	swait.ge [sflag:s15], $0xF0  }
0x73c: {  	v8 =	vbroadcast v8, $0x0;
	[sflag:s15] =	ssyncset.done $0x0  }
0x73d: {  	[sflag:s15] =	ssyncadd.s32 $0xFFFFFF10  }
0x73e: {  	s13 =	simm.s32 $0x5;
	v6 =	vld.idx.msk [tilespmem:v6+s19+$0x0], $0xffff  }
0x73f: {  	s10 =	simm.s32 $0x4;
	v10 =	vmov s13;
	v7 =	vld.idx.msk [tilespmem:v7+s19+$0x0], $0xffff  }
0x740: {  	v9 =	vmov s10;
	v10 =	vand.u32 $0xFFFFFFFD, v10  }
0x741: {  	v9 =	vand.u32 $0xFFFFFFFC, v9;
	v10 =	vbroadcast v10, $0x0  }
0x742: {  	v9 =	vbroadcast v9, $0x0;
	v8 =	vld.idx.msk [tilespmem:v8+s19+$0x0], $0xffff  }
0x743: {  	s15 =	simm.s32 $0x3;
	vm0 =	veq.f32 v6, $0.0e+00  }
0x744: {  	v11 =	vmov s15;
	vm1 =	veq.f32 v7, $0.0e+00;
	v6 =	vsel vm0, $0x3F800000, v6  }
0x745: {  	s0 =	simm.s32 $0x8A00;
	v7 =	vsel vm1, $0x3F800000, v7;
	(erf) = vrcp.f32 v6  }
0x746: {  	v13 =	vld [tilespmem:s0+$0xFFFFFFA0];
	(erf) = vrcp.f32 v7  }
0x747: {  	s24 =	simm.s32 $0x6;
	v12 =	vld.idx.msk [tilespmem:v10+s19+$0x0], $0xffff;
	vm11 =	veq.f32 v8, $0.0e+00  }
0x748: {  	v8 =	vsel vm11, $0x3F800000, v8;
	v7 =	vld.idx.msk [tilespmem:v9+s19+$0x0], $0xffff;
	v9 =	vmov s24  }
0x749: {  	v6 =	vld.idx.msk [tilespmem:v11+s19+$0x0], $0xffff;
	(erf) = vrcp.f32 v8;
	v8 =	vand.u32 $0xFFFFFFFE, v9  }
0x74a: {  	v9 =	vld [tilespmem:s0+$0x30];
	v8 =	vbroadcast v8, $0x0  }
0x74b: {  	v10 =	vld [tilespmem:s0+$0xFFFFFF80]  }
0x74c: {  	s10 =	simm.s32 $0x8;
	v11 =	vld [tilespmem:s0+$0xFFFFFF90]  }
0x74d: {  	s29 =	simm.s32 $0x9;
	v14 =	vmov s10;
	v15 =	vld [tilespmem:s0+$0xFFFFFFB0]  }
0x74e: {  	v20 =	vmov s29;
	v14 =	vand.u32 $0xFFFFFFFC, v14;
	v18 =	vld [tilespmem:s0+$0xFFFFFFC0];
	vm12 =	veq.f32 v6, $0.0e+00;
	v16 =	vpop (erf)  }
0x74f: {  	s13 =	simm.s32 $0x7;
	v23 =	vbroadcast v14, $0x0;
	v21 =	vld [tilespmem:s0+$0xFFFFFFD0];
	v6 =	vsel vm12, $0x3F800000, v6;
	v9 =	vmul.f32 v9, v16;
	v19 =	vpop (erf)  }
0x750: {  	v17 =	vmov s13;
	v22 =	vld.idx.msk [tilespmem:v8+s19+$0x0], $0xffff;
	(erf) = vrcp.f32 v6;
	v10 =	vmul.f32 v19, v10  }
0x751: {  	v8 =	vmul.f32 v19, v11;
	v11 =	vmul.f32 v13, v19;
	v13 =	vld [tilespmem:s0+$0xFFFFFFE0];
	v9 =	vadd.f32 v9, v2  }
0x752: {  	vm15 =	veq.f32 v12, $0.0e+00;
	v6 =	vpop (erf);
	v14 =	vmul.f32 v15, v19;
	v15 =	vld [tilespmem:s0+$0xFFFFFFF0];
	v10 =	vadd.f32 v10, v5  }
0x753: {  	vm13 =	veq.f32 v7, $0.0e+00;
	v19 =	vld [tilespmem:s0+$0x0];
	v18 =	vmul.f32 v6, v18;
	v8 =	vadd.f32 v8, v4;
	[tilespmem:s0+$0x30] =	vst v9  }
0x754: {  	v62 =	vld [tilespmem:s0+$0x10];
	v7 =	vsel vm13, $0x3F800000, v7;
	v11 =	vadd.f32 v11, v3;
	v9 =	vand.u32 $0xFFFFFFFD, v20;
	[tilespmem:s0+$0xFFFFFF80] =	vst v10  }
0x755: {  	v63 =	vld [tilespmem:s0+$0x20];
	v18 =	vadd.f32 v18, v5;
	v10 =	vadd.f32 v14, v2;
	v14 =	vmul.f32 v6, v21;
	[tilespmem:s0+$0xFFFFFF90] =	vst v8  }
0x756: {  	v24 =	vld [tilespmem:s0+$0x40];
	vm14 =	veq.f32 v22, $0.0e+00;
	v8 =	vbroadcast v9, $0x0;
	[tilespmem:s0+$0xFFFFFFA0] =	vst v11;
	v13 =	vmul.f32 v13, v6  }
0x757: {  	v9 =	vld [tilespmem:s0+$0x50];
	v6 =	vmul.f32 v15, v6;
	v11 =	vadd.f32 v14, v4;
	[tilespmem:s0+$0xFFFFFFB0] =	vst v10;
	v10 =	vsel vm14, $0x3F800000, v22  }
0x758: {  	[tilespmem:s0+$0xFFFFFFC0] =	vst v18;
	v14 =	vmul.f32 v16, v19;
	(erf) = vrcp.f32 v10;
	v13 =	vadd.f32 v13, v3;
	v10 =	vld [tilespmem:s0+$0x60]  }
0x759: {  	v18 =	vmul.f32 v16, v62;
	v15 =	vadd.f32 v6, v2;
	[tilespmem:s0+$0xFFFFFFD0] =	vst v11;
	(erf) = vrcp.f32 v7;
	v11 =	vld [tilespmem:s0+$0x70]  }
0x75a: {  	v19 =	vsel vm15, $0x3F800000, v12;
	v6 =	vld.idx.msk [tilespmem:v23+s19+$0x0], $0xffff;
	v12 =	vpop (erf);
	[tilespmem:s0+$0xFFFFFFE0] =	vst v13;
	v13 =	vadd.f32 v14, v5;
	v14 =	vmul.f32 v63, v16  }
0x75b: {  	s13 =	simm.s32 $0xC;
	s15 =	simm.s32 $0x8A00;
	s24 =	simm.s32 $0xA;
	v7 =	vld.idx.msk [tilespmem:v17+s19+$0x0], $0xffff;
	(erf) = vrcp.f32 v19;
	[tilespmem:s0+$0xFFFFFFF0] =	vst v15;
	v15 =	vadd.f32 v18, v4;
	v16 =	vmul.f32 v12, v24  }
.LBB2_30:
0x75c: {  	p2 =	slt.u32 s13, $0xEC;
	v17 =	vld.idx.msk [tilespmem:v8+s19+$0x0], $0xffff;
	v8 =	vmov s24;
	[tilespmem:s0+$0x0] =	vst v13;
	v13 =	vadd.f32 v14, v3;
	v9 =	vmul.f32 v12, v9;
	s15 =	sadd.s32 $0x100, s15  }
0x75d: {  	v8 =	vand.u32 $0xFFFFFFFE, v8;
	v14 =	vld [tilespmem:s15+$0x30];
	[tilespmem:s0+$0x10] =	vst v15;
	v15 =	vadd.f32 v16, v5;
	v10 =	vmul.f32 v10, v12  }
0x75e: {  	v8 =	vbroadcast v8, $0x0;
	v16 =	vld [tilespmem:s15+$0xFFFFFF80];
	[tilespmem:s0+$0x20] =	vst v13;
	v9 =	vadd.f32 v9, v4;
	v11 =	vmul.f32 v11, v12  }
0x75f: {  	v12 =	vld [tilespmem:s15+$0xFFFFFF90];
	[tilespmem:s0+$0x40] =	vst v15;
	v10 =	vadd.f32 v10, v3  }
0x760: {  	v13 =	vld [tilespmem:s15+$0xFFFFFFA0];
	[tilespmem:s0+$0x50] =	vst v9;
	v9 =	vadd.f32 v11, v2  }
0x761: {  	s24 =	sadd.s32 $0x3, s10;
	s10 =	smov.u32 s13;
	v11 =	vmov s13;
	v15 =	vld [tilespmem:s15+$0xFFFFFFB0];
	v18 =	vpop (erf);
	[tilespmem:s0+$0x60] =	vst v10  }
0x762: {  	s29 =	sadd.s32 $0x1, s13;
	v19 =	vmov s24;
	v10 =	vand.u32 $0xFFFFFFFC, v11;
	v11 =	vld [tilespmem:s15+$0xFFFFFFC0];
	v23 =	vmul.f32 v14, v18;
	v20 =	vpop (erf);
	[tilespmem:s0+$0x70] =	vst v9;
	s0 =	smov.u32 s15  }
0x763: {  	vm0 =	veq.f32 v7, $0.0e+00;
	v9 =	vmov s29;
	v16 =	vmul.f32 v20, v16;
	v21 =	vld [tilespmem:s15+$0xFFFFFFD0]  }
0x764: {  	v7 =	vsel vm0, $0x3F800000, v7;
	v22 =	vld.idx.msk [tilespmem:v8+s19+$0x0], $0xffff;
	v8 =	vmul.f32 v20, v12;
	v12 =	vadd.f32 v23, v2;
	v14 =	vpop (erf)  }
0x765: {  	v16 =	vadd.f32 v16, v5;
	v13 =	vmul.f32 v13, v20;
	v23 =	vld [tilespmem:s15+$0xFFFFFFE0];
	(erf) = vrcp.f32 v7  }
0x766: {  	v24 =	vbroadcast v10, $0x0;
	v7 =	vadd.f32 v8, v4;
	v8 =	vmul.f32 v15, v20;
	v10 =	vld [tilespmem:s15+$0xFFFFFFF0];
	[tilespmem:s15+$0x30] =	vst v12  }
0x767: {  	v9 =	vand.u32 $0xFFFFFFFD, v9;
	[tilespmem:s15+$0xFFFFFF80] =	vst v16;
	v12 =	vadd.f32 v13, v3;
	v11 =	vmul.f32 v14, v11;
	v13 =	vld [tilespmem:s15+$0x0]  }
0x768: {  	vm0 =	veq.f32 v6, $0.0e+00;
	[tilespmem:s15+$0xFFFFFF90] =	vst v7;
	v7 =	vadd.f32 v8, v2;
	v15 =	vmul.f32 v14, v21;
	v16 =	vld [tilespmem:s15+$0x10]  }
0x769: {  	v6 =	vsel vm0, $0x3F800000, v6;
	v8 =	vbroadcast v9, $0x0;
	[tilespmem:s15+$0xFFFFFFA0] =	vst v12;
	v9 =	vadd.f32 v11, v5;
	v12 =	vld [tilespmem:s15+$0x20]  }
0x76a: {  	vm0 =	veq.f32 v22, $0.0e+00;
	[tilespmem:s15+$0xFFFFFFB0] =	vst v7;
	v7 =	vadd.f32 v15, v4;
	v11 =	vmul.f32 v23, v14;
	v20 =	vld [tilespmem:s15+$0x40]  }
.Ltmp18:
0x76b: {  	vm1 =	veq.f32 v17, $0.0e+00;
	v15 =	vsel vm0, $0x3F800000, v22;
	[tilespmem:s15+$0xFFFFFFC0] =	vst v9;
	v14 =	vmul.f32 v10, v14;
	v9 =	vld [tilespmem:s15+$0x50];
	(pc) =	sbr.rel @p2 .LBB2_30-.Ltmp18, $4  }
0x76c: {  	(erf) = vrcp.f32 v15;
	[tilespmem:s15+$0xFFFFFFD0] =	vst v7;
	v15 =	vadd.f32 v11, v3;
	v13 =	vmul.f32 v18, v13;
	v10 =	vld [tilespmem:s15+$0x60]  }
0x76d: {  	(erf) = vrcp.f32 v6;
	v21 =	vadd.f32 v14, v2;
	v16 =	vmul.f32 v18, v16;
	v11 =	vld [tilespmem:s15+$0x70]  }
0x76e: {  	v17 =	vsel vm1, $0x3F800000, v17;
	v7 =	vld.idx.msk [tilespmem:v19+s19+$0x0], $0xffff;
	[tilespmem:s15+$0xFFFFFFE0] =	vst v15;
	v13 =	vadd.f32 v13, v5;
	v14 =	vmul.f32 v12, v18;
	v12 =	vpop (erf)  }
0x76f: {  	s24 =	sadd.s32 $0x2, s10;
	s13 =	sadd.s32 $0x4, s13;
	v6 =	vld.idx.msk [tilespmem:v24+s19+$0x0], $0xffff;
	(erf) = vrcp.f32 v17;
	[tilespmem:s15+$0xFFFFFFF0] =	vst v21;
	v15 =	vadd.f32 v16, v4;
	v16 =	vmul.f32 v12, v20  }
0x770: {  	_ =	sdelay $0x2  }
0x771: {  	v17 =	vmov s24  }
0x772: {  	v8 =	vld.idx.msk [tilespmem:v8+s19+$0x0], $0xffff;
	s13 =	sadd.s32 $0x100, s15;
	v17 =	vand.u32 $0xFFFFFFFE, v17  }
0x773: {  	v18 =	vld [tilespmem:s13+$0x30];
	v17 =	vbroadcast v17, $0x0  }
0x774: {  	v19 =	vld [tilespmem:s13+$0xFFFFFF80]  }
0x775: {  	v20 =	vld [tilespmem:s13+$0xFFFFFF90]  }
0x776: {  	v39 =	vld [tilespmem:s13+$0x0]  }
0x777: {  	v9 =	vmul.f32 v12, v9;
	[tilespmem:s0+$0x0] =	vst v13;
	v23 =	vadd.f32 v14, v3;
	v41 =	vld [tilespmem:s13+$0x10]  }
0x778: {  	v21 =	vld [tilespmem:s13+$0xFFFFFFA0];
	v10 =	vmul.f32 v10, v12;
	[tilespmem:s0+$0x10] =	vst v15;
	v25 =	vadd.f32 v16, v5  }
0x779: {  	v11 =	vmul.f32 v11, v12;
	v9 =	vadd.f32 v9, v4;
	[tilespmem:s0+$0x20] =	vst v23;
	v27 =	vpop (erf);
	v28 =	vld.idx.msk [tilespmem:v17+s19+$0x0], $0xffff  }
0x77a: {  	v24 =	vld [tilespmem:s13+$0xFFFFFFB0];
	v10 =	vadd.f32 v10, v3;
	[tilespmem:s0+$0x40] =	vst v25;
	vm0 =	veq.f32 v7, $0.0e+00;
	v30 =	vmul.f32 v18, v27  }
0x77b: {  	v26 =	vld [tilespmem:s13+$0xFFFFFFC0];
	v11 =	vadd.f32 v11, v2;
	[tilespmem:s0+$0x50] =	vst v9;
	v7 =	vsel vm0, $0x3F800000, v7;
	v53 =	vmul.f32 v27, v39  }
0x77c: {  	s10 =	sadd.s32 $0x3, s10;
	v22 =	vld [tilespmem:s13+$0xFFFFFFD0];
	[tilespmem:s0+$0x60] =	vst v10;
	v31 =	vpop (erf);
	(erf) = vrcp.f32 v7;
	v56 =	vmul.f32 v27, v41;
	v35 =	vadd.f32 v30, v2  }
0x77d: {  	v29 =	vmov s10;
	v34 =	vld [tilespmem:s13+$0xFFFFFFE0];
	[tilespmem:s0+$0x70] =	vst v11;
	v32 =	vmul.f32 v31, v19;
	v57 =	vadd.f32 v53, v5  }
0x77e: {  	v37 =	vld [tilespmem:s13+$0xFFFFFFF0];
	v33 =	vmul.f32 v31, v20;
	v61 =	vadd.f32 v56, v4;
	[tilespmem:s13+$0x30] =	vst v35;
	vm13 =	veq.f32 v28, $0.0e+00  }
0x77f: {  	v44 =	vld [tilespmem:s13+$0x20];
	v36 =	vmul.f32 v21, v31;
	v9 =	vadd.f32 v32, v5;
	[tilespmem:s13+$0x0] =	vst v57;
	v43 =	vsel vm13, $0x3F800000, v28  }
0x780: {  	v46 =	vld [tilespmem:s13+$0x40];
	v12 =	vmul.f32 v24, v31;
	v38 =	vpop (erf);
	v19 =	vadd.f32 v33, v4;
	[tilespmem:s13+$0x10] =	vst v61;
	(erf) = vrcp.f32 v43  }
0x781: {  	v49 =	vld [tilespmem:s13+$0x50];
	vm1 =	veq.f32 v6, $0.0e+00;
	v40 =	vadd.f32 v36, v3;
	v15 =	vmul.f32 v38, v26;
	[tilespmem:s13+$0xFFFFFF80] =	vst v9  }
0x782: {  	v51 =	vld [tilespmem:s13+$0x60];
	v6 =	vsel vm1, $0x3F800000, v6;
	v42 =	vadd.f32 v12, v2;
	v45 =	vmul.f32 v38, v22;
	[tilespmem:s13+$0xFFFFFF90] =	vst v19  }
0x783: {  	v54 =	vld [tilespmem:s13+$0x70];
	s15 =	sadd.s32 $0x100, s13;
	v48 =	vmul.f32 v34, v38;
	[tilespmem:s13+$0xFFFFFFA0] =	vst v40;
	v47 =	vadd.f32 v15, v5;
	(erf) = vrcp.f32 v6  }
0x784: {  	v60 =	vld [tilespmem:s15+$0x30];
	v7 =	vmul.f32 v37, v38;
	[tilespmem:s13+$0xFFFFFFB0] =	vst v42;
	v50 =	vadd.f32 v45, v4  }
0x785: {  	vm14 =	veq.f32 v8, $0.0e+00;
	v14 =	vld.idx.msk [tilespmem:v29+s19+$0x0], $0xffff;
	v58 =	vmul.f32 v44, v27;
	v52 =	vadd.f32 v48, v3;
	[tilespmem:s13+$0xFFFFFFC0] =	vst v47;
	v59 =	vpop (erf)  }
0x786: {  	v8 =	vsel vm14, $0x3F800000, v8;
	v41 =	vld [tilespmem:s15+$0x10];
	v55 =	vadd.f32 v7, v2;
	[tilespmem:s13+$0xFFFFFFD0] =	vst v50;
	v62 =	vmul.f32 v59, v46  }
0x787: {  	v44 =	vld [tilespmem:s15+$0x20];
	v19 =	vadd.f32 v58, v3;
	[tilespmem:s13+$0xFFFFFFE0] =	vst v52;
	v20 =	vmul.f32 v59, v49;
	(erf) = vrcp.f32 v8  }
0x788: {  	v63 =	vld [tilespmem:s15+$0xFFFFFF80];
	[tilespmem:s13+$0xFFFFFFF0] =	vst v55;
	v23 =	vmul.f32 v51, v59;
	v22 =	vadd.f32 v62, v5  }
0x789: {  	v21 =	vld [tilespmem:s15+$0xFFFFFF90];
	[tilespmem:s13+$0x20] =	vst v19;
	v26 =	vmul.f32 v54, v59;
	v25 =	vadd.f32 v20, v4;
	v28 =	vpop (erf)  }
0x78a: {  	v24 =	vld [tilespmem:s15+$0xFFFFFFA0];
	vm15 =	veq.f32 v14, $0.0e+00;
	v29 =	vadd.f32 v23, v3;
	[tilespmem:s13+$0x40] =	vst v22;
	v8 =	vmul.f32 v60, v28  }
0x78b: {  	v27 =	vld [tilespmem:s15+$0xFFFFFFB0];
	v14 =	vsel vm15, $0x3F800000, v14;
	v32 =	vadd.f32 v26, v2;
	[tilespmem:s13+$0x50] =	vst v25;
	v10 =	vmul.f32 v28, v41  }
0x78c: {  	v30 =	vld [tilespmem:s15+$0xFFFFFFC0];
	[tilespmem:s13+$0x60] =	vst v29;
	(erf) = vrcp.f32 v14;
	v31 =	vpop (erf);
	v54 =	vmul.f32 v44, v28;
	v8 =	vadd.f32 v8, v2  }
0x78d: {  	v34 =	vld [tilespmem:s15+$0xFFFFFFD0];
	[tilespmem:s13+$0x70] =	vst v32;
	v33 =	vmul.f32 v31, v63;
	v56 =	vadd.f32 v10, v4  }
0x78e: {  	v36 =	vld [tilespmem:s15+$0xFFFFFFE0];
	v35 =	vmul.f32 v31, v21;
	v58 =	vadd.f32 v54, v3;
	[tilespmem:s15+$0x30] =	vst v8  }
0x78f: {  	v38 =	vld [tilespmem:s15+$0xFFFFFFF0];
	v9 =	vmul.f32 v24, v31;
	v37 =	vadd.f32 v33, v5;
	[tilespmem:s15+$0x10] =	vst v56  }
0x790: {  	v40 =	vld [tilespmem:s15+$0x0];
	v39 =	vpop (erf);
	v12 =	vmul.f32 v27, v31;
	v6 =	vadd.f32 v35, v4;
	[tilespmem:s15+$0x20] =	vst v58  }
0x791: {  	v46 =	vld [tilespmem:s15+$0x40];
	v7 =	vmul.f32 v39, v30;
	v9 =	vadd.f32 v9, v3;
	[tilespmem:s15+$0xFFFFFF80] =	vst v37  }
0x792: {  	v48 =	vld [tilespmem:s15+$0x50];
	v43 =	vmul.f32 v39, v34;
	v42 =	vadd.f32 v12, v2;
	[tilespmem:s15+$0xFFFFFF90] =	vst v6  }
0x793: {  	v50 =	vld [tilespmem:s15+$0x60];
	v45 =	vmul.f32 v36, v39;
	v7 =	vadd.f32 v7, v5;
	[tilespmem:s15+$0xFFFFFFA0] =	vst v9  }
0x794: {  	v52 =	vld [tilespmem:s15+$0x70];
	v11 =	vmul.f32 v38, v39;
	v47 =	vadd.f32 v43, v4;
	[tilespmem:s15+$0xFFFFFFB0] =	vst v42  }
0x795: {  	v49 =	vadd.f32 v45, v3;
	v8 =	vmul.f32 v28, v40;
	[tilespmem:s15+$0xFFFFFFC0] =	vst v7;
	v55 =	vpop (erf)  }
0x796: {  	v51 =	vadd.f32 v11, v2;
	[tilespmem:s15+$0xFFFFFFD0] =	vst v47;
	v57 =	vmul.f32 v55, v46  }
0x797: {  	[tilespmem:s15+$0xFFFFFFE0] =	vst v49;
	v53 =	vadd.f32 v8, v5;
	v59 =	vmul.f32 v55, v48  }
0x798: {  	[tilespmem:s15+$0xFFFFFFF0] =	vst v51;
	v61 =	vmul.f32 v50, v55;
	v60 =	vadd.f32 v57, v5  }
0x799: {  	[tilespmem:s15+$0x0] =	vst v53;
	v63 =	vmul.f32 v52, v55;
	v62 =	vadd.f32 v59, v4  }
0x79a: {  	v3 =	vadd.f32 v61, v3;
	[tilespmem:s15+$0x40] =	vst v60  }
0x79b: {  	v2 =	vadd.f32 v63, v2;
	[tilespmem:s15+$0x50] =	vst v62  }
0x79c: {  	[tilespmem:s15+$0x60] =	vst v3  }
0x79d: {  	s24 =	simm.s32 $0x40;
	s29 =	simm.s32 $0x80;
	[tilespmem:s15+$0x70] =	vst v2  }
.Ltmp19:
0x79e: {  	s15 =	simm.s32 $0xB;
	s0 =	rddreg [dreg:$0x12];
	(pc) =	sbr.rel .LBB2_32-.Ltmp19, $4  }
0x79f: {  	[hbm4b:s0+s24] =	stream.strided.scatter [tilespmem:s6], [sflag:$0xB], $0x3C00, s29, s24, $0x38;
	[tilespmem:$0x1F7C0] =	vst v63  }
0x7a0: {  	_ =	swait.ge [sflag:s15], $0x3C00  }
0x7a1: {  	[sflag:s15] =	ssyncset.done $0x0  }
0x7a2: {  	s10 =	rddreg [dreg:$0x17];
	[sflag:s15] =	ssyncadd.s32 $0xFFFFC400  }
.LBB2_33:
0x7a3: {  	_ =	sfence.sel $0x180000  }
0x7a4: {  	[bflag:$0x0] =	sbarrier.arrive $0xFFFF  }
0x7a5: {  	_ =	strace $0x90000047  }
0x7a6: {  	s0 =	stileid.u32;
	[bflag:$0x2] =	sbarrier.arrive $0xFFFF  }
0x7a7: {  	p0 =	sne.s32 s0, $0x0;
	s0 =	rddreg [dreg:$0x5]  }
0x7a8: {  	s0 =	sadd.s32 @!p0 $0x100000, s0  }
0x7a9: {  	[sflag:s0] =	ssyncadd.tile.s32 @!p0 $0x1;
	_ =	shalt  }
.Lfunc_end2:
_tile_overlayer_lowered:
.L_overlay_start_2:
0x7aa: {  	(tag) =	ssettag $0x2  }
0x7ab: {  	s0 =	rddreg [dreg:$0x0];
	s2 =	stileid.u32  }
0x7ac: {  	s1 =	rddreg [dreg:$0x1];
	p0 =	sne.s32 s2, $0x0  }
0x7ad: {  	s3 =	rddreg [dreg:$0x2];
	[bflag:$0x3] =	sbarrier.arrive $0xFFFF;
	s2 =	simm.s32 @!p0 $0x1C0B  }
0x7ae: {  	[timem:s3], [sflag:s2] =	dma.local @!p0 [hbm:s0], s1  }
0x7af: {  	s0 =	simm.s32 @!p0 $0xB  }
0x7b0: {  	_ =	swait.ge @!p0 [sflag:s0], s1  }
0x7b1: {  	s1 =	ssub.s32 @!p0 $0x0, s1;
	[sflag:s0] =	ssyncset.done @!p0 $0x0  }
0x7b2: {  	[sflag:s0] =	ssyncadd.s32 @!p0 s1  }
0x7b3: {  	[bflag:$0x3] =	sbarrier.arrive $0xFFFF  }
0x7b4: {  	_ =	shalt  }

</sc_bundles>
